<compile_context>
chip_gen: v7x
topology: tpu7x:2x2x1
jax: 0.10.2.dev20260603
libtpu: 0.0.44.dev20260713+nightly
codegen_flags: <defaults>
</compile_context>

<pallas_src>
import jax
import jax.numpy as jnp
from jax import lax
from jax.experimental import pallas as pl
from jax.experimental.pallas import tpu as pltpu
from jax.experimental.pallas import tpu_sc as plsc

NN = 10000
EE = 320000
IN_FT = 128
HID_FT = 256
OUT_FT = 128
EPSV = 1e-5

NC, NS = 2, 16
NPAD = 10240
EPAD = 327680
CH = 64
TRASH = NN + 8
RPS = NPAD // NS

_mesh = plsc.VectorSubcoreMesh(core_axis_name="c", subcore_axis_name="s")


def _fill_zeros_2d(ref, nrows):
    def row(i, _):
        for j in range(128 // 16):
            ref[i, pl.ds(j * 16, 16)] = jnp.zeros((16,), jnp.float32)
        return 0
    lax.fori_loop(0, nrows, row, 0)


def _fill_const_1d(ref, n, val):
    def body(i, _):
        ref[pl.ds(i * 16, 16)] = jnp.full((16,), val, jnp.float32)
        return 0
    lax.fori_loop(0, n // 16, body, 0)


ERows = EPAD // CH


def _deg_body(dst0_hbm, dst1_hbm, dst2_hbm, out0, out1, out2,
              d0, d1, d2, zb, ones_b, idx_b, sem):
    c = lax.axis_index("c")
    s = lax.axis_index("s")
    dsts = [dst0_hbm, dst1_hbm, dst2_hbm]
    outs = [out0, out1, out2]
    degs = [d0, d1, d2]
    _fill_const_1d(zb, RPS, 0.0)
    _fill_const_1d(ones_b, CH, 1.0)
    for v in range(3):
        pltpu.sync_copy(zb, degs[v].at[pl.ds(s * RPS, RPS)])
    plsc.subcore_barrier()
    rpu = ERows // (NC * NS)
    rbase = (c * NS + s) * rpu
    for v in range(3):
        pltpu.sync_copy(dsts[v].at[pl.ds(rbase, rpu)], idx_b)

        def fire(i, _):
            pltpu.async_copy(ones_b, degs[v].at[idx_b.at[i]], sem, add=True)
            return 0
        lax.fori_loop(0, rpu, fire, 0)

        def drain(i, _):
            pltpu.make_async_copy(ones_b, degs[v].at[idx_b.at[0]], sem).wait()
            return 0
        lax.fori_loop(0, rpu, drain, 0)
    plsc.subcore_barrier()
    for v in range(3):
        pltpu.sync_copy(degs[v].at[pl.ds(s * RPS, RPS)],
                        outs[v].at[pl.ds(c * NPAD + s * RPS, RPS)])


_deg_call = pl.kernel(
    _deg_body,
    out_type=(jax.ShapeDtypeStruct((NC * NPAD,), jnp.float32),) * 3,
    mesh=_mesh,
    scratch_types=[
        pltpu.VMEM_SHARED((NPAD,), jnp.float32),
        pltpu.VMEM_SHARED((NPAD,), jnp.float32),
        pltpu.VMEM_SHARED((NPAD,), jnp.float32),
        pltpu.VMEM((RPS,), jnp.float32),
        pltpu.VMEM((CH,), jnp.float32),
        pltpu.VMEM((ERows // (NC * NS), CH), jnp.int32),
        pltpu.SemaphoreType.DMA,
    ],
)


def _make_segsum(feature_split):

    if feature_split:
        nch = ERows // NS
    else:
        nch = ERows // (NC * NS)
    SR = 40
    NB = 4

    def body(*a):
        srcs = [a[0], a[2], a[4]]
        dsts = [a[1], a[3], a[5]]
        tables = [a[6], a[7], a[8]]
        zeros_hbm = a[9]
        outs = [a[10], a[11], a[12]]
        acc_sp, src_b, dst_b = a[13:16]
        rows = list(a[16:20])
        gsem = list(a[20:24])
        ssem = list(a[24:28])
        c = lax.axis_index("c")
        s = lax.axis_index("s")

        if feature_split:
            rbase = s * nch
        else:
            rbase = (c * NS + s) * nch

        for v in range(3):
            src_hbm, dst_hbm = srcs[v], dsts[v]
            table_hbm = tables[v]
            pltpu.async_copy(zeros_hbm.at[pl.ds(s * RPS, RPS)],
                             acc_sp.at[pl.ds(s * RPS, RPS)], gsem[0])
            pltpu.make_async_copy(zeros_hbm.at[pl.ds(s * RPS, RPS)],
                                  acc_sp.at[pl.ds(s * RPS, RPS)],
                                  gsem[0]).wait()
            plsc.subcore_barrier()

            def gath(i, r):
                pltpu.async_copy(table_hbm.at[src_b.at[i]], rows[r], gsem[r])

            def scat_wait(r):
                pltpu.make_async_copy(rows[r], acc_sp.at[dst_b.at[0]],
                                      ssem[r]).wait()

            def stage(t, _):
                tb = rbase + t * SR
                pltpu.async_copy(src_hbm.at[pl.ds(tb, SR)], src_b, gsem[2])
                pltpu.async_copy(dst_hbm.at[pl.ds(tb, SR)], dst_b, gsem[3])
                pltpu.make_async_copy(src_hbm.at[pl.ds(tb, SR)], src_b,
                                      gsem[2]).wait()
                pltpu.make_async_copy(dst_hbm.at[pl.ds(tb, SR)], dst_b,
                                      gsem[3]).wait()
                if feature_split:
                    off = c * NN

                    def addoff(i, _):
                        for j in range(CH // 16):
                            src_b[i, pl.ds(j * 16, 16)] = (
                                src_b[i, pl.ds(j * 16, 16)] + off)
                        return 0
                    lax.fori_loop(0, SR, addoff, 0)
                gath(0, 0)
                gath(1, 1)

                def chunkN(i4, _):
                    for r in range(NB):
                        i = i4 * NB + r
                        r2 = (r + 2) % NB

                        @pl.when(i >= 2)
                        def _():
                            scat_wait(r2)

                        @pl.when(i < SR - 2)
                        def _():
                            gath(i + 2, r2)
                        pltpu.make_async_copy(table_hbm.at[src_b.at[i]],
                                              rows[r], gsem[r]).wait()
                        pltpu.async_copy(rows[r], acc_sp.at[dst_b.at[i]],
                                         ssem[r], add=True)
                    return 0
                lax.fori_loop(0, SR // NB, chunkN, 0)
                scat_wait((SR - 2) % NB)
                scat_wait((SR - 1) % NB)
                return 0
            lax.fori_loop(0, nch // SR, stage, 0)
            plsc.subcore_barrier()
            pltpu.sync_copy(acc_sp.at[pl.ds(s * RPS, RPS)],
                            outs[v].at[pl.ds(c * NPAD + s * RPS, RPS)])

    return pl.kernel(
        body,
        out_type=(jax.ShapeDtypeStruct((NC * NPAD, 128), jnp.float32),) * 3,
        mesh=_mesh,
        scratch_types=(
            [pltpu.VMEM_SHARED((NPAD, 128), jnp.float32),
             pltpu.VMEM((40, CH), jnp.int32),
             pltpu.VMEM((40, CH), jnp.int32)]
            + [pltpu.VMEM((CH, 128), jnp.float32)] * 4
            + [pltpu.SemaphoreType.DMA] * 8
        ),
    )


_segsum_l1 = _make_segsum(True)
_segsum_l2 = _make_segsum(False)


def _tc_pre_body(x_ref, w_ref, d0_ref, d1_ref, xs_ref, dinv_ref):
    deg = d0_ref[...] + d1_ref[...] + 1.0
    dinv = lax.rsqrt(deg)
    dinv_ref[...] = dinv
    xw = jnp.dot(x_ref[...], w_ref[...], preferred_element_type=jnp.float32)
    xs = xw * dinv[:NN]
    xs_ref[0] = xs[:, :128]
    xs_ref[1] = xs[:, 128:]


def _tc_pre(x, w1, d0, d1):
    return pl.pallas_call(
        _tc_pre_body,
        out_shape=(
            jax.ShapeDtypeStruct((2, NN, 128), jnp.float32),
            jax.ShapeDtypeStruct((NPAD, 1), jnp.float32),
        ),
    )(x, w1, d0, d1)


def _bn_relu(h, g, be):
    m = jnp.mean(h, axis=0, keepdims=True)
    v = jnp.mean((h - m) * (h - m), axis=0, keepdims=True)
    return jnp.maximum(g * (h - m) * lax.rsqrt(v + EPSV) + be, 0.0)


def _tc_mid_body(acc_ref, xs_ref, dinv_ref, b1_ref, g1_ref, be1_ref, w2_ref,
                 xs2_ref):
    dinv = dinv_ref[...][:NN]
    ha = dinv * (acc_ref[0, :NN] + xs_ref[0])
    hb = dinv * (acc_ref[1, :NN] + xs_ref[1])
    h = jnp.concatenate([ha, hb], axis=1) + b1_ref[...]
    h = _bn_relu(h, g1_ref[...], be1_ref[...])
    xs2 = jnp.dot(h, w2_ref[...], preferred_element_type=jnp.float32)
    xs2_ref[...] = xs2 * dinv


def _tc_mid(acc1, xs, dinv, b1, g1, be1, w2):
    return pl.pallas_call(
        _tc_mid_body,
        out_shape=jax.ShapeDtypeStruct((NN, 128), jnp.float32),
    )(acc1, xs, dinv, b1, g1, be1, w2)


def _tc_post_body(acc_ref, xs2_ref, dinv_ref, b2_ref, g2_ref, be2_ref,
                  mw1_ref, mb1_ref, mw2_ref, mb2_ref, z_ref):
    dinv = dinv_ref[...][:NN]
    pre = dinv * (acc_ref[0, :NN] + acc_ref[1, :NN] + xs2_ref[...]) + b2_ref[...]
    h = _bn_relu(pre, g2_ref[...], be2_ref[...])
    t = jnp.dot(h, mw1_ref[...], preferred_element_type=jnp.float32) + mb1_ref[...]
    t = jnp.maximum(t, 0.0)
    z_ref[...] = jnp.dot(t, mw2_ref[...], preferred_element_type=jnp.float32) + mb2_ref[...]


def _tc_post(acc2, xs2, dinv, b2, g2, be2, mw1, mb1, mw2, mb2):
    return pl.pallas_call(
        _tc_post_body,
        out_shape=jax.ShapeDtypeStruct((NN, 128), jnp.float32),
    )(acc2, xs2, dinv, b2, g2, be2, mw1, mb1, mw2, mb2)


def _tc_final_body(z1_ref, z2_ref, z3_ref, cw1_ref, cb1_ref, cw2_ref, cb2_ref,
                   out_ref):
    sm = z1_ref[...] + z2_ref[...] + z3_ref[...]
    t = jnp.dot(sm, cw1_ref[...], preferred_element_type=jnp.float32) + cb1_ref[...]
    t = jnp.maximum(t, 0.0)
    out_ref[...] = jnp.dot(t, cw2_ref[...], preferred_element_type=jnp.float32) + cb2_ref[...]


def _tc_final(z1, z2, z3, cw1, cb1, cw2, cb2):
    return pl.pallas_call(
        _tc_final_body,
        out_shape=jax.ShapeDtypeStruct((NN, 10), jnp.float32),
    )(z1, z2, z3, cw1, cb1, cw2, cb2)


def _pad_edges(ei):
    srcp = jnp.concatenate([ei[0], jnp.zeros((EPAD - EE,), jnp.int32)])
    dstp = jnp.concatenate([ei[1], jnp.full((EPAD - EE,), TRASH, jnp.int32)])
    return srcp.reshape(ERows, CH), dstp.reshape(ERows, CH)


def _views(x, eis, zeros, deg, p):
    xs, dinv = {}, {}
    for v in range(3):
        dv = deg[v].reshape(NC, NPAD)
        xs[v], dinv[v] = _tc_pre(x, p['enc%d_W1' % v],
                                 dv[0].reshape(NPAD, 1),
                                 dv[1].reshape(NPAD, 1))
    a10, a11, a12 = _segsum_l1(
        eis[0][0], eis[0][1], eis[1][0], eis[1][1], eis[2][0], eis[2][1],
        xs[0].reshape(2 * NN, 128), xs[1].reshape(2 * NN, 128),
        xs[2].reshape(2 * NN, 128), zeros)
    acc1 = {0: a10, 1: a11, 2: a12}
    xs2 = {}
    for v in range(3):
        pre = 'enc%d' % v
        xs2[v] = _tc_mid(acc1[v].reshape(NC, NPAD, 128), xs[v], dinv[v],
                         p[pre + '_b1'].reshape(1, -1),
                         p[pre + '_g1'].reshape(1, -1),
                         p[pre + '_be1'].reshape(1, -1), p[pre + '_W2'])
    a20, a21, a22 = _segsum_l2(
        eis[0][0], eis[0][1], eis[1][0], eis[1][1], eis[2][0], eis[2][1],
        xs2[0], xs2[1], xs2[2], zeros)
    acc2 = {0: a20, 1: a21, 2: a22}
    zs = []
    for v in range(3):
        pre = 'enc%d' % v
        zs.append(_tc_post(acc2[v].reshape(NC, NPAD, 128), xs2[v], dinv[v],
                           p[pre + '_b2'].reshape(1, -1),
                           p[pre + '_g2'].reshape(1, -1),
                           p[pre + '_be2'].reshape(1, -1),
                           p['mlp_W1'], p['mlp_b1'].reshape(1, -1),
                           p['mlp_W2'], p['mlp_b2'].reshape(1, -1)))
    return zs


def kernel(x, edge_index_local1, edge_index_local2, edge_index_global,
           enc0_W1, enc0_b1, enc0_g1, enc0_be1, enc0_W2, enc0_b2, enc0_g2, enc0_be2,
           enc1_W1, enc1_b1, enc1_g1, enc1_be1, enc1_W2, enc1_b2, enc1_g2, enc1_be2,
           enc2_W1, enc2_b1, enc2_g1, enc2_be1, enc2_W2, enc2_b2, enc2_g2, enc2_be2,
           mlp_W1, mlp_b1, mlp_W2, mlp_b2,
           cls_W1, cls_b1, cls_W2, cls_b2):
    p = {
        'enc0_W1': enc0_W1, 'enc0_b1': enc0_b1, 'enc0_g1': enc0_g1, 'enc0_be1': enc0_be1,
        'enc0_W2': enc0_W2, 'enc0_b2': enc0_b2, 'enc0_g2': enc0_g2, 'enc0_be2': enc0_be2,
        'enc1_W1': enc1_W1, 'enc1_b1': enc1_b1, 'enc1_g1': enc1_g1, 'enc1_be1': enc1_be1,
        'enc1_W2': enc1_W2, 'enc1_b2': enc1_b2, 'enc1_g2': enc1_g2, 'enc1_be2': enc1_be2,
        'enc2_W1': enc2_W1, 'enc2_b1': enc2_b1, 'enc2_g1': enc2_g1, 'enc2_be1': enc2_be1,
        'enc2_W2': enc2_W2, 'enc2_b2': enc2_b2, 'enc2_g2': enc2_g2, 'enc2_be2': enc2_be2,
        'mlp_W1': mlp_W1, 'mlp_b1': mlp_b1, 'mlp_W2': mlp_W2, 'mlp_b2': mlp_b2,
    }
    eis = [_pad_edges(edge_index_local1), _pad_edges(edge_index_local2),
           _pad_edges(edge_index_global)]
    deg = _deg_call(eis[0][1], eis[1][1], eis[2][1])
    zeros = jnp.zeros((NPAD, 128), jnp.float32)
    zs = _views(x, eis, zeros, deg, p)
    node_pred = _tc_final(zs[0], zs[1], zs[2],
                          cls_W1, cls_b1.reshape(1, -1),
                          cls_W2, cls_b2.reshape(1, -1))
    return (zs[0], zs[1], zs[2], node_pred)

# --- scband reference (transcript-rebuilt; emitter-appended) ---
"""Pipeline reference for scband-mvgrl-31069793419703 (READ-ONLY COPY).

The authoritative reference and input builder live on the scoring server;
editing this copy changes nothing except your own understanding.
"""

import jax, jax.numpy as jnp
import numpy as np

N = 10000
E = 320000
IN_FT = 128
HID_FT = 256
OUT_FT = 128
NUM_CLASSES = 10
EPS = 1e-5


def _make_params(key):
    ki = iter(list(jax.random.split(key, 12)))
    p = {}
    for e in range(3):
        pre = 'enc%d' % e
        p[pre + '_W1'] = jax.random.normal(next(ki), (IN_FT, HID_FT), jnp.float32) * (IN_FT ** -0.5)
        p[pre + '_b1'] = jnp.zeros((HID_FT,), jnp.float32)
        p[pre + '_g1'] = jnp.ones((HID_FT,), jnp.float32)
        p[pre + '_be1'] = jnp.zeros((HID_FT,), jnp.float32)
        p[pre + '_W2'] = jax.random.normal(next(ki), (HID_FT, OUT_FT), jnp.float32) * (HID_FT ** -0.5)
        p[pre + '_b2'] = jnp.zeros((OUT_FT,), jnp.float32)
        p[pre + '_g2'] = jnp.ones((OUT_FT,), jnp.float32)
        p[pre + '_be2'] = jnp.zeros((OUT_FT,), jnp.float32)
    p['mlp_W1'] = jax.random.normal(next(ki), (OUT_FT, OUT_FT), jnp.float32) * (OUT_FT ** -0.5)
    p['mlp_b1'] = jnp.zeros((OUT_FT,), jnp.float32)
    p['mlp_W2'] = jax.random.normal(next(ki), (OUT_FT, OUT_FT), jnp.float32) * (OUT_FT ** -0.5)
    p['mlp_b2'] = jnp.zeros((OUT_FT,), jnp.float32)
    p['cls_W1'] = jax.random.normal(next(ki), (OUT_FT, OUT_FT // 2), jnp.float32) * (OUT_FT ** -0.5)
    p['cls_b1'] = jnp.zeros((OUT_FT // 2,), jnp.float32)
    p['cls_W2'] = jax.random.normal(next(ki), (OUT_FT // 2, NUM_CLASSES), jnp.float32) * ((OUT_FT // 2) ** -0.5)
    p['cls_b2'] = jnp.zeros((NUM_CLASSES,), jnp.float32)
    return p


def setup_inputs(seed: int = 0):
    key = jax.random.key(seed)
    k1, k2, k3, k4, k5 = jax.random.split(key, 5)
    inp = {
        'x': jax.random.normal(k1, (N, IN_FT), jnp.float32),
        'edge_index_local1': jax.random.randint(k2, (2, E), 0, N, dtype=jnp.int32),
        'edge_index_local2': jax.random.randint(k3, (2, E), 0, N, dtype=jnp.int32),
        'edge_index_global': jax.random.randint(k4, (2, E), 0, N, dtype=jnp.int32),
    }
    inp.update(_make_params(k5))
    return inp


def _gcn_conv(x, src, dst, W, b):
    xw = x @ W
    loop = jnp.arange(N, dtype=src.dtype)
    s = jnp.concatenate([src, loop])
    d = jnp.concatenate([dst, loop])
    deg = jnp.zeros((N,), jnp.float32).at[d].add(1.0)
    dinv = jnp.where(deg > 0, jax.lax.rsqrt(deg), 0.0)
    norm = dinv[s] * dinv[d]
    msg = xw[s] * norm[:, None]
    out = jnp.zeros((N, W.shape[1]), jnp.float32).at[d].add(msg)
    return out + b


def _bn(h, g, b):
    m = jnp.mean(h, axis=0)
    v = jnp.var(h, axis=0)
    return g * (h - m) * jax.lax.rsqrt(v + EPS) + b


def _encoder(x, edge_index, p, pre):
    src, dst = edge_index[0], edge_index[1]
    h = _gcn_conv(x, src, dst, p[pre + '_W1'], p[pre + '_b1'])
    h = jax.nn.relu(_bn(h, p[pre + '_g1'], p[pre + '_be1']))
    h = _gcn_conv(h, src, dst, p[pre + '_W2'], p[pre + '_b2'])
    h = jax.nn.relu(_bn(h, p[pre + '_g2'], p[pre + '_be2']))
    return h


def _shared_mlp(h, p):
    return jax.nn.relu(h @ p['mlp_W1'] + p['mlp_b1']) @ p['mlp_W2'] + p['mlp_b2']


def _forward(x, ei1, ei2, eig, p):
    z1 = _shared_mlp(_encoder(x, ei1, p, 'enc0'), p)
    z2 = _shared_mlp(_encoder(x, ei2, p, 'enc1'), p)
    z3 = _shared_mlp(_encoder(x, eig, p, 'enc2'), p)
    s = z1 + z2 + z3
    node_pred = jax.nn.relu(s @ p['cls_W1'] + p['cls_b1']) @ p['cls_W2'] + p['cls_b2']
    return (z1, z2, z3, node_pred)


def reference(x, edge_index_local1, edge_index_local2, edge_index_global,
              enc0_W1, enc0_b1, enc0_g1, enc0_be1, enc0_W2, enc0_b2, enc0_g2, enc0_be2,
              enc1_W1, enc1_b1, enc1_g1, enc1_be1, enc1_W2, enc1_b2, enc1_g2, enc1_be2,
              enc2_W1, enc2_b1, enc2_g1, enc2_be1, enc2_W2, enc2_b2, enc2_g2, enc2_be2,
              mlp_W1, mlp_b1, mlp_W2, mlp_b2,
              cls_W1, cls_b1, cls_W2, cls_b2):
    p = {
        'enc0_W1': enc0_W1, 'enc0_b1': enc0_b1, 'enc0_g1': enc0_g1, 'enc0_be1': enc0_be1,
        'enc0_W2': enc0_W2, 'enc0_b2': enc0_b2, 'enc0_g2': enc0_g2, 'enc0_be2': enc0_be2,
        'enc1_W1': enc1_W1, 'enc1_b1': enc1_b1, 'enc1_g1': enc1_g1, 'enc1_be1': enc1_be1,
        'enc1_W2': enc1_W2, 'enc1_b2': enc1_b2, 'enc1_g2': enc1_g2, 'enc1_be2': enc1_be2,
        'enc2_W1': enc2_W1, 'enc2_b1': enc2_b1, 'enc2_g1': enc2_g1, 'enc2_be1': enc2_be1,
        'enc2_W2': enc2_W2, 'enc2_b2': enc2_b2, 'enc2_g2': enc2_g2, 'enc2_be2': enc2_be2,
        'mlp_W1': mlp_W1, 'mlp_b1': mlp_b1, 'mlp_W2': mlp_W2, 'mlp_b2': mlp_b2,
        'cls_W1': cls_W1, 'cls_b1': cls_b1, 'cls_W2': cls_W2, 'cls_b2': cls_b2,
    }
    return _forward(x, edge_index_local1, edge_index_local2, edge_index_global, p)

if __name__ == "__main__":
    import jax
    _d = setup_inputs()
    print(jax.jit(kernel)(*tuple(_d.values())))

</pallas_src>

<mosaic_0001>
#map = affine_map<(d0, d1) -> (0, 0)>
#map1 = affine_map<(d0, d1) -> (0)>
module attributes {stable_mosaic.version = 14 : i64} {
  func.func @_deg_body(%arg0: i32, %arg1: i32, %arg2: memref<5120x64xi32, #tpu.memory_space<hbm>>, %arg3: memref<5120x64xi32, #tpu.memory_space<hbm>>, %arg4: memref<5120x64xi32, #tpu.memory_space<hbm>>, %arg5: memref<20480xf32, #tpu.memory_space<hbm>>, %arg6: memref<20480xf32, #tpu.memory_space<hbm>>, %arg7: memref<20480xf32, #tpu.memory_space<hbm>>, %arg8: memref<10240xf32, #tpu.memory_space<vmem_shared>>, %arg9: memref<10240xf32, #tpu.memory_space<vmem_shared>>, %arg10: memref<10240xf32, #tpu.memory_space<vmem_shared>>, %arg11: memref<640xf32, #tpu.memory_space<vmem>>, %arg12: memref<64xf32, #tpu.memory_space<vmem>>, %arg13: memref<160x64xi32, #tpu.memory_space<vmem>>, %arg14: memref<!tpu.dma_semaphore, #tpu.memory_space<semaphore_mem>>) attributes {dimension_semantics = [#tpu.dimension_semantics<core_parallel>, #tpu.dimension_semantics<subcore_parallel>], iteration_bounds = array<i64: 2, 16>, scalar_prefetch = 0 : i64, scratch_operands = 7 : i64, tpu.core_type = #tpu.core_type<sc_vector_subcore>, window_params = [{transform_indices = #map}, {transform_indices = #map}, {transform_indices = #map}, {transform_indices = #map1}, {transform_indices = #map1}, {transform_indices = #map1}]} {
    %scan3A = arith.constant 0 : i32
    %scan3A_0 = arith.constant 0 : i32
    %scan3A_1 = arith.constant 40 : i32
    %scan3A_2 = arith.addi %scan3A_0, %scan3A_1 : i32
    %scan3A_3 = arith.constant 1 : i32
    %scan3A_4 = scf.for %scan3A_86 = %scan3A_0 to %scan3A_2 step %scan3A_3 iter_args(%scan3A_87 = %scan3A) -> (i32)  : i32 {
      %broadcast_in_dim3A = arith.constant 0.000000e+00 : f32
      %broadcast_in_dim3A_88 = vector.broadcast %broadcast_in_dim3A : f32 to vector<16xf32>
      %mul3A_89 = arith.constant 16 : i32
      %mul3A_90 = arith.muli %scan3A_86, %mul3A_89 : i32
      %swap3A = arith.index_cast %mul3A_90 : i32 to index
      %swap3A_91 = tpu.vector_load %arg11[%swap3A] {strides = array<i32>} : memref<640xf32, #tpu.memory_space<vmem>>, vector<16xf32>,
      %swap3A_92 = vector.shape_cast %swap3A_91 : vector<16xf32> to vector<16xf32>
      %swap3A_93 = vector.shape_cast %broadcast_in_dim3A_88 : vector<16xf32> to vector<16xf32>
      tpu.vector_store %arg11[%swap3A], %swap3A_93 {strides = array<i32>} : memref<640xf32, #tpu.memory_space<vmem>>, vector<16xf32>,
      %scan3A_94 = arith.constant 0 : i32
      scf.yield %scan3A_94 : i32
    }
    %scan3A_5 = arith.constant 40 : i32
    %scan3A_6 = arith.constant 0 : i32
    %scan3A_7 = arith.constant 0 : i32
    %scan3A_8 = arith.constant 4 : i32
    %scan3A_9 = arith.addi %scan3A_7, %scan3A_8 : i32
    %scan3A_10 = arith.constant 1 : i32
    %scan3A_11 = scf.for %scan3A_86 = %scan3A_7 to %scan3A_9 step %scan3A_10 iter_args(%scan3A_87 = %scan3A_6) -> (i32)  : i32 {
      %broadcast_in_dim3A = arith.constant 1.000000e+00 : f32
      %broadcast_in_dim3A_88 = vector.broadcast %broadcast_in_dim3A : f32 to vector<16xf32>
      %mul3A_89 = arith.constant 16 : i32
      %mul3A_90 = arith.muli %scan3A_86, %mul3A_89 : i32
      %swap3A = arith.index_cast %mul3A_90 : i32 to index
      %swap3A_91 = tpu.vector_load %arg12[%swap3A] {strides = array<i32>} : memref<64xf32, #tpu.memory_space<vmem>>, vector<16xf32>,
      %swap3A_92 = vector.shape_cast %swap3A_91 : vector<16xf32> to vector<16xf32>
      %swap3A_93 = vector.shape_cast %broadcast_in_dim3A_88 : vector<16xf32> to vector<16xf32>
      tpu.vector_store %arg12[%swap3A], %swap3A_93 {strides = array<i32>} : memref<64xf32, #tpu.memory_space<vmem>>, vector<16xf32>,
      %scan3A_94 = arith.constant 0 : i32
      scf.yield %scan3A_94 : i32
    }
    %scan3A_12 = arith.constant 4 : i32
    %mul3A = arith.constant 640 : i32
    %mul3A_13 = arith.muli %arg1, %mul3A : i32
    "tpu.region"() ({
      %run_scoped3A = tpu.sem_alloc : memref<!tpu.dma_semaphore, #tpu.memory_space<semaphore_mem>>
      %dma_start3A = tpu.memref_slice %arg8[%mul3A_13] : memref<10240xf32, #tpu.memory_space<vmem_shared>> -> memref<640xf32, #tpu.memory_space<vmem_shared>>
      %dma_start3A_86 = tpu.memref_slice %arg8[%mul3A_13] : memref<10240xf32, #tpu.memory_space<vmem_shared>> -> memref<640xf32, #tpu.memory_space<vmem_shared>>
      tpu.enqueue_dma source(%arg11 : memref<640xf32, #tpu.memory_space<vmem>>) target(%dma_start3A_86 : memref<640xf32, #tpu.memory_space<vmem_shared>>) target_semaphore(%run_scoped3A : memref<!tpu.dma_semaphore, #tpu.memory_space<semaphore_mem>>)
      %dma_wait3A = tpu.memref_slice %arg8[%mul3A_13] : memref<10240xf32, #tpu.memory_space<vmem_shared>> -> memref<640xf32, #tpu.memory_space<vmem_shared>>
      %dma_wait3A_87 = tpu.memref_slice %arg8[%mul3A_13] : memref<10240xf32, #tpu.memory_space<vmem_shared>> -> memref<640xf32, #tpu.memory_space<vmem_shared>>
      tpu.wait_dma2 semaphore(%run_scoped3A : memref<!tpu.dma_semaphore, #tpu.memory_space<semaphore_mem>>) src(%arg11 : memref<640xf32, #tpu.memory_space<vmem>>) dst(%dma_wait3A_87 : memref<640xf32, #tpu.memory_space<vmem_shared>>)
      tpu.yield
    }) : () -> ()
    %mul3A_14 = arith.constant 640 : i32
    %mul3A_15 = arith.muli %arg1, %mul3A_14 : i32
    "tpu.region"() ({
      %run_scoped3A = tpu.sem_alloc : memref<!tpu.dma_semaphore, #tpu.memory_space<semaphore_mem>>
      %dma_start3A = tpu.memref_slice %arg9[%mul3A_15] : memref<10240xf32, #tpu.memory_space<vmem_shared>> -> memref<640xf32, #tpu.memory_space<vmem_shared>>
      %dma_start3A_86 = tpu.memref_slice %arg9[%mul3A_15] : memref<10240xf32, #tpu.memory_space<vmem_shared>> -> memref<640xf32, #tpu.memory_space<vmem_shared>>
      tpu.enqueue_dma source(%arg11 : memref<640xf32, #tpu.memory_space<vmem>>) target(%dma_start3A_86 : memref<640xf32, #tpu.memory_space<vmem_shared>>) target_semaphore(%run_scoped3A : memref<!tpu.dma_semaphore, #tpu.memory_space<semaphore_mem>>)
      %dma_wait3A = tpu.memref_slice %arg9[%mul3A_15] : memref<10240xf32, #tpu.memory_space<vmem_shared>> -> memref<640xf32, #tpu.memory_space<vmem_shared>>
      %dma_wait3A_87 = tpu.memref_slice %arg9[%mul3A_15] : memref<10240xf32, #tpu.memory_space<vmem_shared>> -> memref<640xf32, #tpu.memory_space<vmem_shared>>
      tpu.wait_dma2 semaphore(%run_scoped3A : memref<!tpu.dma_semaphore, #tpu.memory_space<semaphore_mem>>) src(%arg11 : memref<640xf32, #tpu.memory_space<vmem>>) dst(%dma_wait3A_87 : memref<640xf32, #tpu.memory_space<vmem_shared>>)
      tpu.yield
    }) : () -> ()
    %mul3A_16 = arith.constant 640 : i32
    %mul3A_17 = arith.muli %arg1, %mul3A_16 : i32
    "tpu.region"() ({
      %run_scoped3A = tpu.sem_alloc : memref<!tpu.dma_semaphore, #tpu.memory_space<semaphore_mem>>
      %dma_start3A = tpu.memref_slice %arg10[%mul3A_17] : memref<10240xf32, #tpu.memory_space<vmem_shared>> -> memref<640xf32, #tpu.memory_space<vmem_shared>>
      %dma_start3A_86 = tpu.memref_slice %arg10[%mul3A_17] : memref<10240xf32, #tpu.memory_space<vmem_shared>> -> memref<640xf32, #tpu.memory_space<vmem_shared>>
      tpu.enqueue_dma source(%arg11 : memref<640xf32, #tpu.memory_space<vmem>>) target(%dma_start3A_86 : memref<640xf32, #tpu.memory_space<vmem_shared>>) target_semaphore(%run_scoped3A : memref<!tpu.dma_semaphore, #tpu.memory_space<semaphore_mem>>)
      %dma_wait3A = tpu.memref_slice %arg10[%mul3A_17] : memref<10240xf32, #tpu.memory_space<vmem_shared>> -> memref<640xf32, #tpu.memory_space<vmem_shared>>
      %dma_wait3A_87 = tpu.memref_slice %arg10[%mul3A_17] : memref<10240xf32, #tpu.memory_space<vmem_shared>> -> memref<640xf32, #tpu.memory_space<vmem_shared>>
      tpu.wait_dma2 semaphore(%run_scoped3A : memref<!tpu.dma_semaphore, #tpu.memory_space<semaphore_mem>>) src(%arg11 : memref<640xf32, #tpu.memory_space<vmem>>) dst(%dma_wait3A_87 : memref<640xf32, #tpu.memory_space<vmem_shared>>)
      tpu.yield
    }) : () -> ()
    %barrier3A = arith.constant 0 : index
    tpu.barrier barrier_id(%barrier3A)
    %mul3A_18 = arith.constant 16 : i32
    %mul3A_19 = arith.muli %arg0, %mul3A_18 : i32
    %add3A = arith.addi %mul3A_19, %arg1 : i32
    %mul3A_20 = arith.constant 160 : i32
    %mul3A_21 = arith.muli %add3A, %mul3A_20 : i32
    "tpu.region"() ({
      %run_scoped3A = tpu.sem_alloc : memref<!tpu.dma_semaphore, #tpu.memory_space<semaphore_mem>>
      %dma_start3A = arith.constant 0 : i32
      %dma_start3A_86 = tpu.memref_slice %arg2[%mul3A_21, %dma_start3A] : memref<5120x64xi32, #tpu.memory_space<hbm>> -> memref<160x64xi32, #tpu.memory_space<hbm>>
      %dma_start3A_87 = arith.constant 0 : i32
      %dma_start3A_88 = tpu.memref_slice %arg2[%mul3A_21, %dma_start3A_87] : memref<5120x64xi32, #tpu.memory_space<hbm>> -> memref<160x64xi32, #tpu.memory_space<hbm>>
      tpu.enqueue_dma source(%dma_start3A_88 : memref<160x64xi32, #tpu.memory_space<hbm>>) target(%arg13 : memref<160x64xi32, #tpu.memory_space<vmem>>) target_semaphore(%run_scoped3A : memref<!tpu.dma_semaphore, #tpu.memory_space<semaphore_mem>>)
      %dma_wait3A = arith.constant 0 : i32
      %dma_wait3A_89 = tpu.memref_slice %arg2[%mul3A_21, %dma_wait3A] : memref<5120x64xi32, #tpu.memory_space<hbm>> -> memref<160x64xi32, #tpu.memory_space<hbm>>
      %dma_wait3A_90 = arith.constant 0 : i32
      %dma_wait3A_91 = tpu.memref_slice %arg2[%mul3A_21, %dma_wait3A_90] : memref<5120x64xi32, #tpu.memory_space<hbm>> -> memref<160x64xi32, #tpu.memory_space<hbm>>
      tpu.wait_dma2 semaphore(%run_scoped3A : memref<!tpu.dma_semaphore, #tpu.memory_space<semaphore_mem>>) src(%dma_wait3A_91 : memref<160x64xi32, #tpu.memory_space<hbm>>) dst(%arg13 : memref<160x64xi32, #tpu.memory_space<vmem>>)
      tpu.yield
    }) : () -> ()
    %scan3A_22 = arith.constant 0 : i32
    %scan3A_23 = arith.constant 0 : i32
    %scan3A_24 = arith.constant 160 : i32
    %scan3A_25 = arith.addi %scan3A_23, %scan3A_24 : i32
    %scan3A_26 = arith.constant 1 : i32
    %scan3A_27 = scf.for %scan3A_86 = %scan3A_23 to %scan3A_25 step %scan3A_26 iter_args(%scan3A_87 = %scan3A_22) -> (i32)  : i32 {
      %dma_start3A = arith.constant 0 : i32
      %dma_start3A_88 = tpu.memref_slice %arg13[%scan3A_86, %dma_start3A] : memref<160x64xi32, #tpu.memory_space<vmem>> -> memref<1x64xi32, #tpu.memory_space<vmem>>
      %dma_start3A_89 = tpu.memref_squeeze %dma_start3A_88 : memref<1x64xi32, #tpu.memory_space<vmem>> -> memref<64xi32, #tpu.memory_space<vmem>>
      %dma_start3A_90 = arith.constant 0 : i32
      %dma_start3A_91 = tpu.memref_slice %arg8[%dma_start3A_90] : memref<10240xf32, #tpu.memory_space<vmem_shared>> -> memref<10240xf32, #tpu.memory_space<vmem_shared>>
      tpu.enqueue_indirect_dma source(%arg12 : memref<64xf32, #tpu.memory_space<vmem>>) target(%dma_start3A_91 : memref<10240xf32, #tpu.memory_space<vmem_shared>>) offsets(%dma_start3A_89 : memref<64xi32, #tpu.memory_space<vmem>>) semaphore(%arg14 : memref<!tpu.dma_semaphore, #tpu.memory_space<semaphore_mem>>) {add = true}
      %scan3A_92 = arith.constant 0 : i32
      scf.yield %scan3A_92 : i32
    }
    %scan3A_28 = arith.constant 160 : i32
    %scan3A_29 = arith.constant 0 : i32
    %scan3A_30 = arith.constant 0 : i32
    %scan3A_31 = arith.constant 160 : i32
    %scan3A_32 = arith.addi %scan3A_30, %scan3A_31 : i32
    %scan3A_33 = arith.constant 1 : i32
    %scan3A_34 = scf.for %scan3A_86 = %scan3A_30 to %scan3A_32 step %scan3A_33 iter_args(%scan3A_87 = %scan3A_29) -> (i32)  : i32 {
      %dma_wait3A = arith.constant 0 : i32
      %dma_wait3A_88 = arith.constant 0 : i32
      %dma_wait3A_89 = tpu.memref_slice %arg13[%dma_wait3A, %dma_wait3A_88] : memref<160x64xi32, #tpu.memory_space<vmem>> -> memref<1x64xi32, #tpu.memory_space<vmem>>
      %dma_wait3A_90 = tpu.memref_squeeze %dma_wait3A_89 : memref<1x64xi32, #tpu.memory_space<vmem>> -> memref<64xi32, #tpu.memory_space<vmem>>
      %dma_wait3A_91 = arith.constant 0 : i32
      %dma_wait3A_92 = tpu.memref_slice %arg8[%dma_wait3A_91] : memref<10240xf32, #tpu.memory_space<vmem_shared>> -> memref<10240xf32, #tpu.memory_space<vmem_shared>>
      tpu.wait_indirect_dma semaphore(%arg14 : memref<!tpu.dma_semaphore, #tpu.memory_space<semaphore_mem>>) src(%arg12 : memref<64xf32, #tpu.memory_space<vmem>>) dst(%dma_wait3A_92 : memref<10240xf32, #tpu.memory_space<vmem_shared>>)
      %scan3A_93 = arith.constant 0 : i32
      scf.yield %scan3A_93 : i32
    }
    %scan3A_35 = arith.constant 160 : i32
    "tpu.region"() ({
      %run_scoped3A = tpu.sem_alloc : memref<!tpu.dma_semaphore, #tpu.memory_space<semaphore_mem>>
      %dma_start3A = arith.constant 0 : i32
      %dma_start3A_86 = tpu.memref_slice %arg3[%mul3A_21, %dma_start3A] : memref<5120x64xi32, #tpu.memory_space<hbm>> -> memref<160x64xi32, #tpu.memory_space<hbm>>
      %dma_start3A_87 = arith.constant 0 : i32
      %dma_start3A_88 = tpu.memref_slice %arg3[%mul3A_21, %dma_start3A_87] : memref<5120x64xi32, #tpu.memory_space<hbm>> -> memref<160x64xi32, #tpu.memory_space<hbm>>
      tpu.enqueue_dma source(%dma_start3A_88 : memref<160x64xi32, #tpu.memory_space<hbm>>) target(%arg13 : memref<160x64xi32, #tpu.memory_space<vmem>>) target_semaphore(%run_scoped3A : memref<!tpu.dma_semaphore, #tpu.memory_space<semaphore_mem>>)
      %dma_wait3A = arith.constant 0 : i32
      %dma_wait3A_89 = tpu.memref_slice %arg3[%mul3A_21, %dma_wait3A] : memref<5120x64xi32, #tpu.memory_space<hbm>> -> memref<160x64xi32, #tpu.memory_space<hbm>>
      %dma_wait3A_90 = arith.constant 0 : i32
      %dma_wait3A_91 = tpu.memref_slice %arg3[%mul3A_21, %dma_wait3A_90] : memref<5120x64xi32, #tpu.memory_space<hbm>> -> memref<160x64xi32, #tpu.memory_space<hbm>>
      tpu.wait_dma2 semaphore(%run_scoped3A : memref<!tpu.dma_semaphore, #tpu.memory_space<semaphore_mem>>) src(%dma_wait3A_91 : memref<160x64xi32, #tpu.memory_space<hbm>>) dst(%arg13 : memref<160x64xi32, #tpu.memory_space<vmem>>)
      tpu.yield
    }) : () -> ()
    %scan3A_36 = arith.constant 0 : i32
    %scan3A_37 = arith.constant 0 : i32
    %scan3A_38 = arith.constant 160 : i32
    %scan3A_39 = arith.addi %scan3A_37, %scan3A_38 : i32
    %scan3A_40 = arith.constant 1 : i32
    %scan3A_41 = scf.for %scan3A_86 = %scan3A_37 to %scan3A_39 step %scan3A_40 iter_args(%scan3A_87 = %scan3A_36) -> (i32)  : i32 {
      %dma_start3A = arith.constant 0 : i32
      %dma_start3A_88 = tpu.memref_slice %arg13[%scan3A_86, %dma_start3A] : memref<160x64xi32, #tpu.memory_space<vmem>> -> memref<1x64xi32, #tpu.memory_space<vmem>>
      %dma_start3A_89 = tpu.memref_squeeze %dma_start3A_88 : memref<1x64xi32, #tpu.memory_space<vmem>> -> memref<64xi32, #tpu.memory_space<vmem>>
      %dma_start3A_90 = arith.constant 0 : i32
      %dma_start3A_91 = tpu.memref_slice %arg9[%dma_start3A_90] : memref<10240xf32, #tpu.memory_space<vmem_shared>> -> memref<10240xf32, #tpu.memory_space<vmem_shared>>
      tpu.enqueue_indirect_dma source(%arg12 : memref<64xf32, #tpu.memory_space<vmem>>) target(%dma_start3A_91 : memref<10240xf32, #tpu.memory_space<vmem_shared>>) offsets(%dma_start3A_89 : memref<64xi32, #tpu.memory_space<vmem>>) semaphore(%arg14 : memref<!tpu.dma_semaphore, #tpu.memory_space<semaphore_mem>>) {add = true}
      %scan3A_92 = arith.constant 0 : i32
      scf.yield %scan3A_92 : i32
    }
    %scan3A_42 = arith.constant 160 : i32
    %scan3A_43 = arith.constant 0 : i32
    %scan3A_44 = arith.constant 0 : i32
    %scan3A_45 = arith.constant 160 : i32
    %scan3A_46 = arith.addi %scan3A_44, %scan3A_45 : i32
    %scan3A_47 = arith.constant 1 : i32
    %scan3A_48 = scf.for %scan3A_86 = %scan3A_44 to %scan3A_46 step %scan3A_47 iter_args(%scan3A_87 = %scan3A_43) -> (i32)  : i32 {
      %dma_wait3A = arith.constant 0 : i32
      %dma_wait3A_88 = arith.constant 0 : i32
      %dma_wait3A_89 = tpu.memref_slice %arg13[%dma_wait3A, %dma_wait3A_88] : memref<160x64xi32, #tpu.memory_space<vmem>> -> memref<1x64xi32, #tpu.memory_space<vmem>>
      %dma_wait3A_90 = tpu.memref_squeeze %dma_wait3A_89 : memref<1x64xi32, #tpu.memory_space<vmem>> -> memref<64xi32, #tpu.memory_space<vmem>>
      %dma_wait3A_91 = arith.constant 0 : i32
      %dma_wait3A_92 = tpu.memref_slice %arg9[%dma_wait3A_91] : memref<10240xf32, #tpu.memory_space<vmem_shared>> -> memref<10240xf32, #tpu.memory_space<vmem_shared>>
      tpu.wait_indirect_dma semaphore(%arg14 : memref<!tpu.dma_semaphore, #tpu.memory_space<semaphore_mem>>) src(%arg12 : memref<64xf32, #tpu.memory_space<vmem>>) dst(%dma_wait3A_92 : memref<10240xf32, #tpu.memory_space<vmem_shared>>)
      %scan3A_93 = arith.constant 0 : i32
      scf.yield %scan3A_93 : i32
    }
    %scan3A_49 = arith.constant 160 : i32
    "tpu.region"() ({
      %run_scoped3A = tpu.sem_alloc : memref<!tpu.dma_semaphore, #tpu.memory_space<semaphore_mem>>
      %dma_start3A = arith.constant 0 : i32
      %dma_start3A_86 = tpu.memref_slice %arg4[%mul3A_21, %dma_start3A] : memref<5120x64xi32, #tpu.memory_space<hbm>> -> memref<160x64xi32, #tpu.memory_space<hbm>>
      %dma_start3A_87 = arith.constant 0 : i32
      %dma_start3A_88 = tpu.memref_slice %arg4[%mul3A_21, %dma_start3A_87] : memref<5120x64xi32, #tpu.memory_space<hbm>> -> memref<160x64xi32, #tpu.memory_space<hbm>>
      tpu.enqueue_dma source(%dma_start3A_88 : memref<160x64xi32, #tpu.memory_space<hbm>>) target(%arg13 : memref<160x64xi32, #tpu.memory_space<vmem>>) target_semaphore(%run_scoped3A : memref<!tpu.dma_semaphore, #tpu.memory_space<semaphore_mem>>)
      %dma_wait3A = arith.constant 0 : i32
      %dma_wait3A_89 = tpu.memref_slice %arg4[%mul3A_21, %dma_wait3A] : memref<5120x64xi32, #tpu.memory_space<hbm>> -> memref<160x64xi32, #tpu.memory_space<hbm>>
      %dma_wait3A_90 = arith.constant 0 : i32
      %dma_wait3A_91 = tpu.memref_slice %arg4[%mul3A_21, %dma_wait3A_90] : memref<5120x64xi32, #tpu.memory_space<hbm>> -> memref<160x64xi32, #tpu.memory_space<hbm>>
      tpu.wait_dma2 semaphore(%run_scoped3A : memref<!tpu.dma_semaphore, #tpu.memory_space<semaphore_mem>>) src(%dma_wait3A_91 : memref<160x64xi32, #tpu.memory_space<hbm>>) dst(%arg13 : memref<160x64xi32, #tpu.memory_space<vmem>>)
      tpu.yield
    }) : () -> ()
    %scan3A_50 = arith.constant 0 : i32
    %scan3A_51 = arith.constant 0 : i32
    %scan3A_52 = arith.constant 160 : i32
    %scan3A_53 = arith.addi %scan3A_51, %scan3A_52 : i32
    %scan3A_54 = arith.constant 1 : i32
    %scan3A_55 = scf.for %scan3A_86 = %scan3A_51 to %scan3A_53 step %scan3A_54 iter_args(%scan3A_87 = %scan3A_50) -> (i32)  : i32 {
      %dma_start3A = arith.constant 0 : i32
      %dma_start3A_88 = tpu.memref_slice %arg13[%scan3A_86, %dma_start3A] : memref<160x64xi32, #tpu.memory_space<vmem>> -> memref<1x64xi32, #tpu.memory_space<vmem>>
      %dma_start3A_89 = tpu.memref_squeeze %dma_start3A_88 : memref<1x64xi32, #tpu.memory_space<vmem>> -> memref<64xi32, #tpu.memory_space<vmem>>
      %dma_start3A_90 = arith.constant 0 : i32
      %dma_start3A_91 = tpu.memref_slice %arg10[%dma_start3A_90] : memref<10240xf32, #tpu.memory_space<vmem_shared>> -> memref<10240xf32, #tpu.memory_space<vmem_shared>>
      tpu.enqueue_indirect_dma source(%arg12 : memref<64xf32, #tpu.memory_space<vmem>>) target(%dma_start3A_91 : memref<10240xf32, #tpu.memory_space<vmem_shared>>) offsets(%dma_start3A_89 : memref<64xi32, #tpu.memory_space<vmem>>) semaphore(%arg14 : memref<!tpu.dma_semaphore, #tpu.memory_space<semaphore_mem>>) {add = true}
      %scan3A_92 = arith.constant 0 : i32
      scf.yield %scan3A_92 : i32
    }
    %scan3A_56 = arith.constant 160 : i32
    %scan3A_57 = arith.constant 0 : i32
    %scan3A_58 = arith.constant 0 : i32
    %scan3A_59 = arith.constant 160 : i32
    %scan3A_60 = arith.addi %scan3A_58, %scan3A_59 : i32
    %scan3A_61 = arith.constant 1 : i32
    %scan3A_62 = scf.for %scan3A_86 = %scan3A_58 to %scan3A_60 step %scan3A_61 iter_args(%scan3A_87 = %scan3A_57) -> (i32)  : i32 {
      %dma_wait3A = arith.constant 0 : i32
      %dma_wait3A_88 = arith.constant 0 : i32
      %dma_wait3A_89 = tpu.memref_slice %arg13[%dma_wait3A, %dma_wait3A_88] : memref<160x64xi32, #tpu.memory_space<vmem>> -> memref<1x64xi32, #tpu.memory_space<vmem>>
      %dma_wait3A_90 = tpu.memref_squeeze %dma_wait3A_89 : memref<1x64xi32, #tpu.memory_space<vmem>> -> memref<64xi32, #tpu.memory_space<vmem>>
      %dma_wait3A_91 = arith.constant 0 : i32
      %dma_wait3A_92 = tpu.memref_slice %arg10[%dma_wait3A_91] : memref<10240xf32, #tpu.memory_space<vmem_shared>> -> memref<10240xf32, #tpu.memory_space<vmem_shared>>
      tpu.wait_indirect_dma semaphore(%arg14 : memref<!tpu.dma_semaphore, #tpu.memory_space<semaphore_mem>>) src(%arg12 : memref<64xf32, #tpu.memory_space<vmem>>) dst(%dma_wait3A_92 : memref<10240xf32, #tpu.memory_space<vmem_shared>>)
      %scan3A_93 = arith.constant 0 : i32
      scf.yield %scan3A_93 : i32
    }
    %scan3A_63 = arith.constant 160 : i32
    %barrier3A_64 = arith.constant 0 : index
    tpu.barrier barrier_id(%barrier3A_64)
    %mul3A_65 = arith.constant 640 : i32
    %mul3A_66 = arith.muli %arg1, %mul3A_65 : i32
    %mul3A_67 = arith.constant 10240 : i32
    %mul3A_68 = arith.muli %arg0, %mul3A_67 : i32
    %mul3A_69 = arith.constant 640 : i32
    %mul3A_70 = arith.muli %arg1, %mul3A_69 : i32
    %add3A_71 = arith.addi %mul3A_68, %mul3A_70 : i32
    "tpu.region"() ({
      %run_scoped3A = tpu.sem_alloc : memref<!tpu.dma_semaphore, #tpu.memory_space<semaphore_mem>>
      %dma_start3A = tpu.memref_slice %arg5[%add3A_71] : memref<20480xf32, #tpu.memory_space<hbm>> -> memref<640xf32, #tpu.memory_space<hbm>>
      %dma_start3A_86 = tpu.memref_slice %arg8[%mul3A_66] : memref<10240xf32, #tpu.memory_space<vmem_shared>> -> memref<640xf32, #tpu.memory_space<vmem_shared>>
      tpu.enqueue_dma source(%dma_start3A_86 : memref<640xf32, #tpu.memory_space<vmem_shared>>) target(%dma_start3A : memref<640xf32, #tpu.memory_space<hbm>>) target_semaphore(%run_scoped3A : memref<!tpu.dma_semaphore, #tpu.memory_space<semaphore_mem>>)
      %dma_wait3A = tpu.memref_slice %arg5[%add3A_71] : memref<20480xf32, #tpu.memory_space<hbm>> -> memref<640xf32, #tpu.memory_space<hbm>>
      %dma_wait3A_87 = tpu.memref_slice %arg8[%mul3A_66] : memref<10240xf32, #tpu.memory_space<vmem_shared>> -> memref<640xf32, #tpu.memory_space<vmem_shared>>
      tpu.wait_dma2 semaphore(%run_scoped3A : memref<!tpu.dma_semaphore, #tpu.memory_space<semaphore_mem>>) src(%dma_wait3A_87 : memref<640xf32, #tpu.memory_space<vmem_shared>>) dst(%dma_wait3A : memref<640xf32, #tpu.memory_space<hbm>>)
      tpu.yield
    }) : () -> ()
    %mul3A_72 = arith.constant 640 : i32
    %mul3A_73 = arith.muli %arg1, %mul3A_72 : i32
    %mul3A_74 = arith.constant 10240 : i32
    %mul3A_75 = arith.muli %arg0, %mul3A_74 : i32
    %mul3A_76 = arith.constant 640 : i32
    %mul3A_77 = arith.muli %arg1, %mul3A_76 : i32
    %add3A_78 = arith.addi %mul3A_75, %mul3A_77 : i32
    "tpu.region"() ({
      %run_scoped3A = tpu.sem_alloc : memref<!tpu.dma_semaphore, #tpu.memory_space<semaphore_mem>>
      %dma_start3A = tpu.memref_slice %arg6[%add3A_78] : memref<20480xf32, #tpu.memory_space<hbm>> -> memref<640xf32, #tpu.memory_space<hbm>>
      %dma_start3A_86 = tpu.memref_slice %arg9[%mul3A_73] : memref<10240xf32, #tpu.memory_space<vmem_shared>> -> memref<640xf32, #tpu.memory_space<vmem_shared>>
      tpu.enqueue_dma source(%dma_start3A_86 : memref<640xf32, #tpu.memory_space<vmem_shared>>) target(%dma_start3A : memref<640xf32, #tpu.memory_space<hbm>>) target_semaphore(%run_scoped3A : memref<!tpu.dma_semaphore, #tpu.memory_space<semaphore_mem>>)
      %dma_wait3A = tpu.memref_slice %arg6[%add3A_78] : memref<20480xf32, #tpu.memory_space<hbm>> -> memref<640xf32, #tpu.memory_space<hbm>>
      %dma_wait3A_87 = tpu.memref_slice %arg9[%mul3A_73] : memref<10240xf32, #tpu.memory_space<vmem_shared>> -> memref<640xf32, #tpu.memory_space<vmem_shared>>
      tpu.wait_dma2 semaphore(%run_scoped3A : memref<!tpu.dma_semaphore, #tpu.memory_space<semaphore_mem>>) src(%dma_wait3A_87 : memref<640xf32, #tpu.memory_space<vmem_shared>>) dst(%dma_wait3A : memref<640xf32, #tpu.memory_space<hbm>>)
      tpu.yield
    }) : () -> ()
    %mul3A_79 = arith.constant 640 : i32
    %mul3A_80 = arith.muli %arg1, %mul3A_79 : i32
    %mul3A_81 = arith.constant 10240 : i32
    %mul3A_82 = arith.muli %arg0, %mul3A_81 : i32
    %mul3A_83 = arith.constant 640 : i32
    %mul3A_84 = arith.muli %arg1, %mul3A_83 : i32
    %add3A_85 = arith.addi %mul3A_82, %mul3A_84 : i32
    "tpu.region"() ({
      %run_scoped3A = tpu.sem_alloc : memref<!tpu.dma_semaphore, #tpu.memory_space<semaphore_mem>>
      %dma_start3A = tpu.memref_slice %arg7[%add3A_85] : memref<20480xf32, #tpu.memory_space<hbm>> -> memref<640xf32, #tpu.memory_space<hbm>>
      %dma_start3A_86 = tpu.memref_slice %arg10[%mul3A_80] : memref<10240xf32, #tpu.memory_space<vmem_shared>> -> memref<640xf32, #tpu.memory_space<vmem_shared>>
      tpu.enqueue_dma source(%dma_start3A_86 : memref<640xf32, #tpu.memory_space<vmem_shared>>) target(%dma_start3A : memref<640xf32, #tpu.memory_space<hbm>>) target_semaphore(%run_scoped3A : memref<!tpu.dma_semaphore, #tpu.memory_space<semaphore_mem>>)
      %dma_wait3A = tpu.memref_slice %arg7[%add3A_85] : memref<20480xf32, #tpu.memory_space<hbm>> -> memref<640xf32, #tpu.memory_space<hbm>>
      %dma_wait3A_87 = tpu.memref_slice %arg10[%mul3A_80] : memref<10240xf32, #tpu.memory_space<vmem_shared>> -> memref<640xf32, #tpu.memory_space<vmem_shared>>
      tpu.wait_dma2 semaphore(%run_scoped3A : memref<!tpu.dma_semaphore, #tpu.memory_space<semaphore_mem>>) src(%dma_wait3A_87 : memref<640xf32, #tpu.memory_space<vmem_shared>>) dst(%dma_wait3A : memref<640xf32, #tpu.memory_space<hbm>>)
      tpu.yield
    }) : () -> ()
    return
  }
}

#map = affine_map<(d0, d1) -> (0, 0)>
module attributes {stable_mosaic.version = 14 : i64} {
  func.func @body(%arg0: i32, %arg1: i32, %arg2: memref<5120x64xi32, #tpu.memory_space<hbm>>, %arg3: memref<5120x64xi32, #tpu.memory_space<hbm>>, %arg4: memref<5120x64xi32, #tpu.memory_space<hbm>>, %arg5: memref<5120x64xi32, #tpu.memory_space<hbm>>, %arg6: memref<5120x64xi32, #tpu.memory_space<hbm>>, %arg7: memref<5120x64xi32, #tpu.memory_space<hbm>>, %arg8: memref<20000x128xf32, #tpu.memory_space<hbm>>, %arg9: memref<20000x128xf32, #tpu.memory_space<hbm>>, %arg10: memref<20000x128xf32, #tpu.memory_space<hbm>>, %arg11: memref<10240x128xf32, #tpu.memory_space<hbm>>, %arg12: memref<20480x128xf32, #tpu.memory_space<hbm>>, %arg13: memref<20480x128xf32, #tpu.memory_space<hbm>>, %arg14: memref<20480x128xf32, #tpu.memory_space<hbm>>, %arg15: memref<10240x128xf32, #tpu.memory_space<vmem_shared>>, %arg16: memref<40x64xi32, #tpu.memory_space<vmem>>, %arg17: memref<40x64xi32, #tpu.memory_space<vmem>>, %arg18: memref<64x128xf32, #tpu.memory_space<vmem>>, %arg19: memref<64x128xf32, #tpu.memory_space<vmem>>, %arg20: memref<64x128xf32, #tpu.memory_space<vmem>>, %arg21: memref<64x128xf32, #tpu.memory_space<vmem>>, %arg22: memref<!tpu.dma_semaphore, #tpu.memory_space<semaphore_mem>>, %arg23: memref<!tpu.dma_semaphore, #tpu.memory_space<semaphore_mem>>, %arg24: memref<!tpu.dma_semaphore, #tpu.memory_space<semaphore_mem>>, %arg25: memref<!tpu.dma_semaphore, #tpu.memory_space<semaphore_mem>>, %arg26: memref<!tpu.dma_semaphore, #tpu.memory_space<semaphore_mem>>, %arg27: memref<!tpu.dma_semaphore, #tpu.memory_space<semaphore_mem>>, %arg28: memref<!tpu.dma_semaphore, #tpu.memory_space<semaphore_mem>>, %arg29: memref<!tpu.dma_semaphore, #tpu.memory_space<semaphore_mem>>) attributes {dimension_semantics = [#tpu.dimension_semantics<core_parallel>, #tpu.dimension_semantics<subcore_parallel>], iteration_bounds = array<i64: 2, 16>, scalar_prefetch = 0 : i64, scratch_operands = 15 : i64, tpu.core_type = #tpu.core_type<sc_vector_subcore>, window_params = [{transform_indices = #map}, {transform_indices = #map}, {transform_indices = #map}, {transform_indices = #map}, {transform_indices = #map}, {transform_indices = #map}, {transform_indices = #map}, {transform_indices = #map}, {transform_indices = #map}, {transform_indices = #map}, {transform_indices = #map}, {transform_indices = #map}, {transform_indices = #map}]} {
    %mul3A = arith.constant 320 : i32
    %mul3A_0 = arith.muli %arg1, %mul3A : i32
    %mul3A_1 = arith.constant 640 : i32
    %mul3A_2 = arith.muli %arg1, %mul3A_1 : i32
    %mul3A_3 = arith.constant 640 : i32
    %mul3A_4 = arith.muli %arg1, %mul3A_3 : i32
    %dma_start3A = arith.constant 0 : i32
    %dma_start3A_5 = tpu.memref_slice %arg15[%mul3A_4, %dma_start3A] : memref<10240x128xf32, #tpu.memory_space<vmem_shared>> -> memref<640x128xf32, #tpu.memory_space<vmem_shared>>
    %dma_start3A_6 = arith.constant 0 : i32
    %dma_start3A_7 = tpu.memref_slice %arg11[%mul3A_2, %dma_start3A_6] : memref<10240x128xf32, #tpu.memory_space<hbm>> -> memref<640x128xf32, #tpu.memory_space<hbm>>
    tpu.enqueue_dma source(%dma_start3A_7 : memref<640x128xf32, #tpu.memory_space<hbm>>) target(%dma_start3A_5 : memref<640x128xf32, #tpu.memory_space<vmem_shared>>) target_semaphore(%arg22 : memref<!tpu.dma_semaphore, #tpu.memory_space<semaphore_mem>>)
    %mul3A_8 = arith.constant 640 : i32
    %mul3A_9 = arith.muli %arg1, %mul3A_8 : i32
    %mul3A_10 = arith.constant 640 : i32
    %mul3A_11 = arith.muli %arg1, %mul3A_10 : i32
    %dma_wait3A = arith.constant 0 : i32
    %dma_wait3A_12 = tpu.memref_slice %arg15[%mul3A_11, %dma_wait3A] : memref<10240x128xf32, #tpu.memory_space<vmem_shared>> -> memref<640x128xf32, #tpu.memory_space<vmem_shared>>
    %dma_wait3A_13 = arith.constant 0 : i32
    %dma_wait3A_14 = tpu.memref_slice %arg11[%mul3A_9, %dma_wait3A_13] : memref<10240x128xf32, #tpu.memory_space<hbm>> -> memref<640x128xf32, #tpu.memory_space<hbm>>
    tpu.wait_dma2 semaphore(%arg22 : memref<!tpu.dma_semaphore, #tpu.memory_space<semaphore_mem>>) src(%dma_wait3A_14 : memref<640x128xf32, #tpu.memory_space<hbm>>) dst(%dma_wait3A_12 : memref<640x128xf32, #tpu.memory_space<vmem_shared>>)
    %barrier3A = arith.constant 0 : index
    tpu.barrier barrier_id(%barrier3A)
    %scan3A = arith.constant 0 : i32
    %scan3A_15 = arith.constant 0 : i32
    %scan3A_16 = arith.constant 8 : i32
    %scan3A_17 = arith.addi %scan3A_15, %scan3A_16 : i32
    %scan3A_18 = arith.constant 1 : i32
    %scan3A_19 = scf.for %scan3A_92 = %scan3A_15 to %scan3A_17 step %scan3A_18 iter_args(%scan3A_93 = %scan3A) -> (i32)  : i32 {
      %mul3A_94 = arith.constant 40 : i32
      %mul3A_95 = arith.muli %scan3A_92, %mul3A_94 : i32
      %add3A_96 = arith.addi %mul3A_0, %mul3A_95 : i32
      %dma_start3A_97 = arith.constant 0 : i32
      %dma_start3A_98 = tpu.memref_slice %arg2[%add3A_96, %dma_start3A_97] : memref<5120x64xi32, #tpu.memory_space<hbm>> -> memref<40x64xi32, #tpu.memory_space<hbm>>
      %dma_start3A_99 = arith.constant 0 : i32
      %dma_start3A_100 = tpu.memref_slice %arg2[%add3A_96, %dma_start3A_99] : memref<5120x64xi32, #tpu.memory_space<hbm>> -> memref<40x64xi32, #tpu.memory_space<hbm>>
      tpu.enqueue_dma source(%dma_start3A_100 : memref<40x64xi32, #tpu.memory_space<hbm>>) target(%arg16 : memref<40x64xi32, #tpu.memory_space<vmem>>) target_semaphore(%arg24 : memref<!tpu.dma_semaphore, #tpu.memory_space<semaphore_mem>>)
      %dma_start3A_101 = arith.constant 0 : i32
      %dma_start3A_102 = tpu.memref_slice %arg3[%add3A_96, %dma_start3A_101] : memref<5120x64xi32, #tpu.memory_space<hbm>> -> memref<40x64xi32, #tpu.memory_space<hbm>>
      %dma_start3A_103 = arith.constant 0 : i32
      %dma_start3A_104 = tpu.memref_slice %arg3[%add3A_96, %dma_start3A_103] : memref<5120x64xi32, #tpu.memory_space<hbm>> -> memref<40x64xi32, #tpu.memory_space<hbm>>
      tpu.enqueue_dma source(%dma_start3A_104 : memref<40x64xi32, #tpu.memory_space<hbm>>) target(%arg17 : memref<40x64xi32, #tpu.memory_space<vmem>>) target_semaphore(%arg25 : memref<!tpu.dma_semaphore, #tpu.memory_space<semaphore_mem>>)
      %dma_wait3A_105 = arith.constant 0 : i32
      %dma_wait3A_106 = tpu.memref_slice %arg2[%add3A_96, %dma_wait3A_105] : memref<5120x64xi32, #tpu.memory_space<hbm>> -> memref<40x64xi32, #tpu.memory_space<hbm>>
      %dma_wait3A_107 = arith.constant 0 : i32
      %dma_wait3A_108 = tpu.memref_slice %arg2[%add3A_96, %dma_wait3A_107] : memref<5120x64xi32, #tpu.memory_space<hbm>> -> memref<40x64xi32, #tpu.memory_space<hbm>>
      tpu.wait_dma2 semaphore(%arg24 : memref<!tpu.dma_semaphore, #tpu.memory_space<semaphore_mem>>) src(%dma_wait3A_108 : memref<40x64xi32, #tpu.memory_space<hbm>>) dst(%arg16 : memref<40x64xi32, #tpu.memory_space<vmem>>)
      %dma_wait3A_109 = arith.constant 0 : i32
      %dma_wait3A_110 = tpu.memref_slice %arg3[%add3A_96, %dma_wait3A_109] : memref<5120x64xi32, #tpu.memory_space<hbm>> -> memref<40x64xi32, #tpu.memory_space<hbm>>
      %dma_wait3A_111 = arith.constant 0 : i32
      %dma_wait3A_112 = tpu.memref_slice %arg3[%add3A_96, %dma_wait3A_111] : memref<5120x64xi32, #tpu.memory_space<hbm>> -> memref<40x64xi32, #tpu.memory_space<hbm>>
      tpu.wait_dma2 semaphore(%arg25 : memref<!tpu.dma_semaphore, #tpu.memory_space<semaphore_mem>>) src(%dma_wait3A_112 : memref<40x64xi32, #tpu.memory_space<hbm>>) dst(%arg17 : memref<40x64xi32, #tpu.memory_space<vmem>>)
      %mul3A_113 = arith.constant 10000 : i32
      %mul3A_114 = arith.muli %arg0, %mul3A_113 : i32
      %scan3A_115 = arith.constant 0 : i32
      %scan3A_116 = arith.constant 0 : i32
      %scan3A_117 = arith.constant 40 : i32
      %scan3A_118 = arith.addi %scan3A_116, %scan3A_117 : i32
      %scan3A_119 = arith.constant 1 : i32
      %scan3A_120 = scf.for %scan3A_158 = %scan3A_116 to %scan3A_118 step %scan3A_119 iter_args(%scan3A_159 = %scan3A_115) -> (i32)  : i32 {
        %get3A = arith.index_cast %scan3A_158 : i32 to index
        %get3A_160 = arith.constant 0 : index
        %get3A_161 = tpu.vector_load %arg16[%get3A, %get3A_160] {strides = array<i32>} : memref<40x64xi32, #tpu.memory_space<vmem>>, vector<1x16xi32>,
        %get3A_162 = vector.shape_cast %get3A_161 : vector<1x16xi32> to vector<16xi32>
        %add3A_163 = vector.broadcast %mul3A_114 : i32 to vector<16xi32>
        %add3A_164 = arith.addi %get3A_162, %add3A_163 : vector<16xi32>
        %swap3A = arith.index_cast %scan3A_158 : i32 to index
        %swap3A_165 = arith.constant 0 : index
        %swap3A_166 = tpu.vector_load %arg16[%swap3A, %swap3A_165] {strides = array<i32>} : memref<40x64xi32, #tpu.memory_space<vmem>>, vector<1x16xi32>,
        %swap3A_167 = vector.shape_cast %swap3A_166 : vector<1x16xi32> to vector<16xi32>
        %swap3A_168 = vector.shape_cast %add3A_164 : vector<16xi32> to vector<1x16xi32>
        tpu.vector_store %arg16[%swap3A, %swap3A_165], %swap3A_168 {strides = array<i32>} : memref<40x64xi32, #tpu.memory_space<vmem>>, vector<1x16xi32>,
        %get3A_169 = arith.index_cast %scan3A_158 : i32 to index
        %get3A_170 = arith.constant 16 : index
        %get3A_171 = tpu.vector_load %arg16[%get3A_169, %get3A_170] {strides = array<i32>} : memref<40x64xi32, #tpu.memory_space<vmem>>, vector<1x16xi32>,
        %get3A_172 = vector.shape_cast %get3A_171 : vector<1x16xi32> to vector<16xi32>
        %add3A_173 = vector.broadcast %mul3A_114 : i32 to vector<16xi32>
        %add3A_174 = arith.addi %get3A_172, %add3A_173 : vector<16xi32>
        %swap3A_175 = arith.index_cast %scan3A_158 : i32 to index
        %swap3A_176 = arith.constant 16 : index
        %swap3A_177 = tpu.vector_load %arg16[%swap3A_175, %swap3A_176] {strides = array<i32>} : memref<40x64xi32, #tpu.memory_space<vmem>>, vector<1x16xi32>,
        %swap3A_178 = vector.shape_cast %swap3A_177 : vector<1x16xi32> to vector<16xi32>
        %swap3A_179 = vector.shape_cast %add3A_174 : vector<16xi32> to vector<1x16xi32>
        tpu.vector_store %arg16[%swap3A_175, %swap3A_176], %swap3A_179 {strides = array<i32>} : memref<40x64xi32, #tpu.memory_space<vmem>>, vector<1x16xi32>,
        %get3A_180 = arith.index_cast %scan3A_158 : i32 to index
        %get3A_181 = arith.constant 32 : index
        %get3A_182 = tpu.vector_load %arg16[%get3A_180, %get3A_181] {strides = array<i32>} : memref<40x64xi32, #tpu.memory_space<vmem>>, vector<1x16xi32>,
        %get3A_183 = vector.shape_cast %get3A_182 : vector<1x16xi32> to vector<16xi32>
        %add3A_184 = vector.broadcast %mul3A_114 : i32 to vector<16xi32>
        %add3A_185 = arith.addi %get3A_183, %add3A_184 : vector<16xi32>
        %swap3A_186 = arith.index_cast %scan3A_158 : i32 to index
        %swap3A_187 = arith.constant 32 : index
        %swap3A_188 = tpu.vector_load %arg16[%swap3A_186, %swap3A_187] {strides = array<i32>} : memref<40x64xi32, #tpu.memory_space<vmem>>, vector<1x16xi32>,
        %swap3A_189 = vector.shape_cast %swap3A_188 : vector<1x16xi32> to vector<16xi32>
        %swap3A_190 = vector.shape_cast %add3A_185 : vector<16xi32> to vector<1x16xi32>
        tpu.vector_store %arg16[%swap3A_186, %swap3A_187], %swap3A_190 {strides = array<i32>} : memref<40x64xi32, #tpu.memory_space<vmem>>, vector<1x16xi32>,
        %get3A_191 = arith.index_cast %scan3A_158 : i32 to index
        %get3A_192 = arith.constant 48 : index
        %get3A_193 = tpu.vector_load %arg16[%get3A_191, %get3A_192] {strides = array<i32>} : memref<40x64xi32, #tpu.memory_space<vmem>>, vector<1x16xi32>,
        %get3A_194 = vector.shape_cast %get3A_193 : vector<1x16xi32> to vector<16xi32>
        %add3A_195 = vector.broadcast %mul3A_114 : i32 to vector<16xi32>
        %add3A_196 = arith.addi %get3A_194, %add3A_195 : vector<16xi32>
        %swap3A_197 = arith.index_cast %scan3A_158 : i32 to index
        %swap3A_198 = arith.constant 48 : index
        %swap3A_199 = tpu.vector_load %arg16[%swap3A_197, %swap3A_198] {strides = array<i32>} : memref<40x64xi32, #tpu.memory_space<vmem>>, vector<1x16xi32>,
        %swap3A_200 = vector.shape_cast %swap3A_199 : vector<1x16xi32> to vector<16xi32>
        %swap3A_201 = vector.shape_cast %add3A_196 : vector<16xi32> to vector<1x16xi32>
        tpu.vector_store %arg16[%swap3A_197, %swap3A_198], %swap3A_201 {strides = array<i32>} : memref<40x64xi32, #tpu.memory_space<vmem>>, vector<1x16xi32>,
        %scan3A_202 = arith.constant 0 : i32
        scf.yield %scan3A_202 : i32
      }
      %scan3A_121 = arith.constant 40 : i32
      %dma_start3A_122 = arith.constant 0 : i32
      %dma_start3A_123 = arith.constant 0 : i32
      %dma_start3A_124 = tpu.memref_slice %arg16[%dma_start3A_122, %dma_start3A_123] : memref<40x64xi32, #tpu.memory_space<vmem>> -> memref<1x64xi32, #tpu.memory_space<vmem>>
      %dma_start3A_125 = tpu.memref_squeeze %dma_start3A_124 : memref<1x64xi32, #tpu.memory_space<vmem>> -> memref<64xi32, #tpu.memory_space<vmem>>
      %dma_start3A_126 = arith.constant 0 : i32
      %dma_start3A_127 = arith.constant 0 : i32
      %dma_start3A_128 = tpu.memref_slice %arg8[%dma_start3A_126, %dma_start3A_127] : memref<20000x128xf32, #tpu.memory_space<hbm>> -> memref<20000x128xf32, #tpu.memory_space<hbm>>
      tpu.enqueue_indirect_dma source(%dma_start3A_128 : memref<20000x128xf32, #tpu.memory_space<hbm>>) target(%arg18 : memref<64x128xf32, #tpu.memory_space<vmem>>) offsets(%dma_start3A_125 : memref<64xi32, #tpu.memory_space<vmem>>) semaphore(%arg22 : memref<!tpu.dma_semaphore, #tpu.memory_space<semaphore_mem>>)
      %dma_start3A_129 = arith.constant 1 : i32
      %dma_start3A_130 = arith.constant 0 : i32
      %dma_start3A_131 = tpu.memref_slice %arg16[%dma_start3A_129, %dma_start3A_130] : memref<40x64xi32, #tpu.memory_space<vmem>> -> memref<1x64xi32, #tpu.memory_space<vmem>>
      %dma_start3A_132 = tpu.memref_squeeze %dma_start3A_131 : memref<1x64xi32, #tpu.memory_space<vmem>> -> memref<64xi32, #tpu.memory_space<vmem>>
      %dma_start3A_133 = arith.constant 0 : i32
      %dma_start3A_134 = arith.constant 0 : i32
      %dma_start3A_135 = tpu.memref_slice %arg8[%dma_start3A_133, %dma_start3A_134] : memref<20000x128xf32, #tpu.memory_space<hbm>> -> memref<20000x128xf32, #tpu.memory_space<hbm>>
      tpu.enqueue_indirect_dma source(%dma_start3A_135 : memref<20000x128xf32, #tpu.memory_space<hbm>>) target(%arg19 : memref<64x128xf32, #tpu.memory_space<vmem>>) offsets(%dma_start3A_132 : memref<64xi32, #tpu.memory_space<vmem>>) semaphore(%arg23 : memref<!tpu.dma_semaphore, #tpu.memory_space<semaphore_mem>>)
      %scan3A_136 = arith.constant 0 : i32
      %scan3A_137 = arith.constant 0 : i32
      %scan3A_138 = arith.constant 10 : i32
      %scan3A_139 = arith.addi %scan3A_137, %scan3A_138 : i32
      %scan3A_140 = arith.constant 1 : i32
      %scan3A_141 = scf.for %scan3A_158 = %scan3A_137 to %scan3A_139 step %scan3A_140 iter_args(%scan3A_159 = %scan3A_136) -> (i32)  : i32 {
        %mul3A_160 = arith.constant 4 : i32
        %mul3A_161 = arith.muli %scan3A_158, %mul3A_160 : i32
        %add3A_162 = arith.constant 0 : i32
        %add3A_163 = arith.addi %mul3A_161, %add3A_162 : i32
        %ge3A = arith.constant 2 : i32
        %ge3A_164 = arith.cmpi sge, %add3A_163, %ge3A : i32
        %convert_element_type3A = arith.extui %ge3A_164 : i1 to i32
        %cond3A = arith.constant 0 : i32
        %cond3A_165 = arith.cmpi ne, %convert_element_type3A, %cond3A : i32
        scf.if %cond3A_165 {
          %dma_wait3A_261 = arith.constant 0 : i32
          %dma_wait3A_262 = arith.constant 0 : i32
          %dma_wait3A_263 = tpu.memref_slice %arg17[%dma_wait3A_261, %dma_wait3A_262] : memref<40x64xi32, #tpu.memory_space<vmem>> -> memref<1x64xi32, #tpu.memory_space<vmem>>
          %dma_wait3A_264 = tpu.memref_squeeze %dma_wait3A_263 : memref<1x64xi32, #tpu.memory_space<vmem>> -> memref<64xi32, #tpu.memory_space<vmem>>
          %dma_wait3A_265 = arith.constant 0 : i32
          %dma_wait3A_266 = arith.constant 0 : i32
          %dma_wait3A_267 = tpu.memref_slice %arg15[%dma_wait3A_265, %dma_wait3A_266] : memref<10240x128xf32, #tpu.memory_space<vmem_shared>> -> memref<10240x128xf32, #tpu.memory_space<vmem_shared>>
          tpu.wait_indirect_dma semaphore(%arg28 : memref<!tpu.dma_semaphore, #tpu.memory_space<semaphore_mem>>) src(%arg20 : memref<64x128xf32, #tpu.memory_space<vmem>>) dst(%dma_wait3A_267 : memref<10240x128xf32, #tpu.memory_space<vmem_shared>>)
        } else {
        }
        %lt3A = arith.constant 38 : i32
        %lt3A_166 = arith.cmpi slt, %add3A_163, %lt3A : i32
        %convert_element_type3A_167 = arith.extui %lt3A_166 : i1 to i32
        %cond3A_168 = arith.constant 0 : i32
        %cond3A_169 = arith.cmpi ne, %convert_element_type3A_167, %cond3A_168 : i32
        scf.if %cond3A_169 {
          %add3A_261 = arith.constant 2 : i32
          %add3A_262 = arith.addi %add3A_163, %add3A_261 : i32
          %dma_start3A_263 = arith.constant 0 : i32
          %dma_start3A_264 = tpu.memref_slice %arg16[%add3A_262, %dma_start3A_263] : memref<40x64xi32, #tpu.memory_space<vmem>> -> memref<1x64xi32, #tpu.memory_space<vmem>>
          %dma_start3A_265 = tpu.memref_squeeze %dma_start3A_264 : memref<1x64xi32, #tpu.memory_space<vmem>> -> memref<64xi32, #tpu.memory_space<vmem>>
          %dma_start3A_266 = arith.constant 0 : i32
          %dma_start3A_267 = arith.constant 0 : i32
          %dma_start3A_268 = tpu.memref_slice %arg8[%dma_start3A_266, %dma_start3A_267] : memref<20000x128xf32, #tpu.memory_space<hbm>> -> memref<20000x128xf32, #tpu.memory_space<hbm>>
          tpu.enqueue_indirect_dma source(%dma_start3A_268 : memref<20000x128xf32, #tpu.memory_space<hbm>>) target(%arg20 : memref<64x128xf32, #tpu.memory_space<vmem>>) offsets(%dma_start3A_265 : memref<64xi32, #tpu.memory_space<vmem>>) semaphore(%arg24 : memref<!tpu.dma_semaphore, #tpu.memory_space<semaphore_mem>>)
        } else {
        }
        %dma_wait3A_170 = arith.constant 0 : i32
        %dma_wait3A_171 = tpu.memref_slice %arg16[%add3A_163, %dma_wait3A_170] : memref<40x64xi32, #tpu.memory_space<vmem>> -> memref<1x64xi32, #tpu.memory_space<vmem>>
        %dma_wait3A_172 = tpu.memref_squeeze %dma_wait3A_171 : memref<1x64xi32, #tpu.memory_space<vmem>> -> memref<64xi32, #tpu.memory_space<vmem>>
        %dma_wait3A_173 = arith.constant 0 : i32
        %dma_wait3A_174 = arith.constant 0 : i32
        %dma_wait3A_175 = tpu.memref_slice %arg8[%dma_wait3A_173, %dma_wait3A_174] : memref<20000x128xf32, #tpu.memory_space<hbm>> -> memref<20000x128xf32, #tpu.memory_space<hbm>>
        tpu.wait_indirect_dma semaphore(%arg22 : memref<!tpu.dma_semaphore, #tpu.memory_space<semaphore_mem>>) src(%dma_wait3A_175 : memref<20000x128xf32, #tpu.memory_space<hbm>>) dst(%arg18 : memref<64x128xf32, #tpu.memory_space<vmem>>)
        %dma_start3A_176 = arith.constant 0 : i32
        %dma_start3A_177 = tpu.memref_slice %arg17[%add3A_163, %dma_start3A_176] : memref<40x64xi32, #tpu.memory_space<vmem>> -> memref<1x64xi32, #tpu.memory_space<vmem>>
        %dma_start3A_178 = tpu.memref_squeeze %dma_start3A_177 : memref<1x64xi32, #tpu.memory_space<vmem>> -> memref<64xi32, #tpu.memory_space<vmem>>
        %dma_start3A_179 = arith.constant 0 : i32
        %dma_start3A_180 = arith.constant 0 : i32
        %dma_start3A_181 = tpu.memref_slice %arg15[%dma_start3A_179, %dma_start3A_180] : memref<10240x128xf32, #tpu.memory_space<vmem_shared>> -> memref<10240x128xf32, #tpu.memory_space<vmem_shared>>
        tpu.enqueue_indirect_dma source(%arg18 : memref<64x128xf32, #tpu.memory_space<vmem>>) target(%dma_start3A_181 : memref<10240x128xf32, #tpu.memory_space<vmem_shared>>) offsets(%dma_start3A_178 : memref<64xi32, #tpu.memory_space<vmem>>) semaphore(%arg26 : memref<!tpu.dma_semaphore, #tpu.memory_space<semaphore_mem>>) {add = true}
        %mul3A_182 = arith.constant 4 : i32
        %mul3A_183 = arith.muli %scan3A_158, %mul3A_182 : i32
        %add3A_184 = arith.constant 1 : i32
        %add3A_185 = arith.addi %mul3A_183, %add3A_184 : i32
        %ge3A_186 = arith.constant 2 : i32
        %ge3A_187 = arith.cmpi sge, %add3A_185, %ge3A_186 : i32
        %convert_element_type3A_188 = arith.extui %ge3A_187 : i1 to i32
        %cond3A_189 = arith.constant 0 : i32
        %cond3A_190 = arith.cmpi ne, %convert_element_type3A_188, %cond3A_189 : i32
        scf.if %cond3A_190 {
          %dma_wait3A_261 = arith.constant 0 : i32
          %dma_wait3A_262 = arith.constant 0 : i32
          %dma_wait3A_263 = tpu.memref_slice %arg17[%dma_wait3A_261, %dma_wait3A_262] : memref<40x64xi32, #tpu.memory_space<vmem>> -> memref<1x64xi32, #tpu.memory_space<vmem>>
          %dma_wait3A_264 = tpu.memref_squeeze %dma_wait3A_263 : memref<1x64xi32, #tpu.memory_space<vmem>> -> memref<64xi32, #tpu.memory_space<vmem>>
          %dma_wait3A_265 = arith.constant 0 : i32
          %dma_wait3A_266 = arith.constant 0 : i32
          %dma_wait3A_267 = tpu.memref_slice %arg15[%dma_wait3A_265, %dma_wait3A_266] : memref<10240x128xf32, #tpu.memory_space<vmem_shared>> -> memref<10240x128xf32, #tpu.memory_space<vmem_shared>>
          tpu.wait_indirect_dma semaphore(%arg29 : memref<!tpu.dma_semaphore, #tpu.memory_space<semaphore_mem>>) src(%arg21 : memref<64x128xf32, #tpu.memory_space<vmem>>) dst(%dma_wait3A_267 : memref<10240x128xf32, #tpu.memory_space<vmem_shared>>)
        } else {
        }
        %lt3A_191 = arith.constant 38 : i32
        %lt3A_192 = arith.cmpi slt, %add3A_185, %lt3A_191 : i32
        %convert_element_type3A_193 = arith.extui %lt3A_192 : i1 to i32
        %cond3A_194 = arith.constant 0 : i32
        %cond3A_195 = arith.cmpi ne, %convert_element_type3A_193, %cond3A_194 : i32
        scf.if %cond3A_195 {
          %add3A_261 = arith.constant 2 : i32
          %add3A_262 = arith.addi %add3A_185, %add3A_261 : i32
          %dma_start3A_263 = arith.constant 0 : i32
          %dma_start3A_264 = tpu.memref_slice %arg16[%add3A_262, %dma_start3A_263] : memref<40x64xi32, #tpu.memory_space<vmem>> -> memref<1x64xi32, #tpu.memory_space<vmem>>
          %dma_start3A_265 = tpu.memref_squeeze %dma_start3A_264 : memref<1x64xi32, #tpu.memory_space<vmem>> -> memref<64xi32, #tpu.memory_space<vmem>>
          %dma_start3A_266 = arith.constant 0 : i32
          %dma_start3A_267 = arith.constant 0 : i32
          %dma_start3A_268 = tpu.memref_slice %arg8[%dma_start3A_266, %dma_start3A_267] : memref<20000x128xf32, #tpu.memory_space<hbm>> -> memref<20000x128xf32, #tpu.memory_space<hbm>>
          tpu.enqueue_indirect_dma source(%dma_start3A_268 : memref<20000x128xf32, #tpu.memory_space<hbm>>) target(%arg21 : memref<64x128xf32, #tpu.memory_space<vmem>>) offsets(%dma_start3A_265 : memref<64xi32, #tpu.memory_space<vmem>>) semaphore(%arg25 : memref<!tpu.dma_semaphore, #tpu.memory_space<semaphore_mem>>)
        } else {
        }
        %dma_wait3A_196 = arith.constant 0 : i32
        %dma_wait3A_197 = tpu.memref_slice %arg16[%add3A_185, %dma_wait3A_196] : memref<40x64xi32, #tpu.memory_space<vmem>> -> memref<1x64xi32, #tpu.memory_space<vmem>>
        %dma_wait3A_198 = tpu.memref_squeeze %dma_wait3A_197 : memref<1x64xi32, #tpu.memory_space<vmem>> -> memref<64xi32, #tpu.memory_space<vmem>>
        %dma_wait3A_199 = arith.constant 0 : i32
        %dma_wait3A_200 = arith.constant 0 : i32
        %dma_wait3A_201 = tpu.memref_slice %arg8[%dma_wait3A_199, %dma_wait3A_200] : memref<20000x128xf32, #tpu.memory_space<hbm>> -> memref<20000x128xf32, #tpu.memory_space<hbm>>
        tpu.wait_indirect_dma semaphore(%arg23 : memref<!tpu.dma_semaphore, #tpu.memory_space<semaphore_mem>>) src(%dma_wait3A_201 : memref<20000x128xf32, #tpu.memory_space<hbm>>) dst(%arg19 : memref<64x128xf32, #tpu.memory_space<vmem>>)
        %dma_start3A_202 = arith.constant 0 : i32
        %dma_start3A_203 = tpu.memref_slice %arg17[%add3A_185, %dma_start3A_202] : memref<40x64xi32, #tpu.memory_space<vmem>> -> memref<1x64xi32, #tpu.memory_space<vmem>>
        %dma_start3A_204 = tpu.memref_squeeze %dma_start3A_203 : memref<1x64xi32, #tpu.memory_space<vmem>> -> memref<64xi32, #tpu.memory_space<vmem>>
        %dma_start3A_205 = arith.constant 0 : i32
        %dma_start3A_206 = arith.constant 0 : i32
        %dma_start3A_207 = tpu.memref_slice %arg15[%dma_start3A_205, %dma_start3A_206] : memref<10240x128xf32, #tpu.memory_space<vmem_shared>> -> memref<10240x128xf32, #tpu.memory_space<vmem_shared>>
        tpu.enqueue_indirect_dma source(%arg19 : memref<64x128xf32, #tpu.memory_space<vmem>>) target(%dma_start3A_207 : memref<10240x128xf32, #tpu.memory_space<vmem_shared>>) offsets(%dma_start3A_204 : memref<64xi32, #tpu.memory_space<vmem>>) semaphore(%arg27 : memref<!tpu.dma_semaphore, #tpu.memory_space<semaphore_mem>>) {add = true}
        %mul3A_208 = arith.constant 4 : i32
        %mul3A_209 = arith.muli %scan3A_158, %mul3A_208 : i32
        %add3A_210 = arith.constant 2 : i32
        %add3A_211 = arith.addi %mul3A_209, %add3A_210 : i32
        %ge3A_212 = arith.constant 2 : i32
        %ge3A_213 = arith.cmpi sge, %add3A_211, %ge3A_212 : i32
        %convert_element_type3A_214 = arith.extui %ge3A_213 : i1 to i32
        %cond3A_215 = arith.constant 0 : i32
        %cond3A_216 = arith.cmpi ne, %convert_element_type3A_214, %cond3A_215 : i32
        scf.if %cond3A_216 {
          %dma_wait3A_261 = arith.constant 0 : i32
          %dma_wait3A_262 = arith.constant 0 : i32
          %dma_wait3A_263 = tpu.memref_slice %arg17[%dma_wait3A_261, %dma_wait3A_262] : memref<40x64xi32, #tpu.memory_space<vmem>> -> memref<1x64xi32, #tpu.memory_space<vmem>>
          %dma_wait3A_264 = tpu.memref_squeeze %dma_wait3A_263 : memref<1x64xi32, #tpu.memory_space<vmem>> -> memref<64xi32, #tpu.memory_space<vmem>>
          %dma_wait3A_265 = arith.constant 0 : i32
          %dma_wait3A_266 = arith.constant 0 : i32
          %dma_wait3A_267 = tpu.memref_slice %arg15[%dma_wait3A_265, %dma_wait3A_266] : memref<10240x128xf32, #tpu.memory_space<vmem_shared>> -> memref<10240x128xf32, #tpu.memory_space<vmem_shared>>
          tpu.wait_indirect_dma semaphore(%arg26 : memref<!tpu.dma_semaphore, #tpu.memory_space<semaphore_mem>>) src(%arg18 : memref<64x128xf32, #tpu.memory_space<vmem>>) dst(%dma_wait3A_267 : memref<10240x128xf32, #tpu.memory_space<vmem_shared>>)
        } else {
        }
        %lt3A_217 = arith.constant 38 : i32
        %lt3A_218 = arith.cmpi slt, %add3A_211, %lt3A_217 : i32
        %convert_element_type3A_219 = arith.extui %lt3A_218 : i1 to i32
        %cond3A_220 = arith.constant 0 : i32
        %cond3A_221 = arith.cmpi ne, %convert_element_type3A_219, %cond3A_220 : i32
        scf.if %cond3A_221 {
          %add3A_261 = arith.constant 2 : i32
          %add3A_262 = arith.addi %add3A_211, %add3A_261 : i32
          %dma_start3A_263 = arith.constant 0 : i32
          %dma_start3A_264 = tpu.memref_slice %arg16[%add3A_262, %dma_start3A_263] : memref<40x64xi32, #tpu.memory_space<vmem>> -> memref<1x64xi32, #tpu.memory_space<vmem>>
          %dma_start3A_265 = tpu.memref_squeeze %dma_start3A_264 : memref<1x64xi32, #tpu.memory_space<vmem>> -> memref<64xi32, #tpu.memory_space<vmem>>
          %dma_start3A_266 = arith.constant 0 : i32
          %dma_start3A_267 = arith.constant 0 : i32
          %dma_start3A_268 = tpu.memref_slice %arg8[%dma_start3A_266, %dma_start3A_267] : memref<20000x128xf32, #tpu.memory_space<hbm>> -> memref<20000x128xf32, #tpu.memory_space<hbm>>
          tpu.enqueue_indirect_dma source(%dma_start3A_268 : memref<20000x128xf32, #tpu.memory_space<hbm>>) target(%arg18 : memref<64x128xf32, #tpu.memory_space<vmem>>) offsets(%dma_start3A_265 : memref<64xi32, #tpu.memory_space<vmem>>) semaphore(%arg22 : memref<!tpu.dma_semaphore, #tpu.memory_space<semaphore_mem>>)
        } else {
        }
        %dma_wait3A_222 = arith.constant 0 : i32
        %dma_wait3A_223 = tpu.memref_slice %arg16[%add3A_211, %dma_wait3A_222] : memref<40x64xi32, #tpu.memory_space<vmem>> -> memref<1x64xi32, #tpu.memory_space<vmem>>
        %dma_wait3A_224 = tpu.memref_squeeze %dma_wait3A_223 : memref<1x64xi32, #tpu.memory_space<vmem>> -> memref<64xi32, #tpu.memory_space<vmem>>
        %dma_wait3A_225 = arith.constant 0 : i32
        %dma_wait3A_226 = arith.constant 0 : i32
        %dma_wait3A_227 = tpu.memref_slice %arg8[%dma_wait3A_225, %dma_wait3A_226] : memref<20000x128xf32, #tpu.memory_space<hbm>> -> memref<20000x128xf32, #tpu.memory_space<hbm>>
        tpu.wait_indirect_dma semaphore(%arg24 : memref<!tpu.dma_semaphore, #tpu.memory_space<semaphore_mem>>) src(%dma_wait3A_227 : memref<20000x128xf32, #tpu.memory_space<hbm>>) dst(%arg20 : memref<64x128xf32, #tpu.memory_space<vmem>>)
        %dma_start3A_228 = arith.constant 0 : i32
        %dma_start3A_229 = tpu.memref_slice %arg17[%add3A_211, %dma_start3A_228] : memref<40x64xi32, #tpu.memory_space<vmem>> -> memref<1x64xi32, #tpu.memory_space<vmem>>
        %dma_start3A_230 = tpu.memref_squeeze %dma_start3A_229 : memref<1x64xi32, #tpu.memory_space<vmem>> -> memref<64xi32, #tpu.memory_space<vmem>>
        %dma_start3A_231 = arith.constant 0 : i32
        %dma_start3A_232 = arith.constant 0 : i32
        %dma_start3A_233 = tpu.memref_slice %arg15[%dma_start3A_231, %dma_start3A_232] : memref<10240x128xf32, #tpu.memory_space<vmem_shared>> -> memref<10240x128xf32, #tpu.memory_space<vmem_shared>>
        tpu.enqueue_indirect_dma source(%arg20 : memref<64x128xf32, #tpu.memory_space<vmem>>) target(%dma_start3A_233 : memref<10240x128xf32, #tpu.memory_space<vmem_shared>>) offsets(%dma_start3A_230 : memref<64xi32, #tpu.memory_space<vmem>>) semaphore(%arg28 : memref<!tpu.dma_semaphore, #tpu.memory_space<semaphore_mem>>) {add = true}
        %mul3A_234 = arith.constant 4 : i32
        %mul3A_235 = arith.muli %scan3A_158, %mul3A_234 : i32
        %add3A_236 = arith.constant 3 : i32
        %add3A_237 = arith.addi %mul3A_235, %add3A_236 : i32
        %ge3A_238 = arith.constant 2 : i32
        %ge3A_239 = arith.cmpi sge, %add3A_237, %ge3A_238 : i32
        %convert_element_type3A_240 = arith.extui %ge3A_239 : i1 to i32
        %cond3A_241 = arith.constant 0 : i32
        %cond3A_242 = arith.cmpi ne, %convert_element_type3A_240, %cond3A_241 : i32
        scf.if %cond3A_242 {
          %dma_wait3A_261 = arith.constant 0 : i32
          %dma_wait3A_262 = arith.constant 0 : i32
          %dma_wait3A_263 = tpu.memref_slice %arg17[%dma_wait3A_261, %dma_wait3A_262] : memref<40x64xi32, #tpu.memory_space<vmem>> -> memref<1x64xi32, #tpu.memory_space<vmem>>
          %dma_wait3A_264 = tpu.memref_squeeze %dma_wait3A_263 : memref<1x64xi32, #tpu.memory_space<vmem>> -> memref<64xi32, #tpu.memory_space<vmem>>
          %dma_wait3A_265 = arith.constant 0 : i32
          %dma_wait3A_266 = arith.constant 0 : i32
          %dma_wait3A_267 = tpu.memref_slice %arg15[%dma_wait3A_265, %dma_wait3A_266] : memref<10240x128xf32, #tpu.memory_space<vmem_shared>> -> memref<10240x128xf32, #tpu.memory_space<vmem_shared>>
          tpu.wait_indirect_dma semaphore(%arg27 : memref<!tpu.dma_semaphore, #tpu.memory_space<semaphore_mem>>) src(%arg19 : memref<64x128xf32, #tpu.memory_space<vmem>>) dst(%dma_wait3A_267 : memref<10240x128xf32, #tpu.memory_space<vmem_shared>>)
        } else {
        }
        %lt3A_243 = arith.constant 38 : i32
        %lt3A_244 = arith.cmpi slt, %add3A_237, %lt3A_243 : i32
        %convert_element_type3A_245 = arith.extui %lt3A_244 : i1 to i32
        %cond3A_246 = arith.constant 0 : i32
        %cond3A_247 = arith.cmpi ne, %convert_element_type3A_245, %cond3A_246 : i32
        scf.if %cond3A_247 {
          %add3A_261 = arith.constant 2 : i32
          %add3A_262 = arith.addi %add3A_237, %add3A_261 : i32
          %dma_start3A_263 = arith.constant 0 : i32
          %dma_start3A_264 = tpu.memref_slice %arg16[%add3A_262, %dma_start3A_263] : memref<40x64xi32, #tpu.memory_space<vmem>> -> memref<1x64xi32, #tpu.memory_space<vmem>>
          %dma_start3A_265 = tpu.memref_squeeze %dma_start3A_264 : memref<1x64xi32, #tpu.memory_space<vmem>> -> memref<64xi32, #tpu.memory_space<vmem>>
          %dma_start3A_266 = arith.constant 0 : i32
          %dma_start3A_267 = arith.constant 0 : i32
          %dma_start3A_268 = tpu.memref_slice %arg8[%dma_start3A_266, %dma_start3A_267] : memref<20000x128xf32, #tpu.memory_space<hbm>> -> memref<20000x128xf32, #tpu.memory_space<hbm>>
          tpu.enqueue_indirect_dma source(%dma_start3A_268 : memref<20000x128xf32, #tpu.memory_space<hbm>>) target(%arg19 : memref<64x128xf32, #tpu.memory_space<vmem>>) offsets(%dma_start3A_265 : memref<64xi32, #tpu.memory_space<vmem>>) semaphore(%arg23 : memref<!tpu.dma_semaphore, #tpu.memory_space<semaphore_mem>>)
        } else {
        }
        %dma_wait3A_248 = arith.constant 0 : i32
        %dma_wait3A_249 = tpu.memref_slice %arg16[%add3A_237, %dma_wait3A_248] : memref<40x64xi32, #tpu.memory_space<vmem>> -> memref<1x64xi32, #tpu.memory_space<vmem>>
        %dma_wait3A_250 = tpu.memref_squeeze %dma_wait3A_249 : memref<1x64xi32, #tpu.memory_space<vmem>> -> memref<64xi32, #tpu.memory_space<vmem>>
        %dma_wait3A_251 = arith.constant 0 : i32
        %dma_wait3A_252 = arith.constant 0 : i32
        %dma_wait3A_253 = tpu.memref_slice %arg8[%dma_wait3A_251, %dma_wait3A_252] : memref<20000x128xf32, #tpu.memory_space<hbm>> -> memref<20000x128xf32, #tpu.memory_space<hbm>>
        tpu.wait_indirect_dma semaphore(%arg25 : memref<!tpu.dma_semaphore, #tpu.memory_space<semaphore_mem>>) src(%dma_wait3A_253 : memref<20000x128xf32, #tpu.memory_space<hbm>>) dst(%arg21 : memref<64x128xf32, #tpu.memory_space<vmem>>)
        %dma_start3A_254 = arith.constant 0 : i32
        %dma_start3A_255 = tpu.memref_slice %arg17[%add3A_237, %dma_start3A_254] : memref<40x64xi32, #tpu.memory_space<vmem>> -> memref<1x64xi32, #tpu.memory_space<vmem>>
        %dma_start3A_256 = tpu.memref_squeeze %dma_start3A_255 : memref<1x64xi32, #tpu.memory_space<vmem>> -> memref<64xi32, #tpu.memory_space<vmem>>
        %dma_start3A_257 = arith.constant 0 : i32
        %dma_start3A_258 = arith.constant 0 : i32
        %dma_start3A_259 = tpu.memref_slice %arg15[%dma_start3A_257, %dma_start3A_258] : memref<10240x128xf32, #tpu.memory_space<vmem_shared>> -> memref<10240x128xf32, #tpu.memory_space<vmem_shared>>
        tpu.enqueue_indirect_dma source(%arg21 : memref<64x128xf32, #tpu.memory_space<vmem>>) target(%dma_start3A_259 : memref<10240x128xf32, #tpu.memory_space<vmem_shared>>) offsets(%dma_start3A_256 : memref<64xi32, #tpu.memory_space<vmem>>) semaphore(%arg29 : memref<!tpu.dma_semaphore, #tpu.memory_space<semaphore_mem>>) {add = true}
        %scan3A_260 = arith.constant 0 : i32
        scf.yield %scan3A_260 : i32
      }
      %scan3A_142 = arith.constant 10 : i32
      %dma_wait3A_143 = arith.constant 0 : i32
      %dma_wait3A_144 = arith.constant 0 : i32
      %dma_wait3A_145 = tpu.memref_slice %arg17[%dma_wait3A_143, %dma_wait3A_144] : memref<40x64xi32, #tpu.memory_space<vmem>> -> memref<1x64xi32, #tpu.memory_space<vmem>>
      %dma_wait3A_146 = tpu.memref_squeeze %dma_wait3A_145 : memref<1x64xi32, #tpu.memory_space<vmem>> -> memref<64xi32, #tpu.memory_space<vmem>>
      %dma_wait3A_147 = arith.constant 0 : i32
      %dma_wait3A_148 = arith.constant 0 : i32
      %dma_wait3A_149 = tpu.memref_slice %arg15[%dma_wait3A_147, %dma_wait3A_148] : memref<10240x128xf32, #tpu.memory_space<vmem_shared>> -> memref<10240x128xf32, #tpu.memory_space<vmem_shared>>
      tpu.wait_indirect_dma semaphore(%arg28 : memref<!tpu.dma_semaphore, #tpu.memory_space<semaphore_mem>>) src(%arg20 : memref<64x128xf32, #tpu.memory_space<vmem>>) dst(%dma_wait3A_149 : memref<10240x128xf32, #tpu.memory_space<vmem_shared>>)
      %dma_wait3A_150 = arith.constant 0 : i32
      %dma_wait3A_151 = arith.constant 0 : i32
      %dma_wait3A_152 = tpu.memref_slice %arg17[%dma_wait3A_150, %dma_wait3A_151] : memref<40x64xi32, #tpu.memory_space<vmem>> -> memref<1x64xi32, #tpu.memory_space<vmem>>
      %dma_wait3A_153 = tpu.memref_squeeze %dma_wait3A_152 : memref<1x64xi32, #tpu.memory_space<vmem>> -> memref<64xi32, #tpu.memory_space<vmem>>
      %dma_wait3A_154 = arith.constant 0 : i32
      %dma_wait3A_155 = arith.constant 0 : i32
      %dma_wait3A_156 = tpu.memref_slice %arg15[%dma_wait3A_154, %dma_wait3A_155] : memref<10240x128xf32, #tpu.memory_space<vmem_shared>> -> memref<10240x128xf32, #tpu.memory_space<vmem_shared>>
      tpu.wait_indirect_dma semaphore(%arg29 : memref<!tpu.dma_semaphore, #tpu.memory_space<semaphore_mem>>) src(%arg21 : memref<64x128xf32, #tpu.memory_space<vmem>>) dst(%dma_wait3A_156 : memref<10240x128xf32, #tpu.memory_space<vmem_shared>>)
      %scan3A_157 = arith.constant 0 : i32
      scf.yield %scan3A_157 : i32
    }
    %scan3A_20 = arith.constant 8 : i32
    %barrier3A_21 = arith.constant 0 : index
    tpu.barrier barrier_id(%barrier3A_21)
    %mul3A_22 = arith.constant 640 : i32
    %mul3A_23 = arith.muli %arg1, %mul3A_22 : i32
    %mul3A_24 = arith.constant 10240 : i32
    %mul3A_25 = arith.muli %arg0, %mul3A_24 : i32
    %mul3A_26 = arith.constant 640 : i32
    %mul3A_27 = arith.muli %arg1, %mul3A_26 : i32
    %add3A = arith.addi %mul3A_25, %mul3A_27 : i32
    "tpu.region"() ({
      %run_scoped3A = tpu.sem_alloc : memref<!tpu.dma_semaphore, #tpu.memory_space<semaphore_mem>>
      %dma_start3A_92 = arith.constant 0 : i32
      %dma_start3A_93 = tpu.memref_slice %arg12[%add3A, %dma_start3A_92] : memref<20480x128xf32, #tpu.memory_space<hbm>> -> memref<640x128xf32, #tpu.memory_space<hbm>>
      %dma_start3A_94 = arith.constant 0 : i32
      %dma_start3A_95 = tpu.memref_slice %arg15[%mul3A_23, %dma_start3A_94] : memref<10240x128xf32, #tpu.memory_space<vmem_shared>> -> memref<640x128xf32, #tpu.memory_space<vmem_shared>>
      tpu.enqueue_dma source(%dma_start3A_95 : memref<640x128xf32, #tpu.memory_space<vmem_shared>>) target(%dma_start3A_93 : memref<640x128xf32, #tpu.memory_space<hbm>>) target_semaphore(%run_scoped3A : memref<!tpu.dma_semaphore, #tpu.memory_space<semaphore_mem>>)
      %dma_wait3A_96 = arith.constant 0 : i32
      %dma_wait3A_97 = tpu.memref_slice %arg12[%add3A, %dma_wait3A_96] : memref<20480x128xf32, #tpu.memory_space<hbm>> -> memref<640x128xf32, #tpu.memory_space<hbm>>
      %dma_wait3A_98 = arith.constant 0 : i32
      %dma_wait3A_99 = tpu.memref_slice %arg15[%mul3A_23, %dma_wait3A_98] : memref<10240x128xf32, #tpu.memory_space<vmem_shared>> -> memref<640x128xf32, #tpu.memory_space<vmem_shared>>
      tpu.wait_dma2 semaphore(%run_scoped3A : memref<!tpu.dma_semaphore, #tpu.memory_space<semaphore_mem>>) src(%dma_wait3A_99 : memref<640x128xf32, #tpu.memory_space<vmem_shared>>) dst(%dma_wait3A_97 : memref<640x128xf32, #tpu.memory_space<hbm>>)
      tpu.yield
    }) : () -> ()
    %mul3A_28 = arith.constant 640 : i32
    %mul3A_29 = arith.muli %arg1, %mul3A_28 : i32
    %mul3A_30 = arith.constant 640 : i32
    %mul3A_31 = arith.muli %arg1, %mul3A_30 : i32
    %dma_start3A_32 = arith.constant 0 : i32
    %dma_start3A_33 = tpu.memref_slice %arg15[%mul3A_31, %dma_start3A_32] : memref<10240x128xf32, #tpu.memory_space<vmem_shared>> -> memref<640x128xf32, #tpu.memory_space<vmem_shared>>
    %dma_start3A_34 = arith.constant 0 : i32
    %dma_start3A_35 = tpu.memref_slice %arg11[%mul3A_29, %dma_start3A_34] : memref<10240x128xf32, #tpu.memory_space<hbm>> -> memref<640x128xf32, #tpu.memory_space<hbm>>
    tpu.enqueue_dma source(%dma_start3A_35 : memref<640x128xf32, #tpu.memory_space<hbm>>) target(%dma_start3A_33 : memref<640x128xf32, #tpu.memory_space<vmem_shared>>) target_semaphore(%arg22 : memref<!tpu.dma_semaphore, #tpu.memory_space<semaphore_mem>>)
    %mul3A_36 = arith.constant 640 : i32
    %mul3A_37 = arith.muli %arg1, %mul3A_36 : i32
    %mul3A_38 = arith.constant 640 : i32
    %mul3A_39 = arith.muli %arg1, %mul3A_38 : i32
    %dma_wait3A_40 = arith.constant 0 : i32
    %dma_wait3A_41 = tpu.memref_slice %arg15[%mul3A_39, %dma_wait3A_40] : memref<10240x128xf32, #tpu.memory_space<vmem_shared>> -> memref<640x128xf32, #tpu.memory_space<vmem_shared>>
    %dma_wait3A_42 = arith.constant 0 : i32
    %dma_wait3A_43 = tpu.memref_slice %arg11[%mul3A_37, %dma_wait3A_42] : memref<10240x128xf32, #tpu.memory_space<hbm>> -> memref<640x128xf32, #tpu.memory_space<hbm>>
    tpu.wait_dma2 semaphore(%arg22 : memref<!tpu.dma_semaphore, #tpu.memory_space<semaphore_mem>>) src(%dma_wait3A_43 : memref<640x128xf32, #tpu.memory_space<hbm>>) dst(%dma_wait3A_41 : memref<640x128xf32, #tpu.memory_space<vmem_shared>>)
    %barrier3A_44 = arith.constant 0 : index
    tpu.barrier barrier_id(%barrier3A_44)
    %scan3A_45 = arith.constant 0 : i32
    %scan3A_46 = arith.constant 0 : i32
    %scan3A_47 = arith.constant 8 : i32
    %scan3A_48 = arith.addi %scan3A_46, %scan3A_47 : i32
    %scan3A_49 = arith.constant 1 : i32
    %scan3A_50 = scf.for %scan3A_92 = %scan3A_46 to %scan3A_48 step %scan3A_49 iter_args(%scan3A_93 = %scan3A_45) -> (i32)  : i32 {
      %mul3A_94 = arith.constant 40 : i32
      %mul3A_95 = arith.muli %scan3A_92, %mul3A_94 : i32
      %add3A_96 = arith.addi %mul3A_0, %mul3A_95 : i32
      %dma_start3A_97 = arith.constant 0 : i32
      %dma_start3A_98 = tpu.memref_slice %arg4[%add3A_96, %dma_start3A_97] : memref<5120x64xi32, #tpu.memory_space<hbm>> -> memref<40x64xi32, #tpu.memory_space<hbm>>
      %dma_start3A_99 = arith.constant 0 : i32
      %dma_start3A_100 = tpu.memref_slice %arg4[%add3A_96, %dma_start3A_99] : memref<5120x64xi32, #tpu.memory_space<hbm>> -> memref<40x64xi32, #tpu.memory_space<hbm>>
      tpu.enqueue_dma source(%dma_start3A_100 : memref<40x64xi32, #tpu.memory_space<hbm>>) target(%arg16 : memref<40x64xi32, #tpu.memory_space<vmem>>) target_semaphore(%arg24 : memref<!tpu.dma_semaphore, #tpu.memory_space<semaphore_mem>>)
      %dma_start3A_101 = arith.constant 0 : i32
      %dma_start3A_102 = tpu.memref_slice %arg5[%add3A_96, %dma_start3A_101] : memref<5120x64xi32, #tpu.memory_space<hbm>> -> memref<40x64xi32, #tpu.memory_space<hbm>>
      %dma_start3A_103 = arith.constant 0 : i32
      %dma_start3A_104 = tpu.memref_slice %arg5[%add3A_96, %dma_start3A_103] : memref<5120x64xi32, #tpu.memory_space<hbm>> -> memref<40x64xi32, #tpu.memory_space<hbm>>
      tpu.enqueue_dma source(%dma_start3A_104 : memref<40x64xi32, #tpu.memory_space<hbm>>) target(%arg17 : memref<40x64xi32, #tpu.memory_space<vmem>>) target_semaphore(%arg25 : memref<!tpu.dma_semaphore, #tpu.memory_space<semaphore_mem>>)
      %dma_wait3A_105 = arith.constant 0 : i32
      %dma_wait3A_106 = tpu.memref_slice %arg4[%add3A_96, %dma_wait3A_105] : memref<5120x64xi32, #tpu.memory_space<hbm>> -> memref<40x64xi32, #tpu.memory_space<hbm>>
      %dma_wait3A_107 = arith.constant 0 : i32
      %dma_wait3A_108 = tpu.memref_slice %arg4[%add3A_96, %dma_wait3A_107] : memref<5120x64xi32, #tpu.memory_space<hbm>> -> memref<40x64xi32, #tpu.memory_space<hbm>>
      tpu.wait_dma2 semaphore(%arg24 : memref<!tpu.dma_semaphore, #tpu.memory_space<semaphore_mem>>) src(%dma_wait3A_108 : memref<40x64xi32, #tpu.memory_space<hbm>>) dst(%arg16 : memref<40x64xi32, #tpu.memory_space<vmem>>)
      %dma_wait3A_109 = arith.constant 0 : i32
      %dma_wait3A_110 = tpu.memref_slice %arg5[%add3A_96, %dma_wait3A_109] : memref<5120x64xi32, #tpu.memory_space<hbm>> -> memref<40x64xi32, #tpu.memory_space<hbm>>
      %dma_wait3A_111 = arith.constant 0 : i32
      %dma_wait3A_112 = tpu.memref_slice %arg5[%add3A_96, %dma_wait3A_111] : memref<5120x64xi32, #tpu.memory_space<hbm>> -> memref<40x64xi32, #tpu.memory_space<hbm>>
      tpu.wait_dma2 semaphore(%arg25 : memref<!tpu.dma_semaphore, #tpu.memory_space<semaphore_mem>>) src(%dma_wait3A_112 : memref<40x64xi32, #tpu.memory_space<hbm>>) dst(%arg17 : memref<40x64xi32, #tpu.memory_space<vmem>>)
      %mul3A_113 = arith.constant 10000 : i32
      %mul3A_114 = arith.muli %arg0, %mul3A_113 : i32
      %scan3A_115 = arith.constant 0 : i32
      %scan3A_116 = arith.constant 0 : i32
      %scan3A_117 = arith.constant 40 : i32
      %scan3A_118 = arith.addi %scan3A_116, %scan3A_117 : i32
      %scan3A_119 = arith.constant 1 : i32
      %scan3A_120 = scf.for %scan3A_158 = %scan3A_116 to %scan3A_118 step %scan3A_119 iter_args(%scan3A_159 = %scan3A_115) -> (i32)  : i32 {
        %get3A = arith.index_cast %scan3A_158 : i32 to index
        %get3A_160 = arith.constant 0 : index
        %get3A_161 = tpu.vector_load %arg16[%get3A, %get3A_160] {strides = array<i32>} : memref<40x64xi32, #tpu.memory_space<vmem>>, vector<1x16xi32>,
        %get3A_162 = vector.shape_cast %get3A_161 : vector<1x16xi32> to vector<16xi32>
        %add3A_163 = vector.broadcast %mul3A_114 : i32 to vector<16xi32>
        %add3A_164 = arith.addi %get3A_162, %add3A_163 : vector<16xi32>
        %swap3A = arith.index_cast %scan3A_158 : i32 to index
        %swap3A_165 = arith.constant 0 : index
        %swap3A_166 = tpu.vector_load %arg16[%swap3A, %swap3A_165] {strides = array<i32>} : memref<40x64xi32, #tpu.memory_space<vmem>>, vector<1x16xi32>,
        %swap3A_167 = vector.shape_cast %swap3A_166 : vector<1x16xi32> to vector<16xi32>
        %swap3A_168 = vector.shape_cast %add3A_164 : vector<16xi32> to vector<1x16xi32>
        tpu.vector_store %arg16[%swap3A, %swap3A_165], %swap3A_168 {strides = array<i32>} : memref<40x64xi32, #tpu.memory_space<vmem>>, vector<1x16xi32>,
        %get3A_169 = arith.index_cast %scan3A_158 : i32 to index
        %get3A_170 = arith.constant 16 : index
        %get3A_171 = tpu.vector_load %arg16[%get3A_169, %get3A_170] {strides = array<i32>} : memref<40x64xi32, #tpu.memory_space<vmem>>, vector<1x16xi32>,
        %get3A_172 = vector.shape_cast %get3A_171 : vector<1x16xi32> to vector<16xi32>
        %add3A_173 = vector.broadcast %mul3A_114 : i32 to vector<16xi32>
        %add3A_174 = arith.addi %get3A_172, %add3A_173 : vector<16xi32>
        %swap3A_175 = arith.index_cast %scan3A_158 : i32 to index
        %swap3A_176 = arith.constant 16 : index
        %swap3A_177 = tpu.vector_load %arg16[%swap3A_175, %swap3A_176] {strides = array<i32>} : memref<40x64xi32, #tpu.memory_space<vmem>>, vector<1x16xi32>,
        %swap3A_178 = vector.shape_cast %swap3A_177 : vector<1x16xi32> to vector<16xi32>
        %swap3A_179 = vector.shape_cast %add3A_174 : vector<16xi32> to vector<1x16xi32>
        tpu.vector_store %arg16[%swap3A_175, %swap3A_176], %swap3A_179 {strides = array<i32>} : memref<40x64xi32, #tpu.memory_space<vmem>>, vector<1x16xi32>,
        %get3A_180 = arith.index_cast %scan3A_158 : i32 to index
        %get3A_181 = arith.constant 32 : index
        %get3A_182 = tpu.vector_load %arg16[%get3A_180, %get3A_181] {strides = array<i32>} : memref<40x64xi32, #tpu.memory_space<vmem>>, vector<1x16xi32>,
        %get3A_183 = vector.shape_cast %get3A_182 : vector<1x16xi32> to vector<16xi32>
        %add3A_184 = vector.broadcast %mul3A_114 : i32 to vector<16xi32>
        %add3A_185 = arith.addi %get3A_183, %add3A_184 : vector<16xi32>
        %swap3A_186 = arith.index_cast %scan3A_158 : i32 to index
        %swap3A_187 = arith.constant 32 : index
        %swap3A_188 = tpu.vector_load %arg16[%swap3A_186, %swap3A_187] {strides = array<i32>} : memref<40x64xi32, #tpu.memory_space<vmem>>, vector<1x16xi32>,
        %swap3A_189 = vector.shape_cast %swap3A_188 : vector<1x16xi32> to vector<16xi32>
        %swap3A_190 = vector.shape_cast %add3A_185 : vector<16xi32> to vector<1x16xi32>
        tpu.vector_store %arg16[%swap3A_186, %swap3A_187], %swap3A_190 {strides = array<i32>} : memref<40x64xi32, #tpu.memory_space<vmem>>, vector<1x16xi32>,
        %get3A_191 = arith.index_cast %scan3A_158 : i32 to index
        %get3A_192 = arith.constant 48 : index
        %get3A_193 = tpu.vector_load %arg16[%get3A_191, %get3A_192] {strides = array<i32>} : memref<40x64xi32, #tpu.memory_space<vmem>>, vector<1x16xi32>,
        %get3A_194 = vector.shape_cast %get3A_193 : vector<1x16xi32> to vector<16xi32>
        %add3A_195 = vector.broadcast %mul3A_114 : i32 to vector<16xi32>
        %add3A_196 = arith.addi %get3A_194, %add3A_195 : vector<16xi32>
        %swap3A_197 = arith.index_cast %scan3A_158 : i32 to index
        %swap3A_198 = arith.constant 48 : index
        %swap3A_199 = tpu.vector_load %arg16[%swap3A_197, %swap3A_198] {strides = array<i32>} : memref<40x64xi32, #tpu.memory_space<vmem>>, vector<1x16xi32>,
        %swap3A_200 = vector.shape_cast %swap3A_199 : vector<1x16xi32> to vector<16xi32>
        %swap3A_201 = vector.shape_cast %add3A_196 : vector<16xi32> to vector<1x16xi32>
        tpu.vector_store %arg16[%swap3A_197, %swap3A_198], %swap3A_201 {strides = array<i32>} : memref<40x64xi32, #tpu.memory_space<vmem>>, vector<1x16xi32>,
        %scan3A_202 = arith.constant 0 : i32
        scf.yield %scan3A_202 : i32
      }
      %scan3A_121 = arith.constant 40 : i32
      %dma_start3A_122 = arith.constant 0 : i32
      %dma_start3A_123 = arith.constant 0 : i32
      %dma_start3A_124 = tpu.memref_slice %arg16[%dma_start3A_122, %dma_start3A_123] : memref<40x64xi32, #tpu.memory_space<vmem>> -> memref<1x64xi32, #tpu.memory_space<vmem>>
      %dma_start3A_125 = tpu.memref_squeeze %dma_start3A_124 : memref<1x64xi32, #tpu.memory_space<vmem>> -> memref<64xi32, #tpu.memory_space<vmem>>
      %dma_start3A_126 = arith.constant 0 : i32
      %dma_start3A_127 = arith.constant 0 : i32
      %dma_start3A_128 = tpu.memref_slice %arg9[%dma_start3A_126, %dma_start3A_127] : memref<20000x128xf32, #tpu.memory_space<hbm>> -> memref<20000x128xf32, #tpu.memory_space<hbm>>
      tpu.enqueue_indirect_dma source(%dma_start3A_128 : memref<20000x128xf32, #tpu.memory_space<hbm>>) target(%arg18 : memref<64x128xf32, #tpu.memory_space<vmem>>) offsets(%dma_start3A_125 : memref<64xi32, #tpu.memory_space<vmem>>) semaphore(%arg22 : memref<!tpu.dma_semaphore, #tpu.memory_space<semaphore_mem>>)
      %dma_start3A_129 = arith.constant 1 : i32
      %dma_start3A_130 = arith.constant 0 : i32
      %dma_start3A_131 = tpu.memref_slice %arg16[%dma_start3A_129, %dma_start3A_130] : memref<40x64xi32, #tpu.memory_space<vmem>> -> memref<1x64xi32, #tpu.memory_space<vmem>>
      %dma_start3A_132 = tpu.memref_squeeze %dma_start3A_131 : memref<1x64xi32, #tpu.memory_space<vmem>> -> memref<64xi32, #tpu.memory_space<vmem>>
      %dma_start3A_133 = arith.constant 0 : i32
      %dma_start3A_134 = arith.constant 0 : i32
      %dma_start3A_135 = tpu.memref_slice %arg9[%dma_start3A_133, %dma_start3A_134] : memref<20000x128xf32, #tpu.memory_space<hbm>> -> memref<20000x128xf32, #tpu.memory_space<hbm>>
      tpu.enqueue_indirect_dma source(%dma_start3A_135 : memref<20000x128xf32, #tpu.memory_space<hbm>>) target(%arg19 : memref<64x128xf32, #tpu.memory_space<vmem>>) offsets(%dma_start3A_132 : memref<64xi32, #tpu.memory_space<vmem>>) semaphore(%arg23 : memref<!tpu.dma_semaphore, #tpu.memory_space<semaphore_mem>>)
      %scan3A_136 = arith.constant 0 : i32
      %scan3A_137 = arith.constant 0 : i32
      %scan3A_138 = arith.constant 10 : i32
      %scan3A_139 = arith.addi %scan3A_137, %scan3A_138 : i32
      %scan3A_140 = arith.constant 1 : i32
      %scan3A_141 = scf.for %scan3A_158 = %scan3A_137 to %scan3A_139 step %scan3A_140 iter_args(%scan3A_159 = %scan3A_136) -> (i32)  : i32 {
        %mul3A_160 = arith.constant 4 : i32
        %mul3A_161 = arith.muli %scan3A_158, %mul3A_160 : i32
        %add3A_162 = arith.constant 0 : i32
        %add3A_163 = arith.addi %mul3A_161, %add3A_162 : i32
        %ge3A = arith.constant 2 : i32
        %ge3A_164 = arith.cmpi sge, %add3A_163, %ge3A : i32
        %convert_element_type3A = arith.extui %ge3A_164 : i1 to i32
        %cond3A = arith.constant 0 : i32
        %cond3A_165 = arith.cmpi ne, %convert_element_type3A, %cond3A : i32
        scf.if %cond3A_165 {
          %dma_wait3A_261 = arith.constant 0 : i32
          %dma_wait3A_262 = arith.constant 0 : i32
          %dma_wait3A_263 = tpu.memref_slice %arg17[%dma_wait3A_261, %dma_wait3A_262] : memref<40x64xi32, #tpu.memory_space<vmem>> -> memref<1x64xi32, #tpu.memory_space<vmem>>
          %dma_wait3A_264 = tpu.memref_squeeze %dma_wait3A_263 : memref<1x64xi32, #tpu.memory_space<vmem>> -> memref<64xi32, #tpu.memory_space<vmem>>
          %dma_wait3A_265 = arith.constant 0 : i32
          %dma_wait3A_266 = arith.constant 0 : i32
          %dma_wait3A_267 = tpu.memref_slice %arg15[%dma_wait3A_265, %dma_wait3A_266] : memref<10240x128xf32, #tpu.memory_space<vmem_shared>> -> memref<10240x128xf32, #tpu.memory_space<vmem_shared>>
          tpu.wait_indirect_dma semaphore(%arg28 : memref<!tpu.dma_semaphore, #tpu.memory_space<semaphore_mem>>) src(%arg20 : memref<64x128xf32, #tpu.memory_space<vmem>>) dst(%dma_wait3A_267 : memref<10240x128xf32, #tpu.memory_space<vmem_shared>>)
        } else {
        }
        %lt3A = arith.constant 38 : i32
        %lt3A_166 = arith.cmpi slt, %add3A_163, %lt3A : i32
        %convert_element_type3A_167 = arith.extui %lt3A_166 : i1 to i32
        %cond3A_168 = arith.constant 0 : i32
        %cond3A_169 = arith.cmpi ne, %convert_element_type3A_167, %cond3A_168 : i32
        scf.if %cond3A_169 {
          %add3A_261 = arith.constant 2 : i32
          %add3A_262 = arith.addi %add3A_163, %add3A_261 : i32
          %dma_start3A_263 = arith.constant 0 : i32
          %dma_start3A_264 = tpu.memref_slice %arg16[%add3A_262, %dma_start3A_263] : memref<40x64xi32, #tpu.memory_space<vmem>> -> memref<1x64xi32, #tpu.memory_space<vmem>>
          %dma_start3A_265 = tpu.memref_squeeze %dma_start3A_264 : memref<1x64xi32, #tpu.memory_space<vmem>> -> memref<64xi32, #tpu.memory_space<vmem>>
          %dma_start3A_266 = arith.constant 0 : i32
          %dma_start3A_267 = arith.constant 0 : i32
          %dma_start3A_268 = tpu.memref_slice %arg9[%dma_start3A_266, %dma_start3A_267] : memref<20000x128xf32, #tpu.memory_space<hbm>> -> memref<20000x128xf32, #tpu.memory_space<hbm>>
          tpu.enqueue_indirect_dma source(%dma_start3A_268 : memref<20000x128xf32, #tpu.memory_space<hbm>>) target(%arg20 : memref<64x128xf32, #tpu.memory_space<vmem>>) offsets(%dma_start3A_265 : memref<64xi32, #tpu.memory_space<vmem>>) semaphore(%arg24 : memref<!tpu.dma_semaphore, #tpu.memory_space<semaphore_mem>>)
        } else {
        }
        %dma_wait3A_170 = arith.constant 0 : i32
        %dma_wait3A_171 = tpu.memref_slice %arg16[%add3A_163, %dma_wait3A_170] : memref<40x64xi32, #tpu.memory_space<vmem>> -> memref<1x64xi32, #tpu.memory_space<vmem>>
        %dma_wait3A_172 = tpu.memref_squeeze %dma_wait3A_171 : memref<1x64xi32, #tpu.memory_space<vmem>> -> memref<64xi32, #tpu.memory_space<vmem>>
        %dma_wait3A_173 = arith.constant 0 : i32
        %dma_wait3A_174 = arith.constant 0 : i32
        %dma_wait3A_175 = tpu.memref_slice %arg9[%dma_wait3A_173, %dma_wait3A_174] : memref<20000x128xf32, #tpu.memory_space<hbm>> -> memref<20000x128xf32, #tpu.memory_space<hbm>>
        tpu.wait_indirect_dma semaphore(%arg22 : memref<!tpu.dma_semaphore, #tpu.memory_space<semaphore_mem>>) src(%dma_wait3A_175 : memref<20000x128xf32, #tpu.memory_space<hbm>>) dst(%arg18 : memref<64x128xf32, #tpu.memory_space<vmem>>)
        %dma_start3A_176 = arith.constant 0 : i32
        %dma_start3A_177 = tpu.memref_slice %arg17[%add3A_163, %dma_start3A_176] : memref<40x64xi32, #tpu.memory_space<vmem>> -> memref<1x64xi32, #tpu.memory_space<vmem>>
        %dma_start3A_178 = tpu.memref_squeeze %dma_start3A_177 : memref<1x64xi32, #tpu.memory_space<vmem>> -> memref<64xi32, #tpu.memory_space<vmem>>
        %dma_start3A_179 = arith.constant 0 : i32
        %dma_start3A_180 = arith.constant 0 : i32
        %dma_start3A_181 = tpu.memref_slice %arg15[%dma_start3A_179, %dma_start3A_180] : memref<10240x128xf32, #tpu.memory_space<vmem_shared>> -> memref<10240x128xf32, #tpu.memory_space<vmem_shared>>
        tpu.enqueue_indirect_dma source(%arg18 : memref<64x128xf32, #tpu.memory_space<vmem>>) target(%dma_start3A_181 : memref<10240x128xf32, #tpu.memory_space<vmem_shared>>) offsets(%dma_start3A_178 : memref<64xi32, #tpu.memory_space<vmem>>) semaphore(%arg26 : memref<!tpu.dma_semaphore, #tpu.memory_space<semaphore_mem>>) {add = true}
        %mul3A_182 = arith.constant 4 : i32
        %mul3A_183 = arith.muli %scan3A_158, %mul3A_182 : i32
        %add3A_184 = arith.constant 1 : i32
        %add3A_185 = arith.addi %mul3A_183, %add3A_184 : i32
        %ge3A_186 = arith.constant 2 : i32
        %ge3A_187 = arith.cmpi sge, %add3A_185, %ge3A_186 : i32
        %convert_element_type3A_188 = arith.extui %ge3A_187 : i1 to i32
        %cond3A_189 = arith.constant 0 : i32
        %cond3A_190 = arith.cmpi ne, %convert_element_type3A_188, %cond3A_189 : i32
        scf.if %cond3A_190 {
          %dma_wait3A_261 = arith.constant 0 : i32
          %dma_wait3A_262 = arith.constant 0 : i32
          %dma_wait3A_263 = tpu.memref_slice %arg17[%dma_wait3A_261, %dma_wait3A_262] : memref<40x64xi32, #tpu.memory_space<vmem>> -> memref<1x64xi32, #tpu.memory_space<vmem>>
          %dma_wait3A_264 = tpu.memref_squeeze %dma_wait3A_263 : memref<1x64xi32, #tpu.memory_space<vmem>> -> memref<64xi32, #tpu.memory_space<vmem>>
          %dma_wait3A_265 = arith.constant 0 : i32
          %dma_wait3A_266 = arith.constant 0 : i32
          %dma_wait3A_267 = tpu.memref_slice %arg15[%dma_wait3A_265, %dma_wait3A_266] : memref<10240x128xf32, #tpu.memory_space<vmem_shared>> -> memref<10240x128xf32, #tpu.memory_space<vmem_shared>>
          tpu.wait_indirect_dma semaphore(%arg29 : memref<!tpu.dma_semaphore, #tpu.memory_space<semaphore_mem>>) src(%arg21 : memref<64x128xf32, #tpu.memory_space<vmem>>) dst(%dma_wait3A_267 : memref<10240x128xf32, #tpu.memory_space<vmem_shared>>)
        } else {
        }
        %lt3A_191 = arith.constant 38 : i32
        %lt3A_192 = arith.cmpi slt, %add3A_185, %lt3A_191 : i32
        %convert_element_type3A_193 = arith.extui %lt3A_192 : i1 to i32
        %cond3A_194 = arith.constant 0 : i32
        %cond3A_195 = arith.cmpi ne, %convert_element_type3A_193, %cond3A_194 : i32
        scf.if %cond3A_195 {
          %add3A_261 = arith.constant 2 : i32
          %add3A_262 = arith.addi %add3A_185, %add3A_261 : i32
          %dma_start3A_263 = arith.constant 0 : i32
          %dma_start3A_264 = tpu.memref_slice %arg16[%add3A_262, %dma_start3A_263] : memref<40x64xi32, #tpu.memory_space<vmem>> -> memref<1x64xi32, #tpu.memory_space<vmem>>
          %dma_start3A_265 = tpu.memref_squeeze %dma_start3A_264 : memref<1x64xi32, #tpu.memory_space<vmem>> -> memref<64xi32, #tpu.memory_space<vmem>>
          %dma_start3A_266 = arith.constant 0 : i32
          %dma_start3A_267 = arith.constant 0 : i32
          %dma_start3A_268 = tpu.memref_slice %arg9[%dma_start3A_266, %dma_start3A_267] : memref<20000x128xf32, #tpu.memory_space<hbm>> -> memref<20000x128xf32, #tpu.memory_space<hbm>>
          tpu.enqueue_indirect_dma source(%dma_start3A_268 : memref<20000x128xf32, #tpu.memory_space<hbm>>) target(%arg21 : memref<64x128xf32, #tpu.memory_space<vmem>>) offsets(%dma_start3A_265 : memref<64xi32, #tpu.memory_space<vmem>>) semaphore(%arg25 : memref<!tpu.dma_semaphore, #tpu.memory_space<semaphore_mem>>)
        } else {
        }
        %dma_wait3A_196 = arith.constant 0 : i32
        %dma_wait3A_197 = tpu.memref_slice %arg16[%add3A_185, %dma_wait3A_196] : memref<40x64xi32, #tpu.memory_space<vmem>> -> memref<1x64xi32, #tpu.memory_space<vmem>>
        %dma_wait3A_198 = tpu.memref_squeeze %dma_wait3A_197 : memref<1x64xi32, #tpu.memory_space<vmem>> -> memref<64xi32, #tpu.memory_space<vmem>>
        %dma_wait3A_199 = arith.constant 0 : i32
        %dma_wait3A_200 = arith.constant 0 : i32
        %dma_wait3A_201 = tpu.memref_slice %arg9[%dma_wait3A_199, %dma_wait3A_200] : memref<20000x128xf32, #tpu.memory_space<hbm>> -> memref<20000x128xf32, #tpu.memory_space<hbm>>
        tpu.wait_indirect_dma semaphore(%arg23 : memref<!tpu.dma_semaphore, #tpu.memory_space<semaphore_mem>>) src(%dma_wait3A_201 : memref<20000x128xf32, #tpu.memory_space<hbm>>) dst(%arg19 : memref<64x128xf32, #tpu.memory_space<vmem>>)
        %dma_start3A_202 = arith.constant 0 : i32
        %dma_start3A_203 = tpu.memref_slice %arg17[%add3A_185, %dma_start3A_202] : memref<40x64xi32, #tpu.memory_space<vmem>> -> memref<1x64xi32, #tpu.memory_space<vmem>>
        %dma_start3A_204 = tpu.memref_squeeze %dma_start3A_203 : memref<1x64xi32, #tpu.memory_space<vmem>> -> memref<64xi32, #tpu.memory_space<vmem>>
        %dma_start3A_205 = arith.constant 0 : i32
        %dma_start3A_206 = arith.constant 0 : i32
        %dma_start3A_207 = tpu.memref_slice %arg15[%dma_start3A_205, %dma_start3A_206] : memref<10240x128xf32, #tpu.memory_space<vmem_shared>> -> memref<10240x128xf32, #tpu.memory_space<vmem_shared>>
        tpu.enqueue_indirect_dma source(%arg19 : memref<64x128xf32, #tpu.memory_space<vmem>>) target(%dma_start3A_207 : memref<10240x128xf32, #tpu.memory_space<vmem_shared>>) offsets(%dma_start3A_204 : memref<64xi32, #tpu.memory_space<vmem>>) semaphore(%arg27 : memref<!tpu.dma_semaphore, #tpu.memory_space<semaphore_mem>>) {add = true}
        %mul3A_208 = arith.constant 4 : i32
        %mul3A_209 = arith.muli %scan3A_158, %mul3A_208 : i32
        %add3A_210 = arith.constant 2 : i32
        %add3A_211 = arith.addi %mul3A_209, %add3A_210 : i32
        %ge3A_212 = arith.constant 2 : i32
        %ge3A_213 = arith.cmpi sge, %add3A_211, %ge3A_212 : i32
        %convert_element_type3A_214 = arith.extui %ge3A_213 : i1 to i32
        %cond3A_215 = arith.constant 0 : i32
        %cond3A_216 = arith.cmpi ne, %convert_element_type3A_214, %cond3A_215 : i32
        scf.if %cond3A_216 {
          %dma_wait3A_261 = arith.constant 0 : i32
          %dma_wait3A_262 = arith.constant 0 : i32
          %dma_wait3A_263 = tpu.memref_slice %arg17[%dma_wait3A_261, %dma_wait3A_262] : memref<40x64xi32, #tpu.memory_space<vmem>> -> memref<1x64xi32, #tpu.memory_space<vmem>>
          %dma_wait3A_264 = tpu.memref_squeeze %dma_wait3A_263 : memref<1x64xi32, #tpu.memory_space<vmem>> -> memref<64xi32, #tpu.memory_space<vmem>>
          %dma_wait3A_265 = arith.constant 0 : i32
          %dma_wait3A_266 = arith.constant 0 : i32
          %dma_wait3A_267 = tpu.memref_slice %arg15[%dma_wait3A_265, %dma_wait3A_266] : memref<10240x128xf32, #tpu.memory_space<vmem_shared>> -> memref<10240x128xf32, #tpu.memory_space<vmem_shared>>
          tpu.wait_indirect_dma semaphore(%arg26 : memref<!tpu.dma_semaphore, #tpu.memory_space<semaphore_mem>>) src(%arg18 : memref<64x128xf32, #tpu.memory_space<vmem>>) dst(%dma_wait3A_267 : memref<10240x128xf32, #tpu.memory_space<vmem_shared>>)
        } else {
        }
        %lt3A_217 = arith.constant 38 : i32
        %lt3A_218 = arith.cmpi slt, %add3A_211, %lt3A_217 : i32
        %convert_element_type3A_219 = arith.extui %lt3A_218 : i1 to i32
        %cond3A_220 = arith.constant 0 : i32
        %cond3A_221 = arith.cmpi ne, %convert_element_type3A_219, %cond3A_220 : i32
        scf.if %cond3A_221 {
          %add3A_261 = arith.constant 2 : i32
          %add3A_262 = arith.addi %add3A_211, %add3A_261 : i32
          %dma_start3A_263 = arith.constant 0 : i32
          %dma_start3A_264 = tpu.memref_slice %arg16[%add3A_262, %dma_start3A_263] : memref<40x64xi32, #tpu.memory_space<vmem>> -> memref<1x64xi32, #tpu.memory_space<vmem>>
          %dma_start3A_265 = tpu.memref_squeeze %dma_start3A_264 : memref<1x64xi32, #tpu.memory_space<vmem>> -> memref<64xi32, #tpu.memory_space<vmem>>
          %dma_start3A_266 = arith.constant 0 : i32
          %dma_start3A_267 = arith.constant 0 : i32
          %dma_start3A_268 = tpu.memref_slice %arg9[%dma_start3A_266, %dma_start3A_267] : memref<20000x128xf32, #tpu.memory_space<hbm>> -> memref<20000x128xf32, #tpu.memory_space<hbm>>
          tpu.enqueue_indirect_dma source(%dma_start3A_268 : memref<20000x128xf32, #tpu.memory_space<hbm>>) target(%arg18 : memref<64x128xf32, #tpu.memory_space<vmem>>) offsets(%dma_start3A_265 : memref<64xi32, #tpu.memory_space<vmem>>) semaphore(%arg22 : memref<!tpu.dma_semaphore, #tpu.memory_space<semaphore_mem>>)
        } else {
        }
        %dma_wait3A_222 = arith.constant 0 : i32
        %dma_wait3A_223 = tpu.memref_slice %arg16[%add3A_211, %dma_wait3A_222] : memref<40x64xi32, #tpu.memory_space<vmem>> -> memref<1x64xi32, #tpu.memory_space<vmem>>
        %dma_wait3A_224 = tpu.memref_squeeze %dma_wait3A_223 : memref<1x64xi32, #tpu.memory_space<vmem>> -> memref<64xi32, #tpu.memory_space<vmem>>
        %dma_wait3A_225 = arith.constant 0 : i32
        %dma_wait3A_226 = arith.constant 0 : i32
        %dma_wait3A_227 = tpu.memref_slice %arg9[%dma_wait3A_225, %dma_wait3A_226] : memref<20000x128xf32, #tpu.memory_space<hbm>> -> memref<20000x128xf32, #tpu.memory_space<hbm>>
        tpu.wait_indirect_dma semaphore(%arg24 : memref<!tpu.dma_semaphore, #tpu.memory_space<semaphore_mem>>) src(%dma_wait3A_227 : memref<20000x128xf32, #tpu.memory_space<hbm>>) dst(%arg20 : memref<64x128xf32, #tpu.memory_space<vmem>>)
        %dma_start3A_228 = arith.constant 0 : i32
        %dma_start3A_229 = tpu.memref_slice %arg17[%add3A_211, %dma_start3A_228] : memref<40x64xi32, #tpu.memory_space<vmem>> -> memref<1x64xi32, #tpu.memory_space<vmem>>
        %dma_start3A_230 = tpu.memref_squeeze %dma_start3A_229 : memref<1x64xi32, #tpu.memory_space<vmem>> -> memref<64xi32, #tpu.memory_space<vmem>>
        %dma_start3A_231 = arith.constant 0 : i32
        %dma_start3A_232 = arith.constant 0 : i32
        %dma_start3A_233 = tpu.memref_slice %arg15[%dma_start3A_231, %dma_start3A_232] : memref<10240x128xf32, #tpu.memory_space<vmem_shared>> -> memref<10240x128xf32, #tpu.memory_space<vmem_shared>>
        tpu.enqueue_indirect_dma source(%arg20 : memref<64x128xf32, #tpu.memory_space<vmem>>) target(%dma_start3A_233 : memref<10240x128xf32, #tpu.memory_space<vmem_shared>>) offsets(%dma_start3A_230 : memref<64xi32, #tpu.memory_space<vmem>>) semaphore(%arg28 : memref<!tpu.dma_semaphore, #tpu.memory_space<semaphore_mem>>) {add = true}
        %mul3A_234 = arith.constant 4 : i32
        %mul3A_235 = arith.muli %scan3A_158, %mul3A_234 : i32
        %add3A_236 = arith.constant 3 : i32
        %add3A_237 = arith.addi %mul3A_235, %add3A_236 : i32
        %ge3A_238 = arith.constant 2 : i32
        %ge3A_239 = arith.cmpi sge, %add3A_237, %ge3A_238 : i32
        %convert_element_type3A_240 = arith.extui %ge3A_239 : i1 to i32
        %cond3A_241 = arith.constant 0 : i32
        %cond3A_242 = arith.cmpi ne, %convert_element_type3A_240, %cond3A_241 : i32
        scf.if %cond3A_242 {
          %dma_wait3A_261 = arith.constant 0 : i32
          %dma_wait3A_262 = arith.constant 0 : i32
          %dma_wait3A_263 = tpu.memref_slice %arg17[%dma_wait3A_261, %dma_wait3A_262] : memref<40x64xi32, #tpu.memory_space<vmem>> -> memref<1x64xi32, #tpu.memory_space<vmem>>
          %dma_wait3A_264 = tpu.memref_squeeze %dma_wait3A_263 : memref<1x64xi32, #tpu.memory_space<vmem>> -> memref<64xi32, #tpu.memory_space<vmem>>
          %dma_wait3A_265 = arith.constant 0 : i32
          %dma_wait3A_266 = arith.constant 0 : i32
          %dma_wait3A_267 = tpu.memref_slice %arg15[%dma_wait3A_265, %dma_wait3A_266] : memref<10240x128xf32, #tpu.memory_space<vmem_shared>> -> memref<10240x128xf32, #tpu.memory_space<vmem_shared>>
          tpu.wait_indirect_dma semaphore(%arg27 : memref<!tpu.dma_semaphore, #tpu.memory_space<semaphore_mem>>) src(%arg19 : memref<64x128xf32, #tpu.memory_space<vmem>>) dst(%dma_wait3A_267 : memref<10240x128xf32, #tpu.memory_space<vmem_shared>>)
        } else {
        }
        %lt3A_243 = arith.constant 38 : i32
        %lt3A_244 = arith.cmpi slt, %add3A_237, %lt3A_243 : i32
        %convert_element_type3A_245 = arith.extui %lt3A_244 : i1 to i32
        %cond3A_246 = arith.constant 0 : i32
        %cond3A_247 = arith.cmpi ne, %convert_element_type3A_245, %cond3A_246 : i32
        scf.if %cond3A_247 {
          %add3A_261 = arith.constant 2 : i32
          %add3A_262 = arith.addi %add3A_237, %add3A_261 : i32
          %dma_start3A_263 = arith.constant 0 : i32
          %dma_start3A_264 = tpu.memref_slice %arg16[%add3A_262, %dma_start3A_263] : memref<40x64xi32, #tpu.memory_space<vmem>> -> memref<1x64xi32, #tpu.memory_space<vmem>>
          %dma_start3A_265 = tpu.memref_squeeze %dma_start3A_264 : memref<1x64xi32, #tpu.memory_space<vmem>> -> memref<64xi32, #tpu.memory_space<vmem>>
          %dma_start3A_266 = arith.constant 0 : i32
          %dma_start3A_267 = arith.constant 0 : i32
          %dma_start3A_268 = tpu.memref_slice %arg9[%dma_start3A_266, %dma_start3A_267] : memref<20000x128xf32, #tpu.memory_space<hbm>> -> memref<20000x128xf32, #tpu.memory_space<hbm>>
          tpu.enqueue_indirect_dma source(%dma_start3A_268 : memref<20000x128xf32, #tpu.memory_space<hbm>>) target(%arg19 : memref<64x128xf32, #tpu.memory_space<vmem>>) offsets(%dma_start3A_265 : memref<64xi32, #tpu.memory_space<vmem>>) semaphore(%arg23 : memref<!tpu.dma_semaphore, #tpu.memory_space<semaphore_mem>>)
        } else {
        }
        %dma_wait3A_248 = arith.constant 0 : i32
        %dma_wait3A_249 = tpu.memref_slice %arg16[%add3A_237, %dma_wait3A_248] : memref<40x64xi32, #tpu.memory_space<vmem>> -> memref<1x64xi32, #tpu.memory_space<vmem>>
        %dma_wait3A_250 = tpu.memref_squeeze %dma_wait3A_249 : memref<1x64xi32, #tpu.memory_space<vmem>> -> memref<64xi32, #tpu.memory_space<vmem>>
        %dma_wait3A_251 = arith.constant 0 : i32
        %dma_wait3A_252 = arith.constant 0 : i32
        %dma_wait3A_253 = tpu.memref_slice %arg9[%dma_wait3A_251, %dma_wait3A_252] : memref<20000x128xf32, #tpu.memory_space<hbm>> -> memref<20000x128xf32, #tpu.memory_space<hbm>>
        tpu.wait_indirect_dma semaphore(%arg25 : memref<!tpu.dma_semaphore, #tpu.memory_space<semaphore_mem>>) src(%dma_wait3A_253 : memref<20000x128xf32, #tpu.memory_space<hbm>>) dst(%arg21 : memref<64x128xf32, #tpu.memory_space<vmem>>)
        %dma_start3A_254 = arith.constant 0 : i32
        %dma_start3A_255 = tpu.memref_slice %arg17[%add3A_237, %dma_start3A_254] : memref<40x64xi32, #tpu.memory_space<vmem>> -> memref<1x64xi32, #tpu.memory_space<vmem>>
        %dma_start3A_256 = tpu.memref_squeeze %dma_start3A_255 : memref<1x64xi32, #tpu.memory_space<vmem>> -> memref<64xi32, #tpu.memory_space<vmem>>
        %dma_start3A_257 = arith.constant 0 : i32
        %dma_start3A_258 = arith.constant 0 : i32
        %dma_start3A_259 = tpu.memref_slice %arg15[%dma_start3A_257, %dma_start3A_258] : memref<10240x128xf32, #tpu.memory_space<vmem_shared>> -> memref<10240x128xf32, #tpu.memory_space<vmem_shared>>
        tpu.enqueue_indirect_dma source(%arg21 : memref<64x128xf32, #tpu.memory_space<vmem>>) target(%dma_start3A_259 : memref<10240x128xf32, #tpu.memory_space<vmem_shared>>) offsets(%dma_start3A_256 : memref<64xi32, #tpu.memory_space<vmem>>) semaphore(%arg29 : memref<!tpu.dma_semaphore, #tpu.memory_space<semaphore_mem>>) {add = true}
        %scan3A_260 = arith.constant 0 : i32
        scf.yield %scan3A_260 : i32
      }
      %scan3A_142 = arith.constant 10 : i32
      %dma_wait3A_143 = arith.constant 0 : i32
      %dma_wait3A_144 = arith.constant 0 : i32
      %dma_wait3A_145 = tpu.memref_slice %arg17[%dma_wait3A_143, %dma_wait3A_144] : memref<40x64xi32, #tpu.memory_space<vmem>> -> memref<1x64xi32, #tpu.memory_space<vmem>>
      %dma_wait3A_146 = tpu.memref_squeeze %dma_wait3A_145 : memref<1x64xi32, #tpu.memory_space<vmem>> -> memref<64xi32, #tpu.memory_space<vmem>>
      %dma_wait3A_147 = arith.constant 0 : i32
      %dma_wait3A_148 = arith.constant 0 : i32
      %dma_wait3A_149 = tpu.memref_slice %arg15[%dma_wait3A_147, %dma_wait3A_148] : memref<10240x128xf32, #tpu.memory_space<vmem_shared>> -> memref<10240x128xf32, #tpu.memory_space<vmem_shared>>
      tpu.wait_indirect_dma semaphore(%arg28 : memref<!tpu.dma_semaphore, #tpu.memory_space<semaphore_mem>>) src(%arg20 : memref<64x128xf32, #tpu.memory_space<vmem>>) dst(%dma_wait3A_149 : memref<10240x128xf32, #tpu.memory_space<vmem_shared>>)
      %dma_wait3A_150 = arith.constant 0 : i32
      %dma_wait3A_151 = arith.constant 0 : i32
      %dma_wait3A_152 = tpu.memref_slice %arg17[%dma_wait3A_150, %dma_wait3A_151] : memref<40x64xi32, #tpu.memory_space<vmem>> -> memref<1x64xi32, #tpu.memory_space<vmem>>
      %dma_wait3A_153 = tpu.memref_squeeze %dma_wait3A_152 : memref<1x64xi32, #tpu.memory_space<vmem>> -> memref<64xi32, #tpu.memory_space<vmem>>
      %dma_wait3A_154 = arith.constant 0 : i32
      %dma_wait3A_155 = arith.constant 0 : i32
      %dma_wait3A_156 = tpu.memref_slice %arg15[%dma_wait3A_154, %dma_wait3A_155] : memref<10240x128xf32, #tpu.memory_space<vmem_shared>> -> memref<10240x128xf32, #tpu.memory_space<vmem_shared>>
      tpu.wait_indirect_dma semaphore(%arg29 : memref<!tpu.dma_semaphore, #tpu.memory_space<semaphore_mem>>) src(%arg21 : memref<64x128xf32, #tpu.memory_space<vmem>>) dst(%dma_wait3A_156 : memref<10240x128xf32, #tpu.memory_space<vmem_shared>>)
      %scan3A_157 = arith.constant 0 : i32
      scf.yield %scan3A_157 : i32
    }
    %scan3A_51 = arith.constant 8 : i32
    %barrier3A_52 = arith.constant 0 : index
    tpu.barrier barrier_id(%barrier3A_52)
    %mul3A_53 = arith.constant 640 : i32
    %mul3A_54 = arith.muli %arg1, %mul3A_53 : i32
    %mul3A_55 = arith.constant 10240 : i32
    %mul3A_56 = arith.muli %arg0, %mul3A_55 : i32
    %mul3A_57 = arith.constant 640 : i32
    %mul3A_58 = arith.muli %arg1, %mul3A_57 : i32
    %add3A_59 = arith.addi %mul3A_56, %mul3A_58 : i32
    "tpu.region"() ({
      %run_scoped3A = tpu.sem_alloc : memref<!tpu.dma_semaphore, #tpu.memory_space<semaphore_mem>>
      %dma_start3A_92 = arith.constant 0 : i32
      %dma_start3A_93 = tpu.memref_slice %arg13[%add3A_59, %dma_start3A_92] : memref<20480x128xf32, #tpu.memory_space<hbm>> -> memref<640x128xf32, #tpu.memory_space<hbm>>
      %dma_start3A_94 = arith.constant 0 : i32
      %dma_start3A_95 = tpu.memref_slice %arg15[%mul3A_54, %dma_start3A_94] : memref<10240x128xf32, #tpu.memory_space<vmem_shared>> -> memref<640x128xf32, #tpu.memory_space<vmem_shared>>
      tpu.enqueue_dma source(%dma_start3A_95 : memref<640x128xf32, #tpu.memory_space<vmem_shared>>) target(%dma_start3A_93 : memref<640x128xf32, #tpu.memory_space<hbm>>) target_semaphore(%run_scoped3A : memref<!tpu.dma_semaphore, #tpu.memory_space<semaphore_mem>>)
      %dma_wait3A_96 = arith.constant 0 : i32
      %dma_wait3A_97 = tpu.memref_slice %arg13[%add3A_59, %dma_wait3A_96] : memref<20480x128xf32, #tpu.memory_space<hbm>> -> memref<640x128xf32, #tpu.memory_space<hbm>>
      %dma_wait3A_98 = arith.constant 0 : i32
      %dma_wait3A_99 = tpu.memref_slice %arg15[%mul3A_54, %dma_wait3A_98] : memref<10240x128xf32, #tpu.memory_space<vmem_shared>> -> memref<640x128xf32, #tpu.memory_space<vmem_shared>>
      tpu.wait_dma2 semaphore(%run_scoped3A : memref<!tpu.dma_semaphore, #tpu.memory_space<semaphore_mem>>) src(%dma_wait3A_99 : memref<640x128xf32, #tpu.memory_space<vmem_shared>>) dst(%dma_wait3A_97 : memref<640x128xf32, #tpu.memory_space<hbm>>)
      tpu.yield
    }) : () -> ()
    %mul3A_60 = arith.constant 640 : i32
    %mul3A_61 = arith.muli %arg1, %mul3A_60 : i32
    %mul3A_62 = arith.constant 640 : i32
    %mul3A_63 = arith.muli %arg1, %mul3A_62 : i32
    %dma_start3A_64 = arith.constant 0 : i32
    %dma_start3A_65 = tpu.memref_slice %arg15[%mul3A_63, %dma_start3A_64] : memref<10240x128xf32, #tpu.memory_space<vmem_shared>> -> memref<640x128xf32, #tpu.memory_space<vmem_shared>>
    %dma_start3A_66 = arith.constant 0 : i32
    %dma_start3A_67 = tpu.memref_slice %arg11[%mul3A_61, %dma_start3A_66] : memref<10240x128xf32, #tpu.memory_space<hbm>> -> memref<640x128xf32, #tpu.memory_space<hbm>>
    tpu.enqueue_dma source(%dma_start3A_67 : memref<640x128xf32, #tpu.memory_space<hbm>>) target(%dma_start3A_65 : memref<640x128xf32, #tpu.memory_space<vmem_shared>>) target_semaphore(%arg22 : memref<!tpu.dma_semaphore, #tpu.memory_space<semaphore_mem>>)
    %mul3A_68 = arith.constant 640 : i32
    %mul3A_69 = arith.muli %arg1, %mul3A_68 : i32
    %mul3A_70 = arith.constant 640 : i32
    %mul3A_71 = arith.muli %arg1, %mul3A_70 : i32
    %dma_wait3A_72 = arith.constant 0 : i32
    %dma_wait3A_73 = tpu.memref_slice %arg15[%mul3A_71, %dma_wait3A_72] : memref<10240x128xf32, #tpu.memory_space<vmem_shared>> -> memref<640x128xf32, #tpu.memory_space<vmem_shared>>
    %dma_wait3A_74 = arith.constant 0 : i32
    %dma_wait3A_75 = tpu.memref_slice %arg11[%mul3A_69, %dma_wait3A_74] : memref<10240x128xf32, #tpu.memory_space<hbm>> -> memref<640x128xf32, #tpu.memory_space<hbm>>
    tpu.wait_dma2 semaphore(%arg22 : memref<!tpu.dma_semaphore, #tpu.memory_space<semaphore_mem>>) src(%dma_wait3A_75 : memref<640x128xf32, #tpu.memory_space<hbm>>) dst(%dma_wait3A_73 : memref<640x128xf32, #tpu.memory_space<vmem_shared>>)
    %barrier3A_76 = arith.constant 0 : index
    tpu.barrier barrier_id(%barrier3A_76)
    %scan3A_77 = arith.constant 0 : i32
    %scan3A_78 = arith.constant 0 : i32
    %scan3A_79 = arith.constant 8 : i32
    %scan3A_80 = arith.addi %scan3A_78, %scan3A_79 : i32
    %scan3A_81 = arith.constant 1 : i32
    %scan3A_82 = scf.for %scan3A_92 = %scan3A_78 to %scan3A_80 step %scan3A_81 iter_args(%scan3A_93 = %scan3A_77) -> (i32)  : i32 {
      %mul3A_94 = arith.constant 40 : i32
      %mul3A_95 = arith.muli %scan3A_92, %mul3A_94 : i32
      %add3A_96 = arith.addi %mul3A_0, %mul3A_95 : i32
      %dma_start3A_97 = arith.constant 0 : i32
      %dma_start3A_98 = tpu.memref_slice %arg6[%add3A_96, %dma_start3A_97] : memref<5120x64xi32, #tpu.memory_space<hbm>> -> memref<40x64xi32, #tpu.memory_space<hbm>>
      %dma_start3A_99 = arith.constant 0 : i32
      %dma_start3A_100 = tpu.memref_slice %arg6[%add3A_96, %dma_start3A_99] : memref<5120x64xi32, #tpu.memory_space<hbm>> -> memref<40x64xi32, #tpu.memory_space<hbm>>
      tpu.enqueue_dma source(%dma_start3A_100 : memref<40x64xi32, #tpu.memory_space<hbm>>) target(%arg16 : memref<40x64xi32, #tpu.memory_space<vmem>>) target_semaphore(%arg24 : memref<!tpu.dma_semaphore, #tpu.memory_space<semaphore_mem>>)
      %dma_start3A_101 = arith.constant 0 : i32
      %dma_start3A_102 = tpu.memref_slice %arg7[%add3A_96, %dma_start3A_101] : memref<5120x64xi32, #tpu.memory_space<hbm>> -> memref<40x64xi32, #tpu.memory_space<hbm>>
      %dma_start3A_103 = arith.constant 0 : i32
      %dma_start3A_104 = tpu.memref_slice %arg7[%add3A_96, %dma_start3A_103] : memref<5120x64xi32, #tpu.memory_space<hbm>> -> memref<40x64xi32, #tpu.memory_space<hbm>>
      tpu.enqueue_dma source(%dma_start3A_104 : memref<40x64xi32, #tpu.memory_space<hbm>>) target(%arg17 : memref<40x64xi32, #tpu.memory_space<vmem>>) target_semaphore(%arg25 : memref<!tpu.dma_semaphore, #tpu.memory_space<semaphore_mem>>)
      %dma_wait3A_105 = arith.constant 0 : i32
      %dma_wait3A_106 = tpu.memref_slice %arg6[%add3A_96, %dma_wait3A_105] : memref<5120x64xi32, #tpu.memory_space<hbm>> -> memref<40x64xi32, #tpu.memory_space<hbm>>
      %dma_wait3A_107 = arith.constant 0 : i32
      %dma_wait3A_108 = tpu.memref_slice %arg6[%add3A_96, %dma_wait3A_107] : memref<5120x64xi32, #tpu.memory_space<hbm>> -> memref<40x64xi32, #tpu.memory_space<hbm>>
      tpu.wait_dma2 semaphore(%arg24 : memref<!tpu.dma_semaphore, #tpu.memory_space<semaphore_mem>>) src(%dma_wait3A_108 : memref<40x64xi32, #tpu.memory_space<hbm>>) dst(%arg16 : memref<40x64xi32, #tpu.memory_space<vmem>>)
      %dma_wait3A_109 = arith.constant 0 : i32
      %dma_wait3A_110 = tpu.memref_slice %arg7[%add3A_96, %dma_wait3A_109] : memref<5120x64xi32, #tpu.memory_space<hbm>> -> memref<40x64xi32, #tpu.memory_space<hbm>>
      %dma_wait3A_111 = arith.constant 0 : i32
      %dma_wait3A_112 = tpu.memref_slice %arg7[%add3A_96, %dma_wait3A_111] : memref<5120x64xi32, #tpu.memory_space<hbm>> -> memref<40x64xi32, #tpu.memory_space<hbm>>
      tpu.wait_dma2 semaphore(%arg25 : memref<!tpu.dma_semaphore, #tpu.memory_space<semaphore_mem>>) src(%dma_wait3A_112 : memref<40x64xi32, #tpu.memory_space<hbm>>) dst(%arg17 : memref<40x64xi32, #tpu.memory_space<vmem>>)
      %mul3A_113 = arith.constant 10000 : i32
      %mul3A_114 = arith.muli %arg0, %mul3A_113 : i32
      %scan3A_115 = arith.constant 0 : i32
      %scan3A_116 = arith.constant 0 : i32
      %scan3A_117 = arith.constant 40 : i32
      %scan3A_118 = arith.addi %scan3A_116, %scan3A_117 : i32
      %scan3A_119 = arith.constant 1 : i32
      %scan3A_120 = scf.for %scan3A_158 = %scan3A_116 to %scan3A_118 step %scan3A_119 iter_args(%scan3A_159 = %scan3A_115) -> (i32)  : i32 {
        %get3A = arith.index_cast %scan3A_158 : i32 to index
        %get3A_160 = arith.constant 0 : index
        %get3A_161 = tpu.vector_load %arg16[%get3A, %get3A_160] {strides = array<i32>} : memref<40x64xi32, #tpu.memory_space<vmem>>, vector<1x16xi32>,
        %get3A_162 = vector.shape_cast %get3A_161 : vector<1x16xi32> to vector<16xi32>
        %add3A_163 = vector.broadcast %mul3A_114 : i32 to vector<16xi32>
        %add3A_164 = arith.addi %get3A_162, %add3A_163 : vector<16xi32>
        %swap3A = arith.index_cast %scan3A_158 : i32 to index
        %swap3A_165 = arith.constant 0 : index
        %swap3A_166 = tpu.vector_load %arg16[%swap3A, %swap3A_165] {strides = array<i32>} : memref<40x64xi32, #tpu.memory_space<vmem>>, vector<1x16xi32>,
        %swap3A_167 = vector.shape_cast %swap3A_166 : vector<1x16xi32> to vector<16xi32>
        %swap3A_168 = vector.shape_cast %add3A_164 : vector<16xi32> to vector<1x16xi32>
        tpu.vector_store %arg16[%swap3A, %swap3A_165], %swap3A_168 {strides = array<i32>} : memref<40x64xi32, #tpu.memory_space<vmem>>, vector<1x16xi32>,
        %get3A_169 = arith.index_cast %scan3A_158 : i32 to index
        %get3A_170 = arith.constant 16 : index
        %get3A_171 = tpu.vector_load %arg16[%get3A_169, %get3A_170] {strides = array<i32>} : memref<40x64xi32, #tpu.memory_space<vmem>>, vector<1x16xi32>,
        %get3A_172 = vector.shape_cast %get3A_171 : vector<1x16xi32> to vector<16xi32>
        %add3A_173 = vector.broadcast %mul3A_114 : i32 to vector<16xi32>
        %add3A_174 = arith.addi %get3A_172, %add3A_173 : vector<16xi32>
        %swap3A_175 = arith.index_cast %scan3A_158 : i32 to index
        %swap3A_176 = arith.constant 16 : index
        %swap3A_177 = tpu.vector_load %arg16[%swap3A_175, %swap3A_176] {strides = array<i32>} : memref<40x64xi32, #tpu.memory_space<vmem>>, vector<1x16xi32>,
        %swap3A_178 = vector.shape_cast %swap3A_177 : vector<1x16xi32> to vector<16xi32>
        %swap3A_179 = vector.shape_cast %add3A_174 : vector<16xi32> to vector<1x16xi32>
        tpu.vector_store %arg16[%swap3A_175, %swap3A_176], %swap3A_179 {strides = array<i32>} : memref<40x64xi32, #tpu.memory_space<vmem>>, vector<1x16xi32>,
        %get3A_180 = arith.index_cast %scan3A_158 : i32 to index
        %get3A_181 = arith.constant 32 : index
        %get3A_182 = tpu.vector_load %arg16[%get3A_180, %get3A_181] {strides = array<i32>} : memref<40x64xi32, #tpu.memory_space<vmem>>, vector<1x16xi32>,
        %get3A_183 = vector.shape_cast %get3A_182 : vector<1x16xi32> to vector<16xi32>
        %add3A_184 = vector.broadcast %mul3A_114 : i32 to vector<16xi32>
        %add3A_185 = arith.addi %get3A_183, %add3A_184 : vector<16xi32>
        %swap3A_186 = arith.index_cast %scan3A_158 : i32 to index
        %swap3A_187 = arith.constant 32 : index
        %swap3A_188 = tpu.vector_load %arg16[%swap3A_186, %swap3A_187] {strides = array<i32>} : memref<40x64xi32, #tpu.memory_space<vmem>>, vector<1x16xi32>,
        %swap3A_189 = vector.shape_cast %swap3A_188 : vector<1x16xi32> to vector<16xi32>
        %swap3A_190 = vector.shape_cast %add3A_185 : vector<16xi32> to vector<1x16xi32>
        tpu.vector_store %arg16[%swap3A_186, %swap3A_187], %swap3A_190 {strides = array<i32>} : memref<40x64xi32, #tpu.memory_space<vmem>>, vector<1x16xi32>,
        %get3A_191 = arith.index_cast %scan3A_158 : i32 to index
        %get3A_192 = arith.constant 48 : index
        %get3A_193 = tpu.vector_load %arg16[%get3A_191, %get3A_192] {strides = array<i32>} : memref<40x64xi32, #tpu.memory_space<vmem>>, vector<1x16xi32>,
        %get3A_194 = vector.shape_cast %get3A_193 : vector<1x16xi32> to vector<16xi32>
        %add3A_195 = vector.broadcast %mul3A_114 : i32 to vector<16xi32>
        %add3A_196 = arith.addi %get3A_194, %add3A_195 : vector<16xi32>
        %swap3A_197 = arith.index_cast %scan3A_158 : i32 to index
        %swap3A_198 = arith.constant 48 : index
        %swap3A_199 = tpu.vector_load %arg16[%swap3A_197, %swap3A_198] {strides = array<i32>} : memref<40x64xi32, #tpu.memory_space<vmem>>, vector<1x16xi32>,
        %swap3A_200 = vector.shape_cast %swap3A_199 : vector<1x16xi32> to vector<16xi32>
        %swap3A_201 = vector.shape_cast %add3A_196 : vector<16xi32> to vector<1x16xi32>
        tpu.vector_store %arg16[%swap3A_197, %swap3A_198], %swap3A_201 {strides = array<i32>} : memref<40x64xi32, #tpu.memory_space<vmem>>, vector<1x16xi32>,
        %scan3A_202 = arith.constant 0 : i32
        scf.yield %scan3A_202 : i32
      }
      %scan3A_121 = arith.constant 40 : i32
      %dma_start3A_122 = arith.constant 0 : i32
      %dma_start3A_123 = arith.constant 0 : i32
      %dma_start3A_124 = tpu.memref_slice %arg16[%dma_start3A_122, %dma_start3A_123] : memref<40x64xi32, #tpu.memory_space<vmem>> -> memref<1x64xi32, #tpu.memory_space<vmem>>
      %dma_start3A_125 = tpu.memref_squeeze %dma_start3A_124 : memref<1x64xi32, #tpu.memory_space<vmem>> -> memref<64xi32, #tpu.memory_space<vmem>>
      %dma_start3A_126 = arith.constant 0 : i32
      %dma_start3A_127 = arith.constant 0 : i32
      %dma_start3A_128 = tpu.memref_slice %arg10[%dma_start3A_126, %dma_start3A_127] : memref<20000x128xf32, #tpu.memory_space<hbm>> -> memref<20000x128xf32, #tpu.memory_space<hbm>>
      tpu.enqueue_indirect_dma source(%dma_start3A_128 : memref<20000x128xf32, #tpu.memory_space<hbm>>) target(%arg18 : memref<64x128xf32, #tpu.memory_space<vmem>>) offsets(%dma_start3A_125 : memref<64xi32, #tpu.memory_space<vmem>>) semaphore(%arg22 : memref<!tpu.dma_semaphore, #tpu.memory_space<semaphore_mem>>)
      %dma_start3A_129 = arith.constant 1 : i32
      %dma_start3A_130 = arith.constant 0 : i32
      %dma_start3A_131 = tpu.memref_slice %arg16[%dma_start3A_129, %dma_start3A_130] : memref<40x64xi32, #tpu.memory_space<vmem>> -> memref<1x64xi32, #tpu.memory_space<vmem>>
      %dma_start3A_132 = tpu.memref_squeeze %dma_start3A_131 : memref<1x64xi32, #tpu.memory_space<vmem>> -> memref<64xi32, #tpu.memory_space<vmem>>
      %dma_start3A_133 = arith.constant 0 : i32
      %dma_start3A_134 = arith.constant 0 : i32
      %dma_start3A_135 = tpu.memref_slice %arg10[%dma_start3A_133, %dma_start3A_134] : memref<20000x128xf32, #tpu.memory_space<hbm>> -> memref<20000x128xf32, #tpu.memory_space<hbm>>
      tpu.enqueue_indirect_dma source(%dma_start3A_135 : memref<20000x128xf32, #tpu.memory_space<hbm>>) target(%arg19 : memref<64x128xf32, #tpu.memory_space<vmem>>) offsets(%dma_start3A_132 : memref<64xi32, #tpu.memory_space<vmem>>) semaphore(%arg23 : memref<!tpu.dma_semaphore, #tpu.memory_space<semaphore_mem>>)
      %scan3A_136 = arith.constant 0 : i32
      %scan3A_137 = arith.constant 0 : i32
      %scan3A_138 = arith.constant 10 : i32
      %scan3A_139 = arith.addi %scan3A_137, %scan3A_138 : i32
      %scan3A_140 = arith.constant 1 : i32
      %scan3A_141 = scf.for %scan3A_158 = %scan3A_137 to %scan3A_139 step %scan3A_140 iter_args(%scan3A_159 = %scan3A_136) -> (i32)  : i32 {
        %mul3A_160 = arith.constant 4 : i32
        %mul3A_161 = arith.muli %scan3A_158, %mul3A_160 : i32
        %add3A_162 = arith.constant 0 : i32
        %add3A_163 = arith.addi %mul3A_161, %add3A_162 : i32
        %ge3A = arith.constant 2 : i32
        %ge3A_164 = arith.cmpi sge, %add3A_163, %ge3A : i32
        %convert_element_type3A = arith.extui %ge3A_164 : i1 to i32
        %cond3A = arith.constant 0 : i32
        %cond3A_165 = arith.cmpi ne, %convert_element_type3A, %cond3A : i32
        scf.if %cond3A_165 {
          %dma_wait3A_261 = arith.constant 0 : i32
          %dma_wait3A_262 = arith.constant 0 : i32
          %dma_wait3A_263 = tpu.memref_slice %arg17[%dma_wait3A_261, %dma_wait3A_262] : memref<40x64xi32, #tpu.memory_space<vmem>> -> memref<1x64xi32, #tpu.memory_space<vmem>>
          %dma_wait3A_264 = tpu.memref_squeeze %dma_wait3A_263 : memref<1x64xi32, #tpu.memory_space<vmem>> -> memref<64xi32, #tpu.memory_space<vmem>>
          %dma_wait3A_265 = arith.constant 0 : i32
          %dma_wait3A_266 = arith.constant 0 : i32
          %dma_wait3A_267 = tpu.memref_slice %arg15[%dma_wait3A_265, %dma_wait3A_266] : memref<10240x128xf32, #tpu.memory_space<vmem_shared>> -> memref<10240x128xf32, #tpu.memory_space<vmem_shared>>
          tpu.wait_indirect_dma semaphore(%arg28 : memref<!tpu.dma_semaphore, #tpu.memory_space<semaphore_mem>>) src(%arg20 : memref<64x128xf32, #tpu.memory_space<vmem>>) dst(%dma_wait3A_267 : memref<10240x128xf32, #tpu.memory_space<vmem_shared>>)
        } else {
        }
        %lt3A = arith.constant 38 : i32
        %lt3A_166 = arith.cmpi slt, %add3A_163, %lt3A : i32
        %convert_element_type3A_167 = arith.extui %lt3A_166 : i1 to i32
        %cond3A_168 = arith.constant 0 : i32
        %cond3A_169 = arith.cmpi ne, %convert_element_type3A_167, %cond3A_168 : i32
        scf.if %cond3A_169 {
          %add3A_261 = arith.constant 2 : i32
          %add3A_262 = arith.addi %add3A_163, %add3A_261 : i32
          %dma_start3A_263 = arith.constant 0 : i32
          %dma_start3A_264 = tpu.memref_slice %arg16[%add3A_262, %dma_start3A_263] : memref<40x64xi32, #tpu.memory_space<vmem>> -> memref<1x64xi32, #tpu.memory_space<vmem>>
          %dma_start3A_265 = tpu.memref_squeeze %dma_start3A_264 : memref<1x64xi32, #tpu.memory_space<vmem>> -> memref<64xi32, #tpu.memory_space<vmem>>
          %dma_start3A_266 = arith.constant 0 : i32
          %dma_start3A_267 = arith.constant 0 : i32
          %dma_start3A_268 = tpu.memref_slice %arg10[%dma_start3A_266, %dma_start3A_267] : memref<20000x128xf32, #tpu.memory_space<hbm>> -> memref<20000x128xf32, #tpu.memory_space<hbm>>
          tpu.enqueue_indirect_dma source(%dma_start3A_268 : memref<20000x128xf32, #tpu.memory_space<hbm>>) target(%arg20 : memref<64x128xf32, #tpu.memory_space<vmem>>) offsets(%dma_start3A_265 : memref<64xi32, #tpu.memory_space<vmem>>) semaphore(%arg24 : memref<!tpu.dma_semaphore, #tpu.memory_space<semaphore_mem>>)
        } else {
        }
        %dma_wait3A_170 = arith.constant 0 : i32
        %dma_wait3A_171 = tpu.memref_slice %arg16[%add3A_163, %dma_wait3A_170] : memref<40x64xi32, #tpu.memory_space<vmem>> -> memref<1x64xi32, #tpu.memory_space<vmem>>
        %dma_wait3A_172 = tpu.memref_squeeze %dma_wait3A_171 : memref<1x64xi32, #tpu.memory_space<vmem>> -> memref<64xi32, #tpu.memory_space<vmem>>
        %dma_wait3A_173 = arith.constant 0 : i32
        %dma_wait3A_174 = arith.constant 0 : i32
        %dma_wait3A_175 = tpu.memref_slice %arg10[%dma_wait3A_173, %dma_wait3A_174] : memref<20000x128xf32, #tpu.memory_space<hbm>> -> memref<20000x128xf32, #tpu.memory_space<hbm>>
        tpu.wait_indirect_dma semaphore(%arg22 : memref<!tpu.dma_semaphore, #tpu.memory_space<semaphore_mem>>) src(%dma_wait3A_175 : memref<20000x128xf32, #tpu.memory_space<hbm>>) dst(%arg18 : memref<64x128xf32, #tpu.memory_space<vmem>>)
        %dma_start3A_176 = arith.constant 0 : i32
        %dma_start3A_177 = tpu.memref_slice %arg17[%add3A_163, %dma_start3A_176] : memref<40x64xi32, #tpu.memory_space<vmem>> -> memref<1x64xi32, #tpu.memory_space<vmem>>
        %dma_start3A_178 = tpu.memref_squeeze %dma_start3A_177 : memref<1x64xi32, #tpu.memory_space<vmem>> -> memref<64xi32, #tpu.memory_space<vmem>>
        %dma_start3A_179 = arith.constant 0 : i32
        %dma_start3A_180 = arith.constant 0 : i32
        %dma_start3A_181 = tpu.memref_slice %arg15[%dma_start3A_179, %dma_start3A_180] : memref<10240x128xf32, #tpu.memory_space<vmem_shared>> -> memref<10240x128xf32, #tpu.memory_space<vmem_shared>>
        tpu.enqueue_indirect_dma source(%arg18 : memref<64x128xf32, #tpu.memory_space<vmem>>) target(%dma_start3A_181 : memref<10240x128xf32, #tpu.memory_space<vmem_shared>>) offsets(%dma_start3A_178 : memref<64xi32, #tpu.memory_space<vmem>>) semaphore(%arg26 : memref<!tpu.dma_semaphore, #tpu.memory_space<semaphore_mem>>) {add = true}
        %mul3A_182 = arith.constant 4 : i32
        %mul3A_183 = arith.muli %scan3A_158, %mul3A_182 : i32
        %add3A_184 = arith.constant 1 : i32
        %add3A_185 = arith.addi %mul3A_183, %add3A_184 : i32
        %ge3A_186 = arith.constant 2 : i32
        %ge3A_187 = arith.cmpi sge, %add3A_185, %ge3A_186 : i32
        %convert_element_type3A_188 = arith.extui %ge3A_187 : i1 to i32
        %cond3A_189 = arith.constant 0 : i32
        %cond3A_190 = arith.cmpi ne, %convert_element_type3A_188, %cond3A_189 : i32
        scf.if %cond3A_190 {
          %dma_wait3A_261 = arith.constant 0 : i32
          %dma_wait3A_262 = arith.constant 0 : i32
          %dma_wait3A_263 = tpu.memref_slice %arg17[%dma_wait3A_261, %dma_wait3A_262] : memref<40x64xi32, #tpu.memory_space<vmem>> -> memref<1x64xi32, #tpu.memory_space<vmem>>
          %dma_wait3A_264 = tpu.memref_squeeze %dma_wait3A_263 : memref<1x64xi32, #tpu.memory_space<vmem>> -> memref<64xi32, #tpu.memory_space<vmem>>
          %dma_wait3A_265 = arith.constant 0 : i32
          %dma_wait3A_266 = arith.constant 0 : i32
          %dma_wait3A_267 = tpu.memref_slice %arg15[%dma_wait3A_265, %dma_wait3A_266] : memref<10240x128xf32, #tpu.memory_space<vmem_shared>> -> memref<10240x128xf32, #tpu.memory_space<vmem_shared>>
          tpu.wait_indirect_dma semaphore(%arg29 : memref<!tpu.dma_semaphore, #tpu.memory_space<semaphore_mem>>) src(%arg21 : memref<64x128xf32, #tpu.memory_space<vmem>>) dst(%dma_wait3A_267 : memref<10240x128xf32, #tpu.memory_space<vmem_shared>>)
        } else {
        }
        %lt3A_191 = arith.constant 38 : i32
        %lt3A_192 = arith.cmpi slt, %add3A_185, %lt3A_191 : i32
        %convert_element_type3A_193 = arith.extui %lt3A_192 : i1 to i32
        %cond3A_194 = arith.constant 0 : i32
        %cond3A_195 = arith.cmpi ne, %convert_element_type3A_193, %cond3A_194 : i32
        scf.if %cond3A_195 {
          %add3A_261 = arith.constant 2 : i32
          %add3A_262 = arith.addi %add3A_185, %add3A_261 : i32
          %dma_start3A_263 = arith.constant 0 : i32
          %dma_start3A_264 = tpu.memref_slice %arg16[%add3A_262, %dma_start3A_263] : memref<40x64xi32, #tpu.memory_space<vmem>> -> memref<1x64xi32, #tpu.memory_space<vmem>>
          %dma_start3A_265 = tpu.memref_squeeze %dma_start3A_264 : memref<1x64xi32, #tpu.memory_space<vmem>> -> memref<64xi32, #tpu.memory_space<vmem>>
          %dma_start3A_266 = arith.constant 0 : i32
          %dma_start3A_267 = arith.constant 0 : i32
          %dma_start3A_268 = tpu.memref_slice %arg10[%dma_start3A_266, %dma_start3A_267] : memref<20000x128xf32, #tpu.memory_space<hbm>> -> memref<20000x128xf32, #tpu.memory_space<hbm>>
          tpu.enqueue_indirect_dma source(%dma_start3A_268 : memref<20000x128xf32, #tpu.memory_space<hbm>>) target(%arg21 : memref<64x128xf32, #tpu.memory_space<vmem>>) offsets(%dma_start3A_265 : memref<64xi32, #tpu.memory_space<vmem>>) semaphore(%arg25 : memref<!tpu.dma_semaphore, #tpu.memory_space<semaphore_mem>>)
        } else {
        }
        %dma_wait3A_196 = arith.constant 0 : i32
        %dma_wait3A_197 = tpu.memref_slice %arg16[%add3A_185, %dma_wait3A_196] : memref<40x64xi32, #tpu.memory_space<vmem>> -> memref<1x64xi32, #tpu.memory_space<vmem>>
        %dma_wait3A_198 = tpu.memref_squeeze %dma_wait3A_197 : memref<1x64xi32, #tpu.memory_space<vmem>> -> memref<64xi32, #tpu.memory_space<vmem>>
        %dma_wait3A_199 = arith.constant 0 : i32
        %dma_wait3A_200 = arith.constant 0 : i32
        %dma_wait3A_201 = tpu.memref_slice %arg10[%dma_wait3A_199, %dma_wait3A_200] : memref<20000x128xf32, #tpu.memory_space<hbm>> -> memref<20000x128xf32, #tpu.memory_space<hbm>>
        tpu.wait_indirect_dma semaphore(%arg23 : memref<!tpu.dma_semaphore, #tpu.memory_space<semaphore_mem>>) src(%dma_wait3A_201 : memref<20000x128xf32, #tpu.memory_space<hbm>>) dst(%arg19 : memref<64x128xf32, #tpu.memory_space<vmem>>)
        %dma_start3A_202 = arith.constant 0 : i32
        %dma_start3A_203 = tpu.memref_slice %arg17[%add3A_185, %dma_start3A_202] : memref<40x64xi32, #tpu.memory_space<vmem>> -> memref<1x64xi32, #tpu.memory_space<vmem>>
        %dma_start3A_204 = tpu.memref_squeeze %dma_start3A_203 : memref<1x64xi32, #tpu.memory_space<vmem>> -> memref<64xi32, #tpu.memory_space<vmem>>
        %dma_start3A_205 = arith.constant 0 : i32
        %dma_start3A_206 = arith.constant 0 : i32
        %dma_start3A_207 = tpu.memref_slice %arg15[%dma_start3A_205, %dma_start3A_206] : memref<10240x128xf32, #tpu.memory_space<vmem_shared>> -> memref<10240x128xf32, #tpu.memory_space<vmem_shared>>
        tpu.enqueue_indirect_dma source(%arg19 : memref<64x128xf32, #tpu.memory_space<vmem>>) target(%dma_start3A_207 : memref<10240x128xf32, #tpu.memory_space<vmem_shared>>) offsets(%dma_start3A_204 : memref<64xi32, #tpu.memory_space<vmem>>) semaphore(%arg27 : memref<!tpu.dma_semaphore, #tpu.memory_space<semaphore_mem>>) {add = true}
        %mul3A_208 = arith.constant 4 : i32
        %mul3A_209 = arith.muli %scan3A_158, %mul3A_208 : i32
        %add3A_210 = arith.constant 2 : i32
        %add3A_211 = arith.addi %mul3A_209, %add3A_210 : i32
        %ge3A_212 = arith.constant 2 : i32
        %ge3A_213 = arith.cmpi sge, %add3A_211, %ge3A_212 : i32
        %convert_element_type3A_214 = arith.extui %ge3A_213 : i1 to i32
        %cond3A_215 = arith.constant 0 : i32
        %cond3A_216 = arith.cmpi ne, %convert_element_type3A_214, %cond3A_215 : i32
        scf.if %cond3A_216 {
          %dma_wait3A_261 = arith.constant 0 : i32
          %dma_wait3A_262 = arith.constant 0 : i32
          %dma_wait3A_263 = tpu.memref_slice %arg17[%dma_wait3A_261, %dma_wait3A_262] : memref<40x64xi32, #tpu.memory_space<vmem>> -> memref<1x64xi32, #tpu.memory_space<vmem>>
          %dma_wait3A_264 = tpu.memref_squeeze %dma_wait3A_263 : memref<1x64xi32, #tpu.memory_space<vmem>> -> memref<64xi32, #tpu.memory_space<vmem>>
          %dma_wait3A_265 = arith.constant 0 : i32
          %dma_wait3A_266 = arith.constant 0 : i32
          %dma_wait3A_267 = tpu.memref_slice %arg15[%dma_wait3A_265, %dma_wait3A_266] : memref<10240x128xf32, #tpu.memory_space<vmem_shared>> -> memref<10240x128xf32, #tpu.memory_space<vmem_shared>>
          tpu.wait_indirect_dma semaphore(%arg26 : memref<!tpu.dma_semaphore, #tpu.memory_space<semaphore_mem>>) src(%arg18 : memref<64x128xf32, #tpu.memory_space<vmem>>) dst(%dma_wait3A_267 : memref<10240x128xf32, #tpu.memory_space<vmem_shared>>)
        } else {
        }
        %lt3A_217 = arith.constant 38 : i32
        %lt3A_218 = arith.cmpi slt, %add3A_211, %lt3A_217 : i32
        %convert_element_type3A_219 = arith.extui %lt3A_218 : i1 to i32
        %cond3A_220 = arith.constant 0 : i32
        %cond3A_221 = arith.cmpi ne, %convert_element_type3A_219, %cond3A_220 : i32
        scf.if %cond3A_221 {
          %add3A_261 = arith.constant 2 : i32
          %add3A_262 = arith.addi %add3A_211, %add3A_261 : i32
          %dma_start3A_263 = arith.constant 0 : i32
          %dma_start3A_264 = tpu.memref_slice %arg16[%add3A_262, %dma_start3A_263] : memref<40x64xi32, #tpu.memory_space<vmem>> -> memref<1x64xi32, #tpu.memory_space<vmem>>
          %dma_start3A_265 = tpu.memref_squeeze %dma_start3A_264 : memref<1x64xi32, #tpu.memory_space<vmem>> -> memref<64xi32, #tpu.memory_space<vmem>>
          %dma_start3A_266 = arith.constant 0 : i32
          %dma_start3A_267 = arith.constant 0 : i32
          %dma_start3A_268 = tpu.memref_slice %arg10[%dma_start3A_266, %dma_start3A_267] : memref<20000x128xf32, #tpu.memory_space<hbm>> -> memref<20000x128xf32, #tpu.memory_space<hbm>>
          tpu.enqueue_indirect_dma source(%dma_start3A_268 : memref<20000x128xf32, #tpu.memory_space<hbm>>) target(%arg18 : memref<64x128xf32, #tpu.memory_space<vmem>>) offsets(%dma_start3A_265 : memref<64xi32, #tpu.memory_space<vmem>>) semaphore(%arg22 : memref<!tpu.dma_semaphore, #tpu.memory_space<semaphore_mem>>)
        } else {
        }
        %dma_wait3A_222 = arith.constant 0 : i32
        %dma_wait3A_223 = tpu.memref_slice %arg16[%add3A_211, %dma_wait3A_222] : memref<40x64xi32, #tpu.memory_space<vmem>> -> memref<1x64xi32, #tpu.memory_space<vmem>>
        %dma_wait3A_224 = tpu.memref_squeeze %dma_wait3A_223 : memref<1x64xi32, #tpu.memory_space<vmem>> -> memref<64xi32, #tpu.memory_space<vmem>>
        %dma_wait3A_225 = arith.constant 0 : i32
        %dma_wait3A_226 = arith.constant 0 : i32
        %dma_wait3A_227 = tpu.memref_slice %arg10[%dma_wait3A_225, %dma_wait3A_226] : memref<20000x128xf32, #tpu.memory_space<hbm>> -> memref<20000x128xf32, #tpu.memory_space<hbm>>
        tpu.wait_indirect_dma semaphore(%arg24 : memref<!tpu.dma_semaphore, #tpu.memory_space<semaphore_mem>>) src(%dma_wait3A_227 : memref<20000x128xf32, #tpu.memory_space<hbm>>) dst(%arg20 : memref<64x128xf32, #tpu.memory_space<vmem>>)
        %dma_start3A_228 = arith.constant 0 : i32
        %dma_start3A_229 = tpu.memref_slice %arg17[%add3A_211, %dma_start3A_228] : memref<40x64xi32, #tpu.memory_space<vmem>> -> memref<1x64xi32, #tpu.memory_space<vmem>>
        %dma_start3A_230 = tpu.memref_squeeze %dma_start3A_229 : memref<1x64xi32, #tpu.memory_space<vmem>> -> memref<64xi32, #tpu.memory_space<vmem>>
        %dma_start3A_231 = arith.constant 0 : i32
        %dma_start3A_232 = arith.constant 0 : i32
        %dma_start3A_233 = tpu.memref_slice %arg15[%dma_start3A_231, %dma_start3A_232] : memref<10240x128xf32, #tpu.memory_space<vmem_shared>> -> memref<10240x128xf32, #tpu.memory_space<vmem_shared>>
        tpu.enqueue_indirect_dma source(%arg20 : memref<64x128xf32, #tpu.memory_space<vmem>>) target(%dma_start3A_233 : memref<10240x128xf32, #tpu.memory_space<vmem_shared>>) offsets(%dma_start3A_230 : memref<64xi32, #tpu.memory_space<vmem>>) semaphore(%arg28 : memref<!tpu.dma_semaphore, #tpu.memory_space<semaphore_mem>>) {add = true}
        %mul3A_234 = arith.constant 4 : i32
        %mul3A_235 = arith.muli %scan3A_158, %mul3A_234 : i32
        %add3A_236 = arith.constant 3 : i32
        %add3A_237 = arith.addi %mul3A_235, %add3A_236 : i32
        %ge3A_238 = arith.constant 2 : i32
        %ge3A_239 = arith.cmpi sge, %add3A_237, %ge3A_238 : i32
        %convert_element_type3A_240 = arith.extui %ge3A_239 : i1 to i32
        %cond3A_241 = arith.constant 0 : i32
        %cond3A_242 = arith.cmpi ne, %convert_element_type3A_240, %cond3A_241 : i32
        scf.if %cond3A_242 {
          %dma_wait3A_261 = arith.constant 0 : i32
          %dma_wait3A_262 = arith.constant 0 : i32
          %dma_wait3A_263 = tpu.memref_slice %arg17[%dma_wait3A_261, %dma_wait3A_262] : memref<40x64xi32, #tpu.memory_space<vmem>> -> memref<1x64xi32, #tpu.memory_space<vmem>>
          %dma_wait3A_264 = tpu.memref_squeeze %dma_wait3A_263 : memref<1x64xi32, #tpu.memory_space<vmem>> -> memref<64xi32, #tpu.memory_space<vmem>>
          %dma_wait3A_265 = arith.constant 0 : i32
          %dma_wait3A_266 = arith.constant 0 : i32
          %dma_wait3A_267 = tpu.memref_slice %arg15[%dma_wait3A_265, %dma_wait3A_266] : memref<10240x128xf32, #tpu.memory_space<vmem_shared>> -> memref<10240x128xf32, #tpu.memory_space<vmem_shared>>
          tpu.wait_indirect_dma semaphore(%arg27 : memref<!tpu.dma_semaphore, #tpu.memory_space<semaphore_mem>>) src(%arg19 : memref<64x128xf32, #tpu.memory_space<vmem>>) dst(%dma_wait3A_267 : memref<10240x128xf32, #tpu.memory_space<vmem_shared>>)
        } else {
        }
        %lt3A_243 = arith.constant 38 : i32
        %lt3A_244 = arith.cmpi slt, %add3A_237, %lt3A_243 : i32
        %convert_element_type3A_245 = arith.extui %lt3A_244 : i1 to i32
        %cond3A_246 = arith.constant 0 : i32
        %cond3A_247 = arith.cmpi ne, %convert_element_type3A_245, %cond3A_246 : i32
        scf.if %cond3A_247 {
          %add3A_261 = arith.constant 2 : i32
          %add3A_262 = arith.addi %add3A_237, %add3A_261 : i32
          %dma_start3A_263 = arith.constant 0 : i32
          %dma_start3A_264 = tpu.memref_slice %arg16[%add3A_262, %dma_start3A_263] : memref<40x64xi32, #tpu.memory_space<vmem>> -> memref<1x64xi32, #tpu.memory_space<vmem>>
          %dma_start3A_265 = tpu.memref_squeeze %dma_start3A_264 : memref<1x64xi32, #tpu.memory_space<vmem>> -> memref<64xi32, #tpu.memory_space<vmem>>
          %dma_start3A_266 = arith.constant 0 : i32
          %dma_start3A_267 = arith.constant 0 : i32
          %dma_start3A_268 = tpu.memref_slice %arg10[%dma_start3A_266, %dma_start3A_267] : memref<20000x128xf32, #tpu.memory_space<hbm>> -> memref<20000x128xf32, #tpu.memory_space<hbm>>
          tpu.enqueue_indirect_dma source(%dma_start3A_268 : memref<20000x128xf32, #tpu.memory_space<hbm>>) target(%arg19 : memref<64x128xf32, #tpu.memory_space<vmem>>) offsets(%dma_start3A_265 : memref<64xi32, #tpu.memory_space<vmem>>) semaphore(%arg23 : memref<!tpu.dma_semaphore, #tpu.memory_space<semaphore_mem>>)
        } else {
        }
        %dma_wait3A_248 = arith.constant 0 : i32
        %dma_wait3A_249 = tpu.memref_slice %arg16[%add3A_237, %dma_wait3A_248] : memref<40x64xi32, #tpu.memory_space<vmem>> -> memref<1x64xi32, #tpu.memory_space<vmem>>
        %dma_wait3A_250 = tpu.memref_squeeze %dma_wait3A_249 : memref<1x64xi32, #tpu.memory_space<vmem>> -> memref<64xi32, #tpu.memory_space<vmem>>
        %dma_wait3A_251 = arith.constant 0 : i32
        %dma_wait3A_252 = arith.constant 0 : i32
        %dma_wait3A_253 = tpu.memref_slice %arg10[%dma_wait3A_251, %dma_wait3A_252] : memref<20000x128xf32, #tpu.memory_space<hbm>> -> memref<20000x128xf32, #tpu.memory_space<hbm>>
        tpu.wait_indirect_dma semaphore(%arg25 : memref<!tpu.dma_semaphore, #tpu.memory_space<semaphore_mem>>) src(%dma_wait3A_253 : memref<20000x128xf32, #tpu.memory_space<hbm>>) dst(%arg21 : memref<64x128xf32, #tpu.memory_space<vmem>>)
        %dma_start3A_254 = arith.constant 0 : i32
        %dma_start3A_255 = tpu.memref_slice %arg17[%add3A_237, %dma_start3A_254] : memref<40x64xi32, #tpu.memory_space<vmem>> -> memref<1x64xi32, #tpu.memory_space<vmem>>
        %dma_start3A_256 = tpu.memref_squeeze %dma_start3A_255 : memref<1x64xi32, #tpu.memory_space<vmem>> -> memref<64xi32, #tpu.memory_space<vmem>>
        %dma_start3A_257 = arith.constant 0 : i32
        %dma_start3A_258 = arith.constant 0 : i32
        %dma_start3A_259 = tpu.memref_slice %arg15[%dma_start3A_257, %dma_start3A_258] : memref<10240x128xf32, #tpu.memory_space<vmem_shared>> -> memref<10240x128xf32, #tpu.memory_space<vmem_shared>>
        tpu.enqueue_indirect_dma source(%arg21 : memref<64x128xf32, #tpu.memory_space<vmem>>) target(%dma_start3A_259 : memref<10240x128xf32, #tpu.memory_space<vmem_shared>>) offsets(%dma_start3A_256 : memref<64xi32, #tpu.memory_space<vmem>>) semaphore(%arg29 : memref<!tpu.dma_semaphore, #tpu.memory_space<semaphore_mem>>) {add = true}
        %scan3A_260 = arith.constant 0 : i32
        scf.yield %scan3A_260 : i32
      }
      %scan3A_142 = arith.constant 10 : i32
      %dma_wait3A_143 = arith.constant 0 : i32
      %dma_wait3A_144 = arith.constant 0 : i32
      %dma_wait3A_145 = tpu.memref_slice %arg17[%dma_wait3A_143, %dma_wait3A_144] : memref<40x64xi32, #tpu.memory_space<vmem>> -> memref<1x64xi32, #tpu.memory_space<vmem>>
      %dma_wait3A_146 = tpu.memref_squeeze %dma_wait3A_145 : memref<1x64xi32, #tpu.memory_space<vmem>> -> memref<64xi32, #tpu.memory_space<vmem>>
      %dma_wait3A_147 = arith.constant 0 : i32
      %dma_wait3A_148 = arith.constant 0 : i32
      %dma_wait3A_149 = tpu.memref_slice %arg15[%dma_wait3A_147, %dma_wait3A_148] : memref<10240x128xf32, #tpu.memory_space<vmem_shared>> -> memref<10240x128xf32, #tpu.memory_space<vmem_shared>>
      tpu.wait_indirect_dma semaphore(%arg28 : memref<!tpu.dma_semaphore, #tpu.memory_space<semaphore_mem>>) src(%arg20 : memref<64x128xf32, #tpu.memory_space<vmem>>) dst(%dma_wait3A_149 : memref<10240x128xf32, #tpu.memory_space<vmem_shared>>)
      %dma_wait3A_150 = arith.constant 0 : i32
      %dma_wait3A_151 = arith.constant 0 : i32
      %dma_wait3A_152 = tpu.memref_slice %arg17[%dma_wait3A_150, %dma_wait3A_151] : memref<40x64xi32, #tpu.memory_space<vmem>> -> memref<1x64xi32, #tpu.memory_space<vmem>>
      %dma_wait3A_153 = tpu.memref_squeeze %dma_wait3A_152 : memref<1x64xi32, #tpu.memory_space<vmem>> -> memref<64xi32, #tpu.memory_space<vmem>>
      %dma_wait3A_154 = arith.constant 0 : i32
      %dma_wait3A_155 = arith.constant 0 : i32
      %dma_wait3A_156 = tpu.memref_slice %arg15[%dma_wait3A_154, %dma_wait3A_155] : memref<10240x128xf32, #tpu.memory_space<vmem_shared>> -> memref<10240x128xf32, #tpu.memory_space<vmem_shared>>
      tpu.wait_indirect_dma semaphore(%arg29 : memref<!tpu.dma_semaphore, #tpu.memory_space<semaphore_mem>>) src(%arg21 : memref<64x128xf32, #tpu.memory_space<vmem>>) dst(%dma_wait3A_156 : memref<10240x128xf32, #tpu.memory_space<vmem_shared>>)
      %scan3A_157 = arith.constant 0 : i32
      scf.yield %scan3A_157 : i32
    }
    %scan3A_83 = arith.constant 8 : i32
    %barrier3A_84 = arith.constant 0 : index
    tpu.barrier barrier_id(%barrier3A_84)
    %mul3A_85 = arith.constant 640 : i32
    %mul3A_86 = arith.muli %arg1, %mul3A_85 : i32
    %mul3A_87 = arith.constant 10240 : i32
    %mul3A_88 = arith.muli %arg0, %mul3A_87 : i32
    %mul3A_89 = arith.constant 640 : i32
    %mul3A_90 = arith.muli %arg1, %mul3A_89 : i32
    %add3A_91 = arith.addi %mul3A_88, %mul3A_90 : i32
    "tpu.region"() ({
      %run_scoped3A = tpu.sem_alloc : memref<!tpu.dma_semaphore, #tpu.memory_space<semaphore_mem>>
      %dma_start3A_92 = arith.constant 0 : i32
      %dma_start3A_93 = tpu.memref_slice %arg14[%add3A_91, %dma_start3A_92] : memref<20480x128xf32, #tpu.memory_space<hbm>> -> memref<640x128xf32, #tpu.memory_space<hbm>>
      %dma_start3A_94 = arith.constant 0 : i32
      %dma_start3A_95 = tpu.memref_slice %arg15[%mul3A_86, %dma_start3A_94] : memref<10240x128xf32, #tpu.memory_space<vmem_shared>> -> memref<640x128xf32, #tpu.memory_space<vmem_shared>>
      tpu.enqueue_dma source(%dma_start3A_95 : memref<640x128xf32, #tpu.memory_space<vmem_shared>>) target(%dma_start3A_93 : memref<640x128xf32, #tpu.memory_space<hbm>>) target_semaphore(%run_scoped3A : memref<!tpu.dma_semaphore, #tpu.memory_space<semaphore_mem>>)
      %dma_wait3A_96 = arith.constant 0 : i32
      %dma_wait3A_97 = tpu.memref_slice %arg14[%add3A_91, %dma_wait3A_96] : memref<20480x128xf32, #tpu.memory_space<hbm>> -> memref<640x128xf32, #tpu.memory_space<hbm>>
      %dma_wait3A_98 = arith.constant 0 : i32
      %dma_wait3A_99 = tpu.memref_slice %arg15[%mul3A_86, %dma_wait3A_98] : memref<10240x128xf32, #tpu.memory_space<vmem_shared>> -> memref<640x128xf32, #tpu.memory_space<vmem_shared>>
      tpu.wait_dma2 semaphore(%run_scoped3A : memref<!tpu.dma_semaphore, #tpu.memory_space<semaphore_mem>>) src(%dma_wait3A_99 : memref<640x128xf32, #tpu.memory_space<vmem_shared>>) dst(%dma_wait3A_97 : memref<640x128xf32, #tpu.memory_space<hbm>>)
      tpu.yield
    }) : () -> ()
    return
  }
}

#map = affine_map<(d0, d1) -> (0, 0)>
module attributes {stable_mosaic.version = 14 : i64} {
  func.func @body(%arg0: i32, %arg1: i32, %arg2: memref<5120x64xi32, #tpu.memory_space<hbm>>, %arg3: memref<5120x64xi32, #tpu.memory_space<hbm>>, %arg4: memref<5120x64xi32, #tpu.memory_space<hbm>>, %arg5: memref<5120x64xi32, #tpu.memory_space<hbm>>, %arg6: memref<5120x64xi32, #tpu.memory_space<hbm>>, %arg7: memref<5120x64xi32, #tpu.memory_space<hbm>>, %arg8: memref<10000x128xf32, #tpu.memory_space<hbm>>, %arg9: memref<10000x128xf32, #tpu.memory_space<hbm>>, %arg10: memref<10000x128xf32, #tpu.memory_space<hbm>>, %arg11: memref<10240x128xf32, #tpu.memory_space<hbm>>, %arg12: memref<20480x128xf32, #tpu.memory_space<hbm>>, %arg13: memref<20480x128xf32, #tpu.memory_space<hbm>>, %arg14: memref<20480x128xf32, #tpu.memory_space<hbm>>, %arg15: memref<10240x128xf32, #tpu.memory_space<vmem_shared>>, %arg16: memref<40x64xi32, #tpu.memory_space<vmem>>, %arg17: memref<40x64xi32, #tpu.memory_space<vmem>>, %arg18: memref<64x128xf32, #tpu.memory_space<vmem>>, %arg19: memref<64x128xf32, #tpu.memory_space<vmem>>, %arg20: memref<64x128xf32, #tpu.memory_space<vmem>>, %arg21: memref<64x128xf32, #tpu.memory_space<vmem>>, %arg22: memref<!tpu.dma_semaphore, #tpu.memory_space<semaphore_mem>>, %arg23: memref<!tpu.dma_semaphore, #tpu.memory_space<semaphore_mem>>, %arg24: memref<!tpu.dma_semaphore, #tpu.memory_space<semaphore_mem>>, %arg25: memref<!tpu.dma_semaphore, #tpu.memory_space<semaphore_mem>>, %arg26: memref<!tpu.dma_semaphore, #tpu.memory_space<semaphore_mem>>, %arg27: memref<!tpu.dma_semaphore, #tpu.memory_space<semaphore_mem>>, %arg28: memref<!tpu.dma_semaphore, #tpu.memory_space<semaphore_mem>>, %arg29: memref<!tpu.dma_semaphore, #tpu.memory_space<semaphore_mem>>) attributes {dimension_semantics = [#tpu.dimension_semantics<core_parallel>, #tpu.dimension_semantics<subcore_parallel>], iteration_bounds = array<i64: 2, 16>, scalar_prefetch = 0 : i64, scratch_operands = 15 : i64, tpu.core_type = #tpu.core_type<sc_vector_subcore>, window_params = [{transform_indices = #map}, {transform_indices = #map}, {transform_indices = #map}, {transform_indices = #map}, {transform_indices = #map}, {transform_indices = #map}, {transform_indices = #map}, {transform_indices = #map}, {transform_indices = #map}, {transform_indices = #map}, {transform_indices = #map}, {transform_indices = #map}, {transform_indices = #map}]} {
    %mul3A = arith.constant 16 : i32
    %mul3A_0 = arith.muli %arg0, %mul3A : i32
    %add3A = arith.addi %mul3A_0, %arg1 : i32
    %mul3A_1 = arith.constant 160 : i32
    %mul3A_2 = arith.muli %add3A, %mul3A_1 : i32
    %mul3A_3 = arith.constant 640 : i32
    %mul3A_4 = arith.muli %arg1, %mul3A_3 : i32
    %mul3A_5 = arith.constant 640 : i32
    %mul3A_6 = arith.muli %arg1, %mul3A_5 : i32
    %dma_start3A = arith.constant 0 : i32
    %dma_start3A_7 = tpu.memref_slice %arg15[%mul3A_6, %dma_start3A] : memref<10240x128xf32, #tpu.memory_space<vmem_shared>> -> memref<640x128xf32, #tpu.memory_space<vmem_shared>>
    %dma_start3A_8 = arith.constant 0 : i32
    %dma_start3A_9 = tpu.memref_slice %arg11[%mul3A_4, %dma_start3A_8] : memref<10240x128xf32, #tpu.memory_space<hbm>> -> memref<640x128xf32, #tpu.memory_space<hbm>>
    tpu.enqueue_dma source(%dma_start3A_9 : memref<640x128xf32, #tpu.memory_space<hbm>>) target(%dma_start3A_7 : memref<640x128xf32, #tpu.memory_space<vmem_shared>>) target_semaphore(%arg22 : memref<!tpu.dma_semaphore, #tpu.memory_space<semaphore_mem>>)
    %mul3A_10 = arith.constant 640 : i32
    %mul3A_11 = arith.muli %arg1, %mul3A_10 : i32
    %mul3A_12 = arith.constant 640 : i32
    %mul3A_13 = arith.muli %arg1, %mul3A_12 : i32
    %dma_wait3A = arith.constant 0 : i32
    %dma_wait3A_14 = tpu.memref_slice %arg15[%mul3A_13, %dma_wait3A] : memref<10240x128xf32, #tpu.memory_space<vmem_shared>> -> memref<640x128xf32, #tpu.memory_space<vmem_shared>>
    %dma_wait3A_15 = arith.constant 0 : i32
    %dma_wait3A_16 = tpu.memref_slice %arg11[%mul3A_11, %dma_wait3A_15] : memref<10240x128xf32, #tpu.memory_space<hbm>> -> memref<640x128xf32, #tpu.memory_space<hbm>>
    tpu.wait_dma2 semaphore(%arg22 : memref<!tpu.dma_semaphore, #tpu.memory_space<semaphore_mem>>) src(%dma_wait3A_16 : memref<640x128xf32, #tpu.memory_space<hbm>>) dst(%dma_wait3A_14 : memref<640x128xf32, #tpu.memory_space<vmem_shared>>)
    %barrier3A = arith.constant 0 : index
    tpu.barrier barrier_id(%barrier3A)
    %scan3A = arith.constant 0 : i32
    %scan3A_17 = arith.constant 0 : i32
    %scan3A_18 = arith.constant 4 : i32
    %scan3A_19 = arith.addi %scan3A_17, %scan3A_18 : i32
    %scan3A_20 = arith.constant 1 : i32
    %scan3A_21 = scf.for %scan3A_95 = %scan3A_17 to %scan3A_19 step %scan3A_20 iter_args(%scan3A_96 = %scan3A) -> (i32)  : i32 {
      %mul3A_97 = arith.constant 40 : i32
      %mul3A_98 = arith.muli %scan3A_95, %mul3A_97 : i32
      %add3A_99 = arith.addi %mul3A_2, %mul3A_98 : i32
      %dma_start3A_100 = arith.constant 0 : i32
      %dma_start3A_101 = tpu.memref_slice %arg2[%add3A_99, %dma_start3A_100] : memref<5120x64xi32, #tpu.memory_space<hbm>> -> memref<40x64xi32, #tpu.memory_space<hbm>>
      %dma_start3A_102 = arith.constant 0 : i32
      %dma_start3A_103 = tpu.memref_slice %arg2[%add3A_99, %dma_start3A_102] : memref<5120x64xi32, #tpu.memory_space<hbm>> -> memref<40x64xi32, #tpu.memory_space<hbm>>
      tpu.enqueue_dma source(%dma_start3A_103 : memref<40x64xi32, #tpu.memory_space<hbm>>) target(%arg16 : memref<40x64xi32, #tpu.memory_space<vmem>>) target_semaphore(%arg24 : memref<!tpu.dma_semaphore, #tpu.memory_space<semaphore_mem>>)
      %dma_start3A_104 = arith.constant 0 : i32
      %dma_start3A_105 = tpu.memref_slice %arg3[%add3A_99, %dma_start3A_104] : memref<5120x64xi32, #tpu.memory_space<hbm>> -> memref<40x64xi32, #tpu.memory_space<hbm>>
      %dma_start3A_106 = arith.constant 0 : i32
      %dma_start3A_107 = tpu.memref_slice %arg3[%add3A_99, %dma_start3A_106] : memref<5120x64xi32, #tpu.memory_space<hbm>> -> memref<40x64xi32, #tpu.memory_space<hbm>>
      tpu.enqueue_dma source(%dma_start3A_107 : memref<40x64xi32, #tpu.memory_space<hbm>>) target(%arg17 : memref<40x64xi32, #tpu.memory_space<vmem>>) target_semaphore(%arg25 : memref<!tpu.dma_semaphore, #tpu.memory_space<semaphore_mem>>)
      %dma_wait3A_108 = arith.constant 0 : i32
      %dma_wait3A_109 = tpu.memref_slice %arg2[%add3A_99, %dma_wait3A_108] : memref<5120x64xi32, #tpu.memory_space<hbm>> -> memref<40x64xi32, #tpu.memory_space<hbm>>
      %dma_wait3A_110 = arith.constant 0 : i32
      %dma_wait3A_111 = tpu.memref_slice %arg2[%add3A_99, %dma_wait3A_110] : memref<5120x64xi32, #tpu.memory_space<hbm>> -> memref<40x64xi32, #tpu.memory_space<hbm>>
      tpu.wait_dma2 semaphore(%arg24 : memref<!tpu.dma_semaphore, #tpu.memory_space<semaphore_mem>>) src(%dma_wait3A_111 : memref<40x64xi32, #tpu.memory_space<hbm>>) dst(%arg16 : memref<40x64xi32, #tpu.memory_space<vmem>>)
      %dma_wait3A_112 = arith.constant 0 : i32
      %dma_wait3A_113 = tpu.memref_slice %arg3[%add3A_99, %dma_wait3A_112] : memref<5120x64xi32, #tpu.memory_space<hbm>> -> memref<40x64xi32, #tpu.memory_space<hbm>>
      %dma_wait3A_114 = arith.constant 0 : i32
      %dma_wait3A_115 = tpu.memref_slice %arg3[%add3A_99, %dma_wait3A_114] : memref<5120x64xi32, #tpu.memory_space<hbm>> -> memref<40x64xi32, #tpu.memory_space<hbm>>
      tpu.wait_dma2 semaphore(%arg25 : memref<!tpu.dma_semaphore, #tpu.memory_space<semaphore_mem>>) src(%dma_wait3A_115 : memref<40x64xi32, #tpu.memory_space<hbm>>) dst(%arg17 : memref<40x64xi32, #tpu.memory_space<vmem>>)
      %dma_start3A_116 = arith.constant 0 : i32
      %dma_start3A_117 = arith.constant 0 : i32
      %dma_start3A_118 = tpu.memref_slice %arg16[%dma_start3A_116, %dma_start3A_117] : memref<40x64xi32, #tpu.memory_space<vmem>> -> memref<1x64xi32, #tpu.memory_space<vmem>>
      %dma_start3A_119 = tpu.memref_squeeze %dma_start3A_118 : memref<1x64xi32, #tpu.memory_space<vmem>> -> memref<64xi32, #tpu.memory_space<vmem>>
      %dma_start3A_120 = arith.constant 0 : i32
      %dma_start3A_121 = arith.constant 0 : i32
      %dma_start3A_122 = tpu.memref_slice %arg8[%dma_start3A_120, %dma_start3A_121] : memref<10000x128xf32, #tpu.memory_space<hbm>> -> memref<10000x128xf32, #tpu.memory_space<hbm>>
      tpu.enqueue_indirect_dma source(%dma_start3A_122 : memref<10000x128xf32, #tpu.memory_space<hbm>>) target(%arg18 : memref<64x128xf32, #tpu.memory_space<vmem>>) offsets(%dma_start3A_119 : memref<64xi32, #tpu.memory_space<vmem>>) semaphore(%arg22 : memref<!tpu.dma_semaphore, #tpu.memory_space<semaphore_mem>>)
      %dma_start3A_123 = arith.constant 1 : i32
      %dma_start3A_124 = arith.constant 0 : i32
      %dma_start3A_125 = tpu.memref_slice %arg16[%dma_start3A_123, %dma_start3A_124] : memref<40x64xi32, #tpu.memory_space<vmem>> -> memref<1x64xi32, #tpu.memory_space<vmem>>
      %dma_start3A_126 = tpu.memref_squeeze %dma_start3A_125 : memref<1x64xi32, #tpu.memory_space<vmem>> -> memref<64xi32, #tpu.memory_space<vmem>>
      %dma_start3A_127 = arith.constant 0 : i32
      %dma_start3A_128 = arith.constant 0 : i32
      %dma_start3A_129 = tpu.memref_slice %arg8[%dma_start3A_127, %dma_start3A_128] : memref<10000x128xf32, #tpu.memory_space<hbm>> -> memref<10000x128xf32, #tpu.memory_space<hbm>>
      tpu.enqueue_indirect_dma source(%dma_start3A_129 : memref<10000x128xf32, #tpu.memory_space<hbm>>) target(%arg19 : memref<64x128xf32, #tpu.memory_space<vmem>>) offsets(%dma_start3A_126 : memref<64xi32, #tpu.memory_space<vmem>>) semaphore(%arg23 : memref<!tpu.dma_semaphore, #tpu.memory_space<semaphore_mem>>)
      %scan3A_130 = arith.constant 0 : i32
      %scan3A_131 = arith.constant 0 : i32
      %scan3A_132 = arith.constant 10 : i32
      %scan3A_133 = arith.addi %scan3A_131, %scan3A_132 : i32
      %scan3A_134 = arith.constant 1 : i32
      %scan3A_135 = scf.for %scan3A_152 = %scan3A_131 to %scan3A_133 step %scan3A_134 iter_args(%scan3A_153 = %scan3A_130) -> (i32)  : i32 {
        %mul3A_154 = arith.constant 4 : i32
        %mul3A_155 = arith.muli %scan3A_152, %mul3A_154 : i32
        %add3A_156 = arith.constant 0 : i32
        %add3A_157 = arith.addi %mul3A_155, %add3A_156 : i32
        %ge3A = arith.constant 2 : i32
        %ge3A_158 = arith.cmpi sge, %add3A_157, %ge3A : i32
        %convert_element_type3A = arith.extui %ge3A_158 : i1 to i32
        %cond3A = arith.constant 0 : i32
        %cond3A_159 = arith.cmpi ne, %convert_element_type3A, %cond3A : i32
        scf.if %cond3A_159 {
          %dma_wait3A_255 = arith.constant 0 : i32
          %dma_wait3A_256 = arith.constant 0 : i32
          %dma_wait3A_257 = tpu.memref_slice %arg17[%dma_wait3A_255, %dma_wait3A_256] : memref<40x64xi32, #tpu.memory_space<vmem>> -> memref<1x64xi32, #tpu.memory_space<vmem>>
          %dma_wait3A_258 = tpu.memref_squeeze %dma_wait3A_257 : memref<1x64xi32, #tpu.memory_space<vmem>> -> memref<64xi32, #tpu.memory_space<vmem>>
          %dma_wait3A_259 = arith.constant 0 : i32
          %dma_wait3A_260 = arith.constant 0 : i32
          %dma_wait3A_261 = tpu.memref_slice %arg15[%dma_wait3A_259, %dma_wait3A_260] : memref<10240x128xf32, #tpu.memory_space<vmem_shared>> -> memref<10240x128xf32, #tpu.memory_space<vmem_shared>>
          tpu.wait_indirect_dma semaphore(%arg28 : memref<!tpu.dma_semaphore, #tpu.memory_space<semaphore_mem>>) src(%arg20 : memref<64x128xf32, #tpu.memory_space<vmem>>) dst(%dma_wait3A_261 : memref<10240x128xf32, #tpu.memory_space<vmem_shared>>)
        } else {
        }
        %lt3A = arith.constant 38 : i32
        %lt3A_160 = arith.cmpi slt, %add3A_157, %lt3A : i32
        %convert_element_type3A_161 = arith.extui %lt3A_160 : i1 to i32
        %cond3A_162 = arith.constant 0 : i32
        %cond3A_163 = arith.cmpi ne, %convert_element_type3A_161, %cond3A_162 : i32
        scf.if %cond3A_163 {
          %add3A_255 = arith.constant 2 : i32
          %add3A_256 = arith.addi %add3A_157, %add3A_255 : i32
          %dma_start3A_257 = arith.constant 0 : i32
          %dma_start3A_258 = tpu.memref_slice %arg16[%add3A_256, %dma_start3A_257] : memref<40x64xi32, #tpu.memory_space<vmem>> -> memref<1x64xi32, #tpu.memory_space<vmem>>
          %dma_start3A_259 = tpu.memref_squeeze %dma_start3A_258 : memref<1x64xi32, #tpu.memory_space<vmem>> -> memref<64xi32, #tpu.memory_space<vmem>>
          %dma_start3A_260 = arith.constant 0 : i32
          %dma_start3A_261 = arith.constant 0 : i32
          %dma_start3A_262 = tpu.memref_slice %arg8[%dma_start3A_260, %dma_start3A_261] : memref<10000x128xf32, #tpu.memory_space<hbm>> -> memref<10000x128xf32, #tpu.memory_space<hbm>>
          tpu.enqueue_indirect_dma source(%dma_start3A_262 : memref<10000x128xf32, #tpu.memory_space<hbm>>) target(%arg20 : memref<64x128xf32, #tpu.memory_space<vmem>>) offsets(%dma_start3A_259 : memref<64xi32, #tpu.memory_space<vmem>>) semaphore(%arg24 : memref<!tpu.dma_semaphore, #tpu.memory_space<semaphore_mem>>)
        } else {
        }
        %dma_wait3A_164 = arith.constant 0 : i32
        %dma_wait3A_165 = tpu.memref_slice %arg16[%add3A_157, %dma_wait3A_164] : memref<40x64xi32, #tpu.memory_space<vmem>> -> memref<1x64xi32, #tpu.memory_space<vmem>>
        %dma_wait3A_166 = tpu.memref_squeeze %dma_wait3A_165 : memref<1x64xi32, #tpu.memory_space<vmem>> -> memref<64xi32, #tpu.memory_space<vmem>>
        %dma_wait3A_167 = arith.constant 0 : i32
        %dma_wait3A_168 = arith.constant 0 : i32
        %dma_wait3A_169 = tpu.memref_slice %arg8[%dma_wait3A_167, %dma_wait3A_168] : memref<10000x128xf32, #tpu.memory_space<hbm>> -> memref<10000x128xf32, #tpu.memory_space<hbm>>
        tpu.wait_indirect_dma semaphore(%arg22 : memref<!tpu.dma_semaphore, #tpu.memory_space<semaphore_mem>>) src(%dma_wait3A_169 : memref<10000x128xf32, #tpu.memory_space<hbm>>) dst(%arg18 : memref<64x128xf32, #tpu.memory_space<vmem>>)
        %dma_start3A_170 = arith.constant 0 : i32
        %dma_start3A_171 = tpu.memref_slice %arg17[%add3A_157, %dma_start3A_170] : memref<40x64xi32, #tpu.memory_space<vmem>> -> memref<1x64xi32, #tpu.memory_space<vmem>>
        %dma_start3A_172 = tpu.memref_squeeze %dma_start3A_171 : memref<1x64xi32, #tpu.memory_space<vmem>> -> memref<64xi32, #tpu.memory_space<vmem>>
        %dma_start3A_173 = arith.constant 0 : i32
        %dma_start3A_174 = arith.constant 0 : i32
        %dma_start3A_175 = tpu.memref_slice %arg15[%dma_start3A_173, %dma_start3A_174] : memref<10240x128xf32, #tpu.memory_space<vmem_shared>> -> memref<10240x128xf32, #tpu.memory_space<vmem_shared>>
        tpu.enqueue_indirect_dma source(%arg18 : memref<64x128xf32, #tpu.memory_space<vmem>>) target(%dma_start3A_175 : memref<10240x128xf32, #tpu.memory_space<vmem_shared>>) offsets(%dma_start3A_172 : memref<64xi32, #tpu.memory_space<vmem>>) semaphore(%arg26 : memref<!tpu.dma_semaphore, #tpu.memory_space<semaphore_mem>>) {add = true}
        %mul3A_176 = arith.constant 4 : i32
        %mul3A_177 = arith.muli %scan3A_152, %mul3A_176 : i32
        %add3A_178 = arith.constant 1 : i32
        %add3A_179 = arith.addi %mul3A_177, %add3A_178 : i32
        %ge3A_180 = arith.constant 2 : i32
        %ge3A_181 = arith.cmpi sge, %add3A_179, %ge3A_180 : i32
        %convert_element_type3A_182 = arith.extui %ge3A_181 : i1 to i32
        %cond3A_183 = arith.constant 0 : i32
        %cond3A_184 = arith.cmpi ne, %convert_element_type3A_182, %cond3A_183 : i32
        scf.if %cond3A_184 {
          %dma_wait3A_255 = arith.constant 0 : i32
          %dma_wait3A_256 = arith.constant 0 : i32
          %dma_wait3A_257 = tpu.memref_slice %arg17[%dma_wait3A_255, %dma_wait3A_256] : memref<40x64xi32, #tpu.memory_space<vmem>> -> memref<1x64xi32, #tpu.memory_space<vmem>>
          %dma_wait3A_258 = tpu.memref_squeeze %dma_wait3A_257 : memref<1x64xi32, #tpu.memory_space<vmem>> -> memref<64xi32, #tpu.memory_space<vmem>>
          %dma_wait3A_259 = arith.constant 0 : i32
          %dma_wait3A_260 = arith.constant 0 : i32
          %dma_wait3A_261 = tpu.memref_slice %arg15[%dma_wait3A_259, %dma_wait3A_260] : memref<10240x128xf32, #tpu.memory_space<vmem_shared>> -> memref<10240x128xf32, #tpu.memory_space<vmem_shared>>
          tpu.wait_indirect_dma semaphore(%arg29 : memref<!tpu.dma_semaphore, #tpu.memory_space<semaphore_mem>>) src(%arg21 : memref<64x128xf32, #tpu.memory_space<vmem>>) dst(%dma_wait3A_261 : memref<10240x128xf32, #tpu.memory_space<vmem_shared>>)
        } else {
        }
        %lt3A_185 = arith.constant 38 : i32
        %lt3A_186 = arith.cmpi slt, %add3A_179, %lt3A_185 : i32
        %convert_element_type3A_187 = arith.extui %lt3A_186 : i1 to i32
        %cond3A_188 = arith.constant 0 : i32
        %cond3A_189 = arith.cmpi ne, %convert_element_type3A_187, %cond3A_188 : i32
        scf.if %cond3A_189 {
          %add3A_255 = arith.constant 2 : i32
          %add3A_256 = arith.addi %add3A_179, %add3A_255 : i32
          %dma_start3A_257 = arith.constant 0 : i32
          %dma_start3A_258 = tpu.memref_slice %arg16[%add3A_256, %dma_start3A_257] : memref<40x64xi32, #tpu.memory_space<vmem>> -> memref<1x64xi32, #tpu.memory_space<vmem>>
          %dma_start3A_259 = tpu.memref_squeeze %dma_start3A_258 : memref<1x64xi32, #tpu.memory_space<vmem>> -> memref<64xi32, #tpu.memory_space<vmem>>
          %dma_start3A_260 = arith.constant 0 : i32
          %dma_start3A_261 = arith.constant 0 : i32
          %dma_start3A_262 = tpu.memref_slice %arg8[%dma_start3A_260, %dma_start3A_261] : memref<10000x128xf32, #tpu.memory_space<hbm>> -> memref<10000x128xf32, #tpu.memory_space<hbm>>
          tpu.enqueue_indirect_dma source(%dma_start3A_262 : memref<10000x128xf32, #tpu.memory_space<hbm>>) target(%arg21 : memref<64x128xf32, #tpu.memory_space<vmem>>) offsets(%dma_start3A_259 : memref<64xi32, #tpu.memory_space<vmem>>) semaphore(%arg25 : memref<!tpu.dma_semaphore, #tpu.memory_space<semaphore_mem>>)
        } else {
        }
        %dma_wait3A_190 = arith.constant 0 : i32
        %dma_wait3A_191 = tpu.memref_slice %arg16[%add3A_179, %dma_wait3A_190] : memref<40x64xi32, #tpu.memory_space<vmem>> -> memref<1x64xi32, #tpu.memory_space<vmem>>
        %dma_wait3A_192 = tpu.memref_squeeze %dma_wait3A_191 : memref<1x64xi32, #tpu.memory_space<vmem>> -> memref<64xi32, #tpu.memory_space<vmem>>
        %dma_wait3A_193 = arith.constant 0 : i32
        %dma_wait3A_194 = arith.constant 0 : i32
        %dma_wait3A_195 = tpu.memref_slice %arg8[%dma_wait3A_193, %dma_wait3A_194] : memref<10000x128xf32, #tpu.memory_space<hbm>> -> memref<10000x128xf32, #tpu.memory_space<hbm>>
        tpu.wait_indirect_dma semaphore(%arg23 : memref<!tpu.dma_semaphore, #tpu.memory_space<semaphore_mem>>) src(%dma_wait3A_195 : memref<10000x128xf32, #tpu.memory_space<hbm>>) dst(%arg19 : memref<64x128xf32, #tpu.memory_space<vmem>>)
        %dma_start3A_196 = arith.constant 0 : i32
        %dma_start3A_197 = tpu.memref_slice %arg17[%add3A_179, %dma_start3A_196] : memref<40x64xi32, #tpu.memory_space<vmem>> -> memref<1x64xi32, #tpu.memory_space<vmem>>
        %dma_start3A_198 = tpu.memref_squeeze %dma_start3A_197 : memref<1x64xi32, #tpu.memory_space<vmem>> -> memref<64xi32, #tpu.memory_space<vmem>>
        %dma_start3A_199 = arith.constant 0 : i32
        %dma_start3A_200 = arith.constant 0 : i32
        %dma_start3A_201 = tpu.memref_slice %arg15[%dma_start3A_199, %dma_start3A_200] : memref<10240x128xf32, #tpu.memory_space<vmem_shared>> -> memref<10240x128xf32, #tpu.memory_space<vmem_shared>>
        tpu.enqueue_indirect_dma source(%arg19 : memref<64x128xf32, #tpu.memory_space<vmem>>) target(%dma_start3A_201 : memref<10240x128xf32, #tpu.memory_space<vmem_shared>>) offsets(%dma_start3A_198 : memref<64xi32, #tpu.memory_space<vmem>>) semaphore(%arg27 : memref<!tpu.dma_semaphore, #tpu.memory_space<semaphore_mem>>) {add = true}
        %mul3A_202 = arith.constant 4 : i32
        %mul3A_203 = arith.muli %scan3A_152, %mul3A_202 : i32
        %add3A_204 = arith.constant 2 : i32
        %add3A_205 = arith.addi %mul3A_203, %add3A_204 : i32
        %ge3A_206 = arith.constant 2 : i32
        %ge3A_207 = arith.cmpi sge, %add3A_205, %ge3A_206 : i32
        %convert_element_type3A_208 = arith.extui %ge3A_207 : i1 to i32
        %cond3A_209 = arith.constant 0 : i32
        %cond3A_210 = arith.cmpi ne, %convert_element_type3A_208, %cond3A_209 : i32
        scf.if %cond3A_210 {
          %dma_wait3A_255 = arith.constant 0 : i32
          %dma_wait3A_256 = arith.constant 0 : i32
          %dma_wait3A_257 = tpu.memref_slice %arg17[%dma_wait3A_255, %dma_wait3A_256] : memref<40x64xi32, #tpu.memory_space<vmem>> -> memref<1x64xi32, #tpu.memory_space<vmem>>
          %dma_wait3A_258 = tpu.memref_squeeze %dma_wait3A_257 : memref<1x64xi32, #tpu.memory_space<vmem>> -> memref<64xi32, #tpu.memory_space<vmem>>
          %dma_wait3A_259 = arith.constant 0 : i32
          %dma_wait3A_260 = arith.constant 0 : i32
          %dma_wait3A_261 = tpu.memref_slice %arg15[%dma_wait3A_259, %dma_wait3A_260] : memref<10240x128xf32, #tpu.memory_space<vmem_shared>> -> memref<10240x128xf32, #tpu.memory_space<vmem_shared>>
          tpu.wait_indirect_dma semaphore(%arg26 : memref<!tpu.dma_semaphore, #tpu.memory_space<semaphore_mem>>) src(%arg18 : memref<64x128xf32, #tpu.memory_space<vmem>>) dst(%dma_wait3A_261 : memref<10240x128xf32, #tpu.memory_space<vmem_shared>>)
        } else {
        }
        %lt3A_211 = arith.constant 38 : i32
        %lt3A_212 = arith.cmpi slt, %add3A_205, %lt3A_211 : i32
        %convert_element_type3A_213 = arith.extui %lt3A_212 : i1 to i32
        %cond3A_214 = arith.constant 0 : i32
        %cond3A_215 = arith.cmpi ne, %convert_element_type3A_213, %cond3A_214 : i32
        scf.if %cond3A_215 {
          %add3A_255 = arith.constant 2 : i32
          %add3A_256 = arith.addi %add3A_205, %add3A_255 : i32
          %dma_start3A_257 = arith.constant 0 : i32
          %dma_start3A_258 = tpu.memref_slice %arg16[%add3A_256, %dma_start3A_257] : memref<40x64xi32, #tpu.memory_space<vmem>> -> memref<1x64xi32, #tpu.memory_space<vmem>>
          %dma_start3A_259 = tpu.memref_squeeze %dma_start3A_258 : memref<1x64xi32, #tpu.memory_space<vmem>> -> memref<64xi32, #tpu.memory_space<vmem>>
          %dma_start3A_260 = arith.constant 0 : i32
          %dma_start3A_261 = arith.constant 0 : i32
          %dma_start3A_262 = tpu.memref_slice %arg8[%dma_start3A_260, %dma_start3A_261] : memref<10000x128xf32, #tpu.memory_space<hbm>> -> memref<10000x128xf32, #tpu.memory_space<hbm>>
          tpu.enqueue_indirect_dma source(%dma_start3A_262 : memref<10000x128xf32, #tpu.memory_space<hbm>>) target(%arg18 : memref<64x128xf32, #tpu.memory_space<vmem>>) offsets(%dma_start3A_259 : memref<64xi32, #tpu.memory_space<vmem>>) semaphore(%arg22 : memref<!tpu.dma_semaphore, #tpu.memory_space<semaphore_mem>>)
        } else {
        }
        %dma_wait3A_216 = arith.constant 0 : i32
        %dma_wait3A_217 = tpu.memref_slice %arg16[%add3A_205, %dma_wait3A_216] : memref<40x64xi32, #tpu.memory_space<vmem>> -> memref<1x64xi32, #tpu.memory_space<vmem>>
        %dma_wait3A_218 = tpu.memref_squeeze %dma_wait3A_217 : memref<1x64xi32, #tpu.memory_space<vmem>> -> memref<64xi32, #tpu.memory_space<vmem>>
        %dma_wait3A_219 = arith.constant 0 : i32
        %dma_wait3A_220 = arith.constant 0 : i32
        %dma_wait3A_221 = tpu.memref_slice %arg8[%dma_wait3A_219, %dma_wait3A_220] : memref<10000x128xf32, #tpu.memory_space<hbm>> -> memref<10000x128xf32, #tpu.memory_space<hbm>>
        tpu.wait_indirect_dma semaphore(%arg24 : memref<!tpu.dma_semaphore, #tpu.memory_space<semaphore_mem>>) src(%dma_wait3A_221 : memref<10000x128xf32, #tpu.memory_space<hbm>>) dst(%arg20 : memref<64x128xf32, #tpu.memory_space<vmem>>)
        %dma_start3A_222 = arith.constant 0 : i32
        %dma_start3A_223 = tpu.memref_slice %arg17[%add3A_205, %dma_start3A_222] : memref<40x64xi32, #tpu.memory_space<vmem>> -> memref<1x64xi32, #tpu.memory_space<vmem>>
        %dma_start3A_224 = tpu.memref_squeeze %dma_start3A_223 : memref<1x64xi32, #tpu.memory_space<vmem>> -> memref<64xi32, #tpu.memory_space<vmem>>
        %dma_start3A_225 = arith.constant 0 : i32
        %dma_start3A_226 = arith.constant 0 : i32
        %dma_start3A_227 = tpu.memref_slice %arg15[%dma_start3A_225, %dma_start3A_226] : memref<10240x128xf32, #tpu.memory_space<vmem_shared>> -> memref<10240x128xf32, #tpu.memory_space<vmem_shared>>
        tpu.enqueue_indirect_dma source(%arg20 : memref<64x128xf32, #tpu.memory_space<vmem>>) target(%dma_start3A_227 : memref<10240x128xf32, #tpu.memory_space<vmem_shared>>) offsets(%dma_start3A_224 : memref<64xi32, #tpu.memory_space<vmem>>) semaphore(%arg28 : memref<!tpu.dma_semaphore, #tpu.memory_space<semaphore_mem>>) {add = true}
        %mul3A_228 = arith.constant 4 : i32
        %mul3A_229 = arith.muli %scan3A_152, %mul3A_228 : i32
        %add3A_230 = arith.constant 3 : i32
        %add3A_231 = arith.addi %mul3A_229, %add3A_230 : i32
        %ge3A_232 = arith.constant 2 : i32
        %ge3A_233 = arith.cmpi sge, %add3A_231, %ge3A_232 : i32
        %convert_element_type3A_234 = arith.extui %ge3A_233 : i1 to i32
        %cond3A_235 = arith.constant 0 : i32
        %cond3A_236 = arith.cmpi ne, %convert_element_type3A_234, %cond3A_235 : i32
        scf.if %cond3A_236 {
          %dma_wait3A_255 = arith.constant 0 : i32
          %dma_wait3A_256 = arith.constant 0 : i32
          %dma_wait3A_257 = tpu.memref_slice %arg17[%dma_wait3A_255, %dma_wait3A_256] : memref<40x64xi32, #tpu.memory_space<vmem>> -> memref<1x64xi32, #tpu.memory_space<vmem>>
          %dma_wait3A_258 = tpu.memref_squeeze %dma_wait3A_257 : memref<1x64xi32, #tpu.memory_space<vmem>> -> memref<64xi32, #tpu.memory_space<vmem>>
          %dma_wait3A_259 = arith.constant 0 : i32
          %dma_wait3A_260 = arith.constant 0 : i32
          %dma_wait3A_261 = tpu.memref_slice %arg15[%dma_wait3A_259, %dma_wait3A_260] : memref<10240x128xf32, #tpu.memory_space<vmem_shared>> -> memref<10240x128xf32, #tpu.memory_space<vmem_shared>>
          tpu.wait_indirect_dma semaphore(%arg27 : memref<!tpu.dma_semaphore, #tpu.memory_space<semaphore_mem>>) src(%arg19 : memref<64x128xf32, #tpu.memory_space<vmem>>) dst(%dma_wait3A_261 : memref<10240x128xf32, #tpu.memory_space<vmem_shared>>)
        } else {
        }
        %lt3A_237 = arith.constant 38 : i32
        %lt3A_238 = arith.cmpi slt, %add3A_231, %lt3A_237 : i32
        %convert_element_type3A_239 = arith.extui %lt3A_238 : i1 to i32
        %cond3A_240 = arith.constant 0 : i32
        %cond3A_241 = arith.cmpi ne, %convert_element_type3A_239, %cond3A_240 : i32
        scf.if %cond3A_241 {
          %add3A_255 = arith.constant 2 : i32
          %add3A_256 = arith.addi %add3A_231, %add3A_255 : i32
          %dma_start3A_257 = arith.constant 0 : i32
          %dma_start3A_258 = tpu.memref_slice %arg16[%add3A_256, %dma_start3A_257] : memref<40x64xi32, #tpu.memory_space<vmem>> -> memref<1x64xi32, #tpu.memory_space<vmem>>
          %dma_start3A_259 = tpu.memref_squeeze %dma_start3A_258 : memref<1x64xi32, #tpu.memory_space<vmem>> -> memref<64xi32, #tpu.memory_space<vmem>>
          %dma_start3A_260 = arith.constant 0 : i32
          %dma_start3A_261 = arith.constant 0 : i32
          %dma_start3A_262 = tpu.memref_slice %arg8[%dma_start3A_260, %dma_start3A_261] : memref<10000x128xf32, #tpu.memory_space<hbm>> -> memref<10000x128xf32, #tpu.memory_space<hbm>>
          tpu.enqueue_indirect_dma source(%dma_start3A_262 : memref<10000x128xf32, #tpu.memory_space<hbm>>) target(%arg19 : memref<64x128xf32, #tpu.memory_space<vmem>>) offsets(%dma_start3A_259 : memref<64xi32, #tpu.memory_space<vmem>>) semaphore(%arg23 : memref<!tpu.dma_semaphore, #tpu.memory_space<semaphore_mem>>)
        } else {
        }
        %dma_wait3A_242 = arith.constant 0 : i32
        %dma_wait3A_243 = tpu.memref_slice %arg16[%add3A_231, %dma_wait3A_242] : memref<40x64xi32, #tpu.memory_space<vmem>> -> memref<1x64xi32, #tpu.memory_space<vmem>>
        %dma_wait3A_244 = tpu.memref_squeeze %dma_wait3A_243 : memref<1x64xi32, #tpu.memory_space<vmem>> -> memref<64xi32, #tpu.memory_space<vmem>>
        %dma_wait3A_245 = arith.constant 0 : i32
        %dma_wait3A_246 = arith.constant 0 : i32
        %dma_wait3A_247 = tpu.memref_slice %arg8[%dma_wait3A_245, %dma_wait3A_246] : memref<10000x128xf32, #tpu.memory_space<hbm>> -> memref<10000x128xf32, #tpu.memory_space<hbm>>
        tpu.wait_indirect_dma semaphore(%arg25 : memref<!tpu.dma_semaphore, #tpu.memory_space<semaphore_mem>>) src(%dma_wait3A_247 : memref<10000x128xf32, #tpu.memory_space<hbm>>) dst(%arg21 : memref<64x128xf32, #tpu.memory_space<vmem>>)
        %dma_start3A_248 = arith.constant 0 : i32
        %dma_start3A_249 = tpu.memref_slice %arg17[%add3A_231, %dma_start3A_248] : memref<40x64xi32, #tpu.memory_space<vmem>> -> memref<1x64xi32, #tpu.memory_space<vmem>>
        %dma_start3A_250 = tpu.memref_squeeze %dma_start3A_249 : memref<1x64xi32, #tpu.memory_space<vmem>> -> memref<64xi32, #tpu.memory_space<vmem>>
        %dma_start3A_251 = arith.constant 0 : i32
        %dma_start3A_252 = arith.constant 0 : i32
        %dma_start3A_253 = tpu.memref_slice %arg15[%dma_start3A_251, %dma_start3A_252] : memref<10240x128xf32, #tpu.memory_space<vmem_shared>> -> memref<10240x128xf32, #tpu.memory_space<vmem_shared>>
        tpu.enqueue_indirect_dma source(%arg21 : memref<64x128xf32, #tpu.memory_space<vmem>>) target(%dma_start3A_253 : memref<10240x128xf32, #tpu.memory_space<vmem_shared>>) offsets(%dma_start3A_250 : memref<64xi32, #tpu.memory_space<vmem>>) semaphore(%arg29 : memref<!tpu.dma_semaphore, #tpu.memory_space<semaphore_mem>>) {add = true}
        %scan3A_254 = arith.constant 0 : i32
        scf.yield %scan3A_254 : i32
      }
      %scan3A_136 = arith.constant 10 : i32
      %dma_wait3A_137 = arith.constant 0 : i32
      %dma_wait3A_138 = arith.constant 0 : i32
      %dma_wait3A_139 = tpu.memref_slice %arg17[%dma_wait3A_137, %dma_wait3A_138] : memref<40x64xi32, #tpu.memory_space<vmem>> -> memref<1x64xi32, #tpu.memory_space<vmem>>
      %dma_wait3A_140 = tpu.memref_squeeze %dma_wait3A_139 : memref<1x64xi32, #tpu.memory_space<vmem>> -> memref<64xi32, #tpu.memory_space<vmem>>
      %dma_wait3A_141 = arith.constant 0 : i32
      %dma_wait3A_142 = arith.constant 0 : i32
      %dma_wait3A_143 = tpu.memref_slice %arg15[%dma_wait3A_141, %dma_wait3A_142] : memref<10240x128xf32, #tpu.memory_space<vmem_shared>> -> memref<10240x128xf32, #tpu.memory_space<vmem_shared>>
      tpu.wait_indirect_dma semaphore(%arg28 : memref<!tpu.dma_semaphore, #tpu.memory_space<semaphore_mem>>) src(%arg20 : memref<64x128xf32, #tpu.memory_space<vmem>>) dst(%dma_wait3A_143 : memref<10240x128xf32, #tpu.memory_space<vmem_shared>>)
      %dma_wait3A_144 = arith.constant 0 : i32
      %dma_wait3A_145 = arith.constant 0 : i32
      %dma_wait3A_146 = tpu.memref_slice %arg17[%dma_wait3A_144, %dma_wait3A_145] : memref<40x64xi32, #tpu.memory_space<vmem>> -> memref<1x64xi32, #tpu.memory_space<vmem>>
      %dma_wait3A_147 = tpu.memref_squeeze %dma_wait3A_146 : memref<1x64xi32, #tpu.memory_space<vmem>> -> memref<64xi32, #tpu.memory_space<vmem>>
      %dma_wait3A_148 = arith.constant 0 : i32
      %dma_wait3A_149 = arith.constant 0 : i32
      %dma_wait3A_150 = tpu.memref_slice %arg15[%dma_wait3A_148, %dma_wait3A_149] : memref<10240x128xf32, #tpu.memory_space<vmem_shared>> -> memref<10240x128xf32, #tpu.memory_space<vmem_shared>>
      tpu.wait_indirect_dma semaphore(%arg29 : memref<!tpu.dma_semaphore, #tpu.memory_space<semaphore_mem>>) src(%arg21 : memref<64x128xf32, #tpu.memory_space<vmem>>) dst(%dma_wait3A_150 : memref<10240x128xf32, #tpu.memory_space<vmem_shared>>)
      %scan3A_151 = arith.constant 0 : i32
      scf.yield %scan3A_151 : i32
    }
    %scan3A_22 = arith.constant 4 : i32
    %barrier3A_23 = arith.constant 0 : index
    tpu.barrier barrier_id(%barrier3A_23)
    %mul3A_24 = arith.constant 640 : i32
    %mul3A_25 = arith.muli %arg1, %mul3A_24 : i32
    %mul3A_26 = arith.constant 10240 : i32
    %mul3A_27 = arith.muli %arg0, %mul3A_26 : i32
    %mul3A_28 = arith.constant 640 : i32
    %mul3A_29 = arith.muli %arg1, %mul3A_28 : i32
    %add3A_30 = arith.addi %mul3A_27, %mul3A_29 : i32
    "tpu.region"() ({
      %run_scoped3A = tpu.sem_alloc : memref<!tpu.dma_semaphore, #tpu.memory_space<semaphore_mem>>
      %dma_start3A_95 = arith.constant 0 : i32
      %dma_start3A_96 = tpu.memref_slice %arg12[%add3A_30, %dma_start3A_95] : memref<20480x128xf32, #tpu.memory_space<hbm>> -> memref<640x128xf32, #tpu.memory_space<hbm>>
      %dma_start3A_97 = arith.constant 0 : i32
      %dma_start3A_98 = tpu.memref_slice %arg15[%mul3A_25, %dma_start3A_97] : memref<10240x128xf32, #tpu.memory_space<vmem_shared>> -> memref<640x128xf32, #tpu.memory_space<vmem_shared>>
      tpu.enqueue_dma source(%dma_start3A_98 : memref<640x128xf32, #tpu.memory_space<vmem_shared>>) target(%dma_start3A_96 : memref<640x128xf32, #tpu.memory_space<hbm>>) target_semaphore(%run_scoped3A : memref<!tpu.dma_semaphore, #tpu.memory_space<semaphore_mem>>)
      %dma_wait3A_99 = arith.constant 0 : i32
      %dma_wait3A_100 = tpu.memref_slice %arg12[%add3A_30, %dma_wait3A_99] : memref<20480x128xf32, #tpu.memory_space<hbm>> -> memref<640x128xf32, #tpu.memory_space<hbm>>
      %dma_wait3A_101 = arith.constant 0 : i32
      %dma_wait3A_102 = tpu.memref_slice %arg15[%mul3A_25, %dma_wait3A_101] : memref<10240x128xf32, #tpu.memory_space<vmem_shared>> -> memref<640x128xf32, #tpu.memory_space<vmem_shared>>
      tpu.wait_dma2 semaphore(%run_scoped3A : memref<!tpu.dma_semaphore, #tpu.memory_space<semaphore_mem>>) src(%dma_wait3A_102 : memref<640x128xf32, #tpu.memory_space<vmem_shared>>) dst(%dma_wait3A_100 : memref<640x128xf32, #tpu.memory_space<hbm>>)
      tpu.yield
    }) : () -> ()
    %mul3A_31 = arith.constant 640 : i32
    %mul3A_32 = arith.muli %arg1, %mul3A_31 : i32
    %mul3A_33 = arith.constant 640 : i32
    %mul3A_34 = arith.muli %arg1, %mul3A_33 : i32
    %dma_start3A_35 = arith.constant 0 : i32
    %dma_start3A_36 = tpu.memref_slice %arg15[%mul3A_34, %dma_start3A_35] : memref<10240x128xf32, #tpu.memory_space<vmem_shared>> -> memref<640x128xf32, #tpu.memory_space<vmem_shared>>
    %dma_start3A_37 = arith.constant 0 : i32
    %dma_start3A_38 = tpu.memref_slice %arg11[%mul3A_32, %dma_start3A_37] : memref<10240x128xf32, #tpu.memory_space<hbm>> -> memref<640x128xf32, #tpu.memory_space<hbm>>
    tpu.enqueue_dma source(%dma_start3A_38 : memref<640x128xf32, #tpu.memory_space<hbm>>) target(%dma_start3A_36 : memref<640x128xf32, #tpu.memory_space<vmem_shared>>) target_semaphore(%arg22 : memref<!tpu.dma_semaphore, #tpu.memory_space<semaphore_mem>>)
    %mul3A_39 = arith.constant 640 : i32
    %mul3A_40 = arith.muli %arg1, %mul3A_39 : i32
    %mul3A_41 = arith.constant 640 : i32
    %mul3A_42 = arith.muli %arg1, %mul3A_41 : i32
    %dma_wait3A_43 = arith.constant 0 : i32
    %dma_wait3A_44 = tpu.memref_slice %arg15[%mul3A_42, %dma_wait3A_43] : memref<10240x128xf32, #tpu.memory_space<vmem_shared>> -> memref<640x128xf32, #tpu.memory_space<vmem_shared>>
    %dma_wait3A_45 = arith.constant 0 : i32
    %dma_wait3A_46 = tpu.memref_slice %arg11[%mul3A_40, %dma_wait3A_45] : memref<10240x128xf32, #tpu.memory_space<hbm>> -> memref<640x128xf32, #tpu.memory_space<hbm>>
    tpu.wait_dma2 semaphore(%arg22 : memref<!tpu.dma_semaphore, #tpu.memory_space<semaphore_mem>>) src(%dma_wait3A_46 : memref<640x128xf32, #tpu.memory_space<hbm>>) dst(%dma_wait3A_44 : memref<640x128xf32, #tpu.memory_space<vmem_shared>>)
    %barrier3A_47 = arith.constant 0 : index
    tpu.barrier barrier_id(%barrier3A_47)
    %scan3A_48 = arith.constant 0 : i32
    %scan3A_49 = arith.constant 0 : i32
    %scan3A_50 = arith.constant 4 : i32
    %scan3A_51 = arith.addi %scan3A_49, %scan3A_50 : i32
    %scan3A_52 = arith.constant 1 : i32
    %scan3A_53 = scf.for %scan3A_95 = %scan3A_49 to %scan3A_51 step %scan3A_52 iter_args(%scan3A_96 = %scan3A_48) -> (i32)  : i32 {
      %mul3A_97 = arith.constant 40 : i32
      %mul3A_98 = arith.muli %scan3A_95, %mul3A_97 : i32
      %add3A_99 = arith.addi %mul3A_2, %mul3A_98 : i32
      %dma_start3A_100 = arith.constant 0 : i32
      %dma_start3A_101 = tpu.memref_slice %arg4[%add3A_99, %dma_start3A_100] : memref<5120x64xi32, #tpu.memory_space<hbm>> -> memref<40x64xi32, #tpu.memory_space<hbm>>
      %dma_start3A_102 = arith.constant 0 : i32
      %dma_start3A_103 = tpu.memref_slice %arg4[%add3A_99, %dma_start3A_102] : memref<5120x64xi32, #tpu.memory_space<hbm>> -> memref<40x64xi32, #tpu.memory_space<hbm>>
      tpu.enqueue_dma source(%dma_start3A_103 : memref<40x64xi32, #tpu.memory_space<hbm>>) target(%arg16 : memref<40x64xi32, #tpu.memory_space<vmem>>) target_semaphore(%arg24 : memref<!tpu.dma_semaphore, #tpu.memory_space<semaphore_mem>>)
      %dma_start3A_104 = arith.constant 0 : i32
      %dma_start3A_105 = tpu.memref_slice %arg5[%add3A_99, %dma_start3A_104] : memref<5120x64xi32, #tpu.memory_space<hbm>> -> memref<40x64xi32, #tpu.memory_space<hbm>>
      %dma_start3A_106 = arith.constant 0 : i32
      %dma_start3A_107 = tpu.memref_slice %arg5[%add3A_99, %dma_start3A_106] : memref<5120x64xi32, #tpu.memory_space<hbm>> -> memref<40x64xi32, #tpu.memory_space<hbm>>
      tpu.enqueue_dma source(%dma_start3A_107 : memref<40x64xi32, #tpu.memory_space<hbm>>) target(%arg17 : memref<40x64xi32, #tpu.memory_space<vmem>>) target_semaphore(%arg25 : memref<!tpu.dma_semaphore, #tpu.memory_space<semaphore_mem>>)
      %dma_wait3A_108 = arith.constant 0 : i32
      %dma_wait3A_109 = tpu.memref_slice %arg4[%add3A_99, %dma_wait3A_108] : memref<5120x64xi32, #tpu.memory_space<hbm>> -> memref<40x64xi32, #tpu.memory_space<hbm>>
      %dma_wait3A_110 = arith.constant 0 : i32
      %dma_wait3A_111 = tpu.memref_slice %arg4[%add3A_99, %dma_wait3A_110] : memref<5120x64xi32, #tpu.memory_space<hbm>> -> memref<40x64xi32, #tpu.memory_space<hbm>>
      tpu.wait_dma2 semaphore(%arg24 : memref<!tpu.dma_semaphore, #tpu.memory_space<semaphore_mem>>) src(%dma_wait3A_111 : memref<40x64xi32, #tpu.memory_space<hbm>>) dst(%arg16 : memref<40x64xi32, #tpu.memory_space<vmem>>)
      %dma_wait3A_112 = arith.constant 0 : i32
      %dma_wait3A_113 = tpu.memref_slice %arg5[%add3A_99, %dma_wait3A_112] : memref<5120x64xi32, #tpu.memory_space<hbm>> -> memref<40x64xi32, #tpu.memory_space<hbm>>
      %dma_wait3A_114 = arith.constant 0 : i32
      %dma_wait3A_115 = tpu.memref_slice %arg5[%add3A_99, %dma_wait3A_114] : memref<5120x64xi32, #tpu.memory_space<hbm>> -> memref<40x64xi32, #tpu.memory_space<hbm>>
      tpu.wait_dma2 semaphore(%arg25 : memref<!tpu.dma_semaphore, #tpu.memory_space<semaphore_mem>>) src(%dma_wait3A_115 : memref<40x64xi32, #tpu.memory_space<hbm>>) dst(%arg17 : memref<40x64xi32, #tpu.memory_space<vmem>>)
      %dma_start3A_116 = arith.constant 0 : i32
      %dma_start3A_117 = arith.constant 0 : i32
      %dma_start3A_118 = tpu.memref_slice %arg16[%dma_start3A_116, %dma_start3A_117] : memref<40x64xi32, #tpu.memory_space<vmem>> -> memref<1x64xi32, #tpu.memory_space<vmem>>
      %dma_start3A_119 = tpu.memref_squeeze %dma_start3A_118 : memref<1x64xi32, #tpu.memory_space<vmem>> -> memref<64xi32, #tpu.memory_space<vmem>>
      %dma_start3A_120 = arith.constant 0 : i32
      %dma_start3A_121 = arith.constant 0 : i32
      %dma_start3A_122 = tpu.memref_slice %arg9[%dma_start3A_120, %dma_start3A_121] : memref<10000x128xf32, #tpu.memory_space<hbm>> -> memref<10000x128xf32, #tpu.memory_space<hbm>>
      tpu.enqueue_indirect_dma source(%dma_start3A_122 : memref<10000x128xf32, #tpu.memory_space<hbm>>) target(%arg18 : memref<64x128xf32, #tpu.memory_space<vmem>>) offsets(%dma_start3A_119 : memref<64xi32, #tpu.memory_space<vmem>>) semaphore(%arg22 : memref<!tpu.dma_semaphore, #tpu.memory_space<semaphore_mem>>)
      %dma_start3A_123 = arith.constant 1 : i32
      %dma_start3A_124 = arith.constant 0 : i32
      %dma_start3A_125 = tpu.memref_slice %arg16[%dma_start3A_123, %dma_start3A_124] : memref<40x64xi32, #tpu.memory_space<vmem>> -> memref<1x64xi32, #tpu.memory_space<vmem>>
      %dma_start3A_126 = tpu.memref_squeeze %dma_start3A_125 : memref<1x64xi32, #tpu.memory_space<vmem>> -> memref<64xi32, #tpu.memory_space<vmem>>
      %dma_start3A_127 = arith.constant 0 : i32
      %dma_start3A_128 = arith.constant 0 : i32
      %dma_start3A_129 = tpu.memref_slice %arg9[%dma_start3A_127, %dma_start3A_128] : memref<10000x128xf32, #tpu.memory_space<hbm>> -> memref<10000x128xf32, #tpu.memory_space<hbm>>
      tpu.enqueue_indirect_dma source(%dma_start3A_129 : memref<10000x128xf32, #tpu.memory_space<hbm>>) target(%arg19 : memref<64x128xf32, #tpu.memory_space<vmem>>) offsets(%dma_start3A_126 : memref<64xi32, #tpu.memory_space<vmem>>) semaphore(%arg23 : memref<!tpu.dma_semaphore, #tpu.memory_space<semaphore_mem>>)
      %scan3A_130 = arith.constant 0 : i32
      %scan3A_131 = arith.constant 0 : i32
      %scan3A_132 = arith.constant 10 : i32
      %scan3A_133 = arith.addi %scan3A_131, %scan3A_132 : i32
      %scan3A_134 = arith.constant 1 : i32
      %scan3A_135 = scf.for %scan3A_152 = %scan3A_131 to %scan3A_133 step %scan3A_134 iter_args(%scan3A_153 = %scan3A_130) -> (i32)  : i32 {
        %mul3A_154 = arith.constant 4 : i32
        %mul3A_155 = arith.muli %scan3A_152, %mul3A_154 : i32
        %add3A_156 = arith.constant 0 : i32
        %add3A_157 = arith.addi %mul3A_155, %add3A_156 : i32
        %ge3A = arith.constant 2 : i32
        %ge3A_158 = arith.cmpi sge, %add3A_157, %ge3A : i32
        %convert_element_type3A = arith.extui %ge3A_158 : i1 to i32
        %cond3A = arith.constant 0 : i32
        %cond3A_159 = arith.cmpi ne, %convert_element_type3A, %cond3A : i32
        scf.if %cond3A_159 {
          %dma_wait3A_255 = arith.constant 0 : i32
          %dma_wait3A_256 = arith.constant 0 : i32
          %dma_wait3A_257 = tpu.memref_slice %arg17[%dma_wait3A_255, %dma_wait3A_256] : memref<40x64xi32, #tpu.memory_space<vmem>> -> memref<1x64xi32, #tpu.memory_space<vmem>>
          %dma_wait3A_258 = tpu.memref_squeeze %dma_wait3A_257 : memref<1x64xi32, #tpu.memory_space<vmem>> -> memref<64xi32, #tpu.memory_space<vmem>>
          %dma_wait3A_259 = arith.constant 0 : i32
          %dma_wait3A_260 = arith.constant 0 : i32
          %dma_wait3A_261 = tpu.memref_slice %arg15[%dma_wait3A_259, %dma_wait3A_260] : memref<10240x128xf32, #tpu.memory_space<vmem_shared>> -> memref<10240x128xf32, #tpu.memory_space<vmem_shared>>
          tpu.wait_indirect_dma semaphore(%arg28 : memref<!tpu.dma_semaphore, #tpu.memory_space<semaphore_mem>>) src(%arg20 : memref<64x128xf32, #tpu.memory_space<vmem>>) dst(%dma_wait3A_261 : memref<10240x128xf32, #tpu.memory_space<vmem_shared>>)
        } else {
        }
        %lt3A = arith.constant 38 : i32
        %lt3A_160 = arith.cmpi slt, %add3A_157, %lt3A : i32
        %convert_element_type3A_161 = arith.extui %lt3A_160 : i1 to i32
        %cond3A_162 = arith.constant 0 : i32
        %cond3A_163 = arith.cmpi ne, %convert_element_type3A_161, %cond3A_162 : i32
        scf.if %cond3A_163 {
          %add3A_255 = arith.constant 2 : i32
          %add3A_256 = arith.addi %add3A_157, %add3A_255 : i32
          %dma_start3A_257 = arith.constant 0 : i32
          %dma_start3A_258 = tpu.memref_slice %arg16[%add3A_256, %dma_start3A_257] : memref<40x64xi32, #tpu.memory_space<vmem>> -> memref<1x64xi32, #tpu.memory_space<vmem>>
          %dma_start3A_259 = tpu.memref_squeeze %dma_start3A_258 : memref<1x64xi32, #tpu.memory_space<vmem>> -> memref<64xi32, #tpu.memory_space<vmem>>
          %dma_start3A_260 = arith.constant 0 : i32
          %dma_start3A_261 = arith.constant 0 : i32
          %dma_start3A_262 = tpu.memref_slice %arg9[%dma_start3A_260, %dma_start3A_261] : memref<10000x128xf32, #tpu.memory_space<hbm>> -> memref<10000x128xf32, #tpu.memory_space<hbm>>
          tpu.enqueue_indirect_dma source(%dma_start3A_262 : memref<10000x128xf32, #tpu.memory_space<hbm>>) target(%arg20 : memref<64x128xf32, #tpu.memory_space<vmem>>) offsets(%dma_start3A_259 : memref<64xi32, #tpu.memory_space<vmem>>) semaphore(%arg24 : memref<!tpu.dma_semaphore, #tpu.memory_space<semaphore_mem>>)
        } else {
        }
        %dma_wait3A_164 = arith.constant 0 : i32
        %dma_wait3A_165 = tpu.memref_slice %arg16[%add3A_157, %dma_wait3A_164] : memref<40x64xi32, #tpu.memory_space<vmem>> -> memref<1x64xi32, #tpu.memory_space<vmem>>
        %dma_wait3A_166 = tpu.memref_squeeze %dma_wait3A_165 : memref<1x64xi32, #tpu.memory_space<vmem>> -> memref<64xi32, #tpu.memory_space<vmem>>
        %dma_wait3A_167 = arith.constant 0 : i32
        %dma_wait3A_168 = arith.constant 0 : i32
        %dma_wait3A_169 = tpu.memref_slice %arg9[%dma_wait3A_167, %dma_wait3A_168] : memref<10000x128xf32, #tpu.memory_space<hbm>> -> memref<10000x128xf32, #tpu.memory_space<hbm>>
        tpu.wait_indirect_dma semaphore(%arg22 : memref<!tpu.dma_semaphore, #tpu.memory_space<semaphore_mem>>) src(%dma_wait3A_169 : memref<10000x128xf32, #tpu.memory_space<hbm>>) dst(%arg18 : memref<64x128xf32, #tpu.memory_space<vmem>>)
        %dma_start3A_170 = arith.constant 0 : i32
        %dma_start3A_171 = tpu.memref_slice %arg17[%add3A_157, %dma_start3A_170] : memref<40x64xi32, #tpu.memory_space<vmem>> -> memref<1x64xi32, #tpu.memory_space<vmem>>
        %dma_start3A_172 = tpu.memref_squeeze %dma_start3A_171 : memref<1x64xi32, #tpu.memory_space<vmem>> -> memref<64xi32, #tpu.memory_space<vmem>>
        %dma_start3A_173 = arith.constant 0 : i32
        %dma_start3A_174 = arith.constant 0 : i32
        %dma_start3A_175 = tpu.memref_slice %arg15[%dma_start3A_173, %dma_start3A_174] : memref<10240x128xf32, #tpu.memory_space<vmem_shared>> -> memref<10240x128xf32, #tpu.memory_space<vmem_shared>>
        tpu.enqueue_indirect_dma source(%arg18 : memref<64x128xf32, #tpu.memory_space<vmem>>) target(%dma_start3A_175 : memref<10240x128xf32, #tpu.memory_space<vmem_shared>>) offsets(%dma_start3A_172 : memref<64xi32, #tpu.memory_space<vmem>>) semaphore(%arg26 : memref<!tpu.dma_semaphore, #tpu.memory_space<semaphore_mem>>) {add = true}
        %mul3A_176 = arith.constant 4 : i32
        %mul3A_177 = arith.muli %scan3A_152, %mul3A_176 : i32
        %add3A_178 = arith.constant 1 : i32
        %add3A_179 = arith.addi %mul3A_177, %add3A_178 : i32
        %ge3A_180 = arith.constant 2 : i32
        %ge3A_181 = arith.cmpi sge, %add3A_179, %ge3A_180 : i32
        %convert_element_type3A_182 = arith.extui %ge3A_181 : i1 to i32
        %cond3A_183 = arith.constant 0 : i32
        %cond3A_184 = arith.cmpi ne, %convert_element_type3A_182, %cond3A_183 : i32
        scf.if %cond3A_184 {
          %dma_wait3A_255 = arith.constant 0 : i32
          %dma_wait3A_256 = arith.constant 0 : i32
          %dma_wait3A_257 = tpu.memref_slice %arg17[%dma_wait3A_255, %dma_wait3A_256] : memref<40x64xi32, #tpu.memory_space<vmem>> -> memref<1x64xi32, #tpu.memory_space<vmem>>
          %dma_wait3A_258 = tpu.memref_squeeze %dma_wait3A_257 : memref<1x64xi32, #tpu.memory_space<vmem>> -> memref<64xi32, #tpu.memory_space<vmem>>
          %dma_wait3A_259 = arith.constant 0 : i32
          %dma_wait3A_260 = arith.constant 0 : i32
          %dma_wait3A_261 = tpu.memref_slice %arg15[%dma_wait3A_259, %dma_wait3A_260] : memref<10240x128xf32, #tpu.memory_space<vmem_shared>> -> memref<10240x128xf32, #tpu.memory_space<vmem_shared>>
          tpu.wait_indirect_dma semaphore(%arg29 : memref<!tpu.dma_semaphore, #tpu.memory_space<semaphore_mem>>) src(%arg21 : memref<64x128xf32, #tpu.memory_space<vmem>>) dst(%dma_wait3A_261 : memref<10240x128xf32, #tpu.memory_space<vmem_shared>>)
        } else {
        }
        %lt3A_185 = arith.constant 38 : i32
        %lt3A_186 = arith.cmpi slt, %add3A_179, %lt3A_185 : i32
        %convert_element_type3A_187 = arith.extui %lt3A_186 : i1 to i32
        %cond3A_188 = arith.constant 0 : i32
        %cond3A_189 = arith.cmpi ne, %convert_element_type3A_187, %cond3A_188 : i32
        scf.if %cond3A_189 {
          %add3A_255 = arith.constant 2 : i32
          %add3A_256 = arith.addi %add3A_179, %add3A_255 : i32
          %dma_start3A_257 = arith.constant 0 : i32
          %dma_start3A_258 = tpu.memref_slice %arg16[%add3A_256, %dma_start3A_257] : memref<40x64xi32, #tpu.memory_space<vmem>> -> memref<1x64xi32, #tpu.memory_space<vmem>>
          %dma_start3A_259 = tpu.memref_squeeze %dma_start3A_258 : memref<1x64xi32, #tpu.memory_space<vmem>> -> memref<64xi32, #tpu.memory_space<vmem>>
          %dma_start3A_260 = arith.constant 0 : i32
          %dma_start3A_261 = arith.constant 0 : i32
          %dma_start3A_262 = tpu.memref_slice %arg9[%dma_start3A_260, %dma_start3A_261] : memref<10000x128xf32, #tpu.memory_space<hbm>> -> memref<10000x128xf32, #tpu.memory_space<hbm>>
          tpu.enqueue_indirect_dma source(%dma_start3A_262 : memref<10000x128xf32, #tpu.memory_space<hbm>>) target(%arg21 : memref<64x128xf32, #tpu.memory_space<vmem>>) offsets(%dma_start3A_259 : memref<64xi32, #tpu.memory_space<vmem>>) semaphore(%arg25 : memref<!tpu.dma_semaphore, #tpu.memory_space<semaphore_mem>>)
        } else {
        }
        %dma_wait3A_190 = arith.constant 0 : i32
        %dma_wait3A_191 = tpu.memref_slice %arg16[%add3A_179, %dma_wait3A_190] : memref<40x64xi32, #tpu.memory_space<vmem>> -> memref<1x64xi32, #tpu.memory_space<vmem>>
        %dma_wait3A_192 = tpu.memref_squeeze %dma_wait3A_191 : memref<1x64xi32, #tpu.memory_space<vmem>> -> memref<64xi32, #tpu.memory_space<vmem>>
        %dma_wait3A_193 = arith.constant 0 : i32
        %dma_wait3A_194 = arith.constant 0 : i32
        %dma_wait3A_195 = tpu.memref_slice %arg9[%dma_wait3A_193, %dma_wait3A_194] : memref<10000x128xf32, #tpu.memory_space<hbm>> -> memref<10000x128xf32, #tpu.memory_space<hbm>>
        tpu.wait_indirect_dma semaphore(%arg23 : memref<!tpu.dma_semaphore, #tpu.memory_space<semaphore_mem>>) src(%dma_wait3A_195 : memref<10000x128xf32, #tpu.memory_space<hbm>>) dst(%arg19 : memref<64x128xf32, #tpu.memory_space<vmem>>)
        %dma_start3A_196 = arith.constant 0 : i32
        %dma_start3A_197 = tpu.memref_slice %arg17[%add3A_179, %dma_start3A_196] : memref<40x64xi32, #tpu.memory_space<vmem>> -> memref<1x64xi32, #tpu.memory_space<vmem>>
        %dma_start3A_198 = tpu.memref_squeeze %dma_start3A_197 : memref<1x64xi32, #tpu.memory_space<vmem>> -> memref<64xi32, #tpu.memory_space<vmem>>
        %dma_start3A_199 = arith.constant 0 : i32
        %dma_start3A_200 = arith.constant 0 : i32
        %dma_start3A_201 = tpu.memref_slice %arg15[%dma_start3A_199, %dma_start3A_200] : memref<10240x128xf32, #tpu.memory_space<vmem_shared>> -> memref<10240x128xf32, #tpu.memory_space<vmem_shared>>
        tpu.enqueue_indirect_dma source(%arg19 : memref<64x128xf32, #tpu.memory_space<vmem>>) target(%dma_start3A_201 : memref<10240x128xf32, #tpu.memory_space<vmem_shared>>) offsets(%dma_start3A_198 : memref<64xi32, #tpu.memory_space<vmem>>) semaphore(%arg27 : memref<!tpu.dma_semaphore, #tpu.memory_space<semaphore_mem>>) {add = true}
        %mul3A_202 = arith.constant 4 : i32
        %mul3A_203 = arith.muli %scan3A_152, %mul3A_202 : i32
        %add3A_204 = arith.constant 2 : i32
        %add3A_205 = arith.addi %mul3A_203, %add3A_204 : i32
        %ge3A_206 = arith.constant 2 : i32
        %ge3A_207 = arith.cmpi sge, %add3A_205, %ge3A_206 : i32
        %convert_element_type3A_208 = arith.extui %ge3A_207 : i1 to i32
        %cond3A_209 = arith.constant 0 : i32
        %cond3A_210 = arith.cmpi ne, %convert_element_type3A_208, %cond3A_209 : i32
        scf.if %cond3A_210 {
          %dma_wait3A_255 = arith.constant 0 : i32
          %dma_wait3A_256 = arith.constant 0 : i32
          %dma_wait3A_257 = tpu.memref_slice %arg17[%dma_wait3A_255, %dma_wait3A_256] : memref<40x64xi32, #tpu.memory_space<vmem>> -> memref<1x64xi32, #tpu.memory_space<vmem>>
          %dma_wait3A_258 = tpu.memref_squeeze %dma_wait3A_257 : memref<1x64xi32, #tpu.memory_space<vmem>> -> memref<64xi32, #tpu.memory_space<vmem>>
          %dma_wait3A_259 = arith.constant 0 : i32
          %dma_wait3A_260 = arith.constant 0 : i32
          %dma_wait3A_261 = tpu.memref_slice %arg15[%dma_wait3A_259, %dma_wait3A_260] : memref<10240x128xf32, #tpu.memory_space<vmem_shared>> -> memref<10240x128xf32, #tpu.memory_space<vmem_shared>>
          tpu.wait_indirect_dma semaphore(%arg26 : memref<!tpu.dma_semaphore, #tpu.memory_space<semaphore_mem>>) src(%arg18 : memref<64x128xf32, #tpu.memory_space<vmem>>) dst(%dma_wait3A_261 : memref<10240x128xf32, #tpu.memory_space<vmem_shared>>)
        } else {
        }
        %lt3A_211 = arith.constant 38 : i32
        %lt3A_212 = arith.cmpi slt, %add3A_205, %lt3A_211 : i32
        %convert_element_type3A_213 = arith.extui %lt3A_212 : i1 to i32
        %cond3A_214 = arith.constant 0 : i32
        %cond3A_215 = arith.cmpi ne, %convert_element_type3A_213, %cond3A_214 : i32
        scf.if %cond3A_215 {
          %add3A_255 = arith.constant 2 : i32
          %add3A_256 = arith.addi %add3A_205, %add3A_255 : i32
          %dma_start3A_257 = arith.constant 0 : i32
          %dma_start3A_258 = tpu.memref_slice %arg16[%add3A_256, %dma_start3A_257] : memref<40x64xi32, #tpu.memory_space<vmem>> -> memref<1x64xi32, #tpu.memory_space<vmem>>
          %dma_start3A_259 = tpu.memref_squeeze %dma_start3A_258 : memref<1x64xi32, #tpu.memory_space<vmem>> -> memref<64xi32, #tpu.memory_space<vmem>>
          %dma_start3A_260 = arith.constant 0 : i32
          %dma_start3A_261 = arith.constant 0 : i32
          %dma_start3A_262 = tpu.memref_slice %arg9[%dma_start3A_260, %dma_start3A_261] : memref<10000x128xf32, #tpu.memory_space<hbm>> -> memref<10000x128xf32, #tpu.memory_space<hbm>>
          tpu.enqueue_indirect_dma source(%dma_start3A_262 : memref<10000x128xf32, #tpu.memory_space<hbm>>) target(%arg18 : memref<64x128xf32, #tpu.memory_space<vmem>>) offsets(%dma_start3A_259 : memref<64xi32, #tpu.memory_space<vmem>>) semaphore(%arg22 : memref<!tpu.dma_semaphore, #tpu.memory_space<semaphore_mem>>)
        } else {
        }
        %dma_wait3A_216 = arith.constant 0 : i32
        %dma_wait3A_217 = tpu.memref_slice %arg16[%add3A_205, %dma_wait3A_216] : memref<40x64xi32, #tpu.memory_space<vmem>> -> memref<1x64xi32, #tpu.memory_space<vmem>>
        %dma_wait3A_218 = tpu.memref_squeeze %dma_wait3A_217 : memref<1x64xi32, #tpu.memory_space<vmem>> -> memref<64xi32, #tpu.memory_space<vmem>>
        %dma_wait3A_219 = arith.constant 0 : i32
        %dma_wait3A_220 = arith.constant 0 : i32
        %dma_wait3A_221 = tpu.memref_slice %arg9[%dma_wait3A_219, %dma_wait3A_220] : memref<10000x128xf32, #tpu.memory_space<hbm>> -> memref<10000x128xf32, #tpu.memory_space<hbm>>
        tpu.wait_indirect_dma semaphore(%arg24 : memref<!tpu.dma_semaphore, #tpu.memory_space<semaphore_mem>>) src(%dma_wait3A_221 : memref<10000x128xf32, #tpu.memory_space<hbm>>) dst(%arg20 : memref<64x128xf32, #tpu.memory_space<vmem>>)
        %dma_start3A_222 = arith.constant 0 : i32
        %dma_start3A_223 = tpu.memref_slice %arg17[%add3A_205, %dma_start3A_222] : memref<40x64xi32, #tpu.memory_space<vmem>> -> memref<1x64xi32, #tpu.memory_space<vmem>>
        %dma_start3A_224 = tpu.memref_squeeze %dma_start3A_223 : memref<1x64xi32, #tpu.memory_space<vmem>> -> memref<64xi32, #tpu.memory_space<vmem>>
        %dma_start3A_225 = arith.constant 0 : i32
        %dma_start3A_226 = arith.constant 0 : i32
        %dma_start3A_227 = tpu.memref_slice %arg15[%dma_start3A_225, %dma_start3A_226] : memref<10240x128xf32, #tpu.memory_space<vmem_shared>> -> memref<10240x128xf32, #tpu.memory_space<vmem_shared>>
        tpu.enqueue_indirect_dma source(%arg20 : memref<64x128xf32, #tpu.memory_space<vmem>>) target(%dma_start3A_227 : memref<10240x128xf32, #tpu.memory_space<vmem_shared>>) offsets(%dma_start3A_224 : memref<64xi32, #tpu.memory_space<vmem>>) semaphore(%arg28 : memref<!tpu.dma_semaphore, #tpu.memory_space<semaphore_mem>>) {add = true}
        %mul3A_228 = arith.constant 4 : i32
        %mul3A_229 = arith.muli %scan3A_152, %mul3A_228 : i32
        %add3A_230 = arith.constant 3 : i32
        %add3A_231 = arith.addi %mul3A_229, %add3A_230 : i32
        %ge3A_232 = arith.constant 2 : i32
        %ge3A_233 = arith.cmpi sge, %add3A_231, %ge3A_232 : i32
        %convert_element_type3A_234 = arith.extui %ge3A_233 : i1 to i32
        %cond3A_235 = arith.constant 0 : i32
        %cond3A_236 = arith.cmpi ne, %convert_element_type3A_234, %cond3A_235 : i32
        scf.if %cond3A_236 {
          %dma_wait3A_255 = arith.constant 0 : i32
          %dma_wait3A_256 = arith.constant 0 : i32
          %dma_wait3A_257 = tpu.memref_slice %arg17[%dma_wait3A_255, %dma_wait3A_256] : memref<40x64xi32, #tpu.memory_space<vmem>> -> memref<1x64xi32, #tpu.memory_space<vmem>>
          %dma_wait3A_258 = tpu.memref_squeeze %dma_wait3A_257 : memref<1x64xi32, #tpu.memory_space<vmem>> -> memref<64xi32, #tpu.memory_space<vmem>>
          %dma_wait3A_259 = arith.constant 0 : i32
          %dma_wait3A_260 = arith.constant 0 : i32
          %dma_wait3A_261 = tpu.memref_slice %arg15[%dma_wait3A_259, %dma_wait3A_260] : memref<10240x128xf32, #tpu.memory_space<vmem_shared>> -> memref<10240x128xf32, #tpu.memory_space<vmem_shared>>
          tpu.wait_indirect_dma semaphore(%arg27 : memref<!tpu.dma_semaphore, #tpu.memory_space<semaphore_mem>>) src(%arg19 : memref<64x128xf32, #tpu.memory_space<vmem>>) dst(%dma_wait3A_261 : memref<10240x128xf32, #tpu.memory_space<vmem_shared>>)
        } else {
        }
        %lt3A_237 = arith.constant 38 : i32
        %lt3A_238 = arith.cmpi slt, %add3A_231, %lt3A_237 : i32
        %convert_element_type3A_239 = arith.extui %lt3A_238 : i1 to i32
        %cond3A_240 = arith.constant 0 : i32
        %cond3A_241 = arith.cmpi ne, %convert_element_type3A_239, %cond3A_240 : i32
        scf.if %cond3A_241 {
          %add3A_255 = arith.constant 2 : i32
          %add3A_256 = arith.addi %add3A_231, %add3A_255 : i32
          %dma_start3A_257 = arith.constant 0 : i32
          %dma_start3A_258 = tpu.memref_slice %arg16[%add3A_256, %dma_start3A_257] : memref<40x64xi32, #tpu.memory_space<vmem>> -> memref<1x64xi32, #tpu.memory_space<vmem>>
          %dma_start3A_259 = tpu.memref_squeeze %dma_start3A_258 : memref<1x64xi32, #tpu.memory_space<vmem>> -> memref<64xi32, #tpu.memory_space<vmem>>
          %dma_start3A_260 = arith.constant 0 : i32
          %dma_start3A_261 = arith.constant 0 : i32
          %dma_start3A_262 = tpu.memref_slice %arg9[%dma_start3A_260, %dma_start3A_261] : memref<10000x128xf32, #tpu.memory_space<hbm>> -> memref<10000x128xf32, #tpu.memory_space<hbm>>
          tpu.enqueue_indirect_dma source(%dma_start3A_262 : memref<10000x128xf32, #tpu.memory_space<hbm>>) target(%arg19 : memref<64x128xf32, #tpu.memory_space<vmem>>) offsets(%dma_start3A_259 : memref<64xi32, #tpu.memory_space<vmem>>) semaphore(%arg23 : memref<!tpu.dma_semaphore, #tpu.memory_space<semaphore_mem>>)
        } else {
        }
        %dma_wait3A_242 = arith.constant 0 : i32
        %dma_wait3A_243 = tpu.memref_slice %arg16[%add3A_231, %dma_wait3A_242] : memref<40x64xi32, #tpu.memory_space<vmem>> -> memref<1x64xi32, #tpu.memory_space<vmem>>
        %dma_wait3A_244 = tpu.memref_squeeze %dma_wait3A_243 : memref<1x64xi32, #tpu.memory_space<vmem>> -> memref<64xi32, #tpu.memory_space<vmem>>
        %dma_wait3A_245 = arith.constant 0 : i32
        %dma_wait3A_246 = arith.constant 0 : i32
        %dma_wait3A_247 = tpu.memref_slice %arg9[%dma_wait3A_245, %dma_wait3A_246] : memref<10000x128xf32, #tpu.memory_space<hbm>> -> memref<10000x128xf32, #tpu.memory_space<hbm>>
        tpu.wait_indirect_dma semaphore(%arg25 : memref<!tpu.dma_semaphore, #tpu.memory_space<semaphore_mem>>) src(%dma_wait3A_247 : memref<10000x128xf32, #tpu.memory_space<hbm>>) dst(%arg21 : memref<64x128xf32, #tpu.memory_space<vmem>>)
        %dma_start3A_248 = arith.constant 0 : i32
        %dma_start3A_249 = tpu.memref_slice %arg17[%add3A_231, %dma_start3A_248] : memref<40x64xi32, #tpu.memory_space<vmem>> -> memref<1x64xi32, #tpu.memory_space<vmem>>
        %dma_start3A_250 = tpu.memref_squeeze %dma_start3A_249 : memref<1x64xi32, #tpu.memory_space<vmem>> -> memref<64xi32, #tpu.memory_space<vmem>>
        %dma_start3A_251 = arith.constant 0 : i32
        %dma_start3A_252 = arith.constant 0 : i32
        %dma_start3A_253 = tpu.memref_slice %arg15[%dma_start3A_251, %dma_start3A_252] : memref<10240x128xf32, #tpu.memory_space<vmem_shared>> -> memref<10240x128xf32, #tpu.memory_space<vmem_shared>>
        tpu.enqueue_indirect_dma source(%arg21 : memref<64x128xf32, #tpu.memory_space<vmem>>) target(%dma_start3A_253 : memref<10240x128xf32, #tpu.memory_space<vmem_shared>>) offsets(%dma_start3A_250 : memref<64xi32, #tpu.memory_space<vmem>>) semaphore(%arg29 : memref<!tpu.dma_semaphore, #tpu.memory_space<semaphore_mem>>) {add = true}
        %scan3A_254 = arith.constant 0 : i32
        scf.yield %scan3A_254 : i32
      }
      %scan3A_136 = arith.constant 10 : i32
      %dma_wait3A_137 = arith.constant 0 : i32
      %dma_wait3A_138 = arith.constant 0 : i32
      %dma_wait3A_139 = tpu.memref_slice %arg17[%dma_wait3A_137, %dma_wait3A_138] : memref<40x64xi32, #tpu.memory_space<vmem>> -> memref<1x64xi32, #tpu.memory_space<vmem>>
      %dma_wait3A_140 = tpu.memref_squeeze %dma_wait3A_139 : memref<1x64xi32, #tpu.memory_space<vmem>> -> memref<64xi32, #tpu.memory_space<vmem>>
      %dma_wait3A_141 = arith.constant 0 : i32
      %dma_wait3A_142 = arith.constant 0 : i32
      %dma_wait3A_143 = tpu.memref_slice %arg15[%dma_wait3A_141, %dma_wait3A_142] : memref<10240x128xf32, #tpu.memory_space<vmem_shared>> -> memref<10240x128xf32, #tpu.memory_space<vmem_shared>>
      tpu.wait_indirect_dma semaphore(%arg28 : memref<!tpu.dma_semaphore, #tpu.memory_space<semaphore_mem>>) src(%arg20 : memref<64x128xf32, #tpu.memory_space<vmem>>) dst(%dma_wait3A_143 : memref<10240x128xf32, #tpu.memory_space<vmem_shared>>)
      %dma_wait3A_144 = arith.constant 0 : i32
      %dma_wait3A_145 = arith.constant 0 : i32
      %dma_wait3A_146 = tpu.memref_slice %arg17[%dma_wait3A_144, %dma_wait3A_145] : memref<40x64xi32, #tpu.memory_space<vmem>> -> memref<1x64xi32, #tpu.memory_space<vmem>>
      %dma_wait3A_147 = tpu.memref_squeeze %dma_wait3A_146 : memref<1x64xi32, #tpu.memory_space<vmem>> -> memref<64xi32, #tpu.memory_space<vmem>>
      %dma_wait3A_148 = arith.constant 0 : i32
      %dma_wait3A_149 = arith.constant 0 : i32
      %dma_wait3A_150 = tpu.memref_slice %arg15[%dma_wait3A_148, %dma_wait3A_149] : memref<10240x128xf32, #tpu.memory_space<vmem_shared>> -> memref<10240x128xf32, #tpu.memory_space<vmem_shared>>
      tpu.wait_indirect_dma semaphore(%arg29 : memref<!tpu.dma_semaphore, #tpu.memory_space<semaphore_mem>>) src(%arg21 : memref<64x128xf32, #tpu.memory_space<vmem>>) dst(%dma_wait3A_150 : memref<10240x128xf32, #tpu.memory_space<vmem_shared>>)
      %scan3A_151 = arith.constant 0 : i32
      scf.yield %scan3A_151 : i32
    }
    %scan3A_54 = arith.constant 4 : i32
    %barrier3A_55 = arith.constant 0 : index
    tpu.barrier barrier_id(%barrier3A_55)
    %mul3A_56 = arith.constant 640 : i32
    %mul3A_57 = arith.muli %arg1, %mul3A_56 : i32
    %mul3A_58 = arith.constant 10240 : i32
    %mul3A_59 = arith.muli %arg0, %mul3A_58 : i32
    %mul3A_60 = arith.constant 640 : i32
    %mul3A_61 = arith.muli %arg1, %mul3A_60 : i32
    %add3A_62 = arith.addi %mul3A_59, %mul3A_61 : i32
    "tpu.region"() ({
      %run_scoped3A = tpu.sem_alloc : memref<!tpu.dma_semaphore, #tpu.memory_space<semaphore_mem>>
      %dma_start3A_95 = arith.constant 0 : i32
      %dma_start3A_96 = tpu.memref_slice %arg13[%add3A_62, %dma_start3A_95] : memref<20480x128xf32, #tpu.memory_space<hbm>> -> memref<640x128xf32, #tpu.memory_space<hbm>>
      %dma_start3A_97 = arith.constant 0 : i32
      %dma_start3A_98 = tpu.memref_slice %arg15[%mul3A_57, %dma_start3A_97] : memref<10240x128xf32, #tpu.memory_space<vmem_shared>> -> memref<640x128xf32, #tpu.memory_space<vmem_shared>>
      tpu.enqueue_dma source(%dma_start3A_98 : memref<640x128xf32, #tpu.memory_space<vmem_shared>>) target(%dma_start3A_96 : memref<640x128xf32, #tpu.memory_space<hbm>>) target_semaphore(%run_scoped3A : memref<!tpu.dma_semaphore, #tpu.memory_space<semaphore_mem>>)
      %dma_wait3A_99 = arith.constant 0 : i32
      %dma_wait3A_100 = tpu.memref_slice %arg13[%add3A_62, %dma_wait3A_99] : memref<20480x128xf32, #tpu.memory_space<hbm>> -> memref<640x128xf32, #tpu.memory_space<hbm>>
      %dma_wait3A_101 = arith.constant 0 : i32
      %dma_wait3A_102 = tpu.memref_slice %arg15[%mul3A_57, %dma_wait3A_101] : memref<10240x128xf32, #tpu.memory_space<vmem_shared>> -> memref<640x128xf32, #tpu.memory_space<vmem_shared>>
      tpu.wait_dma2 semaphore(%run_scoped3A : memref<!tpu.dma_semaphore, #tpu.memory_space<semaphore_mem>>) src(%dma_wait3A_102 : memref<640x128xf32, #tpu.memory_space<vmem_shared>>) dst(%dma_wait3A_100 : memref<640x128xf32, #tpu.memory_space<hbm>>)
      tpu.yield
    }) : () -> ()
    %mul3A_63 = arith.constant 640 : i32
    %mul3A_64 = arith.muli %arg1, %mul3A_63 : i32
    %mul3A_65 = arith.constant 640 : i32
    %mul3A_66 = arith.muli %arg1, %mul3A_65 : i32
    %dma_start3A_67 = arith.constant 0 : i32
    %dma_start3A_68 = tpu.memref_slice %arg15[%mul3A_66, %dma_start3A_67] : memref<10240x128xf32, #tpu.memory_space<vmem_shared>> -> memref<640x128xf32, #tpu.memory_space<vmem_shared>>
    %dma_start3A_69 = arith.constant 0 : i32
    %dma_start3A_70 = tpu.memref_slice %arg11[%mul3A_64, %dma_start3A_69] : memref<10240x128xf32, #tpu.memory_space<hbm>> -> memref<640x128xf32, #tpu.memory_space<hbm>>
    tpu.enqueue_dma source(%dma_start3A_70 : memref<640x128xf32, #tpu.memory_space<hbm>>) target(%dma_start3A_68 : memref<640x128xf32, #tpu.memory_space<vmem_shared>>) target_semaphore(%arg22 : memref<!tpu.dma_semaphore, #tpu.memory_space<semaphore_mem>>)
    %mul3A_71 = arith.constant 640 : i32
    %mul3A_72 = arith.muli %arg1, %mul3A_71 : i32
    %mul3A_73 = arith.constant 640 : i32
    %mul3A_74 = arith.muli %arg1, %mul3A_73 : i32
    %dma_wait3A_75 = arith.constant 0 : i32
    %dma_wait3A_76 = tpu.memref_slice %arg15[%mul3A_74, %dma_wait3A_75] : memref<10240x128xf32, #tpu.memory_space<vmem_shared>> -> memref<640x128xf32, #tpu.memory_space<vmem_shared>>
    %dma_wait3A_77 = arith.constant 0 : i32
    %dma_wait3A_78 = tpu.memref_slice %arg11[%mul3A_72, %dma_wait3A_77] : memref<10240x128xf32, #tpu.memory_space<hbm>> -> memref<640x128xf32, #tpu.memory_space<hbm>>
    tpu.wait_dma2 semaphore(%arg22 : memref<!tpu.dma_semaphore, #tpu.memory_space<semaphore_mem>>) src(%dma_wait3A_78 : memref<640x128xf32, #tpu.memory_space<hbm>>) dst(%dma_wait3A_76 : memref<640x128xf32, #tpu.memory_space<vmem_shared>>)
    %barrier3A_79 = arith.constant 0 : index
    tpu.barrier barrier_id(%barrier3A_79)
    %scan3A_80 = arith.constant 0 : i32
    %scan3A_81 = arith.constant 0 : i32
    %scan3A_82 = arith.constant 4 : i32
    %scan3A_83 = arith.addi %scan3A_81, %scan3A_82 : i32
    %scan3A_84 = arith.constant 1 : i32
    %scan3A_85 = scf.for %scan3A_95 = %scan3A_81 to %scan3A_83 step %scan3A_84 iter_args(%scan3A_96 = %scan3A_80) -> (i32)  : i32 {
      %mul3A_97 = arith.constant 40 : i32
      %mul3A_98 = arith.muli %scan3A_95, %mul3A_97 : i32
      %add3A_99 = arith.addi %mul3A_2, %mul3A_98 : i32
      %dma_start3A_100 = arith.constant 0 : i32
      %dma_start3A_101 = tpu.memref_slice %arg6[%add3A_99, %dma_start3A_100] : memref<5120x64xi32, #tpu.memory_space<hbm>> -> memref<40x64xi32, #tpu.memory_space<hbm>>
      %dma_start3A_102 = arith.constant 0 : i32
      %dma_start3A_103 = tpu.memref_slice %arg6[%add3A_99, %dma_start3A_102] : memref<5120x64xi32, #tpu.memory_space<hbm>> -> memref<40x64xi32, #tpu.memory_space<hbm>>
      tpu.enqueue_dma source(%dma_start3A_103 : memref<40x64xi32, #tpu.memory_space<hbm>>) target(%arg16 : memref<40x64xi32, #tpu.memory_space<vmem>>) target_semaphore(%arg24 : memref<!tpu.dma_semaphore, #tpu.memory_space<semaphore_mem>>)
      %dma_start3A_104 = arith.constant 0 : i32
      %dma_start3A_105 = tpu.memref_slice %arg7[%add3A_99, %dma_start3A_104] : memref<5120x64xi32, #tpu.memory_space<hbm>> -> memref<40x64xi32, #tpu.memory_space<hbm>>
      %dma_start3A_106 = arith.constant 0 : i32
      %dma_start3A_107 = tpu.memref_slice %arg7[%add3A_99, %dma_start3A_106] : memref<5120x64xi32, #tpu.memory_space<hbm>> -> memref<40x64xi32, #tpu.memory_space<hbm>>
      tpu.enqueue_dma source(%dma_start3A_107 : memref<40x64xi32, #tpu.memory_space<hbm>>) target(%arg17 : memref<40x64xi32, #tpu.memory_space<vmem>>) target_semaphore(%arg25 : memref<!tpu.dma_semaphore, #tpu.memory_space<semaphore_mem>>)
      %dma_wait3A_108 = arith.constant 0 : i32
      %dma_wait3A_109 = tpu.memref_slice %arg6[%add3A_99, %dma_wait3A_108] : memref<5120x64xi32, #tpu.memory_space<hbm>> -> memref<40x64xi32, #tpu.memory_space<hbm>>
      %dma_wait3A_110 = arith.constant 0 : i32
      %dma_wait3A_111 = tpu.memref_slice %arg6[%add3A_99, %dma_wait3A_110] : memref<5120x64xi32, #tpu.memory_space<hbm>> -> memref<40x64xi32, #tpu.memory_space<hbm>>
      tpu.wait_dma2 semaphore(%arg24 : memref<!tpu.dma_semaphore, #tpu.memory_space<semaphore_mem>>) src(%dma_wait3A_111 : memref<40x64xi32, #tpu.memory_space<hbm>>) dst(%arg16 : memref<40x64xi32, #tpu.memory_space<vmem>>)
      %dma_wait3A_112 = arith.constant 0 : i32
      %dma_wait3A_113 = tpu.memref_slice %arg7[%add3A_99, %dma_wait3A_112] : memref<5120x64xi32, #tpu.memory_space<hbm>> -> memref<40x64xi32, #tpu.memory_space<hbm>>
      %dma_wait3A_114 = arith.constant 0 : i32
      %dma_wait3A_115 = tpu.memref_slice %arg7[%add3A_99, %dma_wait3A_114] : memref<5120x64xi32, #tpu.memory_space<hbm>> -> memref<40x64xi32, #tpu.memory_space<hbm>>
      tpu.wait_dma2 semaphore(%arg25 : memref<!tpu.dma_semaphore, #tpu.memory_space<semaphore_mem>>) src(%dma_wait3A_115 : memref<40x64xi32, #tpu.memory_space<hbm>>) dst(%arg17 : memref<40x64xi32, #tpu.memory_space<vmem>>)
      %dma_start3A_116 = arith.constant 0 : i32
      %dma_start3A_117 = arith.constant 0 : i32
      %dma_start3A_118 = tpu.memref_slice %arg16[%dma_start3A_116, %dma_start3A_117] : memref<40x64xi32, #tpu.memory_space<vmem>> -> memref<1x64xi32, #tpu.memory_space<vmem>>
      %dma_start3A_119 = tpu.memref_squeeze %dma_start3A_118 : memref<1x64xi32, #tpu.memory_space<vmem>> -> memref<64xi32, #tpu.memory_space<vmem>>
      %dma_start3A_120 = arith.constant 0 : i32
      %dma_start3A_121 = arith.constant 0 : i32
      %dma_start3A_122 = tpu.memref_slice %arg10[%dma_start3A_120, %dma_start3A_121] : memref<10000x128xf32, #tpu.memory_space<hbm>> -> memref<10000x128xf32, #tpu.memory_space<hbm>>
      tpu.enqueue_indirect_dma source(%dma_start3A_122 : memref<10000x128xf32, #tpu.memory_space<hbm>>) target(%arg18 : memref<64x128xf32, #tpu.memory_space<vmem>>) offsets(%dma_start3A_119 : memref<64xi32, #tpu.memory_space<vmem>>) semaphore(%arg22 : memref<!tpu.dma_semaphore, #tpu.memory_space<semaphore_mem>>)
      %dma_start3A_123 = arith.constant 1 : i32
      %dma_start3A_124 = arith.constant 0 : i32
      %dma_start3A_125 = tpu.memref_slice %arg16[%dma_start3A_123, %dma_start3A_124] : memref<40x64xi32, #tpu.memory_space<vmem>> -> memref<1x64xi32, #tpu.memory_space<vmem>>
      %dma_start3A_126 = tpu.memref_squeeze %dma_start3A_125 : memref<1x64xi32, #tpu.memory_space<vmem>> -> memref<64xi32, #tpu.memory_space<vmem>>
      %dma_start3A_127 = arith.constant 0 : i32
      %dma_start3A_128 = arith.constant 0 : i32
      %dma_start3A_129 = tpu.memref_slice %arg10[%dma_start3A_127, %dma_start3A_128] : memref<10000x128xf32, #tpu.memory_space<hbm>> -> memref<10000x128xf32, #tpu.memory_space<hbm>>
      tpu.enqueue_indirect_dma source(%dma_start3A_129 : memref<10000x128xf32, #tpu.memory_space<hbm>>) target(%arg19 : memref<64x128xf32, #tpu.memory_space<vmem>>) offsets(%dma_start3A_126 : memref<64xi32, #tpu.memory_space<vmem>>) semaphore(%arg23 : memref<!tpu.dma_semaphore, #tpu.memory_space<semaphore_mem>>)
      %scan3A_130 = arith.constant 0 : i32
      %scan3A_131 = arith.constant 0 : i32
      %scan3A_132 = arith.constant 10 : i32
      %scan3A_133 = arith.addi %scan3A_131, %scan3A_132 : i32
      %scan3A_134 = arith.constant 1 : i32
      %scan3A_135 = scf.for %scan3A_152 = %scan3A_131 to %scan3A_133 step %scan3A_134 iter_args(%scan3A_153 = %scan3A_130) -> (i32)  : i32 {
        %mul3A_154 = arith.constant 4 : i32
        %mul3A_155 = arith.muli %scan3A_152, %mul3A_154 : i32
        %add3A_156 = arith.constant 0 : i32
        %add3A_157 = arith.addi %mul3A_155, %add3A_156 : i32
        %ge3A = arith.constant 2 : i32
        %ge3A_158 = arith.cmpi sge, %add3A_157, %ge3A : i32
        %convert_element_type3A = arith.extui %ge3A_158 : i1 to i32
        %cond3A = arith.constant 0 : i32
        %cond3A_159 = arith.cmpi ne, %convert_element_type3A, %cond3A : i32
        scf.if %cond3A_159 {
          %dma_wait3A_255 = arith.constant 0 : i32
          %dma_wait3A_256 = arith.constant 0 : i32
          %dma_wait3A_257 = tpu.memref_slice %arg17[%dma_wait3A_255, %dma_wait3A_256] : memref<40x64xi32, #tpu.memory_space<vmem>> -> memref<1x64xi32, #tpu.memory_space<vmem>>
          %dma_wait3A_258 = tpu.memref_squeeze %dma_wait3A_257 : memref<1x64xi32, #tpu.memory_space<vmem>> -> memref<64xi32, #tpu.memory_space<vmem>>
          %dma_wait3A_259 = arith.constant 0 : i32
          %dma_wait3A_260 = arith.constant 0 : i32
          %dma_wait3A_261 = tpu.memref_slice %arg15[%dma_wait3A_259, %dma_wait3A_260] : memref<10240x128xf32, #tpu.memory_space<vmem_shared>> -> memref<10240x128xf32, #tpu.memory_space<vmem_shared>>
          tpu.wait_indirect_dma semaphore(%arg28 : memref<!tpu.dma_semaphore, #tpu.memory_space<semaphore_mem>>) src(%arg20 : memref<64x128xf32, #tpu.memory_space<vmem>>) dst(%dma_wait3A_261 : memref<10240x128xf32, #tpu.memory_space<vmem_shared>>)
        } else {
        }
        %lt3A = arith.constant 38 : i32
        %lt3A_160 = arith.cmpi slt, %add3A_157, %lt3A : i32
        %convert_element_type3A_161 = arith.extui %lt3A_160 : i1 to i32
        %cond3A_162 = arith.constant 0 : i32
        %cond3A_163 = arith.cmpi ne, %convert_element_type3A_161, %cond3A_162 : i32
        scf.if %cond3A_163 {
          %add3A_255 = arith.constant 2 : i32
          %add3A_256 = arith.addi %add3A_157, %add3A_255 : i32
          %dma_start3A_257 = arith.constant 0 : i32
          %dma_start3A_258 = tpu.memref_slice %arg16[%add3A_256, %dma_start3A_257] : memref<40x64xi32, #tpu.memory_space<vmem>> -> memref<1x64xi32, #tpu.memory_space<vmem>>
          %dma_start3A_259 = tpu.memref_squeeze %dma_start3A_258 : memref<1x64xi32, #tpu.memory_space<vmem>> -> memref<64xi32, #tpu.memory_space<vmem>>
          %dma_start3A_260 = arith.constant 0 : i32
          %dma_start3A_261 = arith.constant 0 : i32
          %dma_start3A_262 = tpu.memref_slice %arg10[%dma_start3A_260, %dma_start3A_261] : memref<10000x128xf32, #tpu.memory_space<hbm>> -> memref<10000x128xf32, #tpu.memory_space<hbm>>
          tpu.enqueue_indirect_dma source(%dma_start3A_262 : memref<10000x128xf32, #tpu.memory_space<hbm>>) target(%arg20 : memref<64x128xf32, #tpu.memory_space<vmem>>) offsets(%dma_start3A_259 : memref<64xi32, #tpu.memory_space<vmem>>) semaphore(%arg24 : memref<!tpu.dma_semaphore, #tpu.memory_space<semaphore_mem>>)
        } else {
        }
        %dma_wait3A_164 = arith.constant 0 : i32
        %dma_wait3A_165 = tpu.memref_slice %arg16[%add3A_157, %dma_wait3A_164] : memref<40x64xi32, #tpu.memory_space<vmem>> -> memref<1x64xi32, #tpu.memory_space<vmem>>
        %dma_wait3A_166 = tpu.memref_squeeze %dma_wait3A_165 : memref<1x64xi32, #tpu.memory_space<vmem>> -> memref<64xi32, #tpu.memory_space<vmem>>
        %dma_wait3A_167 = arith.constant 0 : i32
        %dma_wait3A_168 = arith.constant 0 : i32
        %dma_wait3A_169 = tpu.memref_slice %arg10[%dma_wait3A_167, %dma_wait3A_168] : memref<10000x128xf32, #tpu.memory_space<hbm>> -> memref<10000x128xf32, #tpu.memory_space<hbm>>
        tpu.wait_indirect_dma semaphore(%arg22 : memref<!tpu.dma_semaphore, #tpu.memory_space<semaphore_mem>>) src(%dma_wait3A_169 : memref<10000x128xf32, #tpu.memory_space<hbm>>) dst(%arg18 : memref<64x128xf32, #tpu.memory_space<vmem>>)
        %dma_start3A_170 = arith.constant 0 : i32
        %dma_start3A_171 = tpu.memref_slice %arg17[%add3A_157, %dma_start3A_170] : memref<40x64xi32, #tpu.memory_space<vmem>> -> memref<1x64xi32, #tpu.memory_space<vmem>>
        %dma_start3A_172 = tpu.memref_squeeze %dma_start3A_171 : memref<1x64xi32, #tpu.memory_space<vmem>> -> memref<64xi32, #tpu.memory_space<vmem>>
        %dma_start3A_173 = arith.constant 0 : i32
        %dma_start3A_174 = arith.constant 0 : i32
        %dma_start3A_175 = tpu.memref_slice %arg15[%dma_start3A_173, %dma_start3A_174] : memref<10240x128xf32, #tpu.memory_space<vmem_shared>> -> memref<10240x128xf32, #tpu.memory_space<vmem_shared>>
        tpu.enqueue_indirect_dma source(%arg18 : memref<64x128xf32, #tpu.memory_space<vmem>>) target(%dma_start3A_175 : memref<10240x128xf32, #tpu.memory_space<vmem_shared>>) offsets(%dma_start3A_172 : memref<64xi32, #tpu.memory_space<vmem>>) semaphore(%arg26 : memref<!tpu.dma_semaphore, #tpu.memory_space<semaphore_mem>>) {add = true}
        %mul3A_176 = arith.constant 4 : i32
        %mul3A_177 = arith.muli %scan3A_152, %mul3A_176 : i32
        %add3A_178 = arith.constant 1 : i32
        %add3A_179 = arith.addi %mul3A_177, %add3A_178 : i32
        %ge3A_180 = arith.constant 2 : i32
        %ge3A_181 = arith.cmpi sge, %add3A_179, %ge3A_180 : i32
        %convert_element_type3A_182 = arith.extui %ge3A_181 : i1 to i32
        %cond3A_183 = arith.constant 0 : i32
        %cond3A_184 = arith.cmpi ne, %convert_element_type3A_182, %cond3A_183 : i32
        scf.if %cond3A_184 {
          %dma_wait3A_255 = arith.constant 0 : i32
          %dma_wait3A_256 = arith.constant 0 : i32
          %dma_wait3A_257 = tpu.memref_slice %arg17[%dma_wait3A_255, %dma_wait3A_256] : memref<40x64xi32, #tpu.memory_space<vmem>> -> memref<1x64xi32, #tpu.memory_space<vmem>>
          %dma_wait3A_258 = tpu.memref_squeeze %dma_wait3A_257 : memref<1x64xi32, #tpu.memory_space<vmem>> -> memref<64xi32, #tpu.memory_space<vmem>>
          %dma_wait3A_259 = arith.constant 0 : i32
          %dma_wait3A_260 = arith.constant 0 : i32
          %dma_wait3A_261 = tpu.memref_slice %arg15[%dma_wait3A_259, %dma_wait3A_260] : memref<10240x128xf32, #tpu.memory_space<vmem_shared>> -> memref<10240x128xf32, #tpu.memory_space<vmem_shared>>
          tpu.wait_indirect_dma semaphore(%arg29 : memref<!tpu.dma_semaphore, #tpu.memory_space<semaphore_mem>>) src(%arg21 : memref<64x128xf32, #tpu.memory_space<vmem>>) dst(%dma_wait3A_261 : memref<10240x128xf32, #tpu.memory_space<vmem_shared>>)
        } else {
        }
        %lt3A_185 = arith.constant 38 : i32
        %lt3A_186 = arith.cmpi slt, %add3A_179, %lt3A_185 : i32
        %convert_element_type3A_187 = arith.extui %lt3A_186 : i1 to i32
        %cond3A_188 = arith.constant 0 : i32
        %cond3A_189 = arith.cmpi ne, %convert_element_type3A_187, %cond3A_188 : i32
        scf.if %cond3A_189 {
          %add3A_255 = arith.constant 2 : i32
          %add3A_256 = arith.addi %add3A_179, %add3A_255 : i32
          %dma_start3A_257 = arith.constant 0 : i32
          %dma_start3A_258 = tpu.memref_slice %arg16[%add3A_256, %dma_start3A_257] : memref<40x64xi32, #tpu.memory_space<vmem>> -> memref<1x64xi32, #tpu.memory_space<vmem>>
          %dma_start3A_259 = tpu.memref_squeeze %dma_start3A_258 : memref<1x64xi32, #tpu.memory_space<vmem>> -> memref<64xi32, #tpu.memory_space<vmem>>
          %dma_start3A_260 = arith.constant 0 : i32
          %dma_start3A_261 = arith.constant 0 : i32
          %dma_start3A_262 = tpu.memref_slice %arg10[%dma_start3A_260, %dma_start3A_261] : memref<10000x128xf32, #tpu.memory_space<hbm>> -> memref<10000x128xf32, #tpu.memory_space<hbm>>
          tpu.enqueue_indirect_dma source(%dma_start3A_262 : memref<10000x128xf32, #tpu.memory_space<hbm>>) target(%arg21 : memref<64x128xf32, #tpu.memory_space<vmem>>) offsets(%dma_start3A_259 : memref<64xi32, #tpu.memory_space<vmem>>) semaphore(%arg25 : memref<!tpu.dma_semaphore, #tpu.memory_space<semaphore_mem>>)
        } else {
        }
        %dma_wait3A_190 = arith.constant 0 : i32
        %dma_wait3A_191 = tpu.memref_slice %arg16[%add3A_179, %dma_wait3A_190] : memref<40x64xi32, #tpu.memory_space<vmem>> -> memref<1x64xi32, #tpu.memory_space<vmem>>
        %dma_wait3A_192 = tpu.memref_squeeze %dma_wait3A_191 : memref<1x64xi32, #tpu.memory_space<vmem>> -> memref<64xi32, #tpu.memory_space<vmem>>
        %dma_wait3A_193 = arith.constant 0 : i32
        %dma_wait3A_194 = arith.constant 0 : i32
        %dma_wait3A_195 = tpu.memref_slice %arg10[%dma_wait3A_193, %dma_wait3A_194] : memref<10000x128xf32, #tpu.memory_space<hbm>> -> memref<10000x128xf32, #tpu.memory_space<hbm>>
        tpu.wait_indirect_dma semaphore(%arg23 : memref<!tpu.dma_semaphore, #tpu.memory_space<semaphore_mem>>) src(%dma_wait3A_195 : memref<10000x128xf32, #tpu.memory_space<hbm>>) dst(%arg19 : memref<64x128xf32, #tpu.memory_space<vmem>>)
        %dma_start3A_196 = arith.constant 0 : i32
        %dma_start3A_197 = tpu.memref_slice %arg17[%add3A_179, %dma_start3A_196] : memref<40x64xi32, #tpu.memory_space<vmem>> -> memref<1x64xi32, #tpu.memory_space<vmem>>
        %dma_start3A_198 = tpu.memref_squeeze %dma_start3A_197 : memref<1x64xi32, #tpu.memory_space<vmem>> -> memref<64xi32, #tpu.memory_space<vmem>>
        %dma_start3A_199 = arith.constant 0 : i32
        %dma_start3A_200 = arith.constant 0 : i32
        %dma_start3A_201 = tpu.memref_slice %arg15[%dma_start3A_199, %dma_start3A_200] : memref<10240x128xf32, #tpu.memory_space<vmem_shared>> -> memref<10240x128xf32, #tpu.memory_space<vmem_shared>>
        tpu.enqueue_indirect_dma source(%arg19 : memref<64x128xf32, #tpu.memory_space<vmem>>) target(%dma_start3A_201 : memref<10240x128xf32, #tpu.memory_space<vmem_shared>>) offsets(%dma_start3A_198 : memref<64xi32, #tpu.memory_space<vmem>>) semaphore(%arg27 : memref<!tpu.dma_semaphore, #tpu.memory_space<semaphore_mem>>) {add = true}
        %mul3A_202 = arith.constant 4 : i32
        %mul3A_203 = arith.muli %scan3A_152, %mul3A_202 : i32
        %add3A_204 = arith.constant 2 : i32
        %add3A_205 = arith.addi %mul3A_203, %add3A_204 : i32
        %ge3A_206 = arith.constant 2 : i32
        %ge3A_207 = arith.cmpi sge, %add3A_205, %ge3A_206 : i32
        %convert_element_type3A_208 = arith.extui %ge3A_207 : i1 to i32
        %cond3A_209 = arith.constant 0 : i32
        %cond3A_210 = arith.cmpi ne, %convert_element_type3A_208, %cond3A_209 : i32
        scf.if %cond3A_210 {
          %dma_wait3A_255 = arith.constant 0 : i32
          %dma_wait3A_256 = arith.constant 0 : i32
          %dma_wait3A_257 = tpu.memref_slice %arg17[%dma_wait3A_255, %dma_wait3A_256] : memref<40x64xi32, #tpu.memory_space<vmem>> -> memref<1x64xi32, #tpu.memory_space<vmem>>
          %dma_wait3A_258 = tpu.memref_squeeze %dma_wait3A_257 : memref<1x64xi32, #tpu.memory_space<vmem>> -> memref<64xi32, #tpu.memory_space<vmem>>
          %dma_wait3A_259 = arith.constant 0 : i32
          %dma_wait3A_260 = arith.constant 0 : i32
          %dma_wait3A_261 = tpu.memref_slice %arg15[%dma_wait3A_259, %dma_wait3A_260] : memref<10240x128xf32, #tpu.memory_space<vmem_shared>> -> memref<10240x128xf32, #tpu.memory_space<vmem_shared>>
          tpu.wait_indirect_dma semaphore(%arg26 : memref<!tpu.dma_semaphore, #tpu.memory_space<semaphore_mem>>) src(%arg18 : memref<64x128xf32, #tpu.memory_space<vmem>>) dst(%dma_wait3A_261 : memref<10240x128xf32, #tpu.memory_space<vmem_shared>>)
        } else {
        }
        %lt3A_211 = arith.constant 38 : i32
        %lt3A_212 = arith.cmpi slt, %add3A_205, %lt3A_211 : i32
        %convert_element_type3A_213 = arith.extui %lt3A_212 : i1 to i32
        %cond3A_214 = arith.constant 0 : i32
        %cond3A_215 = arith.cmpi ne, %convert_element_type3A_213, %cond3A_214 : i32
        scf.if %cond3A_215 {
          %add3A_255 = arith.constant 2 : i32
          %add3A_256 = arith.addi %add3A_205, %add3A_255 : i32
          %dma_start3A_257 = arith.constant 0 : i32
          %dma_start3A_258 = tpu.memref_slice %arg16[%add3A_256, %dma_start3A_257] : memref<40x64xi32, #tpu.memory_space<vmem>> -> memref<1x64xi32, #tpu.memory_space<vmem>>
          %dma_start3A_259 = tpu.memref_squeeze %dma_start3A_258 : memref<1x64xi32, #tpu.memory_space<vmem>> -> memref<64xi32, #tpu.memory_space<vmem>>
          %dma_start3A_260 = arith.constant 0 : i32
          %dma_start3A_261 = arith.constant 0 : i32
          %dma_start3A_262 = tpu.memref_slice %arg10[%dma_start3A_260, %dma_start3A_261] : memref<10000x128xf32, #tpu.memory_space<hbm>> -> memref<10000x128xf32, #tpu.memory_space<hbm>>
          tpu.enqueue_indirect_dma source(%dma_start3A_262 : memref<10000x128xf32, #tpu.memory_space<hbm>>) target(%arg18 : memref<64x128xf32, #tpu.memory_space<vmem>>) offsets(%dma_start3A_259 : memref<64xi32, #tpu.memory_space<vmem>>) semaphore(%arg22 : memref<!tpu.dma_semaphore, #tpu.memory_space<semaphore_mem>>)
        } else {
        }
        %dma_wait3A_216 = arith.constant 0 : i32
        %dma_wait3A_217 = tpu.memref_slice %arg16[%add3A_205, %dma_wait3A_216] : memref<40x64xi32, #tpu.memory_space<vmem>> -> memref<1x64xi32, #tpu.memory_space<vmem>>
        %dma_wait3A_218 = tpu.memref_squeeze %dma_wait3A_217 : memref<1x64xi32, #tpu.memory_space<vmem>> -> memref<64xi32, #tpu.memory_space<vmem>>
        %dma_wait3A_219 = arith.constant 0 : i32
        %dma_wait3A_220 = arith.constant 0 : i32
        %dma_wait3A_221 = tpu.memref_slice %arg10[%dma_wait3A_219, %dma_wait3A_220] : memref<10000x128xf32, #tpu.memory_space<hbm>> -> memref<10000x128xf32, #tpu.memory_space<hbm>>
        tpu.wait_indirect_dma semaphore(%arg24 : memref<!tpu.dma_semaphore, #tpu.memory_space<semaphore_mem>>) src(%dma_wait3A_221 : memref<10000x128xf32, #tpu.memory_space<hbm>>) dst(%arg20 : memref<64x128xf32, #tpu.memory_space<vmem>>)
        %dma_start3A_222 = arith.constant 0 : i32
        %dma_start3A_223 = tpu.memref_slice %arg17[%add3A_205, %dma_start3A_222] : memref<40x64xi32, #tpu.memory_space<vmem>> -> memref<1x64xi32, #tpu.memory_space<vmem>>
        %dma_start3A_224 = tpu.memref_squeeze %dma_start3A_223 : memref<1x64xi32, #tpu.memory_space<vmem>> -> memref<64xi32, #tpu.memory_space<vmem>>
        %dma_start3A_225 = arith.constant 0 : i32
        %dma_start3A_226 = arith.constant 0 : i32
        %dma_start3A_227 = tpu.memref_slice %arg15[%dma_start3A_225, %dma_start3A_226] : memref<10240x128xf32, #tpu.memory_space<vmem_shared>> -> memref<10240x128xf32, #tpu.memory_space<vmem_shared>>
        tpu.enqueue_indirect_dma source(%arg20 : memref<64x128xf32, #tpu.memory_space<vmem>>) target(%dma_start3A_227 : memref<10240x128xf32, #tpu.memory_space<vmem_shared>>) offsets(%dma_start3A_224 : memref<64xi32, #tpu.memory_space<vmem>>) semaphore(%arg28 : memref<!tpu.dma_semaphore, #tpu.memory_space<semaphore_mem>>) {add = true}
        %mul3A_228 = arith.constant 4 : i32
        %mul3A_229 = arith.muli %scan3A_152, %mul3A_228 : i32
        %add3A_230 = arith.constant 3 : i32
        %add3A_231 = arith.addi %mul3A_229, %add3A_230 : i32
        %ge3A_232 = arith.constant 2 : i32
        %ge3A_233 = arith.cmpi sge, %add3A_231, %ge3A_232 : i32
        %convert_element_type3A_234 = arith.extui %ge3A_233 : i1 to i32
        %cond3A_235 = arith.constant 0 : i32
        %cond3A_236 = arith.cmpi ne, %convert_element_type3A_234, %cond3A_235 : i32
        scf.if %cond3A_236 {
          %dma_wait3A_255 = arith.constant 0 : i32
          %dma_wait3A_256 = arith.constant 0 : i32
          %dma_wait3A_257 = tpu.memref_slice %arg17[%dma_wait3A_255, %dma_wait3A_256] : memref<40x64xi32, #tpu.memory_space<vmem>> -> memref<1x64xi32, #tpu.memory_space<vmem>>
          %dma_wait3A_258 = tpu.memref_squeeze %dma_wait3A_257 : memref<1x64xi32, #tpu.memory_space<vmem>> -> memref<64xi32, #tpu.memory_space<vmem>>
          %dma_wait3A_259 = arith.constant 0 : i32
          %dma_wait3A_260 = arith.constant 0 : i32
          %dma_wait3A_261 = tpu.memref_slice %arg15[%dma_wait3A_259, %dma_wait3A_260] : memref<10240x128xf32, #tpu.memory_space<vmem_shared>> -> memref<10240x128xf32, #tpu.memory_space<vmem_shared>>
          tpu.wait_indirect_dma semaphore(%arg27 : memref<!tpu.dma_semaphore, #tpu.memory_space<semaphore_mem>>) src(%arg19 : memref<64x128xf32, #tpu.memory_space<vmem>>) dst(%dma_wait3A_261 : memref<10240x128xf32, #tpu.memory_space<vmem_shared>>)
        } else {
        }
        %lt3A_237 = arith.constant 38 : i32
        %lt3A_238 = arith.cmpi slt, %add3A_231, %lt3A_237 : i32
        %convert_element_type3A_239 = arith.extui %lt3A_238 : i1 to i32
        %cond3A_240 = arith.constant 0 : i32
        %cond3A_241 = arith.cmpi ne, %convert_element_type3A_239, %cond3A_240 : i32
        scf.if %cond3A_241 {
          %add3A_255 = arith.constant 2 : i32
          %add3A_256 = arith.addi %add3A_231, %add3A_255 : i32
          %dma_start3A_257 = arith.constant 0 : i32
          %dma_start3A_258 = tpu.memref_slice %arg16[%add3A_256, %dma_start3A_257] : memref<40x64xi32, #tpu.memory_space<vmem>> -> memref<1x64xi32, #tpu.memory_space<vmem>>
          %dma_start3A_259 = tpu.memref_squeeze %dma_start3A_258 : memref<1x64xi32, #tpu.memory_space<vmem>> -> memref<64xi32, #tpu.memory_space<vmem>>
          %dma_start3A_260 = arith.constant 0 : i32
          %dma_start3A_261 = arith.constant 0 : i32
          %dma_start3A_262 = tpu.memref_slice %arg10[%dma_start3A_260, %dma_start3A_261] : memref<10000x128xf32, #tpu.memory_space<hbm>> -> memref<10000x128xf32, #tpu.memory_space<hbm>>
          tpu.enqueue_indirect_dma source(%dma_start3A_262 : memref<10000x128xf32, #tpu.memory_space<hbm>>) target(%arg19 : memref<64x128xf32, #tpu.memory_space<vmem>>) offsets(%dma_start3A_259 : memref<64xi32, #tpu.memory_space<vmem>>) semaphore(%arg23 : memref<!tpu.dma_semaphore, #tpu.memory_space<semaphore_mem>>)
        } else {
        }
        %dma_wait3A_242 = arith.constant 0 : i32
        %dma_wait3A_243 = tpu.memref_slice %arg16[%add3A_231, %dma_wait3A_242] : memref<40x64xi32, #tpu.memory_space<vmem>> -> memref<1x64xi32, #tpu.memory_space<vmem>>
        %dma_wait3A_244 = tpu.memref_squeeze %dma_wait3A_243 : memref<1x64xi32, #tpu.memory_space<vmem>> -> memref<64xi32, #tpu.memory_space<vmem>>
        %dma_wait3A_245 = arith.constant 0 : i32
        %dma_wait3A_246 = arith.constant 0 : i32
        %dma_wait3A_247 = tpu.memref_slice %arg10[%dma_wait3A_245, %dma_wait3A_246] : memref<10000x128xf32, #tpu.memory_space<hbm>> -> memref<10000x128xf32, #tpu.memory_space<hbm>>
        tpu.wait_indirect_dma semaphore(%arg25 : memref<!tpu.dma_semaphore, #tpu.memory_space<semaphore_mem>>) src(%dma_wait3A_247 : memref<10000x128xf32, #tpu.memory_space<hbm>>) dst(%arg21 : memref<64x128xf32, #tpu.memory_space<vmem>>)
        %dma_start3A_248 = arith.constant 0 : i32
        %dma_start3A_249 = tpu.memref_slice %arg17[%add3A_231, %dma_start3A_248] : memref<40x64xi32, #tpu.memory_space<vmem>> -> memref<1x64xi32, #tpu.memory_space<vmem>>
        %dma_start3A_250 = tpu.memref_squeeze %dma_start3A_249 : memref<1x64xi32, #tpu.memory_space<vmem>> -> memref<64xi32, #tpu.memory_space<vmem>>
        %dma_start3A_251 = arith.constant 0 : i32
        %dma_start3A_252 = arith.constant 0 : i32
        %dma_start3A_253 = tpu.memref_slice %arg15[%dma_start3A_251, %dma_start3A_252] : memref<10240x128xf32, #tpu.memory_space<vmem_shared>> -> memref<10240x128xf32, #tpu.memory_space<vmem_shared>>
        tpu.enqueue_indirect_dma source(%arg21 : memref<64x128xf32, #tpu.memory_space<vmem>>) target(%dma_start3A_253 : memref<10240x128xf32, #tpu.memory_space<vmem_shared>>) offsets(%dma_start3A_250 : memref<64xi32, #tpu.memory_space<vmem>>) semaphore(%arg29 : memref<!tpu.dma_semaphore, #tpu.memory_space<semaphore_mem>>) {add = true}
        %scan3A_254 = arith.constant 0 : i32
        scf.yield %scan3A_254 : i32
      }
      %scan3A_136 = arith.constant 10 : i32
      %dma_wait3A_137 = arith.constant 0 : i32
      %dma_wait3A_138 = arith.constant 0 : i32
      %dma_wait3A_139 = tpu.memref_slice %arg17[%dma_wait3A_137, %dma_wait3A_138] : memref<40x64xi32, #tpu.memory_space<vmem>> -> memref<1x64xi32, #tpu.memory_space<vmem>>
      %dma_wait3A_140 = tpu.memref_squeeze %dma_wait3A_139 : memref<1x64xi32, #tpu.memory_space<vmem>> -> memref<64xi32, #tpu.memory_space<vmem>>
      %dma_wait3A_141 = arith.constant 0 : i32
      %dma_wait3A_142 = arith.constant 0 : i32
      %dma_wait3A_143 = tpu.memref_slice %arg15[%dma_wait3A_141, %dma_wait3A_142] : memref<10240x128xf32, #tpu.memory_space<vmem_shared>> -> memref<10240x128xf32, #tpu.memory_space<vmem_shared>>
      tpu.wait_indirect_dma semaphore(%arg28 : memref<!tpu.dma_semaphore, #tpu.memory_space<semaphore_mem>>) src(%arg20 : memref<64x128xf32, #tpu.memory_space<vmem>>) dst(%dma_wait3A_143 : memref<10240x128xf32, #tpu.memory_space<vmem_shared>>)
      %dma_wait3A_144 = arith.constant 0 : i32
      %dma_wait3A_145 = arith.constant 0 : i32
      %dma_wait3A_146 = tpu.memref_slice %arg17[%dma_wait3A_144, %dma_wait3A_145] : memref<40x64xi32, #tpu.memory_space<vmem>> -> memref<1x64xi32, #tpu.memory_space<vmem>>
      %dma_wait3A_147 = tpu.memref_squeeze %dma_wait3A_146 : memref<1x64xi32, #tpu.memory_space<vmem>> -> memref<64xi32, #tpu.memory_space<vmem>>
      %dma_wait3A_148 = arith.constant 0 : i32
      %dma_wait3A_149 = arith.constant 0 : i32
      %dma_wait3A_150 = tpu.memref_slice %arg15[%dma_wait3A_148, %dma_wait3A_149] : memref<10240x128xf32, #tpu.memory_space<vmem_shared>> -> memref<10240x128xf32, #tpu.memory_space<vmem_shared>>
      tpu.wait_indirect_dma semaphore(%arg29 : memref<!tpu.dma_semaphore, #tpu.memory_space<semaphore_mem>>) src(%arg21 : memref<64x128xf32, #tpu.memory_space<vmem>>) dst(%dma_wait3A_150 : memref<10240x128xf32, #tpu.memory_space<vmem_shared>>)
      %scan3A_151 = arith.constant 0 : i32
      scf.yield %scan3A_151 : i32
    }
    %scan3A_86 = arith.constant 4 : i32
    %barrier3A_87 = arith.constant 0 : index
    tpu.barrier barrier_id(%barrier3A_87)
    %mul3A_88 = arith.constant 640 : i32
    %mul3A_89 = arith.muli %arg1, %mul3A_88 : i32
    %mul3A_90 = arith.constant 10240 : i32
    %mul3A_91 = arith.muli %arg0, %mul3A_90 : i32
    %mul3A_92 = arith.constant 640 : i32
    %mul3A_93 = arith.muli %arg1, %mul3A_92 : i32
    %add3A_94 = arith.addi %mul3A_91, %mul3A_93 : i32
    "tpu.region"() ({
      %run_scoped3A = tpu.sem_alloc : memref<!tpu.dma_semaphore, #tpu.memory_space<semaphore_mem>>
      %dma_start3A_95 = arith.constant 0 : i32
      %dma_start3A_96 = tpu.memref_slice %arg14[%add3A_94, %dma_start3A_95] : memref<20480x128xf32, #tpu.memory_space<hbm>> -> memref<640x128xf32, #tpu.memory_space<hbm>>
      %dma_start3A_97 = arith.constant 0 : i32
      %dma_start3A_98 = tpu.memref_slice %arg15[%mul3A_89, %dma_start3A_97] : memref<10240x128xf32, #tpu.memory_space<vmem_shared>> -> memref<640x128xf32, #tpu.memory_space<vmem_shared>>
      tpu.enqueue_dma source(%dma_start3A_98 : memref<640x128xf32, #tpu.memory_space<vmem_shared>>) target(%dma_start3A_96 : memref<640x128xf32, #tpu.memory_space<hbm>>) target_semaphore(%run_scoped3A : memref<!tpu.dma_semaphore, #tpu.memory_space<semaphore_mem>>)
      %dma_wait3A_99 = arith.constant 0 : i32
      %dma_wait3A_100 = tpu.memref_slice %arg14[%add3A_94, %dma_wait3A_99] : memref<20480x128xf32, #tpu.memory_space<hbm>> -> memref<640x128xf32, #tpu.memory_space<hbm>>
      %dma_wait3A_101 = arith.constant 0 : i32
      %dma_wait3A_102 = tpu.memref_slice %arg15[%mul3A_89, %dma_wait3A_101] : memref<10240x128xf32, #tpu.memory_space<vmem_shared>> -> memref<640x128xf32, #tpu.memory_space<vmem_shared>>
      tpu.wait_dma2 semaphore(%run_scoped3A : memref<!tpu.dma_semaphore, #tpu.memory_space<semaphore_mem>>) src(%dma_wait3A_102 : memref<640x128xf32, #tpu.memory_space<vmem_shared>>) dst(%dma_wait3A_100 : memref<640x128xf32, #tpu.memory_space<hbm>>)
      tpu.yield
    }) : () -> ()
    return
  }
}

module attributes {stable_mosaic.version = 14 : i64} {
  func.func @_tc_pre_body(%arg0: memref<10000x128xf32, #tpu.memory_space<vmem>>, %arg1: memref<128x256xf32, #tpu.memory_space<vmem>>, %arg2: memref<10240x1xf32, #tpu.memory_space<vmem>>, %arg3: memref<10240x1xf32, #tpu.memory_space<vmem>>, %arg4: memref<2x10000x128xf32, #tpu.memory_space<vmem>>, %arg5: memref<10240x1xf32, #tpu.memory_space<vmem>>) attributes {dimension_semantics = [], scalar_prefetch = 0 : i64, scratch_operands = 0 : i64, tpu.core_type = #tpu.core_type<tc>} {
    %get3A = arith.constant 0 : index
    %get3A_0 = arith.constant 0 : index
    %get3A_1 = vector.load %arg2[%get3A, %get3A_0] : memref<10240x1xf32, #tpu.memory_space<vmem>>, vector<10240x1xf32>
    %get3A_2 = arith.constant 0 : index
    %get3A_3 = arith.constant 0 : index
    %get3A_4 = vector.load %arg3[%get3A_2, %get3A_3] : memref<10240x1xf32, #tpu.memory_space<vmem>>, vector<10240x1xf32>
    %add3A = arith.addf %get3A_1, %get3A_4 : vector<10240x1xf32>
    %add3A_5 = arith.constant 1.000000e+00 : f32
    %add3A_6 = vector.broadcast %add3A_5 : f32 to vector<10240x1xf32>
    %add3A_7 = arith.addf %add3A, %add3A_6 : vector<10240x1xf32>
    %rsqrt3A = math.rsqrt %add3A_7 : vector<10240x1xf32>
    %swap3A = arith.constant 0 : index
    %swap3A_8 = arith.constant 0 : index
    %swap3A_9 = vector.load %arg5[%swap3A, %swap3A_8] : memref<10240x1xf32, #tpu.memory_space<vmem>>, vector<10240x1xf32>
    tpu.vector_store %arg5[%swap3A, %swap3A_8], %rsqrt3A {strides = array<i32>} : memref<10240x1xf32, #tpu.memory_space<vmem>>, vector<10240x1xf32>,
    %get3A_10 = arith.constant 0 : index
    %get3A_11 = arith.constant 0 : index
    %get3A_12 = vector.load %arg0[%get3A_10, %get3A_11] : memref<10000x128xf32, #tpu.memory_space<vmem>>, vector<10000x128xf32>
    %get3A_13 = arith.constant 0 : index
    %get3A_14 = arith.constant 0 : index
    %get3A_15 = vector.load %arg1[%get3A_13, %get3A_14] : memref<128x256xf32, #tpu.memory_space<vmem>>, vector<128x256xf32>
    %dot_general3A = arith.constant dense<0.000000e+00> : vector<10000x256xf32>
    %dot_general3A_16 = tpu.matmul %get3A_12, %get3A_15, %dot_general3A {dimension_numbers = #tpu.dot_dimension_numbers<[1], [0], [0], [1], [0, 0, 1, 1], [], []>, transpose_lhs_hint = false} : vector<10000x128xf32>, vector<128x256xf32>, vector<10000x256xf32> -> vector<10000x256xf32>
    %slice3A = vector.extract_strided_slice %rsqrt3A {offsets = [0, 0], sizes = [10000, 1], strides = [1, 1]} : vector<10240x1xf32> to vector<10000x1xf32>
    %mul3A = vector.broadcast %slice3A : vector<10000x1xf32> to vector<10000x256xf32>
    %mul3A_17 = arith.mulf %dot_general3A_16, %mul3A : vector<10000x256xf32>
    %slice3A_18 = vector.extract_strided_slice %mul3A_17 {offsets = [0, 0], sizes = [10000, 128], strides = [1, 1]} : vector<10000x256xf32> to vector<10000x128xf32>
    %swap3A_19 = arith.constant 0 : index
    %swap3A_20 = arith.constant 0 : index
    %swap3A_21 = arith.constant 0 : index
    %swap3A_22 = vector.load %arg4[%swap3A_19, %swap3A_20, %swap3A_21] : memref<2x10000x128xf32, #tpu.memory_space<vmem>>, vector<1x10000x128xf32>
    %swap3A_23 = vector.shape_cast %swap3A_22 : vector<1x10000x128xf32> to vector<10000x128xf32>
    %swap3A_24 = vector.shape_cast %slice3A_18 : vector<10000x128xf32> to vector<1x10000x128xf32>
    tpu.vector_store %arg4[%swap3A_19, %swap3A_20, %swap3A_21], %swap3A_24 {strides = array<i32>} : memref<2x10000x128xf32, #tpu.memory_space<vmem>>, vector<1x10000x128xf32>,
    %slice3A_25 = vector.extract_strided_slice %mul3A_17 {offsets = [0, 128], sizes = [10000, 128], strides = [1, 1]} : vector<10000x256xf32> to vector<10000x128xf32>
    %swap3A_26 = arith.constant 1 : index
    %swap3A_27 = arith.constant 0 : index
    %swap3A_28 = arith.constant 0 : index
    %swap3A_29 = vector.load %arg4[%swap3A_26, %swap3A_27, %swap3A_28] : memref<2x10000x128xf32, #tpu.memory_space<vmem>>, vector<1x10000x128xf32>
    %swap3A_30 = vector.shape_cast %swap3A_29 : vector<1x10000x128xf32> to vector<10000x128xf32>
    %swap3A_31 = vector.shape_cast %slice3A_25 : vector<10000x128xf32> to vector<1x10000x128xf32>
    tpu.vector_store %arg4[%swap3A_26, %swap3A_27, %swap3A_28], %swap3A_31 {strides = array<i32>} : memref<2x10000x128xf32, #tpu.memory_space<vmem>>, vector<1x10000x128xf32>,
    return
  }
}

module attributes {stable_mosaic.version = 14 : i64} {
  func.func @_tc_mid_body(%arg0: memref<2x10240x128xf32, #tpu.memory_space<vmem>>, %arg1: memref<2x10000x128xf32, #tpu.memory_space<vmem>>, %arg2: memref<10240x1xf32, #tpu.memory_space<vmem>>, %arg3: memref<1x256xf32, #tpu.memory_space<vmem>>, %arg4: memref<1x256xf32, #tpu.memory_space<vmem>>, %arg5: memref<1x256xf32, #tpu.memory_space<vmem>>, %arg6: memref<256x128xf32, #tpu.memory_space<vmem>>, %arg7: memref<10000x128xf32, #tpu.memory_space<vmem>>) attributes {dimension_semantics = [], scalar_prefetch = 0 : i64, scratch_operands = 0 : i64, tpu.core_type = #tpu.core_type<tc>} {
    %get3A = arith.constant 0 : index
    %get3A_0 = arith.constant 0 : index
    %get3A_1 = vector.load %arg2[%get3A, %get3A_0] : memref<10240x1xf32, #tpu.memory_space<vmem>>, vector<10240x1xf32>
    %slice3A = vector.extract_strided_slice %get3A_1 {offsets = [0, 0], sizes = [10000, 1], strides = [1, 1]} : vector<10240x1xf32> to vector<10000x1xf32>
    %get3A_2 = arith.constant 0 : index
    %get3A_3 = arith.constant 0 : index
    %get3A_4 = arith.constant 0 : index
    %get3A_5 = vector.load %arg0[%get3A_2, %get3A_3, %get3A_4] : memref<2x10240x128xf32, #tpu.memory_space<vmem>>, vector<1x10000x128xf32>
    %get3A_6 = vector.shape_cast %get3A_5 : vector<1x10000x128xf32> to vector<10000x128xf32>
    %get3A_7 = arith.constant 0 : index
    %get3A_8 = arith.constant 0 : index
    %get3A_9 = arith.constant 0 : index
    %get3A_10 = vector.load %arg1[%get3A_7, %get3A_8, %get3A_9] : memref<2x10000x128xf32, #tpu.memory_space<vmem>>, vector<1x10000x128xf32>
    %get3A_11 = vector.shape_cast %get3A_10 : vector<1x10000x128xf32> to vector<10000x128xf32>
    %add3A = arith.addf %get3A_6, %get3A_11 : vector<10000x128xf32>
    %mul3A = vector.broadcast %slice3A : vector<10000x1xf32> to vector<10000x128xf32>
    %mul3A_12 = arith.mulf %mul3A, %add3A : vector<10000x128xf32>
    %get3A_13 = arith.constant 1 : index
    %get3A_14 = arith.constant 0 : index
    %get3A_15 = arith.constant 0 : index
    %get3A_16 = vector.load %arg0[%get3A_13, %get3A_14, %get3A_15] : memref<2x10240x128xf32, #tpu.memory_space<vmem>>, vector<1x10000x128xf32>
    %get3A_17 = vector.shape_cast %get3A_16 : vector<1x10000x128xf32> to vector<10000x128xf32>
    %get3A_18 = arith.constant 1 : index
    %get3A_19 = arith.constant 0 : index
    %get3A_20 = arith.constant 0 : index
    %get3A_21 = vector.load %arg1[%get3A_18, %get3A_19, %get3A_20] : memref<2x10000x128xf32, #tpu.memory_space<vmem>>, vector<1x10000x128xf32>
    %get3A_22 = vector.shape_cast %get3A_21 : vector<1x10000x128xf32> to vector<10000x128xf32>
    %add3A_23 = arith.addf %get3A_17, %get3A_22 : vector<10000x128xf32>
    %mul3A_24 = vector.broadcast %slice3A : vector<10000x1xf32> to vector<10000x128xf32>
    %mul3A_25 = arith.mulf %mul3A_24, %add3A_23 : vector<10000x128xf32>
    %concatenate3A = tpu.concatenate %mul3A_12, %mul3A_25 in 1 : vector<10000x128xf32>, vector<10000x128xf32> -> vector<10000x256xf32>
    %get3A_26 = arith.constant 0 : index
    %get3A_27 = arith.constant 0 : index
    %get3A_28 = vector.load %arg3[%get3A_26, %get3A_27] : memref<1x256xf32, #tpu.memory_space<vmem>>, vector<1x256xf32>
    %add3A_29 = vector.broadcast %get3A_28 : vector<1x256xf32> to vector<10000x256xf32>
    %add3A_30 = arith.addf %concatenate3A, %add3A_29 : vector<10000x256xf32>
    %get3A_31 = arith.constant 0 : index
    %get3A_32 = arith.constant 0 : index
    %get3A_33 = vector.load %arg4[%get3A_31, %get3A_32] : memref<1x256xf32, #tpu.memory_space<vmem>>, vector<1x256xf32>
    %get3A_34 = arith.constant 0 : index
    %get3A_35 = arith.constant 0 : index
    %get3A_36 = vector.load %arg5[%get3A_34, %get3A_35] : memref<1x256xf32, #tpu.memory_space<vmem>>, vector<1x256xf32>
    %reduce_sum3A = arith.constant dense<0.000000e+00> : vector<256xf32>
    %reduce_sum3A_37 = vector.multi_reduction <add>, %add3A_30, %reduce_sum3A [0] : vector<10000x256xf32> to vector<256xf32>
    %broadcast_in_dim3A = vector.shape_cast %reduce_sum3A_37 : vector<256xf32> to vector<1x256xf32>
    %div3A = arith.constant 1.000000e+04 : f32
    %div3A_38 = vector.broadcast %div3A : f32 to vector<1x256xf32>
    %div3A_39 = arith.divf %broadcast_in_dim3A, %div3A_38 : vector<1x256xf32>
    %sub3A = vector.broadcast %div3A_39 : vector<1x256xf32> to vector<10000x256xf32>
    %sub3A_40 = arith.subf %add3A_30, %sub3A : vector<10000x256xf32>
    %sub3A_41 = vector.broadcast %div3A_39 : vector<1x256xf32> to vector<10000x256xf32>
    %sub3A_42 = arith.subf %add3A_30, %sub3A_41 : vector<10000x256xf32>
    %mul3A_43 = arith.mulf %sub3A_40, %sub3A_42 : vector<10000x256xf32>
    %reduce_sum3A_44 = arith.constant dense<0.000000e+00> : vector<256xf32>
    %reduce_sum3A_45 = vector.multi_reduction <add>, %mul3A_43, %reduce_sum3A_44 [0] : vector<10000x256xf32> to vector<256xf32>
    %broadcast_in_dim3A_46 = vector.shape_cast %reduce_sum3A_45 : vector<256xf32> to vector<1x256xf32>
    %div3A_47 = arith.constant 1.000000e+04 : f32
    %div3A_48 = vector.broadcast %div3A_47 : f32 to vector<1x256xf32>
    %div3A_49 = arith.divf %broadcast_in_dim3A_46, %div3A_48 : vector<1x256xf32>
    %sub3A_50 = vector.broadcast %div3A_39 : vector<1x256xf32> to vector<10000x256xf32>
    %sub3A_51 = arith.subf %add3A_30, %sub3A_50 : vector<10000x256xf32>
    %mul3A_52 = vector.broadcast %get3A_33 : vector<1x256xf32> to vector<10000x256xf32>
    %mul3A_53 = arith.mulf %mul3A_52, %sub3A_51 : vector<10000x256xf32>
    %add3A_54 = arith.constant 9.99999974E-6 : f32
    %add3A_55 = vector.broadcast %add3A_54 : f32 to vector<1x256xf32>
    %add3A_56 = arith.addf %div3A_49, %add3A_55 : vector<1x256xf32>
    %rsqrt3A = math.rsqrt %add3A_56 : vector<1x256xf32>
    %mul3A_57 = vector.broadcast %rsqrt3A : vector<1x256xf32> to vector<10000x256xf32>
    %mul3A_58 = arith.mulf %mul3A_53, %mul3A_57 : vector<10000x256xf32>
    %add3A_59 = vector.broadcast %get3A_36 : vector<1x256xf32> to vector<10000x256xf32>
    %add3A_60 = arith.addf %mul3A_58, %add3A_59 : vector<10000x256xf32>
    %max3A = arith.constant 0.000000e+00 : f32
    %max3A_61 = vector.broadcast %max3A : f32 to vector<10000x256xf32>
    %max3A_62 = arith.maximumf %add3A_60, %max3A_61 : vector<10000x256xf32>
    %get3A_63 = arith.constant 0 : index
    %get3A_64 = arith.constant 0 : index
    %get3A_65 = vector.load %arg6[%get3A_63, %get3A_64] : memref<256x128xf32, #tpu.memory_space<vmem>>, vector<256x128xf32>
    %dot_general3A = arith.constant dense<0.000000e+00> : vector<10000x128xf32>
    %dot_general3A_66 = tpu.matmul %max3A_62, %get3A_65, %dot_general3A {dimension_numbers = #tpu.dot_dimension_numbers<[1], [0], [0], [1], [0, 0, 1, 1], [], []>, transpose_lhs_hint = false} : vector<10000x256xf32>, vector<256x128xf32>, vector<10000x128xf32> -> vector<10000x128xf32>
    %mul3A_67 = vector.broadcast %slice3A : vector<10000x1xf32> to vector<10000x128xf32>
    %mul3A_68 = arith.mulf %dot_general3A_66, %mul3A_67 : vector<10000x128xf32>
    %swap3A = arith.constant 0 : index
    %swap3A_69 = arith.constant 0 : index
    %swap3A_70 = vector.load %arg7[%swap3A, %swap3A_69] : memref<10000x128xf32, #tpu.memory_space<vmem>>, vector<10000x128xf32>
    tpu.vector_store %arg7[%swap3A, %swap3A_69], %mul3A_68 {strides = array<i32>} : memref<10000x128xf32, #tpu.memory_space<vmem>>, vector<10000x128xf32>,
    return
  }
}

module attributes {stable_mosaic.version = 14 : i64} {
  func.func @_tc_post_body(%arg0: memref<2x10240x128xf32, #tpu.memory_space<vmem>>, %arg1: memref<10000x128xf32, #tpu.memory_space<vmem>>, %arg2: memref<10240x1xf32, #tpu.memory_space<vmem>>, %arg3: memref<1x128xf32, #tpu.memory_space<vmem>>, %arg4: memref<1x128xf32, #tpu.memory_space<vmem>>, %arg5: memref<1x128xf32, #tpu.memory_space<vmem>>, %arg6: memref<128x128xf32, #tpu.memory_space<vmem>>, %arg7: memref<1x128xf32, #tpu.memory_space<vmem>>, %arg8: memref<128x128xf32, #tpu.memory_space<vmem>>, %arg9: memref<1x128xf32, #tpu.memory_space<vmem>>, %arg10: memref<10000x128xf32, #tpu.memory_space<vmem>>) attributes {dimension_semantics = [], scalar_prefetch = 0 : i64, scratch_operands = 0 : i64, tpu.core_type = #tpu.core_type<tc>} {
    %get3A = arith.constant 0 : index
    %get3A_0 = arith.constant 0 : index
    %get3A_1 = vector.load %arg2[%get3A, %get3A_0] : memref<10240x1xf32, #tpu.memory_space<vmem>>, vector<10240x1xf32>
    %slice3A = vector.extract_strided_slice %get3A_1 {offsets = [0, 0], sizes = [10000, 1], strides = [1, 1]} : vector<10240x1xf32> to vector<10000x1xf32>
    %get3A_2 = arith.constant 0 : index
    %get3A_3 = arith.constant 0 : index
    %get3A_4 = arith.constant 0 : index
    %get3A_5 = vector.load %arg0[%get3A_2, %get3A_3, %get3A_4] : memref<2x10240x128xf32, #tpu.memory_space<vmem>>, vector<1x10000x128xf32>
    %get3A_6 = vector.shape_cast %get3A_5 : vector<1x10000x128xf32> to vector<10000x128xf32>
    %get3A_7 = arith.constant 1 : index
    %get3A_8 = arith.constant 0 : index
    %get3A_9 = arith.constant 0 : index
    %get3A_10 = vector.load %arg0[%get3A_7, %get3A_8, %get3A_9] : memref<2x10240x128xf32, #tpu.memory_space<vmem>>, vector<1x10000x128xf32>
    %get3A_11 = vector.shape_cast %get3A_10 : vector<1x10000x128xf32> to vector<10000x128xf32>
    %add3A = arith.addf %get3A_6, %get3A_11 : vector<10000x128xf32>
    %get3A_12 = arith.constant 0 : index
    %get3A_13 = arith.constant 0 : index
    %get3A_14 = vector.load %arg1[%get3A_12, %get3A_13] : memref<10000x128xf32, #tpu.memory_space<vmem>>, vector<10000x128xf32>
    %add3A_15 = arith.addf %add3A, %get3A_14 : vector<10000x128xf32>
    %mul3A = vector.broadcast %slice3A : vector<10000x1xf32> to vector<10000x128xf32>
    %mul3A_16 = arith.mulf %mul3A, %add3A_15 : vector<10000x128xf32>
    %get3A_17 = arith.constant 0 : index
    %get3A_18 = arith.constant 0 : index
    %get3A_19 = vector.load %arg3[%get3A_17, %get3A_18] : memref<1x128xf32, #tpu.memory_space<vmem>>, vector<1x128xf32>
    %add3A_20 = vector.broadcast %get3A_19 : vector<1x128xf32> to vector<10000x128xf32>
    %add3A_21 = arith.addf %mul3A_16, %add3A_20 : vector<10000x128xf32>
    %get3A_22 = arith.constant 0 : index
    %get3A_23 = arith.constant 0 : index
    %get3A_24 = vector.load %arg4[%get3A_22, %get3A_23] : memref<1x128xf32, #tpu.memory_space<vmem>>, vector<1x128xf32>
    %get3A_25 = arith.constant 0 : index
    %get3A_26 = arith.constant 0 : index
    %get3A_27 = vector.load %arg5[%get3A_25, %get3A_26] : memref<1x128xf32, #tpu.memory_space<vmem>>, vector<1x128xf32>
    %reduce_sum3A = arith.constant dense<0.000000e+00> : vector<128xf32>
    %reduce_sum3A_28 = vector.multi_reduction <add>, %add3A_21, %reduce_sum3A [0] : vector<10000x128xf32> to vector<128xf32>
    %broadcast_in_dim3A = vector.shape_cast %reduce_sum3A_28 : vector<128xf32> to vector<1x128xf32>
    %div3A = arith.constant 1.000000e+04 : f32
    %div3A_29 = vector.broadcast %div3A : f32 to vector<1x128xf32>
    %div3A_30 = arith.divf %broadcast_in_dim3A, %div3A_29 : vector<1x128xf32>
    %sub3A = vector.broadcast %div3A_30 : vector<1x128xf32> to vector<10000x128xf32>
    %sub3A_31 = arith.subf %add3A_21, %sub3A : vector<10000x128xf32>
    %sub3A_32 = vector.broadcast %div3A_30 : vector<1x128xf32> to vector<10000x128xf32>
    %sub3A_33 = arith.subf %add3A_21, %sub3A_32 : vector<10000x128xf32>
    %mul3A_34 = arith.mulf %sub3A_31, %sub3A_33 : vector<10000x128xf32>
    %reduce_sum3A_35 = arith.constant dense<0.000000e+00> : vector<128xf32>
    %reduce_sum3A_36 = vector.multi_reduction <add>, %mul3A_34, %reduce_sum3A_35 [0] : vector<10000x128xf32> to vector<128xf32>
    %broadcast_in_dim3A_37 = vector.shape_cast %reduce_sum3A_36 : vector<128xf32> to vector<1x128xf32>
    %div3A_38 = arith.constant 1.000000e+04 : f32
    %div3A_39 = vector.broadcast %div3A_38 : f32 to vector<1x128xf32>
    %div3A_40 = arith.divf %broadcast_in_dim3A_37, %div3A_39 : vector<1x128xf32>
    %sub3A_41 = vector.broadcast %div3A_30 : vector<1x128xf32> to vector<10000x128xf32>
    %sub3A_42 = arith.subf %add3A_21, %sub3A_41 : vector<10000x128xf32>
    %mul3A_43 = vector.broadcast %get3A_24 : vector<1x128xf32> to vector<10000x128xf32>
    %mul3A_44 = arith.mulf %mul3A_43, %sub3A_42 : vector<10000x128xf32>
    %add3A_45 = arith.constant 9.99999974E-6 : f32
    %add3A_46 = vector.broadcast %add3A_45 : f32 to vector<1x128xf32>
    %add3A_47 = arith.addf %div3A_40, %add3A_46 : vector<1x128xf32>
    %rsqrt3A = math.rsqrt %add3A_47 : vector<1x128xf32>
    %mul3A_48 = vector.broadcast %rsqrt3A : vector<1x128xf32> to vector<10000x128xf32>
    %mul3A_49 = arith.mulf %mul3A_44, %mul3A_48 : vector<10000x128xf32>
    %add3A_50 = vector.broadcast %get3A_27 : vector<1x128xf32> to vector<10000x128xf32>
    %add3A_51 = arith.addf %mul3A_49, %add3A_50 : vector<10000x128xf32>
    %max3A = arith.constant 0.000000e+00 : f32
    %max3A_52 = vector.broadcast %max3A : f32 to vector<10000x128xf32>
    %max3A_53 = arith.maximumf %add3A_51, %max3A_52 : vector<10000x128xf32>
    %get3A_54 = arith.constant 0 : index
    %get3A_55 = arith.constant 0 : index
    %get3A_56 = vector.load %arg6[%get3A_54, %get3A_55] : memref<128x128xf32, #tpu.memory_space<vmem>>, vector<128x128xf32>
    %dot_general3A = arith.constant dense<0.000000e+00> : vector<10000x128xf32>
    %dot_general3A_57 = tpu.matmul %max3A_53, %get3A_56, %dot_general3A {dimension_numbers = #tpu.dot_dimension_numbers<[1], [0], [0], [1], [0, 0, 1, 1], [], []>, transpose_lhs_hint = false} : vector<10000x128xf32>, vector<128x128xf32>, vector<10000x128xf32> -> vector<10000x128xf32>
    %get3A_58 = arith.constant 0 : index
    %get3A_59 = arith.constant 0 : index
    %get3A_60 = vector.load %arg7[%get3A_58, %get3A_59] : memref<1x128xf32, #tpu.memory_space<vmem>>, vector<1x128xf32>
    %add3A_61 = vector.broadcast %get3A_60 : vector<1x128xf32> to vector<10000x128xf32>
    %add3A_62 = arith.addf %dot_general3A_57, %add3A_61 : vector<10000x128xf32>
    %max3A_63 = arith.constant 0.000000e+00 : f32
    %max3A_64 = vector.broadcast %max3A_63 : f32 to vector<10000x128xf32>
    %max3A_65 = arith.maximumf %add3A_62, %max3A_64 : vector<10000x128xf32>
    %get3A_66 = arith.constant 0 : index
    %get3A_67 = arith.constant 0 : index
    %get3A_68 = vector.load %arg8[%get3A_66, %get3A_67] : memref<128x128xf32, #tpu.memory_space<vmem>>, vector<128x128xf32>
    %dot_general3A_69 = arith.constant dense<0.000000e+00> : vector<10000x128xf32>
    %dot_general3A_70 = tpu.matmul %max3A_65, %get3A_68, %dot_general3A_69 {dimension_numbers = #tpu.dot_dimension_numbers<[1], [0], [0], [1], [0, 0, 1, 1], [], []>, transpose_lhs_hint = false} : vector<10000x128xf32>, vector<128x128xf32>, vector<10000x128xf32> -> vector<10000x128xf32>
    %get3A_71 = arith.constant 0 : index
    %get3A_72 = arith.constant 0 : index
    %get3A_73 = vector.load %arg9[%get3A_71, %get3A_72] : memref<1x128xf32, #tpu.memory_space<vmem>>, vector<1x128xf32>
    %add3A_74 = vector.broadcast %get3A_73 : vector<1x128xf32> to vector<10000x128xf32>
    %add3A_75 = arith.addf %dot_general3A_70, %add3A_74 : vector<10000x128xf32>
    %swap3A = arith.constant 0 : index
    %swap3A_76 = arith.constant 0 : index
    %swap3A_77 = vector.load %arg10[%swap3A, %swap3A_76] : memref<10000x128xf32, #tpu.memory_space<vmem>>, vector<10000x128xf32>
    tpu.vector_store %arg10[%swap3A, %swap3A_76], %add3A_75 {strides = array<i32>} : memref<10000x128xf32, #tpu.memory_space<vmem>>, vector<10000x128xf32>,
    return
  }
}

module attributes {stable_mosaic.version = 14 : i64} {
  func.func @_tc_final_body(%arg0: memref<10000x128xf32, #tpu.memory_space<vmem>>, %arg1: memref<10000x128xf32, #tpu.memory_space<vmem>>, %arg2: memref<10000x128xf32, #tpu.memory_space<vmem>>, %arg3: memref<128x64xf32, #tpu.memory_space<vmem>>, %arg4: memref<1x64xf32, #tpu.memory_space<vmem>>, %arg5: memref<64x10xf32, #tpu.memory_space<vmem>>, %arg6: memref<1x10xf32, #tpu.memory_space<vmem>>, %arg7: memref<10000x10xf32, #tpu.memory_space<vmem>>) attributes {dimension_semantics = [], scalar_prefetch = 0 : i64, scratch_operands = 0 : i64, tpu.core_type = #tpu.core_type<tc>} {
    %get3A = arith.constant 0 : index
    %get3A_0 = arith.constant 0 : index
    %get3A_1 = vector.load %arg0[%get3A, %get3A_0] : memref<10000x128xf32, #tpu.memory_space<vmem>>, vector<10000x128xf32>
    %get3A_2 = arith.constant 0 : index
    %get3A_3 = arith.constant 0 : index
    %get3A_4 = vector.load %arg1[%get3A_2, %get3A_3] : memref<10000x128xf32, #tpu.memory_space<vmem>>, vector<10000x128xf32>
    %add3A = arith.addf %get3A_1, %get3A_4 : vector<10000x128xf32>
    %get3A_5 = arith.constant 0 : index
    %get3A_6 = arith.constant 0 : index
    %get3A_7 = vector.load %arg2[%get3A_5, %get3A_6] : memref<10000x128xf32, #tpu.memory_space<vmem>>, vector<10000x128xf32>
    %add3A_8 = arith.addf %add3A, %get3A_7 : vector<10000x128xf32>
    %get3A_9 = arith.constant 0 : index
    %get3A_10 = arith.constant 0 : index
    %get3A_11 = vector.load %arg3[%get3A_9, %get3A_10] : memref<128x64xf32, #tpu.memory_space<vmem>>, vector<128x64xf32>
    %dot_general3A = arith.constant dense<0.000000e+00> : vector<10000x64xf32>
    %dot_general3A_12 = tpu.matmul %add3A_8, %get3A_11, %dot_general3A {dimension_numbers = #tpu.dot_dimension_numbers<[1], [0], [0], [1], [0, 0, 1, 1], [], []>, transpose_lhs_hint = false} : vector<10000x128xf32>, vector<128x64xf32>, vector<10000x64xf32> -> vector<10000x64xf32>
    %get3A_13 = arith.constant 0 : index
    %get3A_14 = arith.constant 0 : index
    %get3A_15 = vector.load %arg4[%get3A_13, %get3A_14] : memref<1x64xf32, #tpu.memory_space<vmem>>, vector<1x64xf32>
    %add3A_16 = vector.broadcast %get3A_15 : vector<1x64xf32> to vector<10000x64xf32>
    %add3A_17 = arith.addf %dot_general3A_12, %add3A_16 : vector<10000x64xf32>
    %max3A = arith.constant 0.000000e+00 : f32
    %max3A_18 = vector.broadcast %max3A : f32 to vector<10000x64xf32>
    %max3A_19 = arith.maximumf %add3A_17, %max3A_18 : vector<10000x64xf32>
    %get3A_20 = arith.constant 0 : index
    %get3A_21 = arith.constant 0 : index
    %get3A_22 = vector.load %arg5[%get3A_20, %get3A_21] : memref<64x10xf32, #tpu.memory_space<vmem>>, vector<64x10xf32>
    %dot_general3A_23 = arith.constant dense<0.000000e+00> : vector<10000x10xf32>
    %dot_general3A_24 = tpu.matmul %max3A_19, %get3A_22, %dot_general3A_23 {dimension_numbers = #tpu.dot_dimension_numbers<[1], [0], [0], [1], [0, 0, 1, 1], [], []>, transpose_lhs_hint = false} : vector<10000x64xf32>, vector<64x10xf32>, vector<10000x10xf32> -> vector<10000x10xf32>
    %get3A_25 = arith.constant 0 : index
    %get3A_26 = arith.constant 0 : index
    %get3A_27 = vector.load %arg6[%get3A_25, %get3A_26] : memref<1x10xf32, #tpu.memory_space<vmem>>, vector<1x10xf32>
    %add3A_28 = vector.broadcast %get3A_27 : vector<1x10xf32> to vector<10000x10xf32>
    %add3A_29 = arith.addf %dot_general3A_24, %add3A_28 : vector<10000x10xf32>
    %swap3A = arith.constant 0 : index
    %swap3A_30 = arith.constant 0 : index
    %swap3A_31 = vector.load %arg7[%swap3A, %swap3A_30] : memref<10000x10xf32, #tpu.memory_space<vmem>>, vector<10000x10xf32>
    tpu.vector_store %arg7[%swap3A, %swap3A_30], %add3A_29 {strides = array<i32>} : memref<10000x10xf32, #tpu.memory_space<vmem>>, vector<10000x10xf32>,
    return
  }
}

</mosaic_0001>

<sc_bundles>
// kernel: kernel.15.cloned.1.call-start
scs
__scs_entry_jumppad:
0x0: {  	(pc) =	sbr.rel $0x88, $3  }
0x1: {  	(tag) =	ssettag $0x0;
	lr =	simm.s32 $0x1  }
0x2: {  	[smem:$0x3F7D] =	sst lr;
	_ =	strace $0xD0000000  }
0x3: {  	_ = 	snop  }
0x4: {  	_ = 	snop  }
0x5: {  	_ = 	snop  }
0x6: {  	_ = 	snop  }
0x7: {  	_ = 	snop  }
__scs_overlays_trampoline_lowered:
0x8: {  	[smem:$0x3F8C] =	sst s0  }
0x9: {  	[smem:$0x3F8D] =	sst s1  }
0xa: {  	[smem:$0x3F8E] =	sst s2  }
0xb: {  	[smem:$0x3F8F] =	sst s3  }
0xc: {  	[smem:$0x3F90] =	sst s4  }
0xd: {  	[smem:$0x3F91] =	sst s5  }
0xe: {  	[smem:$0x3F92] =	sst s6  }
0xf: {  	[smem:$0x3F93] =	sst s7  }
0x10: {  	[smem:$0x3F94] =	sst s8  }
0x11: {  	[smem:$0x3F95] =	sst s9;
	s0 =	simm.s32 @!p0 $0x0  }
0x12: {  	s1 =	sld [smem:$0x3F7B];
	s0 =	simm.s32 @p0 $0x1  }
0x13: {  	[smem:$0x3F96] =	sst s0;
	s0 =	simm.s32 @!p1 $0x0  }
0x14: {  	s2 =	sld [smem:$0x3F7A];
	s0 =	simm.s32 @p1 $0x1  }
0x15: {  	[smem:$0x3F97] =	sst s0;
	s0 =	simm.s32 @!p2 $0x0  }
0x16: {  	s3 =	sld [smem:$0x3FDB];
	s0 =	simm.s32 @p2 $0x1  }
0x17: {  	s4 =	simm.s32 $0x1BF5;
	[smem:$0x3F99] =	sst s0  }
0x18: {  	s0 =	sld [smem:$0x3F7C];
	_ =	swait.ge [sflag:s4], $0x0  }
0x19: {  	s7 =	sld [smem:$0x3F7D]  }
0x1a: {  	s8 =	sadd.s32 $0xFFFFE003, lr  }
0x1b: {  	s9 =	sadd.s32 $0xFFFFFEF7, lr;
	s5 =	simm.s32 $0xFFFFFFFF;
	p2 =	slt.u32 s8, $0xFFFFF086  }
0x1c: {  	p1 =	slt.u32 s9, $0xF7A;
	s5 =	simm.s32 @!p2 $0x0  }
0x1d: {  	s5 =	simm.s32 @p1 $0x1;
	p0 =	seq.s32 s7, s2  }
0x1e: {  	s7 =	smul.u32 @!p0 $0xF7A, s2;
	p2 =	seq.s32 @!p0 s5, $0x0  }
0x1f: {  	s9 =	smul.u32 $0xF7A, s1;
	s8 =	simm.s32 @!p0 $0x1BF5;
	p2 =	por !p2, p0  }
0x20: {  	[sflag:s8] =	ssyncset.s32 @!p0 $0xFFFFF086;
	s6 =	sadd.s32 @!p0 s3, s7;
	s7 =	simm.s32 @!p0 $0x108  }
0x21: {  	s3 =	sadd.s32 s3, s9;
	s6 =	sadd.s32 @!p0 $0x88, s6;
	s7 =	simm.s32 @p2 $0x1082  }
0x22: {  	[simem:s7], [sflag:s8] =	dma.local @!p0 [hbm:s6], $0xF7A  }
0x23: {  	s9 =	sor.u32 $0xD0000000, s2;
	s6 =	simm.s32 $0x108;
	_ =	swait.ge @!p0 [sflag:s8], $0x0  }
0x24: {  	s3 =	sadd.s32 $0x88, s3;
	s6 =	simm.s32 @!p1 $0x1082;
	[sflag:s4] =	ssyncset.s32 $0xFFFFF086  }
0x25: {  	[simem:s6], [sflag:s4] =	dma.local [hbm:s3], $0xF7A  }
0x26: {  	[smem:$0x3F7D] =	sst s1;
	(tag) =	ssettag s2;
	_ =	strace s9  }
0x27: {  	s1 =	sld [smem:$0x3F8D]  }
0x28: {  	s2 =	sld [smem:$0x3F8E]  }
0x29: {  	s4 =	sld [smem:$0x3F90]  }
0x2a: {  	p0 =	seq.s32 s5, $0x0;
	s5 =	sld [smem:$0x3F91]  }
0x2b: {  	s6 =	sld [smem:$0x3F92]  }
0x2c: {  	s7 =	sld [smem:$0x3F93]  }
0x2d: {  	s3 =	simm.s32 $0x108;
	s8 =	sld [smem:$0x3F94]  }
0x2e: {  	s3 =	simm.s32 @!p0 $0x1082;
	s9 =	sld [smem:$0x3F95]  }
0x2f: {  	lr =	sadd.s32 s0, s3;
	s0 =	sld [smem:$0x3F8C]  }
0x30: {  	s3 =	sld [smem:$0x3F8F]  }
0x31: {  	[smem:$0x3F98] =	sst s10  }
0x32: {  	s10 =	sld [smem:$0x3F96];
	_ =	sdelay $0x3  }
0x33: {  	p0 =	seq.s32 s10, $0x1;
	s10 =	sld [smem:$0x3F98];
	_ =	sdelay $0x3  }
0x34: {  	[smem:$0x3F98] =	sst s10  }
0x35: {  	s10 =	sld [smem:$0x3F97];
	_ =	sdelay $0x3  }
0x36: {  	p1 =	seq.s32 s10, $0x1;
	s10 =	sld [smem:$0x3F98];
	_ =	sdelay $0x3  }
0x37: {  	[smem:$0x3F98] =	sst s10  }
0x38: {  	s10 =	sld [smem:$0x3F99]  }
0x39: {  	_ = 	snop;
	(pc) =	sbr.ind lr, $3  }
0x3a: {  	_ = 	snop  }
0x3b: {  	_ = 	snop  }
0x3c: {  	p2 =	seq.s32 s10, $0x1;
	s10 =	sld [smem:$0x3F98]  }
0x3d: {  	_ =	shalt  }
0x3e: {  	_ =	shalt  }
0x3f: {  	_ =	shalt  }
0x40: {  	_ =	shalt  }
0x41: {  	_ =	shalt  }
0x42: {  	_ =	shalt  }
0x43: {  	_ =	shalt  }
0x44: {  	_ =	shalt  }
0x45: {  	_ =	shalt  }
0x46: {  	_ =	shalt  }
0x47: {  	_ =	shalt  }
0x48: {  	_ =	shalt  }
0x49: {  	_ =	shalt  }
0x4a: {  	_ =	shalt  }
0x4b: {  	_ =	shalt  }
0x4c: {  	_ =	shalt  }
0x4d: {  	_ =	shalt  }
0x4e: {  	_ =	shalt  }
0x4f: {  	_ =	shalt  }
0x50: {  	_ =	shalt  }
0x51: {  	_ =	shalt  }
0x52: {  	_ =	shalt  }
0x53: {  	_ =	shalt  }
0x54: {  	_ =	shalt  }
0x55: {  	_ =	shalt  }
0x56: {  	_ =	shalt  }
0x57: {  	_ =	shalt  }
0x58: {  	_ =	shalt  }
0x59: {  	_ =	shalt  }
0x5a: {  	_ =	shalt  }
0x5b: {  	_ =	shalt  }
0x5c: {  	_ =	shalt  }
0x5d: {  	_ =	shalt  }
0x5e: {  	_ =	shalt  }
0x5f: {  	_ =	shalt  }
0x60: {  	_ =	shalt  }
0x61: {  	_ =	shalt  }
0x62: {  	_ =	shalt  }
0x63: {  	_ =	shalt  }
0x64: {  	_ =	shalt  }
0x65: {  	_ =	shalt  }
0x66: {  	_ =	shalt  }
0x67: {  	_ =	shalt  }
0x68: {  	_ =	shalt  }
0x69: {  	_ =	shalt  }
0x6a: {  	_ =	shalt  }
0x6b: {  	_ =	shalt  }
0x6c: {  	_ =	shalt  }
0x6d: {  	_ =	shalt  }
0x6e: {  	_ =	shalt  }
0x6f: {  	_ =	shalt  }
0x70: {  	_ =	shalt  }
0x71: {  	_ =	shalt  }
0x72: {  	_ =	shalt  }
0x73: {  	_ =	shalt  }
0x74: {  	_ =	shalt  }
0x75: {  	_ =	shalt  }
0x76: {  	_ =	shalt  }
0x77: {  	_ =	shalt  }
0x78: {  	_ =	shalt  }
0x79: {  	_ =	shalt  }
0x7a: {  	_ =	shalt  }
0x7b: {  	_ =	shalt  }
0x7c: {  	_ =	shalt  }
0x7d: {  	_ =	shalt  }
0x7e: {  	_ =	shalt  }
0x7f: {  	_ =	shalt  }
0x80: {  	_ =	shalt  }
0x81: {  	_ =	shalt  }
0x82: {  	_ =	shalt  }
0x83: {  	_ =	shalt  }
0x84: {  	_ =	shalt  }
0x85: {  	_ =	shalt  }
0x86: {  	_ =	shalt  }
0x87: {  	_ =	shalt  }
.Lfunc_end0:
.L_simem_size_0:
called_computation_lowered:
.L_overlay_start_0:
0x88: {  	s2 =	sld [smem:$0x3FD9]  }
0x89: {  	s3 =	sld [smem:$0x3FFE];
	_ =	sdelay $0x1  }
0x8a: {  	s1 =	srdreg.scid  }
0x8b: {  	s0 =	sand.u32 $0x1, s1  }
0x8c: {  	s14 =	sshll.u32 s0, $0xA;
	s2 =	sadd.s32 s3, s2  }
0x8d: {  	s2 =	sadd.s32 s2, s14  }
0x8e: {  	[smem:$0x3FA4] =	sst s2  }
0x8f: {  	_ = 	snop  }
0x90: {  	s2 =	sld [smem:$0x3FD0];
	_ =	sdelay $0x2  }
0x91: {  	s15 =	simm.s32 $0xA;
	s4 =	simm.s32 $0x10  }
0x92: {  	[smem:s4], [sflag:s15] =	dma.local [hbm:s2], $0x1  }
0x93: {  	_ =	swait.eq [sflag:s15], $0x1  }
0x94: {  	s16 =	sld [smem:$0x11];
	[sflag:s15] =	ssyncset.done $0x0  }
0x95: {  	s17 =	sld [smem:$0x12];
	[sflag:s15] =	ssyncadd.s32 $0xFFFFFFFF  }
0x96: {  	s18 =	sld [smem:$0x13];
	(tm) =	ssettm $0x1  }
0x97: {  	s5 =	sld [smem:$0x3FFB];
	_ =	sdelay $0x3  }
0x98: {  	_ =	strace s5  }
0x99: {  	s5 =	sld [smem:$0x3FFC];
	_ =	sdelay $0x3  }
0x9a: {  	_ =	strace s5  }
0x9b: {  	s5 =	sld [smem:$0x3FFD];
	_ =	sdelay $0x3  }
0x9c: {  	_ =	strace s5  }
0x9d: {  	_ =	strace $0x8FFFFFFF  }
0x9e: {  	s19 =	sld [smem:$0x3FDB];
	_ =	sdelay $0x1  }
0x9f: {  	s6 =	simm.s32 $_scs_section_size  }
0xa0: {  	s7 =	simm.s32 $_size__tile_overlayer_lowered;
	s8 =	simm.s32 $_tile_overlayer_lowered  }
0xa1: {  	s22 =	simm.s32 $0x1BFF;
	s21 =	sshll.u32 s8, $0x1;
	s5 =	sadd.s32 s6, s19  }
0xa2: {  	s9 =	simm.s32 $0x0;
	s20 =	sshll.u32 s7, $0x1;
	s7 =	sadd.s32 s21, s5  }
0xa3: {  	[timem:s9], [sflag:s22] =	dma.local [hbm:s7], s20  }
0xa4: {  	_ =	swait.ge [sflag:s22], s20  }
0xa5: {  	s6 =	ssub.s32 $0x0, s20;
	[sflag:s22] =	ssyncset.done $0x0  }
0xa6: {  	[sflag:s22] =	ssyncadd.s32 s6;
	_ =	sdelay $0x1  }
0xa7: {  	s23 =	simm.s32 $0x1B8B  }
0xa8: {  	_ =	swait.ge [sflag:s23], $0x1  }
0xa9: {  	[sflag:s23] =	ssyncset.done $0x0  }
0xaa: {  	s25 =	simm.s32 $0x1B8E;
	s24 =	sld [smem:$0x3FFE];
	[sflag:s23] =	ssyncadd.s32 $0xFFFFFFFF  }
0xab: {  	s26 =	simm.s32 $execute0_lowered;
	[smem:$0x3FD2] =	sst s25  }
0xac: {  	s7 =	sshll.u32 s26, $0x1;
	_ =	strace $0x80000046;
	[dreg:$0x1] =	wrdreg $0xFFFFFFFF  }
0xad: {  	s28 =	simm.s32 $_size_execute0_lowered;
	s5 =	sadd.s32 s5, s7;
	[dreg:$0x0] =	wrdreg $0x0  }
0xae: {  	s7 =	sshll.u32 s28, $0x1;
	[dreg:$0x2] =	wrdreg s5  }
0xaf: {  	[dreg:$0x3] =	wrdreg s7  }
0xb0: {  	[dreg:$0x4] =	wrdreg $0xC0  }
0xb1: {  	_ =	task [dreg:s9], $0x5FFFF  }
0xb2: {  	[dreg:$0x1] =	wrdreg $0xFFFFFFFF  }
0xb3: {  	[dreg:$0x0] =	wrdreg $0x60  }
0xb4: {  	[dreg:$0x2] =	wrdreg s24  }
0xb5: {  	[dreg:$0x3] =	wrdreg s18  }
0xb6: {  	[dreg:$0x4] =	wrdreg s17  }
0xb7: {  	[dreg:$0x5] =	wrdreg s16  }
0xb8: {  	[dreg:$0x6] =	wrdreg $0x0  }
0xb9: {  	[dreg:$0x7] =	wrdreg $0x2800  }
0xba: {  	[dreg:$0x8] =	wrdreg $0x5000  }
0xbb: {  	[dreg:$0x9] =	wrdreg $0x9  }
0xbc: {  	_ =	task.clear_ibuf [dreg:s9], $0xAFFFF;
	_ =	strace $0x90000046  }
0xbd: {  	s29 =	simm.s32 $0x9;
	_ =	strace $0x80000048  }
0xbe: {  	_ =	swait.ge [sflag:s29], $0x1  }
0xbf: {  	[sflag:s29] =	ssyncadd.s32 $0xFFFFFFFF  }
0xc0: {  	_ =	strace $0x90000048  }
0xc1: {  	_ =	sfence  }
0xc2: {  	s30 =	sld [smem:$0x0];
	_ =	sdelay $0x2  }
0xc3: {  	s31 =	sshll.u32 s1, $0xD;
	s1 =	sshrl.u32 s1, $0x2  }
0xc4: {  	s3 =	sand.u32 $0x4000, s31;
	s1 =	sadd.s32 s1, s30  }
0xc5: {  	s0 =	sor.u32 s3, s0;
	s1 =	sshll.u32 s1, $0x11  }
0xc6: {  	s0 =	sor.u32 s1, s0  }
0xc7: {  	s0 =	sadd.s32 $0x8F2B, s0  }
0xc8: {  	[sflag:s0] =	ssyncadd.remote.s32 $0x1  }
0xc9: {  	_ =	sfence.sel $0xFFFF  }
0xca: {  	[dreg:$0x0] =	wrdreg $0xFFFFFFFF;
	(pc) =	sbr.abs _section_cstart, $3  }
0xcb: {  	[dreg:$0x1] =	wrdreg $0xFFFFFFFF  }
0xcc: {  	_ =	task.clear_ibuf [dreg:s9], $0x2FFFF;
	_ =	strace $0x9FFFFFFF  }
0xcd: {  	(tm) =	ssettm $0x7FFFFFFF  }
tec
execute0_lowered:
.L_overlay_start_1:
0x0: {  	(tag) =	ssettag $0x1  }
0x1: {  	s6 =	rddreg [dreg:$0x0]  }
0x2: {  	s12 =	rddreg [dreg:$0x1]  }
0x3: {  	s13 =	rddreg [dreg:$0x2]  }
0x4: {  	s14 =	rddreg [dreg:$0x3]  }
0x5: {  	s1 =	rddreg [dreg:$0x4]  }
0x6: {  	s3 =	rddreg [dreg:$0x5]  }
0x7: {  	s0 =	srdreg.scid;
	s4 =	rddreg [dreg:$0x6];
	s5 =	simm.s32 $0x0  }
0x8: {  	s18 =	simm.s32 $0xA80;
	s19 =	simm.s32 $0x40;
	s20 =	simm.s32 $0xA00  }
0x9: {  	s21 =	simm.s32 $0x1;
	s7 =	sand.u32 $0x1, s0;
	s0 =	stileid.u32  }
0xa: {  	s22 =	simm.s32 $0x0;
	[smem:$0x7FF] =	sst s5;
	s10 =	smul.u32 $0x280, s0  }
0xb: {  	s2 =	sshll.u32 s7, $0x4;
	s9 =	ssub.s32 $0x2, s7;
	s15 =	smul.u32 $0x2800, s7  }
0xc: {  	s8 =	sor.u32 s0, s2;
	s2 =	rddreg [dreg:$0x7];
	_ =	strace $0x80000047  }
0xd: {  	s11 =	sshrl.u32 s9, $0x1;
	s8 =	smul.u32 $0xA00, s8;
	s31 =	sadd.s32 s10, s15  }
0xe: {  	s17 =	ssub.s32 s9, s11;
	s7 =	sadd.s32 s10, s3;
	s15 =	sshrl.u32 s31, $0x3  }
0xf: {  	s16 =	sadd.s32 s8, s6;
	s6 =	sadd.s32 s10, s1;
	s8 =	sadd.s32 s10, s4  }
0x10: {  	s12 =	sadd.s32 s12, s15;
	s13 =	sadd.s32 s13, s15;
	s14 =	sadd.s32 s14, s15  }
0x11: {  	s15 =	smax.u32 s17, $0x1;
	s17 =	simm.s32 $0x2;
	s9 =	sadd.s32 $0xD200, s16  }
0x12: {  	v0 =	vimm.f32 $0.0e+00;
	v1 =	vimm.f32 $1.000000000e+00;
	s10 =	sadd.s32 $0x21200, s16;
	s11 =	sadd.s32 $0x35200, s16;
	s16 =	simm.s32 $0x780  }
.LBB2_1:
0x13: {  	[tilespmem:$0x780] =	vst v0  }
0x14: {  	[tilespmem:$0x790] =	vst v0  }
0x15: {  	[tilespmem:$0x7A0] =	vst v0  }
0x16: {  	[tilespmem:$0x7B0] =	vst v0  }
0x17: {  	[tilespmem:$0x7C0] =	vst v0  }
0x18: {  	[tilespmem:$0x7D0] =	vst v0  }
0x19: {  	[tilespmem:$0x7E0] =	vst v0  }
0x1a: {  	[tilespmem:$0x7F0] =	vst v0  }
0x1b: {  	[tilespmem:$0x800] =	vst v0  }
0x1c: {  	[tilespmem:$0x810] =	vst v0  }
0x1d: {  	[tilespmem:$0x820] =	vst v0  }
0x1e: {  	[tilespmem:$0x830] =	vst v0  }
0x1f: {  	[tilespmem:$0x840] =	vst v0  }
0x20: {  	[tilespmem:$0x850] =	vst v0  }
0x21: {  	[tilespmem:$0x860] =	vst v0  }
0x22: {  	[tilespmem:$0x870] =	vst v0  }
0x23: {  	[tilespmem:$0x880] =	vst v0  }
0x24: {  	[tilespmem:$0x890] =	vst v0  }
0x25: {  	[tilespmem:$0x8A0] =	vst v0  }
0x26: {  	[tilespmem:$0x8B0] =	vst v0  }
0x27: {  	[tilespmem:$0x8C0] =	vst v0  }
0x28: {  	[tilespmem:$0x8D0] =	vst v0  }
0x29: {  	[tilespmem:$0x8E0] =	vst v0  }
0x2a: {  	[tilespmem:$0x8F0] =	vst v0  }
0x2b: {  	[tilespmem:$0x900] =	vst v0  }
0x2c: {  	[tilespmem:$0x910] =	vst v0  }
0x2d: {  	[tilespmem:$0x920] =	vst v0  }
0x2e: {  	[tilespmem:$0x930] =	vst v0  }
0x2f: {  	[tilespmem:$0x940] =	vst v0  }
0x30: {  	[tilespmem:$0x950] =	vst v0  }
0x31: {  	[tilespmem:$0x960] =	vst v0  }
0x32: {  	[tilespmem:$0x970] =	vst v0  }
0x33: {  	[tilespmem:$0x980] =	vst v0  }
0x34: {  	[tilespmem:$0x990] =	vst v0  }
0x35: {  	[tilespmem:$0x9A0] =	vst v0  }
0x36: {  	[tilespmem:$0x9B0] =	vst v0  }
0x37: {  	[tilespmem:$0x9C0] =	vst v0  }
0x38: {  	[tilespmem:$0x9D0] =	vst v0  }
0x39: {  	[tilespmem:$0x9E0] =	vst v0  }
0x3a: {  	[tilespmem:$0x9F0] =	vst v0  }
0x3b: {  	[tilespmem:$0xA00] =	vst v1  }
0x3c: {  	[tilespmem:$0xA10] =	vst v1  }
0x3d: {  	[tilespmem:$0xA20] =	vst v1  }
0x3e: {  	[tilespmem:$0xA30] =	vst v1  }
0x3f: {  	[spmem:s6] =	stream.linear.scatter [tilespmem:s16], [sflag:$0x2], $0x280, $0x38;
	[tilespmem:$0x5A80] =	vst v63  }
0x40: {  	_ =	swait.ge [sflag:s17], $0x280  }
0x41: {  	[sflag:s17] =	ssyncset.done $0x0  }
0x42: {  	[sflag:s17] =	ssyncadd.s32 $0xFFFFFD80  }
0x43: {  	[spmem:s7] =	stream.linear.scatter [tilespmem:s16], [sflag:$0x2], $0x280, $0x38;
	[tilespmem:$0x5A80] =	vst v63  }
0x44: {  	_ =	swait.ge [sflag:s17], $0x280  }
0x45: {  	[sflag:s17] =	ssyncset.done $0x0  }
0x46: {  	[sflag:s17] =	ssyncadd.s32 $0xFFFFFD80  }
0x47: {  	[spmem:s8] =	stream.linear.scatter [tilespmem:s16], [sflag:$0x2], $0x280, $0x38;
	[tilespmem:$0x5A80] =	vst v63  }
0x48: {  	_ =	swait.ge [sflag:s17], $0x280  }
0x49: {  	[sflag:s17] =	ssyncset.done $0x0  }
0x4a: {  	[sflag:s17] =	ssyncadd.s32 $0xFFFFFD80  }
0x4b: {  	[bflag:$0x0] =	sbarrier.arrive $0xFFFF  }
0x4c: {  	[tilespmem:s18], [sflag:$0x2] =	stream.linear.gather [hbm4b:s9+s5], $0x5000, $0x38;
	[tilespmem:$0x5A80] =	vst v63  }
0x4d: {  	_ =	swait.ge [sflag:s17], $0x5000  }
0x4e: {  	[sflag:s17] =	ssyncset.done $0x0  }
0x4f: {  	s23 =	simm.s32 $0x0;
	[sflag:s17] =	ssyncadd.s32 $0xFFFFB000  }
.LBB2_2:
0x50: {  	p0 =	sne.s32 s23, $0x13E00  }
.Ltmp0:
0x51: {  	_ = 	snop;
	(pc) =	sbr.rel @p0 .LBB2_2-.Ltmp0, $4  }
0x52: {  	_ = 	snop  }
0x53: {  	s24 =	sshra.s32 s23, $0x2  }
0x54: {  	s23 =	sadd.s32 $0x200, s23;
	s24 =	sadd.s32 $0xA80, s24  }
0x55: {  	[spmem:s1] =	stream.indirect.scatter.add.f32 [tilespmem:s20], [sflag:$0x1], $0x1, s24, s19, $0xb8;
	[tilespmem:$0x5A80] =	vst v63  }
0x56: {  	_ =	swait.ge [sflag:s21], $0x40  }
0x57: {  	s23 =	simm.s32 $0x9F;
	[sflag:s21] =	ssyncset.done $0x0  }
.LBB2_4:
0x58: {  	p0 =	sne.s32 s23, $0x1;
	s23 =	sadd.s32 $0xFFFFFFFF, s23;
	[sflag:s21] =	ssyncadd.s32 $0xFFFFFFC0  }
.Ltmp1:
0x59: {  	(pc) =	sbr.rel @p0 .LBB2_4-.Ltmp1, $3  }
0x5a: {  	_ =	sdelay $0x1  }
0x5b: {  	_ =	swait.ge [sflag:s21], $0x40  }
0x5c: {  	[sflag:s21] =	ssyncset.done $0x0  }
0x5d: {  	[sflag:s21] =	ssyncadd.s32 $0xFFFFFFC0;
	s23 =	simm.s32 $0x0  }
0x5e: {  	[tilespmem:s18], [sflag:$0x2] =	stream.linear.gather [hbm4b:s10+s23], $0x5000, $0x38;
	[tilespmem:$0x5A80] =	vst v63  }
0x5f: {  	_ =	swait.ge [sflag:s17], $0x5000  }
0x60: {  	[sflag:s17] =	ssyncset.done $0x0  }
0x61: {  	[sflag:s17] =	ssyncadd.s32 $0xFFFFB000  }
.LBB2_6:
0x62: {  	p0 =	sne.s32 s23, $0x13E00  }
.Ltmp2:
0x63: {  	_ = 	snop;
	(pc) =	sbr.rel @p0 .LBB2_6-.Ltmp2, $4  }
0x64: {  	_ = 	snop  }
0x65: {  	s24 =	sshra.s32 s23, $0x2  }
0x66: {  	s23 =	sadd.s32 $0x200, s23;
	s24 =	sadd.s32 $0xA80, s24  }
0x67: {  	[spmem:s3] =	stream.indirect.scatter.add.f32 [tilespmem:s20], [sflag:$0x1], $0x1, s24, s19, $0xb8;
	[tilespmem:$0x5A80] =	vst v63  }
0x68: {  	_ =	swait.ge [sflag:s21], $0x40  }
0x69: {  	s23 =	simm.s32 $0x9F;
	[sflag:s21] =	ssyncset.done $0x0  }
.LBB2_8:
0x6a: {  	p0 =	sne.s32 s23, $0x1;
	s23 =	sadd.s32 $0xFFFFFFFF, s23;
	[sflag:s21] =	ssyncadd.s32 $0xFFFFFFC0  }
.Ltmp3:
0x6b: {  	(pc) =	sbr.rel @p0 .LBB2_8-.Ltmp3, $3  }
0x6c: {  	_ =	sdelay $0x1  }
0x6d: {  	_ =	swait.ge [sflag:s21], $0x40  }
0x6e: {  	[sflag:s21] =	ssyncset.done $0x0  }
0x6f: {  	[sflag:s21] =	ssyncadd.s32 $0xFFFFFFC0;
	s23 =	simm.s32 $0x0  }
0x70: {  	[tilespmem:s18], [sflag:$0x2] =	stream.linear.gather [hbm4b:s11+s23], $0x5000, $0x38;
	[tilespmem:$0x5A80] =	vst v63  }
0x71: {  	_ =	swait.ge [sflag:s17], $0x5000  }
0x72: {  	[sflag:s17] =	ssyncset.done $0x0  }
0x73: {  	[sflag:s17] =	ssyncadd.s32 $0xFFFFB000  }
.LBB2_10:
0x74: {  	p0 =	sne.s32 s23, $0x13E00  }
.Ltmp4:
0x75: {  	_ = 	snop;
	(pc) =	sbr.rel @p0 .LBB2_10-.Ltmp4, $4  }
0x76: {  	_ = 	snop  }
0x77: {  	s24 =	sshra.s32 s23, $0x2  }
0x78: {  	s23 =	sadd.s32 $0x200, s23;
	s24 =	sadd.s32 $0xA80, s24  }
0x79: {  	[spmem:s4] =	stream.indirect.scatter.add.f32 [tilespmem:s20], [sflag:$0x1], $0x1, s24, s19, $0xb8;
	[tilespmem:$0x5A80] =	vst v63  }
0x7a: {  	_ =	swait.ge [sflag:s21], $0x40  }
0x7b: {  	s23 =	simm.s32 $0x9F;
	[sflag:s21] =	ssyncset.done $0x0  }
.LBB2_12:
0x7c: {  	p0 =	sne.s32 s23, $0x1;
	s23 =	sadd.s32 $0xFFFFFFFF, s23;
	[sflag:s21] =	ssyncadd.s32 $0xFFFFFFC0  }
.Ltmp5:
0x7d: {  	(pc) =	sbr.rel @p0 .LBB2_12-.Ltmp5, $3  }
0x7e: {  	_ =	sdelay $0x1  }
0x7f: {  	_ =	swait.ge [sflag:s21], $0x40  }
0x80: {  	[sflag:s21] =	ssyncset.done $0x0  }
0x81: {  	[sflag:s21] =	ssyncadd.s32 $0xFFFFFFC0;
	s23 =	sshll.u32 s0, $0x6  }
0x82: {  	s24 =	sshrl.u32 s6, $0x3;
	[bflag:$0x0] =	sbarrier.arrive $0xFFFF;
	s23 =	sor.u32 $0x1C02, s23  }
0x83: {  	[hbm:s12], [sflag:s23] =	dma.local [spmem:s24], $0x50  }
0x84: {  	_ =	swait.ge [sflag:s17], $0x50  }
0x85: {  	[sflag:s17] =	ssyncset.done $0x0  }
0x86: {  	s30 =	sshrl.u32 s7, $0x3;
	[sflag:s17] =	ssyncadd.s32 $0xFFFFFFB0  }
0x87: {  	[hbm:s13], [sflag:s23] =	dma.local [spmem:s30], $0x50  }
0x88: {  	s22 =	sadd.s32 $0x1, s22;
	_ =	swait.ge [sflag:s17], $0x50  }
0x89: {  	p0 =	sne.s32 s22, s15;
	[sflag:s17] =	ssyncset.done $0x0  }
.Ltmp6:
0x8a: {  	s31 =	sshrl.u32 s8, $0x3;
	[sflag:s17] =	ssyncadd.s32 $0xFFFFFFB0;
	(pc) =	sbr.rel @p0 .LBB2_1-.Ltmp6, $4  }
0x8b: {  	[hbm:s14], [sflag:s23] =	dma.local [spmem:s31], $0x50  }
0x8c: {  	_ =	swait.ge [sflag:s17], $0x50  }
0x8d: {  	[sflag:s17] =	ssyncset.done $0x0  }
0x8e: {  	[sflag:s17] =	ssyncadd.s32 $0xFFFFFFB0  }
0x8f: {  	_ =	sfence.sel $0x180000  }
0x90: {  	[bflag:$0x0] =	sbarrier.arrive $0xFFFF  }
0x91: {  	p0 =	sne.s32 s0, $0x0;
	_ =	strace $0x90000047  }
0x92: {  	s0 =	sadd.s32 @!p0 $0x100000, s2;
	[bflag:$0x2] =	sbarrier.arrive $0xFFFF  }
0x93: {  	[sflag:s0] =	ssyncadd.tile.s32 @!p0 $0x1;
	_ =	shalt  }
.Lfunc_end2:
_tile_overlayer_lowered:
.L_overlay_start_2:
0x94: {  	(tag) =	ssettag $0x2  }
0x95: {  	s0 =	rddreg [dreg:$0x0];
	s2 =	stileid.u32  }
0x96: {  	s1 =	rddreg [dreg:$0x1];
	p0 =	sne.s32 s2, $0x0  }
0x97: {  	s3 =	rddreg [dreg:$0x2];
	[bflag:$0x3] =	sbarrier.arrive $0xFFFF;
	s2 =	simm.s32 @!p0 $0x1C02  }
0x98: {  	[timem:s3], [sflag:s2] =	dma.local @!p0 [hbm:s0], s1  }
0x99: {  	s0 =	simm.s32 @!p0 $0x2  }
0x9a: {  	_ =	swait.ge @!p0 [sflag:s0], s1  }
0x9b: {  	s1 =	ssub.s32 @!p0 $0x0, s1;
	[sflag:s0] =	ssyncset.done @!p0 $0x0  }
0x9c: {  	[sflag:s0] =	ssyncadd.s32 @!p0 s1  }
0x9d: {  	[bflag:$0x3] =	sbarrier.arrive $0xFFFF  }
0x9e: {  	_ =	shalt  }

// kernel: kernel.18.cloned.1.call-start
scs
__scs_entry_jumppad:
0x0: {  	(pc) =	sbr.rel $0x88, $3  }
0x1: {  	(tag) =	ssettag $0x0;
	lr =	simm.s32 $0x1  }
0x2: {  	[smem:$0x3F7D] =	sst lr;
	_ =	strace $0xD0000000  }
0x3: {  	_ = 	snop  }
0x4: {  	_ = 	snop  }
0x5: {  	_ = 	snop  }
0x6: {  	_ = 	snop  }
0x7: {  	_ = 	snop  }
__scs_overlays_trampoline_lowered:
0x8: {  	[smem:$0x3F8C] =	sst s0  }
0x9: {  	[smem:$0x3F8D] =	sst s1  }
0xa: {  	[smem:$0x3F8E] =	sst s2  }
0xb: {  	[smem:$0x3F8F] =	sst s3  }
0xc: {  	[smem:$0x3F90] =	sst s4  }
0xd: {  	[smem:$0x3F91] =	sst s5  }
0xe: {  	[smem:$0x3F92] =	sst s6  }
0xf: {  	[smem:$0x3F93] =	sst s7  }
0x10: {  	[smem:$0x3F94] =	sst s8  }
0x11: {  	[smem:$0x3F95] =	sst s9;
	s0 =	simm.s32 @!p0 $0x0  }
0x12: {  	s1 =	sld [smem:$0x3F7B];
	s0 =	simm.s32 @p0 $0x1  }
0x13: {  	[smem:$0x3F96] =	sst s0;
	s0 =	simm.s32 @!p1 $0x0  }
0x14: {  	s2 =	sld [smem:$0x3F7A];
	s0 =	simm.s32 @p1 $0x1  }
0x15: {  	[smem:$0x3F97] =	sst s0;
	s0 =	simm.s32 @!p2 $0x0  }
0x16: {  	s3 =	sld [smem:$0x3FDB];
	s0 =	simm.s32 @p2 $0x1  }
0x17: {  	s4 =	simm.s32 $0x1BF5;
	[smem:$0x3F99] =	sst s0  }
0x18: {  	s0 =	sld [smem:$0x3F7C];
	_ =	swait.ge [sflag:s4], $0x0  }
0x19: {  	s7 =	sld [smem:$0x3F7D]  }
0x1a: {  	s8 =	sadd.s32 $0xFFFFE003, lr  }
0x1b: {  	s9 =	sadd.s32 $0xFFFFFEF7, lr;
	s5 =	simm.s32 $0xFFFFFFFF;
	p2 =	slt.u32 s8, $0xFFFFF086  }
0x1c: {  	p1 =	slt.u32 s9, $0xF7A;
	s5 =	simm.s32 @!p2 $0x0  }
0x1d: {  	s5 =	simm.s32 @p1 $0x1;
	p0 =	seq.s32 s7, s2  }
0x1e: {  	s7 =	smul.u32 @!p0 $0xF7A, s2;
	p2 =	seq.s32 @!p0 s5, $0x0  }
0x1f: {  	s9 =	smul.u32 $0xF7A, s1;
	s8 =	simm.s32 @!p0 $0x1BF5;
	p2 =	por !p2, p0  }
0x20: {  	[sflag:s8] =	ssyncset.s32 @!p0 $0xFFFFF086;
	s6 =	sadd.s32 @!p0 s3, s7;
	s7 =	simm.s32 @!p0 $0x108  }
0x21: {  	s3 =	sadd.s32 s3, s9;
	s6 =	sadd.s32 @!p0 $0x88, s6;
	s7 =	simm.s32 @p2 $0x1082  }
0x22: {  	[simem:s7], [sflag:s8] =	dma.local @!p0 [hbm:s6], $0xF7A  }
0x23: {  	s9 =	sor.u32 $0xD0000000, s2;
	s6 =	simm.s32 $0x108;
	_ =	swait.ge @!p0 [sflag:s8], $0x0  }
0x24: {  	s3 =	sadd.s32 $0x88, s3;
	s6 =	simm.s32 @!p1 $0x1082;
	[sflag:s4] =	ssyncset.s32 $0xFFFFF086  }
0x25: {  	[simem:s6], [sflag:s4] =	dma.local [hbm:s3], $0xF7A  }
0x26: {  	[smem:$0x3F7D] =	sst s1;
	(tag) =	ssettag s2;
	_ =	strace s9  }
0x27: {  	s1 =	sld [smem:$0x3F8D]  }
0x28: {  	s2 =	sld [smem:$0x3F8E]  }
0x29: {  	s4 =	sld [smem:$0x3F90]  }
0x2a: {  	p0 =	seq.s32 s5, $0x0;
	s5 =	sld [smem:$0x3F91]  }
0x2b: {  	s6 =	sld [smem:$0x3F92]  }
0x2c: {  	s7 =	sld [smem:$0x3F93]  }
0x2d: {  	s3 =	simm.s32 $0x108;
	s8 =	sld [smem:$0x3F94]  }
0x2e: {  	s3 =	simm.s32 @!p0 $0x1082;
	s9 =	sld [smem:$0x3F95]  }
0x2f: {  	lr =	sadd.s32 s0, s3;
	s0 =	sld [smem:$0x3F8C]  }
0x30: {  	s3 =	sld [smem:$0x3F8F]  }
0x31: {  	[smem:$0x3F98] =	sst s10  }
0x32: {  	s10 =	sld [smem:$0x3F96];
	_ =	sdelay $0x3  }
0x33: {  	p0 =	seq.s32 s10, $0x1;
	s10 =	sld [smem:$0x3F98];
	_ =	sdelay $0x3  }
0x34: {  	[smem:$0x3F98] =	sst s10  }
0x35: {  	s10 =	sld [smem:$0x3F97];
	_ =	sdelay $0x3  }
0x36: {  	p1 =	seq.s32 s10, $0x1;
	s10 =	sld [smem:$0x3F98];
	_ =	sdelay $0x3  }
0x37: {  	[smem:$0x3F98] =	sst s10  }
0x38: {  	s10 =	sld [smem:$0x3F99]  }
0x39: {  	_ = 	snop;
	(pc) =	sbr.ind lr, $3  }
0x3a: {  	_ = 	snop  }
0x3b: {  	_ = 	snop  }
0x3c: {  	p2 =	seq.s32 s10, $0x1;
	s10 =	sld [smem:$0x3F98]  }
0x3d: {  	_ =	shalt  }
0x3e: {  	_ =	shalt  }
0x3f: {  	_ =	shalt  }
0x40: {  	_ =	shalt  }
0x41: {  	_ =	shalt  }
0x42: {  	_ =	shalt  }
0x43: {  	_ =	shalt  }
0x44: {  	_ =	shalt  }
0x45: {  	_ =	shalt  }
0x46: {  	_ =	shalt  }
0x47: {  	_ =	shalt  }
0x48: {  	_ =	shalt  }
0x49: {  	_ =	shalt  }
0x4a: {  	_ =	shalt  }
0x4b: {  	_ =	shalt  }
0x4c: {  	_ =	shalt  }
0x4d: {  	_ =	shalt  }
0x4e: {  	_ =	shalt  }
0x4f: {  	_ =	shalt  }
0x50: {  	_ =	shalt  }
0x51: {  	_ =	shalt  }
0x52: {  	_ =	shalt  }
0x53: {  	_ =	shalt  }
0x54: {  	_ =	shalt  }
0x55: {  	_ =	shalt  }
0x56: {  	_ =	shalt  }
0x57: {  	_ =	shalt  }
0x58: {  	_ =	shalt  }
0x59: {  	_ =	shalt  }
0x5a: {  	_ =	shalt  }
0x5b: {  	_ =	shalt  }
0x5c: {  	_ =	shalt  }
0x5d: {  	_ =	shalt  }
0x5e: {  	_ =	shalt  }
0x5f: {  	_ =	shalt  }
0x60: {  	_ =	shalt  }
0x61: {  	_ =	shalt  }
0x62: {  	_ =	shalt  }
0x63: {  	_ =	shalt  }
0x64: {  	_ =	shalt  }
0x65: {  	_ =	shalt  }
0x66: {  	_ =	shalt  }
0x67: {  	_ =	shalt  }
0x68: {  	_ =	shalt  }
0x69: {  	_ =	shalt  }
0x6a: {  	_ =	shalt  }
0x6b: {  	_ =	shalt  }
0x6c: {  	_ =	shalt  }
0x6d: {  	_ =	shalt  }
0x6e: {  	_ =	shalt  }
0x6f: {  	_ =	shalt  }
0x70: {  	_ =	shalt  }
0x71: {  	_ =	shalt  }
0x72: {  	_ =	shalt  }
0x73: {  	_ =	shalt  }
0x74: {  	_ =	shalt  }
0x75: {  	_ =	shalt  }
0x76: {  	_ =	shalt  }
0x77: {  	_ =	shalt  }
0x78: {  	_ =	shalt  }
0x79: {  	_ =	shalt  }
0x7a: {  	_ =	shalt  }
0x7b: {  	_ =	shalt  }
0x7c: {  	_ =	shalt  }
0x7d: {  	_ =	shalt  }
0x7e: {  	_ =	shalt  }
0x7f: {  	_ =	shalt  }
0x80: {  	_ =	shalt  }
0x81: {  	_ =	shalt  }
0x82: {  	_ =	shalt  }
0x83: {  	_ =	shalt  }
0x84: {  	_ =	shalt  }
0x85: {  	_ =	shalt  }
0x86: {  	_ =	shalt  }
0x87: {  	_ =	shalt  }
.Lfunc_end0:
.L_simem_size_0:
called_computation.1_lowered:
.L_overlay_start_0:
0x88: {  	s2 =	sld [smem:$0x3FD9]  }
0x89: {  	s3 =	sld [smem:$0x3FFE];
	_ =	sdelay $0x1  }
0x8a: {  	s1 =	srdreg.scid  }
0x8b: {  	s0 =	sand.u32 $0x1, s1  }
0x8c: {  	s16 =	sshll.u32 s0, $0xA;
	s2 =	sadd.s32 s3, s2  }
0x8d: {  	s2 =	sadd.s32 s2, s16  }
0x8e: {  	[smem:$0x3FA4] =	sst s2  }
0x8f: {  	_ = 	snop  }
0x90: {  	(tm) =	ssettm $0x1  }
0x91: {  	s17 =	sld [smem:$0x3FFB];
	_ =	sdelay $0x3  }
0x92: {  	_ =	strace s17  }
0x93: {  	s2 =	sld [smem:$0x3FFC];
	_ =	sdelay $0x3  }
0x94: {  	_ =	strace s2  }
0x95: {  	s2 =	sld [smem:$0x3FFD];
	_ =	sdelay $0x3  }
0x96: {  	_ =	strace s2  }
0x97: {  	_ =	strace $0x8FFFFFFF  }
0x98: {  	s18 =	sld [smem:$0x3FDB];
	_ =	sdelay $0x1  }
0x99: {  	s19 =	simm.s32 $_scs_section_size  }
0x9a: {  	s4 =	simm.s32 $_size__tile_overlayer_lowered;
	s5 =	simm.s32 $_tile_overlayer_lowered  }
0x9b: {  	s22 =	simm.s32 $0x1BFF;
	s21 =	sshll.u32 s5, $0x1;
	s2 =	sadd.s32 s19, s18  }
0x9c: {  	s6 =	simm.s32 $0x0;
	s20 =	sshll.u32 s4, $0x1;
	s4 =	sadd.s32 s21, s2  }
0x9d: {  	[timem:s6], [sflag:s22] =	dma.local [hbm:s4], s20  }
0x9e: {  	_ =	swait.ge [sflag:s22], s20  }
0x9f: {  	s3 =	ssub.s32 $0x0, s20;
	[sflag:s22] =	ssyncset.done $0x0  }
0xa0: {  	[sflag:s22] =	ssyncadd.s32 s3;
	_ =	sdelay $0x1  }
0xa1: {  	s23 =	simm.s32 $0x1B8B  }
0xa2: {  	_ =	swait.ge [sflag:s23], $0x1  }
0xa3: {  	[sflag:s23] =	ssyncset.done $0x0  }
0xa4: {  	s25 =	simm.s32 $0x1B8E;
	s24 =	sld [smem:$0x3FFE];
	[sflag:s23] =	ssyncadd.s32 $0xFFFFFFFF  }
0xa5: {  	s26 =	simm.s32 $execute0_lowered;
	[smem:$0x3FD2] =	sst s25  }
0xa6: {  	s4 =	sshll.u32 s26, $0x1;
	_ =	strace $0x80000049;
	[dreg:$0x1] =	wrdreg $0xFFFFFFFF  }
0xa7: {  	s28 =	simm.s32 $_size_execute0_lowered;
	s2 =	sadd.s32 s2, s4;
	[dreg:$0x0] =	wrdreg $0x0  }
0xa8: {  	s4 =	sshll.u32 s28, $0x1;
	[dreg:$0x2] =	wrdreg s2  }
0xa9: {  	[dreg:$0x3] =	wrdreg s4  }
0xaa: {  	[dreg:$0x4] =	wrdreg $0xC0  }
0xab: {  	_ =	task [dreg:s6], $0x5FFFF  }
0xac: {  	[dreg:$0x1] =	wrdreg $0xFFFFFFFF  }
0xad: {  	[dreg:$0x0] =	wrdreg $0x60  }
0xae: {  	[dreg:$0x2] =	wrdreg s24  }
0xaf: {  	[dreg:$0x3] =	wrdreg $0x0  }
0xb0: {  	[dreg:$0x4] =	wrdreg $0x9  }
0xb1: {  	_ =	task.clear_ibuf [dreg:s6], $0x5FFFF;
	_ =	strace $0x90000049  }
0xb2: {  	s29 =	simm.s32 $0x9;
	_ =	strace $0x8000004B  }
0xb3: {  	_ =	swait.ge [sflag:s29], $0x1  }
0xb4: {  	[sflag:s29] =	ssyncadd.s32 $0xFFFFFFFF  }
0xb5: {  	_ =	strace $0x9000004B  }
0xb6: {  	_ =	sfence  }
0xb7: {  	s30 =	sld [smem:$0x0];
	_ =	sdelay $0x2  }
0xb8: {  	s31 =	sshll.u32 s1, $0xD;
	s1 =	sshrl.u32 s1, $0x2  }
0xb9: {  	s3 =	sand.u32 $0x4000, s31;
	s1 =	sadd.s32 s1, s30  }
0xba: {  	s0 =	sor.u32 s3, s0;
	s1 =	sshll.u32 s1, $0x11  }
0xbb: {  	s0 =	sor.u32 s1, s0  }
0xbc: {  	s0 =	sadd.s32 $0x8F2B, s0  }
0xbd: {  	[sflag:s0] =	ssyncadd.remote.s32 $0x1  }
0xbe: {  	_ =	sfence.sel $0xFFFF  }
0xbf: {  	[dreg:$0x0] =	wrdreg $0xFFFFFFFF;
	(pc) =	sbr.abs _section_cstart, $3  }
0xc0: {  	[dreg:$0x1] =	wrdreg $0xFFFFFFFF  }
0xc1: {  	_ =	task.clear_ibuf [dreg:s6], $0x2FFFF;
	_ =	strace $0x9FFFFFFF  }
0xc2: {  	(tm) =	ssettm $0x7FFFFFFF  }
0xc3: {  	_ =	shalt  }
tec
execute0_lowered:
.L_overlay_start_1:
0x0: {  	(tag) =	ssettag $0x1  }
0x1: {  	s0 =	rddreg [dreg:$0x0]  }
0x2: {  	s1 =	rddreg [dreg:$0x1];
	s15 =	simm.s32 $0x0;
	s8 =	stileid.u32  }
0x3: {  	s14 =	srdreg.scid;
	s28 =	simm.s32 $0x40;
	s29 =	simm.s32 $0x16800  }
0x4: {  	s31 =	simm.s32 $0x18800;
	s30 =	simm.s32 $0x16680;
	[smem:$0x7FF] =	sst s15  }
0x5: {  	s9 =	sadd.s32 $0x49200, s0;
	s2 =	sadd.s32 $0xD200, s0;
	s13 =	sadd.s32 $0x5D200, s0  }
0x6: {  	s3 =	sadd.s32 $0x21200, s0;
	s16 =	smul.u32 $0x280, s8;
	s4 =	sadd.s32 $0x71200, s0  }
0x7: {  	s17 =	sadd.s32 $0x35200, s0;
	_ =	strace $0x8000004A;
	[dreg:$0x5] =	wrdreg s2  }
0x8: {  	s10 =	sadd.s32 $0xAD200, s0;
	s11 =	sadd.s32 $0xFD200, s0;
	[dreg:$0x6] =	wrdreg s13  }
0x9: {  	s12 =	sadd.s32 $0x173400, s0;
	s5 =	smul.u32 $0x2800, s8;
	[dreg:$0x7] =	wrdreg s3  }
0xa: {  	s7 =	smul.u32 $0x50000, s8;
	s22 =	sshll.u32 s8, $0x6;
	[dreg:$0x8] =	wrdreg s4  }
0xb: {  	s2 =	sand.u32 $0x1, s14;
	[dreg:$0x9] =	wrdreg s17;
	s13 =	smul.u32 $0x140, s8  }
0xc: {  	[dreg:$0xa] =	wrdreg s22;
	s23 =	sor.u32 $0x1C01, s22;
	s22 =	simm.s32 $0x1  }
0xd: {  	s14 =	simm.s32 $0x5;
	s8 =	simm.s32 $0x16600;
	s17 =	simm.s32 $0x16780  }
0xe: {  	s18 =	smul.u32 $0x2800, s2;
	s19 =	ssub.s32 $0x2, s2;
	s5 =	sadd.s32 s5, s0  }
0xf: {  	s21 =	sshrl.u32 s7, $0x2;
	[dreg:$0xc] =	wrdreg s23;
	s2 =	smul.u32 $0x2710, s2  }
0x10: {  	s23 =	simm.s32 $0x14000;
	s7 =	simm.s32 $0x15300;
	s6 =	sshrl.u32 s19, $0x1  }
0x11: {  	s5 =	sadd.s32 $0x1E9600, s5;
	s4 =	sadd.s32 s21, s1;
	s21 =	simm.s32 $0x6  }
0x12: {  	s3 =	sadd.s32 s16, s18;
	s20 =	ssub.s32 s19, s6;
	[dreg:$0xb] =	wrdreg s5  }
0x13: {  	s16 =	sshrl.u32 s4, $0x3;
	s4 =	smov.u32 s9;
	s18 =	simm.s32 $0x1C800  }
0x14: {  	s19 =	simm.s32 $0x2;
	s3 =	sshll.u32 s3, $0x4;
	[dreg:$0x4] =	wrdreg s4  }
0x15: {  	s26 =	smax.u32 s20, $0x1;
	[dreg:$0x11] =	wrdreg s16;
	s0 =	sadd.s32 s3, s0  }
0x16: {  	s5 =	simm.s32 $0x7;
	[dreg:$0x10] =	wrdreg s26;
	s24 =	sadd.s32 $0x2B1600, s0  }
0x17: {  	s6 =	simm.s32 $0x8;
	s25 =	sadd.s32 $0x261600, s0;
	[dreg:$0xd] =	wrdreg s24  }
0x18: {  	s9 =	simm.s32 $0x15380;
	s0 =	sadd.s32 $0x211600, s0;
	[dreg:$0xe] =	wrdreg s25  }
0x19: {  	s26 =	simm.s32 $0x4;
	s3 =	simm.s32 $0x1A800;
	[dreg:$0xf] =	wrdreg s0  }
0x1a: {  	v0 =	vmov s2;
	s24 =	simm.s32 $0x15400;
	s25 =	simm.s32 $0x3;
	s0 =	simm.s32 $0x16700  }
.LBB2_1:
0x1b: {  	[dreg:$0x3] =	wrdreg s15  }
0x1c: {  	s2 =	rddreg [dreg:$0xb]  }
0x1d: {  	s20 =	rddreg [dreg:$0xc]  }
0x1e: {  	[spmem:s16], [sflag:s20] =	dma.local [hbm:s2], $0x2800  }
0x1f: {  	_ =	swait.ge [sflag:s22], $0x2800  }
0x20: {  	[sflag:s22] =	ssyncset.done $0x0  }
0x21: {  	[sflag:s22] =	ssyncadd.s32 $0xFFFFD800  }
0x22: {  	s20 =	simm.s32 $0x0;
	[bflag:$0x0] =	sbarrier.arrive $0xFFFF  }
.LBB2_2:
0x23: {  	s2 =	smul.u32 $0x28, s20;
	_ =	sdelay $0x1  }
0x24: {  	s2 =	sadd.s32 s13, s2  }
0x25: {  	s2 =	sshll.u32 s2, $0x4  }
0x26: {  	s16 =	simm.s32 $0x0;
	s15 =	sadd.s32 s4, s2  }
0x27: {  	[tilespmem:s23], [sflag:$0x3] =	stream.linear.gather [hbm4b:s15+s16], $0x1400, $0x38;
	[tilespmem:$0x1E800] =	vst v63  }
0x28: {  	s15 =	rddreg [dreg:$0x5]  }
0x29: {  	s2 =	sadd.s32 s15, s2  }
0x2a: {  	[tilespmem:s24], [sflag:$0x4] =	stream.linear.gather [hbm4b:s2+s16], $0x1400, $0x38;
	[tilespmem:$0x1E800] =	vst v63  }
0x2b: {  	_ =	swait.ge [sflag:s25], $0x1400  }
0x2c: {  	[sflag:s25] =	ssyncset.done $0x0  }
0x2d: {  	[sflag:s25] =	ssyncadd.s32 $0xFFFFEC00  }
0x2e: {  	_ =	swait.ge [sflag:s26], $0x1400  }
0x2f: {  	[sflag:s26] =	ssyncset.done $0x0  }
0x30: {  	s2 =	simm.s32 $0x0;
	[sflag:s26] =	ssyncadd.s32 $0xFFFFEC00  }
0x31: {  	v3 =	vld [tilespmem:s2+$0x14000]  }
0x32: {  	v2 =	vld [tilespmem:s2+$0x14010]  }
0x33: {  	s15 =	simm.s32 $0x200;
	v1 =	vld [tilespmem:s2+$0x14020]  }
.LBB2_3:
0x34: {  	p0 =	sne.s32 s15, $0x4E00;
	v4 =	vld [tilespmem:s2+$0x14030];
	_ =	sdelay $0x1  }
.Ltmp0:
0x35: {  	v3 =	vadd.s32 v0, v3;
	(pc) =	sbr.rel @p0 .LBB2_3-.Ltmp0, $4  }
0x36: {  	s16 =	sshra.s32 s15, $0x2;
	[tilespmem:s2+$0x14000] =	vst v3;
	v2 =	vadd.s32 v0, v2  }
0x37: {  	v3 =	vld [tilespmem:s16+$0x14000];
	[tilespmem:s2+$0x14010] =	vst v2;
	v1 =	vadd.s32 v0, v1  }
0x38: {  	v2 =	vld [tilespmem:s16+$0x14010];
	[tilespmem:s2+$0x14020] =	vst v1;
	v4 =	vadd.s32 v0, v4  }
0x39: {  	s15 =	sadd.s32 $0x200, s15;
	v1 =	vld [tilespmem:s16+$0x14020];
	[tilespmem:s2+$0x14030] =	vst v4;
	s2 =	smov.u32 s16  }
0x3a: {  	v4 =	vld [tilespmem:s2+$0x14030];
	_ =	sdelay $0x1  }
0x3b: {  	v3 =	vadd.s32 v0, v3  }
0x3c: {  	[tilespmem:s2+$0x14000] =	vst v3;
	v2 =	vadd.s32 v0, v2  }
0x3d: {  	[tilespmem:s2+$0x14010] =	vst v2;
	v1 =	vadd.s32 v0, v1  }
0x3e: {  	[tilespmem:s2+$0x14020] =	vst v1;
	v1 =	vadd.s32 v0, v4  }
0x3f: {  	[tilespmem:s2+$0x14030] =	vst v1  }
0x40: {  	[tilespmem:s29], [sflag:$0x1] =	stream.indirect.gather [hbm4b:s10+s28], $0x80, s23, s28, $0xb8;
	[tilespmem:$0x1E800] =	vst v63  }
0x41: {  	s16 =	simm.s32 $0x14080  }
0x42: {  	[tilespmem:s31], [sflag:$0x2] =	stream.indirect.gather [hbm4b:s10+s28], $0x80, s16, s28, $0xb8;
	[tilespmem:$0x1E800] =	vst v63  }
0x43: {  	s15 =	simm.s32 $0x14100  }
0x44: {  	[tilespmem:s3], [sflag:$0x3] =	stream.indirect.gather [hbm4b:s10+s28], $0x80, s15, s28, $0xb8;
	[tilespmem:$0x1E800] =	vst v63  }
0x45: {  	_ =	swait.ge [sflag:s22], $0x2000  }
0x46: {  	[sflag:s22] =	ssyncset.done $0x0  }
0x47: {  	[sflag:s22] =	ssyncadd.s32 $0xFFFFE000  }
0x48: {  	[spmem:s1] =	stream.indirect.scatter.add.f32 [tilespmem:s29], [sflag:$0x5], $0x80, s24, s28, $0xb8;
	[tilespmem:$0x1E800] =	vst v63  }
0x49: {  	s16 =	simm.s32 $0x14180  }
0x4a: {  	[tilespmem:s18], [sflag:$0x4] =	stream.indirect.gather [hbm4b:s10+s28], $0x80, s16, s28, $0xb8;
	[tilespmem:$0x1E800] =	vst v63  }
0x4b: {  	_ =	swait.ge [sflag:s19], $0x2000  }
0x4c: {  	[sflag:s19] =	ssyncset.done $0x0  }
0x4d: {  	s15 =	simm.s32 $0x15480;
	[sflag:s19] =	ssyncadd.s32 $0xFFFFE000  }
0x4e: {  	[spmem:s1] =	stream.indirect.scatter.add.f32 [tilespmem:s31], [sflag:$0x6], $0x80, s15, s28, $0xb8;
	[tilespmem:$0x1E800] =	vst v63  }
0x4f: {  	_ =	swait.ge [sflag:s14], $0x2000  }
0x50: {  	[sflag:s14] =	ssyncset.done $0x0  }
0x51: {  	s16 =	simm.s32 $0x14200;
	[sflag:s14] =	ssyncadd.s32 $0xFFFFE000  }
0x52: {  	[tilespmem:s29], [sflag:$0x1] =	stream.indirect.gather [hbm4b:s10+s28], $0x80, s16, s28, $0xb8;
	[tilespmem:$0x1E800] =	vst v63  }
0x53: {  	_ =	swait.ge [sflag:s25], $0x2000  }
0x54: {  	[sflag:s25] =	ssyncset.done $0x0  }
0x55: {  	s15 =	simm.s32 $0x15500;
	[sflag:s25] =	ssyncadd.s32 $0xFFFFE000  }
0x56: {  	[spmem:s1] =	stream.indirect.scatter.add.f32 [tilespmem:s3], [sflag:$0x7], $0x80, s15, s28, $0xb8;
	[tilespmem:$0x1E800] =	vst v63  }
0x57: {  	_ =	swait.ge [sflag:s21], $0x2000  }
0x58: {  	[sflag:s21] =	ssyncset.done $0x0  }
0x59: {  	s16 =	simm.s32 $0x14280;
	[sflag:s21] =	ssyncadd.s32 $0xFFFFE000  }
0x5a: {  	[tilespmem:s31], [sflag:$0x2] =	stream.indirect.gather [hbm4b:s10+s28], $0x80, s16, s28, $0xb8;
	[tilespmem:$0x1E800] =	vst v63  }
0x5b: {  	_ =	swait.ge [sflag:s26], $0x2000  }
0x5c: {  	[sflag:s26] =	ssyncset.done $0x0  }
0x5d: {  	s15 =	simm.s32 $0x15580;
	[sflag:s26] =	ssyncadd.s32 $0xFFFFE000  }
0x5e: {  	[spmem:s1] =	stream.indirect.scatter.add.f32 [tilespmem:s18], [sflag:$0x8], $0x80, s15, s28, $0xb8;
	[tilespmem:$0x1E800] =	vst v63  }
0x5f: {  	_ =	swait.ge [sflag:s5], $0x2000  }
0x60: {  	[sflag:s5] =	ssyncset.done $0x0  }
0x61: {  	s16 =	simm.s32 $0x14300;
	[sflag:s5] =	ssyncadd.s32 $0xFFFFE000  }
0x62: {  	[tilespmem:s3], [sflag:$0x3] =	stream.indirect.gather [hbm4b:s10+s28], $0x80, s16, s28, $0xb8;
	[tilespmem:$0x1E800] =	vst v63  }
0x63: {  	_ =	swait.ge [sflag:s22], $0x2000  }
0x64: {  	[sflag:s22] =	ssyncset.done $0x0  }
0x65: {  	s15 =	simm.s32 $0x15600;
	[sflag:s22] =	ssyncadd.s32 $0xFFFFE000  }
0x66: {  	[spmem:s1] =	stream.indirect.scatter.add.f32 [tilespmem:s29], [sflag:$0x5], $0x80, s15, s28, $0xb8;
	[tilespmem:$0x1E800] =	vst v63  }
0x67: {  	_ =	swait.ge [sflag:s6], $0x2000  }
0x68: {  	[sflag:s6] =	ssyncset.done $0x0  }
0x69: {  	s16 =	simm.s32 $0x14380;
	[sflag:s6] =	ssyncadd.s32 $0xFFFFE000  }
0x6a: {  	[tilespmem:s18], [sflag:$0x4] =	stream.indirect.gather [hbm4b:s10+s28], $0x80, s16, s28, $0xb8;
	[tilespmem:$0x1E800] =	vst v63  }
0x6b: {  	_ =	swait.ge [sflag:s19], $0x2000  }
0x6c: {  	[sflag:s19] =	ssyncset.done $0x0  }
0x6d: {  	s15 =	simm.s32 $0x15680;
	[sflag:s19] =	ssyncadd.s32 $0xFFFFE000  }
0x6e: {  	[spmem:s1] =	stream.indirect.scatter.add.f32 [tilespmem:s31], [sflag:$0x6], $0x80, s15, s28, $0xb8;
	[tilespmem:$0x1E800] =	vst v63  }
0x6f: {  	_ =	swait.ge [sflag:s14], $0x2000  }
0x70: {  	[sflag:s14] =	ssyncset.done $0x0  }
0x71: {  	s16 =	simm.s32 $0x14400;
	[sflag:s14] =	ssyncadd.s32 $0xFFFFE000  }
0x72: {  	[tilespmem:s29], [sflag:$0x1] =	stream.indirect.gather [hbm4b:s10+s28], $0x80, s16, s28, $0xb8;
	[tilespmem:$0x1E800] =	vst v63  }
0x73: {  	_ =	swait.ge [sflag:s25], $0x2000  }
0x74: {  	[sflag:s25] =	ssyncset.done $0x0  }
0x75: {  	s15 =	simm.s32 $0x15700;
	[sflag:s25] =	ssyncadd.s32 $0xFFFFE000  }
0x76: {  	[spmem:s1] =	stream.indirect.scatter.add.f32 [tilespmem:s3], [sflag:$0x7], $0x80, s15, s28, $0xb8;
	[tilespmem:$0x1E800] =	vst v63  }
0x77: {  	_ =	swait.ge [sflag:s21], $0x2000  }
0x78: {  	[sflag:s21] =	ssyncset.done $0x0  }
0x79: {  	s16 =	simm.s32 $0x14480;
	[sflag:s21] =	ssyncadd.s32 $0xFFFFE000  }
0x7a: {  	[tilespmem:s31], [sflag:$0x2] =	stream.indirect.gather [hbm4b:s10+s28], $0x80, s16, s28, $0xb8;
	[tilespmem:$0x1E800] =	vst v63  }
0x7b: {  	_ =	swait.ge [sflag:s26], $0x2000  }
0x7c: {  	[sflag:s26] =	ssyncset.done $0x0  }
0x7d: {  	s2 =	simm.s32 $0x15780;
	s15 =	simm.s32 $0x800;
	[sflag:s26] =	ssyncadd.s32 $0xFFFFE000  }
.LBB2_5:
0x7e: {  	[spmem:s1] =	stream.indirect.scatter.add.f32 [tilespmem:s18], [sflag:$0x8], $0x80, s2, s28, $0xb8;
	[tilespmem:$0x1E800] =	vst v63  }
0x7f: {  	s2 =	smov.u32 s15  }
0x80: {  	p0 =	sne.s32 s15, $0x3800;
	s15 =	sadd.s32 $0x800, s15;
	_ =	swait.ge [sflag:s5], $0x2000  }
0x81: {  	s16 =	sshra.s32 s2, $0x2;
	[sflag:s5] =	ssyncset.done $0x0  }
0x82: {  	s2 =	sadd.s32 $0x14300, s16;
	[sflag:s5] =	ssyncadd.s32 $0xFFFFE000  }
0x83: {  	[tilespmem:s3], [sflag:$0x3] =	stream.indirect.gather [hbm4b:s10+s28], $0x80, s2, s28, $0xb8;
	[tilespmem:$0x1E800] =	vst v63  }
0x84: {  	_ =	swait.ge [sflag:s22], $0x2000  }
0x85: {  	[sflag:s22] =	ssyncset.done $0x0  }
0x86: {  	s2 =	sadd.s32 $0x15600, s16;
	[sflag:s22] =	ssyncadd.s32 $0xFFFFE000  }
0x87: {  	[spmem:s1] =	stream.indirect.scatter.add.f32 [tilespmem:s29], [sflag:$0x5], $0x80, s2, s28, $0xb8;
	[tilespmem:$0x1E800] =	vst v63  }
0x88: {  	_ =	swait.ge [sflag:s6], $0x2000  }
0x89: {  	[sflag:s6] =	ssyncset.done $0x0  }
0x8a: {  	s2 =	sadd.s32 $0x14380, s16;
	[sflag:s6] =	ssyncadd.s32 $0xFFFFE000  }
0x8b: {  	[tilespmem:s18], [sflag:$0x4] =	stream.indirect.gather [hbm4b:s10+s28], $0x80, s2, s28, $0xb8;
	[tilespmem:$0x1E800] =	vst v63  }
0x8c: {  	_ =	swait.ge [sflag:s19], $0x2000  }
0x8d: {  	[sflag:s19] =	ssyncset.done $0x0  }
0x8e: {  	s2 =	sadd.s32 $0x15680, s16;
	[sflag:s19] =	ssyncadd.s32 $0xFFFFE000  }
0x8f: {  	[spmem:s1] =	stream.indirect.scatter.add.f32 [tilespmem:s31], [sflag:$0x6], $0x80, s2, s28, $0xb8;
	[tilespmem:$0x1E800] =	vst v63  }
0x90: {  	_ =	swait.ge [sflag:s14], $0x2000  }
0x91: {  	[sflag:s14] =	ssyncset.done $0x0  }
0x92: {  	s2 =	sadd.s32 $0x14400, s16;
	[sflag:s14] =	ssyncadd.s32 $0xFFFFE000  }
0x93: {  	[tilespmem:s29], [sflag:$0x1] =	stream.indirect.gather [hbm4b:s10+s28], $0x80, s2, s28, $0xb8;
	[tilespmem:$0x1E800] =	vst v63  }
0x94: {  	_ =	swait.ge [sflag:s25], $0x2000  }
0x95: {  	[sflag:s25] =	ssyncset.done $0x0  }
0x96: {  	s2 =	sadd.s32 $0x15700, s16;
	[sflag:s25] =	ssyncadd.s32 $0xFFFFE000  }
0x97: {  	[spmem:s1] =	stream.indirect.scatter.add.f32 [tilespmem:s3], [sflag:$0x7], $0x80, s2, s28, $0xb8;
	[tilespmem:$0x1E800] =	vst v63  }
0x98: {  	_ =	swait.ge [sflag:s21], $0x2000  }
0x99: {  	[sflag:s21] =	ssyncset.done $0x0  }
.Ltmp1:
0x9a: {  	s2 =	sadd.s32 $0x14480, s16;
	[sflag:s21] =	ssyncadd.s32 $0xFFFFE000;
	(pc) =	sbr.rel @p0 .LBB2_5-.Ltmp1, $4  }
0x9b: {  	[tilespmem:s31], [sflag:$0x2] =	stream.indirect.gather [hbm4b:s10+s28], $0x80, s2, s28, $0xb8;
	[tilespmem:$0x1E800] =	vst v63  }
0x9c: {  	_ =	swait.ge [sflag:s26], $0x2000  }
0x9d: {  	[sflag:s26] =	ssyncset.done $0x0  }
0x9e: {  	s2 =	sadd.s32 $0x15780, s16;
	[sflag:s26] =	ssyncadd.s32 $0xFFFFE000  }
0x9f: {  	[spmem:s1] =	stream.indirect.scatter.add.f32 [tilespmem:s18], [sflag:$0x8], $0x80, s2, s28, $0xb8;
	[tilespmem:$0x1E800] =	vst v63  }
0xa0: {  	_ =	swait.ge [sflag:s5], $0x2000  }
0xa1: {  	[sflag:s5] =	ssyncset.done $0x0  }
0xa2: {  	[sflag:s5] =	ssyncadd.s32 $0xFFFFE000  }
0xa3: {  	[tilespmem:s3], [sflag:$0x3] =	stream.indirect.gather [hbm4b:s10+s28], $0x80, s7, s28, $0xb8;
	[tilespmem:$0x1E800] =	vst v63  }
0xa4: {  	_ =	swait.ge [sflag:s22], $0x2000  }
0xa5: {  	[sflag:s22] =	ssyncset.done $0x0  }
0xa6: {  	[sflag:s22] =	ssyncadd.s32 $0xFFFFE000  }
0xa7: {  	[spmem:s1] =	stream.indirect.scatter.add.f32 [tilespmem:s29], [sflag:$0x5], $0x80, s8, s28, $0xb8;
	[tilespmem:$0x1E800] =	vst v63  }
0xa8: {  	_ =	swait.ge [sflag:s6], $0x2000  }
0xa9: {  	[sflag:s6] =	ssyncset.done $0x0  }
0xaa: {  	[sflag:s6] =	ssyncadd.s32 $0xFFFFE000  }
0xab: {  	[tilespmem:s18], [sflag:$0x4] =	stream.indirect.gather [hbm4b:s10+s28], $0x80, s9, s28, $0xb8;
	[tilespmem:$0x1E800] =	vst v63  }
0xac: {  	_ =	swait.ge [sflag:s19], $0x2000  }
0xad: {  	[sflag:s19] =	ssyncset.done $0x0  }
0xae: {  	[sflag:s19] =	ssyncadd.s32 $0xFFFFE000  }
0xaf: {  	[spmem:s1] =	stream.indirect.scatter.add.f32 [tilespmem:s31], [sflag:$0x6], $0x80, s30, s28, $0xb8;
	[tilespmem:$0x1E800] =	vst v63  }
0xb0: {  	_ =	swait.ge [sflag:s14], $0x2000  }
0xb1: {  	[sflag:s14] =	ssyncset.done $0x0  }
0xb2: {  	[sflag:s14] =	ssyncadd.s32 $0xFFFFE000  }
0xb3: {  	_ =	swait.ge [sflag:s25], $0x2000  }
0xb4: {  	[sflag:s25] =	ssyncset.done $0x0  }
0xb5: {  	[sflag:s25] =	ssyncadd.s32 $0xFFFFE000  }
0xb6: {  	[spmem:s1] =	stream.indirect.scatter.add.f32 [tilespmem:s3], [sflag:$0x7], $0x80, s0, s28, $0xb8;
	[tilespmem:$0x1E800] =	vst v63  }
0xb7: {  	_ =	swait.ge [sflag:s21], $0x2000  }
0xb8: {  	[sflag:s21] =	ssyncset.done $0x0  }
0xb9: {  	[sflag:s21] =	ssyncadd.s32 $0xFFFFE000  }
0xba: {  	_ =	swait.ge [sflag:s26], $0x2000  }
0xbb: {  	[sflag:s26] =	ssyncset.done $0x0  }
0xbc: {  	s20 =	sadd.s32 $0x1, s20;
	[sflag:s26] =	ssyncadd.s32 $0xFFFFE000  }
0xbd: {  	[spmem:s1] =	stream.indirect.scatter.add.f32 [tilespmem:s18], [sflag:$0x8], $0x80, s17, s28, $0xb8;
	[tilespmem:$0x1E800] =	vst v63  }
0xbe: {  	p0 =	sne.s32 s20, $0x8;
	_ =	swait.ge [sflag:s5], $0x2000  }
.Ltmp2:
0xbf: {  	[sflag:s5] =	ssyncset.done $0x0;
	(pc) =	sbr.rel @p0 .LBB2_2-.Ltmp2, $4  }
0xc0: {  	[sflag:s5] =	ssyncadd.s32 $0xFFFFE000  }
0xc1: {  	_ =	swait.ge [sflag:s6], $0x2000  }
0xc2: {  	[sflag:s6] =	ssyncset.done $0x0  }
0xc3: {  	[sflag:s6] =	ssyncadd.s32 $0xFFFFE000  }
0xc4: {  	[bflag:$0x0] =	sbarrier.arrive $0xFFFF  }
0xc5: {  	s2 =	rddreg [dreg:$0xa]  }
0xc6: {  	s20 =	rddreg [dreg:$0xd]  }
0xc7: {  	s15 =	rddreg [dreg:$0x11];
	s4 =	sor.u32 $0x1C09, s2  }
0xc8: {  	[dreg:$0x12] =	wrdreg s4  }
0xc9: {  	[hbm:s20], [sflag:s4] =	dma.local [spmem:s15], $0x2800  }
0xca: {  	s4 =	simm.s32 $0x9  }
0xcb: {  	_ =	swait.ge [sflag:s4], $0x2800  }
0xcc: {  	[sflag:s4] =	ssyncset.done $0x0;
	s16 =	rddreg [dreg:$0xb]  }
0xcd: {  	s20 =	rddreg [dreg:$0xc];
	[sflag:s4] =	ssyncadd.s32 $0xFFFFD800  }
0xce: {  	[spmem:s15], [sflag:s20] =	dma.local [hbm:s16], $0x2800  }
0xcf: {  	_ =	swait.ge [sflag:s22], $0x2800  }
0xd0: {  	[sflag:s22] =	ssyncset.done $0x0  }
0xd1: {  	[sflag:s22] =	ssyncadd.s32 $0xFFFFD800  }
0xd2: {  	s20 =	simm.s32 $0x0;
	s15 =	simm.s32 $0x0;
	[bflag:$0x0] =	sbarrier.arrive $0xFFFF  }
.LBB2_8:
0xd3: {  	s2 =	smul.u32 $0x28, s15;
	_ =	sdelay $0x1  }
0xd4: {  	s2 =	sadd.s32 s13, s2  }
0xd5: {  	s4 =	rddreg [dreg:$0x6];
	s2 =	sshll.u32 s2, $0x4  }
0xd6: {  	s16 =	sadd.s32 s4, s2  }
0xd7: {  	[tilespmem:s23], [sflag:$0x3] =	stream.linear.gather [hbm4b:s16+s20], $0x1400, $0x38;
	[tilespmem:$0x1E800] =	vst v63  }
0xd8: {  	s16 =	rddreg [dreg:$0x7]  }
0xd9: {  	s2 =	sadd.s32 s16, s2  }
0xda: {  	[tilespmem:s24], [sflag:$0x4] =	stream.linear.gather [hbm4b:s2+s20], $0x1400, $0x38;
	[tilespmem:$0x1E800] =	vst v63  }
0xdb: {  	_ =	swait.ge [sflag:s25], $0x1400  }
0xdc: {  	[sflag:s25] =	ssyncset.done $0x0  }
0xdd: {  	[sflag:s25] =	ssyncadd.s32 $0xFFFFEC00  }
0xde: {  	_ =	swait.ge [sflag:s26], $0x1400  }
0xdf: {  	[sflag:s26] =	ssyncset.done $0x0  }
0xe0: {  	s2 =	simm.s32 $0x0;
	[sflag:s26] =	ssyncadd.s32 $0xFFFFEC00  }
0xe1: {  	v3 =	vld [tilespmem:s2+$0x14000]  }
0xe2: {  	v2 =	vld [tilespmem:s2+$0x14010]  }
0xe3: {  	s16 =	simm.s32 $0x200;
	v1 =	vld [tilespmem:s2+$0x14020]  }
.LBB2_9:
0xe4: {  	p0 =	sne.s32 s16, $0x4E00;
	v4 =	vld [tilespmem:s2+$0x14030];
	_ =	sdelay $0x1  }
.Ltmp3:
0xe5: {  	v3 =	vadd.s32 v0, v3;
	(pc) =	sbr.rel @p0 .LBB2_9-.Ltmp3, $4  }
0xe6: {  	s4 =	sshra.s32 s16, $0x2;
	[tilespmem:s2+$0x14000] =	vst v3;
	v2 =	vadd.s32 v0, v2  }
0xe7: {  	v3 =	vld [tilespmem:s4+$0x14000];
	[tilespmem:s2+$0x14010] =	vst v2;
	v1 =	vadd.s32 v0, v1  }
0xe8: {  	v2 =	vld [tilespmem:s4+$0x14010];
	[tilespmem:s2+$0x14020] =	vst v1;
	v4 =	vadd.s32 v0, v4  }
0xe9: {  	s16 =	sadd.s32 $0x200, s16;
	v1 =	vld [tilespmem:s4+$0x14020];
	[tilespmem:s2+$0x14030] =	vst v4;
	s2 =	smov.u32 s4  }
0xea: {  	v4 =	vld [tilespmem:s2+$0x14030];
	_ =	sdelay $0x1  }
0xeb: {  	v3 =	vadd.s32 v0, v3  }
0xec: {  	[tilespmem:s2+$0x14000] =	vst v3;
	v2 =	vadd.s32 v0, v2  }
0xed: {  	[tilespmem:s2+$0x14010] =	vst v2;
	v1 =	vadd.s32 v0, v1  }
0xee: {  	[tilespmem:s2+$0x14020] =	vst v1;
	v1 =	vadd.s32 v0, v4  }
0xef: {  	[tilespmem:s2+$0x14030] =	vst v1  }
0xf0: {  	[tilespmem:s29], [sflag:$0x1] =	stream.indirect.gather [hbm4b:s11+s28], $0x80, s23, s28, $0xb8;
	[tilespmem:$0x1E800] =	vst v63  }
0xf1: {  	s16 =	simm.s32 $0x14080  }
0xf2: {  	[tilespmem:s31], [sflag:$0x2] =	stream.indirect.gather [hbm4b:s11+s28], $0x80, s16, s28, $0xb8;
	[tilespmem:$0x1E800] =	vst v63  }
0xf3: {  	s4 =	simm.s32 $0x14100  }
0xf4: {  	[tilespmem:s3], [sflag:$0x3] =	stream.indirect.gather [hbm4b:s11+s28], $0x80, s4, s28, $0xb8;
	[tilespmem:$0x1E800] =	vst v63  }
0xf5: {  	_ =	swait.ge [sflag:s22], $0x2000  }
0xf6: {  	[sflag:s22] =	ssyncset.done $0x0  }
0xf7: {  	[sflag:s22] =	ssyncadd.s32 $0xFFFFE000  }
0xf8: {  	[spmem:s1] =	stream.indirect.scatter.add.f32 [tilespmem:s29], [sflag:$0x5], $0x80, s24, s28, $0xb8;
	[tilespmem:$0x1E800] =	vst v63  }
0xf9: {  	s16 =	simm.s32 $0x14180  }
0xfa: {  	[tilespmem:s18], [sflag:$0x4] =	stream.indirect.gather [hbm4b:s11+s28], $0x80, s16, s28, $0xb8;
	[tilespmem:$0x1E800] =	vst v63  }
0xfb: {  	_ =	swait.ge [sflag:s19], $0x2000  }
0xfc: {  	[sflag:s19] =	ssyncset.done $0x0  }
0xfd: {  	s4 =	simm.s32 $0x15480;
	[sflag:s19] =	ssyncadd.s32 $0xFFFFE000  }
0xfe: {  	[spmem:s1] =	stream.indirect.scatter.add.f32 [tilespmem:s31], [sflag:$0x6], $0x80, s4, s28, $0xb8;
	[tilespmem:$0x1E800] =	vst v63  }
0xff: {  	_ =	swait.ge [sflag:s14], $0x2000  }
0x100: {  	[sflag:s14] =	ssyncset.done $0x0  }
0x101: {  	s16 =	simm.s32 $0x14200;
	[sflag:s14] =	ssyncadd.s32 $0xFFFFE000  }
0x102: {  	[tilespmem:s29], [sflag:$0x1] =	stream.indirect.gather [hbm4b:s11+s28], $0x80, s16, s28, $0xb8;
	[tilespmem:$0x1E800] =	vst v63  }
0x103: {  	_ =	swait.ge [sflag:s25], $0x2000  }
0x104: {  	[sflag:s25] =	ssyncset.done $0x0  }
0x105: {  	s4 =	simm.s32 $0x15500;
	[sflag:s25] =	ssyncadd.s32 $0xFFFFE000  }
0x106: {  	[spmem:s1] =	stream.indirect.scatter.add.f32 [tilespmem:s3], [sflag:$0x7], $0x80, s4, s28, $0xb8;
	[tilespmem:$0x1E800] =	vst v63  }
0x107: {  	_ =	swait.ge [sflag:s21], $0x2000  }
0x108: {  	[sflag:s21] =	ssyncset.done $0x0  }
0x109: {  	s16 =	simm.s32 $0x14280;
	[sflag:s21] =	ssyncadd.s32 $0xFFFFE000  }
0x10a: {  	[tilespmem:s31], [sflag:$0x2] =	stream.indirect.gather [hbm4b:s11+s28], $0x80, s16, s28, $0xb8;
	[tilespmem:$0x1E800] =	vst v63  }
0x10b: {  	_ =	swait.ge [sflag:s26], $0x2000  }
0x10c: {  	[sflag:s26] =	ssyncset.done $0x0  }
0x10d: {  	s4 =	simm.s32 $0x15580;
	[sflag:s26] =	ssyncadd.s32 $0xFFFFE000  }
0x10e: {  	[spmem:s1] =	stream.indirect.scatter.add.f32 [tilespmem:s18], [sflag:$0x8], $0x80, s4, s28, $0xb8;
	[tilespmem:$0x1E800] =	vst v63  }
0x10f: {  	_ =	swait.ge [sflag:s5], $0x2000  }
0x110: {  	[sflag:s5] =	ssyncset.done $0x0  }
0x111: {  	s16 =	simm.s32 $0x14300;
	[sflag:s5] =	ssyncadd.s32 $0xFFFFE000  }
0x112: {  	[tilespmem:s3], [sflag:$0x3] =	stream.indirect.gather [hbm4b:s11+s28], $0x80, s16, s28, $0xb8;
	[tilespmem:$0x1E800] =	vst v63  }
0x113: {  	_ =	swait.ge [sflag:s22], $0x2000  }
0x114: {  	[sflag:s22] =	ssyncset.done $0x0  }
0x115: {  	s4 =	simm.s32 $0x15600;
	[sflag:s22] =	ssyncadd.s32 $0xFFFFE000  }
0x116: {  	[spmem:s1] =	stream.indirect.scatter.add.f32 [tilespmem:s29], [sflag:$0x5], $0x80, s4, s28, $0xb8;
	[tilespmem:$0x1E800] =	vst v63  }
0x117: {  	_ =	swait.ge [sflag:s6], $0x2000  }
0x118: {  	[sflag:s6] =	ssyncset.done $0x0  }
0x119: {  	s16 =	simm.s32 $0x14380;
	[sflag:s6] =	ssyncadd.s32 $0xFFFFE000  }
0x11a: {  	[tilespmem:s18], [sflag:$0x4] =	stream.indirect.gather [hbm4b:s11+s28], $0x80, s16, s28, $0xb8;
	[tilespmem:$0x1E800] =	vst v63  }
0x11b: {  	_ =	swait.ge [sflag:s19], $0x2000  }
0x11c: {  	[sflag:s19] =	ssyncset.done $0x0  }
0x11d: {  	s4 =	simm.s32 $0x15680;
	[sflag:s19] =	ssyncadd.s32 $0xFFFFE000  }
0x11e: {  	[spmem:s1] =	stream.indirect.scatter.add.f32 [tilespmem:s31], [sflag:$0x6], $0x80, s4, s28, $0xb8;
	[tilespmem:$0x1E800] =	vst v63  }
0x11f: {  	_ =	swait.ge [sflag:s14], $0x2000  }
0x120: {  	[sflag:s14] =	ssyncset.done $0x0  }
0x121: {  	s16 =	simm.s32 $0x14400;
	[sflag:s14] =	ssyncadd.s32 $0xFFFFE000  }
0x122: {  	[tilespmem:s29], [sflag:$0x1] =	stream.indirect.gather [hbm4b:s11+s28], $0x80, s16, s28, $0xb8;
	[tilespmem:$0x1E800] =	vst v63  }
0x123: {  	_ =	swait.ge [sflag:s25], $0x2000  }
0x124: {  	[sflag:s25] =	ssyncset.done $0x0  }
0x125: {  	s4 =	simm.s32 $0x15700;
	[sflag:s25] =	ssyncadd.s32 $0xFFFFE000  }
0x126: {  	[spmem:s1] =	stream.indirect.scatter.add.f32 [tilespmem:s3], [sflag:$0x7], $0x80, s4, s28, $0xb8;
	[tilespmem:$0x1E800] =	vst v63  }
0x127: {  	_ =	swait.ge [sflag:s21], $0x2000  }
0x128: {  	[sflag:s21] =	ssyncset.done $0x0  }
0x129: {  	s16 =	simm.s32 $0x14480;
	[sflag:s21] =	ssyncadd.s32 $0xFFFFE000  }
0x12a: {  	[tilespmem:s31], [sflag:$0x2] =	stream.indirect.gather [hbm4b:s11+s28], $0x80, s16, s28, $0xb8;
	[tilespmem:$0x1E800] =	vst v63  }
0x12b: {  	_ =	swait.ge [sflag:s26], $0x2000  }
0x12c: {  	[sflag:s26] =	ssyncset.done $0x0  }
0x12d: {  	s2 =	simm.s32 $0x15780;
	s16 =	simm.s32 $0x800;
	[sflag:s26] =	ssyncadd.s32 $0xFFFFE000  }
.LBB2_11:
0x12e: {  	[spmem:s1] =	stream.indirect.scatter.add.f32 [tilespmem:s18], [sflag:$0x8], $0x80, s2, s28, $0xb8;
	[tilespmem:$0x1E800] =	vst v63  }
0x12f: {  	s2 =	smov.u32 s16  }
0x130: {  	p0 =	sne.s32 s16, $0x3800;
	s16 =	sadd.s32 $0x800, s16;
	_ =	swait.ge [sflag:s5], $0x2000  }
0x131: {  	s2 =	sshra.s32 s2, $0x2;
	[sflag:s5] =	ssyncset.done $0x0  }
0x132: {  	s4 =	sadd.s32 $0x14300, s2;
	[sflag:s5] =	ssyncadd.s32 $0xFFFFE000  }
0x133: {  	[tilespmem:s3], [sflag:$0x3] =	stream.indirect.gather [hbm4b:s11+s28], $0x80, s4, s28, $0xb8;
	[tilespmem:$0x1E800] =	vst v63  }
0x134: {  	_ =	swait.ge [sflag:s22], $0x2000  }
0x135: {  	[sflag:s22] =	ssyncset.done $0x0  }
0x136: {  	s4 =	sadd.s32 $0x15600, s2;
	[sflag:s22] =	ssyncadd.s32 $0xFFFFE000  }
0x137: {  	[spmem:s1] =	stream.indirect.scatter.add.f32 [tilespmem:s29], [sflag:$0x5], $0x80, s4, s28, $0xb8;
	[tilespmem:$0x1E800] =	vst v63  }
0x138: {  	_ =	swait.ge [sflag:s6], $0x2000  }
0x139: {  	[sflag:s6] =	ssyncset.done $0x0  }
0x13a: {  	s4 =	sadd.s32 $0x14380, s2;
	[sflag:s6] =	ssyncadd.s32 $0xFFFFE000  }
0x13b: {  	[tilespmem:s18], [sflag:$0x4] =	stream.indirect.gather [hbm4b:s11+s28], $0x80, s4, s28, $0xb8;
	[tilespmem:$0x1E800] =	vst v63  }
0x13c: {  	_ =	swait.ge [sflag:s19], $0x2000  }
0x13d: {  	[sflag:s19] =	ssyncset.done $0x0  }
0x13e: {  	s4 =	sadd.s32 $0x15680, s2;
	[sflag:s19] =	ssyncadd.s32 $0xFFFFE000  }
0x13f: {  	[spmem:s1] =	stream.indirect.scatter.add.f32 [tilespmem:s31], [sflag:$0x6], $0x80, s4, s28, $0xb8;
	[tilespmem:$0x1E800] =	vst v63  }
0x140: {  	_ =	swait.ge [sflag:s14], $0x2000  }
0x141: {  	[sflag:s14] =	ssyncset.done $0x0  }
0x142: {  	s4 =	sadd.s32 $0x14400, s2;
	[sflag:s14] =	ssyncadd.s32 $0xFFFFE000  }
0x143: {  	[tilespmem:s29], [sflag:$0x1] =	stream.indirect.gather [hbm4b:s11+s28], $0x80, s4, s28, $0xb8;
	[tilespmem:$0x1E800] =	vst v63  }
0x144: {  	_ =	swait.ge [sflag:s25], $0x2000  }
0x145: {  	[sflag:s25] =	ssyncset.done $0x0  }
0x146: {  	s4 =	sadd.s32 $0x15700, s2;
	[sflag:s25] =	ssyncadd.s32 $0xFFFFE000  }
0x147: {  	[spmem:s1] =	stream.indirect.scatter.add.f32 [tilespmem:s3], [sflag:$0x7], $0x80, s4, s28, $0xb8;
	[tilespmem:$0x1E800] =	vst v63  }
0x148: {  	_ =	swait.ge [sflag:s21], $0x2000  }
0x149: {  	[sflag:s21] =	ssyncset.done $0x0  }
.Ltmp4:
0x14a: {  	s4 =	sadd.s32 $0x14480, s2;
	[sflag:s21] =	ssyncadd.s32 $0xFFFFE000;
	(pc) =	sbr.rel @p0 .LBB2_11-.Ltmp4, $4  }
0x14b: {  	[tilespmem:s31], [sflag:$0x2] =	stream.indirect.gather [hbm4b:s11+s28], $0x80, s4, s28, $0xb8;
	[tilespmem:$0x1E800] =	vst v63  }
0x14c: {  	_ =	swait.ge [sflag:s26], $0x2000  }
0x14d: {  	[sflag:s26] =	ssyncset.done $0x0  }
0x14e: {  	s2 =	sadd.s32 $0x15780, s2;
	[sflag:s26] =	ssyncadd.s32 $0xFFFFE000  }
0x14f: {  	[spmem:s1] =	stream.indirect.scatter.add.f32 [tilespmem:s18], [sflag:$0x8], $0x80, s2, s28, $0xb8;
	[tilespmem:$0x1E800] =	vst v63  }
0x150: {  	_ =	swait.ge [sflag:s5], $0x2000  }
0x151: {  	[sflag:s5] =	ssyncset.done $0x0  }
0x152: {  	[sflag:s5] =	ssyncadd.s32 $0xFFFFE000  }
0x153: {  	[tilespmem:s3], [sflag:$0x3] =	stream.indirect.gather [hbm4b:s11+s28], $0x80, s7, s28, $0xb8;
	[tilespmem:$0x1E800] =	vst v63  }
0x154: {  	_ =	swait.ge [sflag:s22], $0x2000  }
0x155: {  	[sflag:s22] =	ssyncset.done $0x0  }
0x156: {  	[sflag:s22] =	ssyncadd.s32 $0xFFFFE000  }
0x157: {  	[spmem:s1] =	stream.indirect.scatter.add.f32 [tilespmem:s29], [sflag:$0x5], $0x80, s8, s28, $0xb8;
	[tilespmem:$0x1E800] =	vst v63  }
0x158: {  	_ =	swait.ge [sflag:s6], $0x2000  }
0x159: {  	[sflag:s6] =	ssyncset.done $0x0  }
0x15a: {  	[sflag:s6] =	ssyncadd.s32 $0xFFFFE000  }
0x15b: {  	[tilespmem:s18], [sflag:$0x4] =	stream.indirect.gather [hbm4b:s11+s28], $0x80, s9, s28, $0xb8;
	[tilespmem:$0x1E800] =	vst v63  }
0x15c: {  	_ =	swait.ge [sflag:s19], $0x2000  }
0x15d: {  	[sflag:s19] =	ssyncset.done $0x0  }
0x15e: {  	[sflag:s19] =	ssyncadd.s32 $0xFFFFE000  }
0x15f: {  	[spmem:s1] =	stream.indirect.scatter.add.f32 [tilespmem:s31], [sflag:$0x6], $0x80, s30, s28, $0xb8;
	[tilespmem:$0x1E800] =	vst v63  }
0x160: {  	_ =	swait.ge [sflag:s14], $0x2000  }
0x161: {  	[sflag:s14] =	ssyncset.done $0x0  }
0x162: {  	[sflag:s14] =	ssyncadd.s32 $0xFFFFE000  }
0x163: {  	_ =	swait.ge [sflag:s25], $0x2000  }
0x164: {  	[sflag:s25] =	ssyncset.done $0x0  }
0x165: {  	[sflag:s25] =	ssyncadd.s32 $0xFFFFE000  }
0x166: {  	[spmem:s1] =	stream.indirect.scatter.add.f32 [tilespmem:s3], [sflag:$0x7], $0x80, s0, s28, $0xb8;
	[tilespmem:$0x1E800] =	vst v63  }
0x167: {  	_ =	swait.ge [sflag:s21], $0x2000  }
0x168: {  	[sflag:s21] =	ssyncset.done $0x0  }
0x169: {  	[sflag:s21] =	ssyncadd.s32 $0xFFFFE000  }
0x16a: {  	_ =	swait.ge [sflag:s26], $0x2000  }
0x16b: {  	[sflag:s26] =	ssyncset.done $0x0  }
0x16c: {  	s15 =	sadd.s32 $0x1, s15;
	[sflag:s26] =	ssyncadd.s32 $0xFFFFE000  }
0x16d: {  	[spmem:s1] =	stream.indirect.scatter.add.f32 [tilespmem:s18], [sflag:$0x8], $0x80, s17, s28, $0xb8;
	[tilespmem:$0x1E800] =	vst v63  }
0x16e: {  	p0 =	sne.s32 s15, $0x8;
	_ =	swait.ge [sflag:s5], $0x2000  }
.Ltmp5:
0x16f: {  	[sflag:s5] =	ssyncset.done $0x0;
	(pc) =	sbr.rel @p0 .LBB2_8-.Ltmp5, $4  }
0x170: {  	[sflag:s5] =	ssyncadd.s32 $0xFFFFE000  }
0x171: {  	_ =	swait.ge [sflag:s6], $0x2000  }
0x172: {  	[sflag:s6] =	ssyncset.done $0x0  }
0x173: {  	[sflag:s6] =	ssyncadd.s32 $0xFFFFE000  }
0x174: {  	[bflag:$0x0] =	sbarrier.arrive $0xFFFF  }
0x175: {  	s2 =	rddreg [dreg:$0xe]  }
0x176: {  	s15 =	rddreg [dreg:$0x11]  }
0x177: {  	s4 =	rddreg [dreg:$0x12]  }
0x178: {  	[hbm:s2], [sflag:s4] =	dma.local [spmem:s15], $0x2800  }
0x179: {  	s4 =	simm.s32 $0x9  }
0x17a: {  	_ =	swait.ge [sflag:s4], $0x2800  }
0x17b: {  	[sflag:s4] =	ssyncset.done $0x0;
	s16 =	rddreg [dreg:$0xb]  }
0x17c: {  	s20 =	rddreg [dreg:$0xc];
	[sflag:s4] =	ssyncadd.s32 $0xFFFFD800  }
0x17d: {  	[spmem:s15], [sflag:s20] =	dma.local [hbm:s16], $0x2800  }
0x17e: {  	_ =	swait.ge [sflag:s22], $0x2800  }
0x17f: {  	[sflag:s22] =	ssyncset.done $0x0  }
0x180: {  	[sflag:s22] =	ssyncadd.s32 $0xFFFFD800  }
0x181: {  	s20 =	simm.s32 $0x0;
	s15 =	simm.s32 $0x0;
	[bflag:$0x0] =	sbarrier.arrive $0xFFFF  }
.LBB2_14:
0x182: {  	s2 =	smul.u32 $0x28, s15;
	_ =	sdelay $0x1  }
0x183: {  	s2 =	sadd.s32 s13, s2  }
0x184: {  	s4 =	rddreg [dreg:$0x8];
	s2 =	sshll.u32 s2, $0x4  }
0x185: {  	s16 =	rddreg [dreg:$0x9];
	s4 =	sadd.s32 s4, s2  }
0x186: {  	[tilespmem:s23], [sflag:$0x3] =	stream.linear.gather [hbm4b:s4+s20], $0x1400, $0x38;
	[tilespmem:$0x1E800] =	vst v63  }
0x187: {  	s2 =	sadd.s32 s16, s2  }
0x188: {  	[tilespmem:s24], [sflag:$0x4] =	stream.linear.gather [hbm4b:s2+s20], $0x1400, $0x38;
	[tilespmem:$0x1E800] =	vst v63  }
0x189: {  	_ =	swait.ge [sflag:s25], $0x1400  }
0x18a: {  	[sflag:s25] =	ssyncset.done $0x0  }
0x18b: {  	[sflag:s25] =	ssyncadd.s32 $0xFFFFEC00  }
0x18c: {  	_ =	swait.ge [sflag:s26], $0x1400  }
0x18d: {  	[sflag:s26] =	ssyncset.done $0x0  }
0x18e: {  	s2 =	simm.s32 $0x0;
	[sflag:s26] =	ssyncadd.s32 $0xFFFFEC00  }
0x18f: {  	v3 =	vld [tilespmem:s2+$0x14000]  }
0x190: {  	v2 =	vld [tilespmem:s2+$0x14010]  }
0x191: {  	s16 =	simm.s32 $0x200;
	v1 =	vld [tilespmem:s2+$0x14020]  }
.LBB2_15:
0x192: {  	p0 =	sne.s32 s16, $0x4E00;
	v4 =	vld [tilespmem:s2+$0x14030];
	_ =	sdelay $0x1  }
.Ltmp6:
0x193: {  	v3 =	vadd.s32 v0, v3;
	(pc) =	sbr.rel @p0 .LBB2_15-.Ltmp6, $4  }
0x194: {  	s4 =	sshra.s32 s16, $0x2;
	[tilespmem:s2+$0x14000] =	vst v3;
	v2 =	vadd.s32 v0, v2  }
0x195: {  	v3 =	vld [tilespmem:s4+$0x14000];
	[tilespmem:s2+$0x14010] =	vst v2;
	v1 =	vadd.s32 v0, v1  }
0x196: {  	v2 =	vld [tilespmem:s4+$0x14010];
	[tilespmem:s2+$0x14020] =	vst v1;
	v4 =	vadd.s32 v0, v4  }
0x197: {  	s16 =	sadd.s32 $0x200, s16;
	v1 =	vld [tilespmem:s4+$0x14020];
	[tilespmem:s2+$0x14030] =	vst v4;
	s2 =	smov.u32 s4  }
0x198: {  	v4 =	vld [tilespmem:s2+$0x14030];
	_ =	sdelay $0x1  }
0x199: {  	v3 =	vadd.s32 v0, v3  }
0x19a: {  	[tilespmem:s2+$0x14000] =	vst v3;
	v2 =	vadd.s32 v0, v2  }
0x19b: {  	[tilespmem:s2+$0x14010] =	vst v2;
	v1 =	vadd.s32 v0, v1  }
0x19c: {  	[tilespmem:s2+$0x14020] =	vst v1;
	v1 =	vadd.s32 v0, v4  }
0x19d: {  	[tilespmem:s2+$0x14030] =	vst v1  }
0x19e: {  	[tilespmem:s29], [sflag:$0x1] =	stream.indirect.gather [hbm4b:s12+s28], $0x80, s23, s28, $0xb8;
	[tilespmem:$0x1E800] =	vst v63  }
0x19f: {  	s16 =	simm.s32 $0x14080  }
0x1a0: {  	[tilespmem:s31], [sflag:$0x2] =	stream.indirect.gather [hbm4b:s12+s28], $0x80, s16, s28, $0xb8;
	[tilespmem:$0x1E800] =	vst v63  }
0x1a1: {  	s4 =	simm.s32 $0x14100  }
0x1a2: {  	[tilespmem:s3], [sflag:$0x3] =	stream.indirect.gather [hbm4b:s12+s28], $0x80, s4, s28, $0xb8;
	[tilespmem:$0x1E800] =	vst v63  }
0x1a3: {  	_ =	swait.ge [sflag:s22], $0x2000  }
0x1a4: {  	[sflag:s22] =	ssyncset.done $0x0  }
0x1a5: {  	[sflag:s22] =	ssyncadd.s32 $0xFFFFE000  }
0x1a6: {  	[spmem:s1] =	stream.indirect.scatter.add.f32 [tilespmem:s29], [sflag:$0x5], $0x80, s24, s28, $0xb8;
	[tilespmem:$0x1E800] =	vst v63  }
0x1a7: {  	s16 =	simm.s32 $0x14180  }
0x1a8: {  	[tilespmem:s18], [sflag:$0x4] =	stream.indirect.gather [hbm4b:s12+s28], $0x80, s16, s28, $0xb8;
	[tilespmem:$0x1E800] =	vst v63  }
0x1a9: {  	_ =	swait.ge [sflag:s19], $0x2000  }
0x1aa: {  	[sflag:s19] =	ssyncset.done $0x0  }
0x1ab: {  	s4 =	simm.s32 $0x15480;
	[sflag:s19] =	ssyncadd.s32 $0xFFFFE000  }
0x1ac: {  	[spmem:s1] =	stream.indirect.scatter.add.f32 [tilespmem:s31], [sflag:$0x6], $0x80, s4, s28, $0xb8;
	[tilespmem:$0x1E800] =	vst v63  }
0x1ad: {  	_ =	swait.ge [sflag:s14], $0x2000  }
0x1ae: {  	[sflag:s14] =	ssyncset.done $0x0  }
0x1af: {  	s16 =	simm.s32 $0x14200;
	[sflag:s14] =	ssyncadd.s32 $0xFFFFE000  }
0x1b0: {  	[tilespmem:s29], [sflag:$0x1] =	stream.indirect.gather [hbm4b:s12+s28], $0x80, s16, s28, $0xb8;
	[tilespmem:$0x1E800] =	vst v63  }
0x1b1: {  	_ =	swait.ge [sflag:s25], $0x2000  }
0x1b2: {  	[sflag:s25] =	ssyncset.done $0x0  }
0x1b3: {  	s4 =	simm.s32 $0x15500;
	[sflag:s25] =	ssyncadd.s32 $0xFFFFE000  }
0x1b4: {  	[spmem:s1] =	stream.indirect.scatter.add.f32 [tilespmem:s3], [sflag:$0x7], $0x80, s4, s28, $0xb8;
	[tilespmem:$0x1E800] =	vst v63  }
0x1b5: {  	_ =	swait.ge [sflag:s21], $0x2000  }
0x1b6: {  	[sflag:s21] =	ssyncset.done $0x0  }
0x1b7: {  	s16 =	simm.s32 $0x14280;
	[sflag:s21] =	ssyncadd.s32 $0xFFFFE000  }
0x1b8: {  	[tilespmem:s31], [sflag:$0x2] =	stream.indirect.gather [hbm4b:s12+s28], $0x80, s16, s28, $0xb8;
	[tilespmem:$0x1E800] =	vst v63  }
0x1b9: {  	_ =	swait.ge [sflag:s26], $0x2000  }
0x1ba: {  	[sflag:s26] =	ssyncset.done $0x0  }
0x1bb: {  	s4 =	simm.s32 $0x15580;
	[sflag:s26] =	ssyncadd.s32 $0xFFFFE000  }
0x1bc: {  	[spmem:s1] =	stream.indirect.scatter.add.f32 [tilespmem:s18], [sflag:$0x8], $0x80, s4, s28, $0xb8;
	[tilespmem:$0x1E800] =	vst v63  }
0x1bd: {  	_ =	swait.ge [sflag:s5], $0x2000  }
0x1be: {  	[sflag:s5] =	ssyncset.done $0x0  }
0x1bf: {  	s16 =	simm.s32 $0x14300;
	[sflag:s5] =	ssyncadd.s32 $0xFFFFE000  }
0x1c0: {  	[tilespmem:s3], [sflag:$0x3] =	stream.indirect.gather [hbm4b:s12+s28], $0x80, s16, s28, $0xb8;
	[tilespmem:$0x1E800] =	vst v63  }
0x1c1: {  	_ =	swait.ge [sflag:s22], $0x2000  }
0x1c2: {  	[sflag:s22] =	ssyncset.done $0x0  }
0x1c3: {  	s4 =	simm.s32 $0x15600;
	[sflag:s22] =	ssyncadd.s32 $0xFFFFE000  }
0x1c4: {  	[spmem:s1] =	stream.indirect.scatter.add.f32 [tilespmem:s29], [sflag:$0x5], $0x80, s4, s28, $0xb8;
	[tilespmem:$0x1E800] =	vst v63  }
0x1c5: {  	_ =	swait.ge [sflag:s6], $0x2000  }
0x1c6: {  	[sflag:s6] =	ssyncset.done $0x0  }
0x1c7: {  	s16 =	simm.s32 $0x14380;
	[sflag:s6] =	ssyncadd.s32 $0xFFFFE000  }
0x1c8: {  	[tilespmem:s18], [sflag:$0x4] =	stream.indirect.gather [hbm4b:s12+s28], $0x80, s16, s28, $0xb8;
	[tilespmem:$0x1E800] =	vst v63  }
0x1c9: {  	_ =	swait.ge [sflag:s19], $0x2000  }
0x1ca: {  	[sflag:s19] =	ssyncset.done $0x0  }
0x1cb: {  	s4 =	simm.s32 $0x15680;
	[sflag:s19] =	ssyncadd.s32 $0xFFFFE000  }
0x1cc: {  	[spmem:s1] =	stream.indirect.scatter.add.f32 [tilespmem:s31], [sflag:$0x6], $0x80, s4, s28, $0xb8;
	[tilespmem:$0x1E800] =	vst v63  }
0x1cd: {  	_ =	swait.ge [sflag:s14], $0x2000  }
0x1ce: {  	[sflag:s14] =	ssyncset.done $0x0  }
0x1cf: {  	s16 =	simm.s32 $0x14400;
	[sflag:s14] =	ssyncadd.s32 $0xFFFFE000  }
0x1d0: {  	[tilespmem:s29], [sflag:$0x1] =	stream.indirect.gather [hbm4b:s12+s28], $0x80, s16, s28, $0xb8;
	[tilespmem:$0x1E800] =	vst v63  }
0x1d1: {  	_ =	swait.ge [sflag:s25], $0x2000  }
0x1d2: {  	[sflag:s25] =	ssyncset.done $0x0  }
0x1d3: {  	s4 =	simm.s32 $0x15700;
	[sflag:s25] =	ssyncadd.s32 $0xFFFFE000  }
0x1d4: {  	[spmem:s1] =	stream.indirect.scatter.add.f32 [tilespmem:s3], [sflag:$0x7], $0x80, s4, s28, $0xb8;
	[tilespmem:$0x1E800] =	vst v63  }
0x1d5: {  	_ =	swait.ge [sflag:s21], $0x2000  }
0x1d6: {  	[sflag:s21] =	ssyncset.done $0x0  }
0x1d7: {  	s16 =	simm.s32 $0x14480;
	[sflag:s21] =	ssyncadd.s32 $0xFFFFE000  }
0x1d8: {  	[tilespmem:s31], [sflag:$0x2] =	stream.indirect.gather [hbm4b:s12+s28], $0x80, s16, s28, $0xb8;
	[tilespmem:$0x1E800] =	vst v63  }
0x1d9: {  	_ =	swait.ge [sflag:s26], $0x2000  }
0x1da: {  	[sflag:s26] =	ssyncset.done $0x0  }
0x1db: {  	s2 =	simm.s32 $0x15780;
	s16 =	simm.s32 $0x800;
	[sflag:s26] =	ssyncadd.s32 $0xFFFFE000  }
.LBB2_17:
0x1dc: {  	[spmem:s1] =	stream.indirect.scatter.add.f32 [tilespmem:s18], [sflag:$0x8], $0x80, s2, s28, $0xb8;
	[tilespmem:$0x1E800] =	vst v63  }
0x1dd: {  	s2 =	smov.u32 s16  }
0x1de: {  	p0 =	sne.s32 s16, $0x3800;
	s16 =	sadd.s32 $0x800, s16;
	_ =	swait.ge [sflag:s5], $0x2000  }
0x1df: {  	s2 =	sshra.s32 s2, $0x2;
	[sflag:s5] =	ssyncset.done $0x0  }
0x1e0: {  	s4 =	sadd.s32 $0x14300, s2;
	[sflag:s5] =	ssyncadd.s32 $0xFFFFE000  }
0x1e1: {  	[tilespmem:s3], [sflag:$0x3] =	stream.indirect.gather [hbm4b:s12+s28], $0x80, s4, s28, $0xb8;
	[tilespmem:$0x1E800] =	vst v63  }
0x1e2: {  	_ =	swait.ge [sflag:s22], $0x2000  }
0x1e3: {  	[sflag:s22] =	ssyncset.done $0x0  }
0x1e4: {  	s4 =	sadd.s32 $0x15600, s2;
	[sflag:s22] =	ssyncadd.s32 $0xFFFFE000  }
0x1e5: {  	[spmem:s1] =	stream.indirect.scatter.add.f32 [tilespmem:s29], [sflag:$0x5], $0x80, s4, s28, $0xb8;
	[tilespmem:$0x1E800] =	vst v63  }
0x1e6: {  	_ =	swait.ge [sflag:s6], $0x2000  }
0x1e7: {  	[sflag:s6] =	ssyncset.done $0x0  }
0x1e8: {  	s4 =	sadd.s32 $0x14380, s2;
	[sflag:s6] =	ssyncadd.s32 $0xFFFFE000  }
0x1e9: {  	[tilespmem:s18], [sflag:$0x4] =	stream.indirect.gather [hbm4b:s12+s28], $0x80, s4, s28, $0xb8;
	[tilespmem:$0x1E800] =	vst v63  }
0x1ea: {  	_ =	swait.ge [sflag:s19], $0x2000  }
0x1eb: {  	[sflag:s19] =	ssyncset.done $0x0  }
0x1ec: {  	s4 =	sadd.s32 $0x15680, s2;
	[sflag:s19] =	ssyncadd.s32 $0xFFFFE000  }
0x1ed: {  	[spmem:s1] =	stream.indirect.scatter.add.f32 [tilespmem:s31], [sflag:$0x6], $0x80, s4, s28, $0xb8;
	[tilespmem:$0x1E800] =	vst v63  }
0x1ee: {  	_ =	swait.ge [sflag:s14], $0x2000  }
0x1ef: {  	[sflag:s14] =	ssyncset.done $0x0  }
0x1f0: {  	s4 =	sadd.s32 $0x14400, s2;
	[sflag:s14] =	ssyncadd.s32 $0xFFFFE000  }
0x1f1: {  	[tilespmem:s29], [sflag:$0x1] =	stream.indirect.gather [hbm4b:s12+s28], $0x80, s4, s28, $0xb8;
	[tilespmem:$0x1E800] =	vst v63  }
0x1f2: {  	_ =	swait.ge [sflag:s25], $0x2000  }
0x1f3: {  	[sflag:s25] =	ssyncset.done $0x0  }
0x1f4: {  	s4 =	sadd.s32 $0x15700, s2;
	[sflag:s25] =	ssyncadd.s32 $0xFFFFE000  }
0x1f5: {  	[spmem:s1] =	stream.indirect.scatter.add.f32 [tilespmem:s3], [sflag:$0x7], $0x80, s4, s28, $0xb8;
	[tilespmem:$0x1E800] =	vst v63  }
0x1f6: {  	_ =	swait.ge [sflag:s21], $0x2000  }
0x1f7: {  	[sflag:s21] =	ssyncset.done $0x0  }
.Ltmp7:
0x1f8: {  	s4 =	sadd.s32 $0x14480, s2;
	[sflag:s21] =	ssyncadd.s32 $0xFFFFE000;
	(pc) =	sbr.rel @p0 .LBB2_17-.Ltmp7, $4  }
0x1f9: {  	[tilespmem:s31], [sflag:$0x2] =	stream.indirect.gather [hbm4b:s12+s28], $0x80, s4, s28, $0xb8;
	[tilespmem:$0x1E800] =	vst v63  }
0x1fa: {  	_ =	swait.ge [sflag:s26], $0x2000  }
0x1fb: {  	[sflag:s26] =	ssyncset.done $0x0  }
0x1fc: {  	s2 =	sadd.s32 $0x15780, s2;
	[sflag:s26] =	ssyncadd.s32 $0xFFFFE000  }
0x1fd: {  	[spmem:s1] =	stream.indirect.scatter.add.f32 [tilespmem:s18], [sflag:$0x8], $0x80, s2, s28, $0xb8;
	[tilespmem:$0x1E800] =	vst v63  }
0x1fe: {  	_ =	swait.ge [sflag:s5], $0x2000  }
0x1ff: {  	[sflag:s5] =	ssyncset.done $0x0  }
0x200: {  	[sflag:s5] =	ssyncadd.s32 $0xFFFFE000  }
0x201: {  	[tilespmem:s3], [sflag:$0x3] =	stream.indirect.gather [hbm4b:s12+s28], $0x80, s7, s28, $0xb8;
	[tilespmem:$0x1E800] =	vst v63  }
0x202: {  	_ =	swait.ge [sflag:s22], $0x2000  }
0x203: {  	[sflag:s22] =	ssyncset.done $0x0  }
0x204: {  	[sflag:s22] =	ssyncadd.s32 $0xFFFFE000  }
0x205: {  	[spmem:s1] =	stream.indirect.scatter.add.f32 [tilespmem:s29], [sflag:$0x5], $0x80, s8, s28, $0xb8;
	[tilespmem:$0x1E800] =	vst v63  }
0x206: {  	_ =	swait.ge [sflag:s6], $0x2000  }
0x207: {  	[sflag:s6] =	ssyncset.done $0x0  }
0x208: {  	[sflag:s6] =	ssyncadd.s32 $0xFFFFE000  }
0x209: {  	[tilespmem:s18], [sflag:$0x4] =	stream.indirect.gather [hbm4b:s12+s28], $0x80, s9, s28, $0xb8;
	[tilespmem:$0x1E800] =	vst v63  }
0x20a: {  	_ =	swait.ge [sflag:s19], $0x2000  }
0x20b: {  	[sflag:s19] =	ssyncset.done $0x0  }
0x20c: {  	[sflag:s19] =	ssyncadd.s32 $0xFFFFE000  }
0x20d: {  	[spmem:s1] =	stream.indirect.scatter.add.f32 [tilespmem:s31], [sflag:$0x6], $0x80, s30, s28, $0xb8;
	[tilespmem:$0x1E800] =	vst v63  }
0x20e: {  	_ =	swait.ge [sflag:s14], $0x2000  }
0x20f: {  	[sflag:s14] =	ssyncset.done $0x0  }
0x210: {  	[sflag:s14] =	ssyncadd.s32 $0xFFFFE000  }
0x211: {  	_ =	swait.ge [sflag:s25], $0x2000  }
0x212: {  	[sflag:s25] =	ssyncset.done $0x0  }
0x213: {  	[sflag:s25] =	ssyncadd.s32 $0xFFFFE000  }
0x214: {  	[spmem:s1] =	stream.indirect.scatter.add.f32 [tilespmem:s3], [sflag:$0x7], $0x80, s0, s28, $0xb8;
	[tilespmem:$0x1E800] =	vst v63  }
0x215: {  	_ =	swait.ge [sflag:s21], $0x2000  }
0x216: {  	[sflag:s21] =	ssyncset.done $0x0  }
0x217: {  	[sflag:s21] =	ssyncadd.s32 $0xFFFFE000  }
0x218: {  	_ =	swait.ge [sflag:s26], $0x2000  }
0x219: {  	[sflag:s26] =	ssyncset.done $0x0  }
0x21a: {  	s15 =	sadd.s32 $0x1, s15;
	[sflag:s26] =	ssyncadd.s32 $0xFFFFE000  }
0x21b: {  	[spmem:s1] =	stream.indirect.scatter.add.f32 [tilespmem:s18], [sflag:$0x8], $0x80, s17, s28, $0xb8;
	[tilespmem:$0x1E800] =	vst v63  }
0x21c: {  	p0 =	sne.s32 s15, $0x8;
	_ =	swait.ge [sflag:s5], $0x2000  }
.Ltmp8:
0x21d: {  	[sflag:s5] =	ssyncset.done $0x0;
	(pc) =	sbr.rel @p0 .LBB2_14-.Ltmp8, $4  }
0x21e: {  	[sflag:s5] =	ssyncadd.s32 $0xFFFFE000  }
0x21f: {  	_ =	swait.ge [sflag:s6], $0x2000  }
0x220: {  	[sflag:s6] =	ssyncset.done $0x0  }
0x221: {  	[sflag:s6] =	ssyncadd.s32 $0xFFFFE000  }
0x222: {  	[bflag:$0x0] =	sbarrier.arrive $0xFFFF  }
0x223: {  	s2 =	rddreg [dreg:$0xf]  }
0x224: {  	s16 =	rddreg [dreg:$0x11]  }
0x225: {  	s4 =	rddreg [dreg:$0x12]  }
0x226: {  	[hbm:s2], [sflag:s4] =	dma.local [spmem:s16], $0x2800  }
0x227: {  	s4 =	simm.s32 $0x9  }
0x228: {  	_ =	swait.ge [sflag:s4], $0x2800  }
0x229: {  	s15 =	rddreg [dreg:$0x3]  }
0x22a: {  	s20 =	rddreg [dreg:$0x10];
	s15 =	sadd.s32 $0x1, s15  }
0x22b: {  	p0 =	sne.s32 s15, s20  }
.Ltmp9:
0x22c: {  	_ = 	snop;
	(pc) =	sbr.rel @p0 .LBB2_1-.Ltmp9, $3  }
0x22d: {  	_ =	sdelay $0x1  }
0x22e: {  	[sflag:s4] =	ssyncset.done $0x0  }
0x22f: {  	[sflag:s4] =	ssyncadd.s32 $0xFFFFD800;
	s4 =	rddreg [dreg:$0x4]  }
0x230: {  	_ =	sfence.sel $0x180000  }
0x231: {  	[bflag:$0x0] =	sbarrier.arrive $0xFFFF  }
0x232: {  	_ =	strace $0x9000004A  }
0x233: {  	s0 =	stileid.u32;
	[bflag:$0x2] =	sbarrier.arrive $0xFFFF  }
0x234: {  	p0 =	sne.s32 s0, $0x0;
	s0 =	rddreg [dreg:$0x2]  }
0x235: {  	s0 =	sadd.s32 @!p0 $0x100000, s0  }
0x236: {  	[sflag:s0] =	ssyncadd.tile.s32 @!p0 $0x1;
	_ =	shalt  }
.Lfunc_end2:
_tile_overlayer_lowered:
.L_overlay_start_2:
0x237: {  	(tag) =	ssettag $0x2  }
0x238: {  	s0 =	rddreg [dreg:$0x0];
	s2 =	stileid.u32  }
0x239: {  	s1 =	rddreg [dreg:$0x1];
	p0 =	sne.s32 s2, $0x0  }
0x23a: {  	s3 =	rddreg [dreg:$0x2];
	[bflag:$0x3] =	sbarrier.arrive $0xFFFF;
	s2 =	simm.s32 @!p0 $0x1C09  }
0x23b: {  	[timem:s3], [sflag:s2] =	dma.local @!p0 [hbm:s0], s1  }
0x23c: {  	s0 =	simm.s32 @!p0 $0x9  }
0x23d: {  	_ =	swait.ge @!p0 [sflag:s0], s1  }
0x23e: {  	s1 =	ssub.s32 @!p0 $0x0, s1;
	[sflag:s0] =	ssyncset.done @!p0 $0x0  }
0x23f: {  	[sflag:s0] =	ssyncadd.s32 @!p0 s1  }
0x240: {  	[bflag:$0x3] =	sbarrier.arrive $0xFFFF  }
0x241: {  	_ =	shalt  }

// kernel: kernel.21.cloned.1.call-start
scs
__scs_entry_jumppad:
0x0: {  	(pc) =	sbr.rel $0x88, $3  }
0x1: {  	(tag) =	ssettag $0x0;
	lr =	simm.s32 $0x1  }
0x2: {  	[smem:$0x3F7D] =	sst lr;
	_ =	strace $0xD0000000  }
0x3: {  	_ = 	snop  }
0x4: {  	_ = 	snop  }
0x5: {  	_ = 	snop  }
0x6: {  	_ = 	snop  }
0x7: {  	_ = 	snop  }
__scs_overlays_trampoline_lowered:
0x8: {  	[smem:$0x3F8C] =	sst s0  }
0x9: {  	[smem:$0x3F8D] =	sst s1  }
0xa: {  	[smem:$0x3F8E] =	sst s2  }
0xb: {  	[smem:$0x3F8F] =	sst s3  }
0xc: {  	[smem:$0x3F90] =	sst s4  }
0xd: {  	[smem:$0x3F91] =	sst s5  }
0xe: {  	[smem:$0x3F92] =	sst s6  }
0xf: {  	[smem:$0x3F93] =	sst s7  }
0x10: {  	[smem:$0x3F94] =	sst s8  }
0x11: {  	[smem:$0x3F95] =	sst s9;
	s0 =	simm.s32 @!p0 $0x0  }
0x12: {  	s1 =	sld [smem:$0x3F7B];
	s0 =	simm.s32 @p0 $0x1  }
0x13: {  	[smem:$0x3F96] =	sst s0;
	s0 =	simm.s32 @!p1 $0x0  }
0x14: {  	s2 =	sld [smem:$0x3F7A];
	s0 =	simm.s32 @p1 $0x1  }
0x15: {  	[smem:$0x3F97] =	sst s0;
	s0 =	simm.s32 @!p2 $0x0  }
0x16: {  	s3 =	sld [smem:$0x3FDB];
	s0 =	simm.s32 @p2 $0x1  }
0x17: {  	s4 =	simm.s32 $0x1BF5;
	[smem:$0x3F99] =	sst s0  }
0x18: {  	s0 =	sld [smem:$0x3F7C];
	_ =	swait.ge [sflag:s4], $0x0  }
0x19: {  	s7 =	sld [smem:$0x3F7D]  }
0x1a: {  	s8 =	sadd.s32 $0xFFFFE003, lr  }
0x1b: {  	s9 =	sadd.s32 $0xFFFFFEF7, lr;
	s5 =	simm.s32 $0xFFFFFFFF;
	p2 =	slt.u32 s8, $0xFFFFF086  }
0x1c: {  	p1 =	slt.u32 s9, $0xF7A;
	s5 =	simm.s32 @!p2 $0x0  }
0x1d: {  	s5 =	simm.s32 @p1 $0x1;
	p0 =	seq.s32 s7, s2  }
0x1e: {  	s7 =	smul.u32 @!p0 $0xF7A, s2;
	p2 =	seq.s32 @!p0 s5, $0x0  }
0x1f: {  	s9 =	smul.u32 $0xF7A, s1;
	s8 =	simm.s32 @!p0 $0x1BF5;
	p2 =	por !p2, p0  }
0x20: {  	[sflag:s8] =	ssyncset.s32 @!p0 $0xFFFFF086;
	s6 =	sadd.s32 @!p0 s3, s7;
	s7 =	simm.s32 @!p0 $0x108  }
0x21: {  	s3 =	sadd.s32 s3, s9;
	s6 =	sadd.s32 @!p0 $0x88, s6;
	s7 =	simm.s32 @p2 $0x1082  }
0x22: {  	[simem:s7], [sflag:s8] =	dma.local @!p0 [hbm:s6], $0xF7A  }
0x23: {  	s9 =	sor.u32 $0xD0000000, s2;
	s6 =	simm.s32 $0x108;
	_ =	swait.ge @!p0 [sflag:s8], $0x0  }
0x24: {  	s3 =	sadd.s32 $0x88, s3;
	s6 =	simm.s32 @!p1 $0x1082;
	[sflag:s4] =	ssyncset.s32 $0xFFFFF086  }
0x25: {  	[simem:s6], [sflag:s4] =	dma.local [hbm:s3], $0xF7A  }
0x26: {  	[smem:$0x3F7D] =	sst s1;
	(tag) =	ssettag s2;
	_ =	strace s9  }
0x27: {  	s1 =	sld [smem:$0x3F8D]  }
0x28: {  	s2 =	sld [smem:$0x3F8E]  }
0x29: {  	s4 =	sld [smem:$0x3F90]  }
0x2a: {  	p0 =	seq.s32 s5, $0x0;
	s5 =	sld [smem:$0x3F91]  }
0x2b: {  	s6 =	sld [smem:$0x3F92]  }
0x2c: {  	s7 =	sld [smem:$0x3F93]  }
0x2d: {  	s3 =	simm.s32 $0x108;
	s8 =	sld [smem:$0x3F94]  }
0x2e: {  	s3 =	simm.s32 @!p0 $0x1082;
	s9 =	sld [smem:$0x3F95]  }
0x2f: {  	lr =	sadd.s32 s0, s3;
	s0 =	sld [smem:$0x3F8C]  }
0x30: {  	s3 =	sld [smem:$0x3F8F]  }
0x31: {  	[smem:$0x3F98] =	sst s10  }
0x32: {  	s10 =	sld [smem:$0x3F96];
	_ =	sdelay $0x3  }
0x33: {  	p0 =	seq.s32 s10, $0x1;
	s10 =	sld [smem:$0x3F98];
	_ =	sdelay $0x3  }
0x34: {  	[smem:$0x3F98] =	sst s10  }
0x35: {  	s10 =	sld [smem:$0x3F97];
	_ =	sdelay $0x3  }
0x36: {  	p1 =	seq.s32 s10, $0x1;
	s10 =	sld [smem:$0x3F98];
	_ =	sdelay $0x3  }
0x37: {  	[smem:$0x3F98] =	sst s10  }
0x38: {  	s10 =	sld [smem:$0x3F99]  }
0x39: {  	_ = 	snop;
	(pc) =	sbr.ind lr, $3  }
0x3a: {  	_ = 	snop  }
0x3b: {  	_ = 	snop  }
0x3c: {  	p2 =	seq.s32 s10, $0x1;
	s10 =	sld [smem:$0x3F98]  }
0x3d: {  	_ =	shalt  }
0x3e: {  	_ =	shalt  }
0x3f: {  	_ =	shalt  }
0x40: {  	_ =	shalt  }
0x41: {  	_ =	shalt  }
0x42: {  	_ =	shalt  }
0x43: {  	_ =	shalt  }
0x44: {  	_ =	shalt  }
0x45: {  	_ =	shalt  }
0x46: {  	_ =	shalt  }
0x47: {  	_ =	shalt  }
0x48: {  	_ =	shalt  }
0x49: {  	_ =	shalt  }
0x4a: {  	_ =	shalt  }
0x4b: {  	_ =	shalt  }
0x4c: {  	_ =	shalt  }
0x4d: {  	_ =	shalt  }
0x4e: {  	_ =	shalt  }
0x4f: {  	_ =	shalt  }
0x50: {  	_ =	shalt  }
0x51: {  	_ =	shalt  }
0x52: {  	_ =	shalt  }
0x53: {  	_ =	shalt  }
0x54: {  	_ =	shalt  }
0x55: {  	_ =	shalt  }
0x56: {  	_ =	shalt  }
0x57: {  	_ =	shalt  }
0x58: {  	_ =	shalt  }
0x59: {  	_ =	shalt  }
0x5a: {  	_ =	shalt  }
0x5b: {  	_ =	shalt  }
0x5c: {  	_ =	shalt  }
0x5d: {  	_ =	shalt  }
0x5e: {  	_ =	shalt  }
0x5f: {  	_ =	shalt  }
0x60: {  	_ =	shalt  }
0x61: {  	_ =	shalt  }
0x62: {  	_ =	shalt  }
0x63: {  	_ =	shalt  }
0x64: {  	_ =	shalt  }
0x65: {  	_ =	shalt  }
0x66: {  	_ =	shalt  }
0x67: {  	_ =	shalt  }
0x68: {  	_ =	shalt  }
0x69: {  	_ =	shalt  }
0x6a: {  	_ =	shalt  }
0x6b: {  	_ =	shalt  }
0x6c: {  	_ =	shalt  }
0x6d: {  	_ =	shalt  }
0x6e: {  	_ =	shalt  }
0x6f: {  	_ =	shalt  }
0x70: {  	_ =	shalt  }
0x71: {  	_ =	shalt  }
0x72: {  	_ =	shalt  }
0x73: {  	_ =	shalt  }
0x74: {  	_ =	shalt  }
0x75: {  	_ =	shalt  }
0x76: {  	_ =	shalt  }
0x77: {  	_ =	shalt  }
0x78: {  	_ =	shalt  }
0x79: {  	_ =	shalt  }
0x7a: {  	_ =	shalt  }
0x7b: {  	_ =	shalt  }
0x7c: {  	_ =	shalt  }
0x7d: {  	_ =	shalt  }
0x7e: {  	_ =	shalt  }
0x7f: {  	_ =	shalt  }
0x80: {  	_ =	shalt  }
0x81: {  	_ =	shalt  }
0x82: {  	_ =	shalt  }
0x83: {  	_ =	shalt  }
0x84: {  	_ =	shalt  }
0x85: {  	_ =	shalt  }
0x86: {  	_ =	shalt  }
0x87: {  	_ =	shalt  }
.Lfunc_end0:
.L_simem_size_0:
called_computation.2_lowered:
.L_overlay_start_0:
0x88: {  	s2 =	sld [smem:$0x3FD9]  }
0x89: {  	s3 =	sld [smem:$0x3FFE];
	_ =	sdelay $0x1  }
0x8a: {  	s1 =	srdreg.scid  }
0x8b: {  	s0 =	sand.u32 $0x1, s1  }
0x8c: {  	s14 =	sshll.u32 s0, $0xA;
	s2 =	sadd.s32 s3, s2  }
0x8d: {  	s2 =	sadd.s32 s2, s14  }
0x8e: {  	[smem:$0x3FA4] =	sst s2  }
0x8f: {  	_ = 	snop  }
0x90: {  	s2 =	sld [smem:$0x3FD0];
	_ =	sdelay $0x2  }
0x91: {  	s15 =	simm.s32 $0xA;
	s4 =	simm.s32 $0x10  }
0x92: {  	[smem:s4], [sflag:s15] =	dma.local [hbm:s2], $0x1  }
0x93: {  	_ =	swait.eq [sflag:s15], $0x1  }
0x94: {  	s16 =	sld [smem:$0x10];
	[sflag:s15] =	ssyncset.done $0x0  }
0x95: {  	s17 =	sld [smem:$0x11];
	[sflag:s15] =	ssyncadd.s32 $0xFFFFFFFF  }
0x96: {  	s18 =	sld [smem:$0x12];
	(tm) =	ssettm $0x1  }
0x97: {  	s5 =	sld [smem:$0x3FFB];
	_ =	sdelay $0x3  }
0x98: {  	_ =	strace s5  }
0x99: {  	s5 =	sld [smem:$0x3FFC];
	_ =	sdelay $0x3  }
0x9a: {  	_ =	strace s5  }
0x9b: {  	s5 =	sld [smem:$0x3FFD];
	_ =	sdelay $0x3  }
0x9c: {  	_ =	strace s5  }
0x9d: {  	_ =	strace $0x8FFFFFFF  }
0x9e: {  	s19 =	sld [smem:$0x3FDB];
	_ =	sdelay $0x1  }
0x9f: {  	s6 =	simm.s32 $_scs_section_size  }
0xa0: {  	s7 =	simm.s32 $_size__tile_overlayer_lowered;
	s8 =	simm.s32 $_tile_overlayer_lowered  }
0xa1: {  	s22 =	simm.s32 $0x1BFF;
	s21 =	sshll.u32 s8, $0x1;
	s5 =	sadd.s32 s6, s19  }
0xa2: {  	s9 =	simm.s32 $0x0;
	s20 =	sshll.u32 s7, $0x1;
	s7 =	sadd.s32 s21, s5  }
0xa3: {  	[timem:s9], [sflag:s22] =	dma.local [hbm:s7], s20  }
0xa4: {  	_ =	swait.ge [sflag:s22], s20  }
0xa5: {  	s6 =	ssub.s32 $0x0, s20;
	[sflag:s22] =	ssyncset.done $0x0  }
0xa6: {  	[sflag:s22] =	ssyncadd.s32 s6;
	_ =	sdelay $0x1  }
0xa7: {  	s23 =	simm.s32 $0x1B8B  }
0xa8: {  	_ =	swait.ge [sflag:s23], $0x1  }
0xa9: {  	[sflag:s23] =	ssyncset.done $0x0  }
0xaa: {  	s25 =	simm.s32 $0x1B8E;
	s24 =	sld [smem:$0x3FFE];
	[sflag:s23] =	ssyncadd.s32 $0xFFFFFFFF  }
0xab: {  	s26 =	simm.s32 $execute0_lowered;
	[smem:$0x3FD2] =	sst s25  }
0xac: {  	s7 =	sshll.u32 s26, $0x1;
	_ =	strace $0x8000004C;
	[dreg:$0x1] =	wrdreg $0xFFFFFFFF  }
0xad: {  	s28 =	simm.s32 $_size_execute0_lowered;
	s5 =	sadd.s32 s5, s7;
	[dreg:$0x0] =	wrdreg $0x0  }
0xae: {  	s7 =	sshll.u32 s28, $0x1;
	[dreg:$0x2] =	wrdreg s5  }
0xaf: {  	[dreg:$0x3] =	wrdreg s7  }
0xb0: {  	[dreg:$0x4] =	wrdreg $0xC0  }
0xb1: {  	_ =	task [dreg:s9], $0x5FFFF  }
0xb2: {  	[dreg:$0x1] =	wrdreg $0xFFFFFFFF  }
0xb3: {  	[dreg:$0x0] =	wrdreg $0x60  }
0xb4: {  	[dreg:$0x2] =	wrdreg s24  }
0xb5: {  	[dreg:$0x3] =	wrdreg s16  }
0xb6: {  	[dreg:$0x4] =	wrdreg s17  }
0xb7: {  	[dreg:$0x5] =	wrdreg s18  }
0xb8: {  	[dreg:$0x6] =	wrdreg $0x0  }
0xb9: {  	[dreg:$0x7] =	wrdreg $0x9  }
0xba: {  	_ =	task.clear_ibuf [dreg:s9], $0x8FFFF;
	_ =	strace $0x9000004C  }
0xbb: {  	s29 =	simm.s32 $0x9;
	_ =	strace $0x8000004E  }
0xbc: {  	_ =	swait.ge [sflag:s29], $0x1  }
0xbd: {  	[sflag:s29] =	ssyncadd.s32 $0xFFFFFFFF  }
0xbe: {  	_ =	strace $0x9000004E  }
0xbf: {  	_ =	sfence  }
0xc0: {  	s30 =	sld [smem:$0x0];
	_ =	sdelay $0x2  }
0xc1: {  	s31 =	sshll.u32 s1, $0xD;
	s1 =	sshrl.u32 s1, $0x2  }
0xc2: {  	s3 =	sand.u32 $0x4000, s31;
	s1 =	sadd.s32 s1, s30  }
0xc3: {  	s0 =	sor.u32 s3, s0;
	s1 =	sshll.u32 s1, $0x11  }
0xc4: {  	s0 =	sor.u32 s1, s0  }
0xc5: {  	s0 =	sadd.s32 $0x8F2B, s0  }
0xc6: {  	[sflag:s0] =	ssyncadd.remote.s32 $0x1  }
0xc7: {  	_ =	sfence.sel $0xFFFF  }
0xc8: {  	[dreg:$0x0] =	wrdreg $0xFFFFFFFF;
	(pc) =	sbr.abs _section_cstart, $3  }
0xc9: {  	[dreg:$0x1] =	wrdreg $0xFFFFFFFF  }
0xca: {  	_ =	task.clear_ibuf [dreg:s9], $0x2FFFF;
	_ =	strace $0x9FFFFFFF  }
0xcb: {  	(tm) =	ssettm $0x7FFFFFFF  }
tec
execute0_lowered:
.L_overlay_start_1:
0x0: {  	(tag) =	ssettag $0x1  }
0x1: {  	s0 =	rddreg [dreg:$0x0]  }
0x2: {  	s1 =	rddreg [dreg:$0x1]  }
0x3: {  	s2 =	rddreg [dreg:$0x2]  }
0x4: {  	s4 =	rddreg [dreg:$0x3]  }
0x5: {  	s5 =	rddreg [dreg:$0x4];
	s15 =	simm.s32 $0x0;
	s10 =	stileid.u32  }
0x6: {  	s3 =	srdreg.scid;
	s28 =	simm.s32 $0x40;
	s29 =	simm.s32 $0x16800  }
0x7: {  	s31 =	simm.s32 $0x18800;
	s30 =	simm.s32 $0x16680;
	[smem:$0x7FF] =	sst s15  }
0x8: {  	s3 =	sand.u32 $0x1, s3;
	s6 =	smul.u32 $0x280, s10;
	s7 =	sadd.s32 $0x49200, s0  }
0x9: {  	s8 =	sadd.s32 $0xD200, s0;
	_ =	strace $0x8000004D;
	[dreg:$0x7] =	wrdreg s7  }
0xa: {  	s12 =	sadd.s32 $0x5D200, s0;
	s13 =	smul.u32 $0x2800, s10;
	[dreg:$0x8] =	wrdreg s8  }
0xb: {  	s9 =	sadd.s32 $0x21200, s0;
	s14 =	sadd.s32 $0x71200, s0;
	[dreg:$0x9] =	wrdreg s12  }
0xc: {  	s16 =	sadd.s32 $0x35200, s0;
	s20 =	smul.u32 $0x50000, s10;
	[dreg:$0xa] =	wrdreg s9  }
0xd: {  	s21 =	sshll.u32 s10, $0x6;
	s11 =	smul.u32 $0x2800, s3;
	[dreg:$0xb] =	wrdreg s14  }
0xe: {  	[dreg:$0xc] =	wrdreg s16;
	s18 =	ssub.s32 $0x2, s3;
	s3 =	sshll.u32 s3, $0x4  }
0xf: {  	[dreg:$0xd] =	wrdreg s21;
	s23 =	sor.u32 $0x1C01, s21;
	s14 =	simm.s32 $0x5  }
0x10: {  	s21 =	simm.s32 $0x6;
	s8 =	simm.s32 $0x7;
	s9 =	simm.s32 $0x8  }
0x11: {  	s12 =	simm.s32 $0x15380;
	s17 =	sadd.s32 s13, s0;
	s19 =	sshrl.u32 s18, $0x1  }
0x12: {  	s3 =	sor.u32 s10, s3;
	s22 =	sshrl.u32 s20, $0x2;
	[dreg:$0xf] =	wrdreg s23  }
0x13: {  	s23 =	simm.s32 $0x14000;
	s10 =	simm.s32 $0x15300;
	s6 =	sadd.s32 s6, s11  }
0x14: {  	s13 =	smul.u32 $0xA0, s3;
	s7 =	sadd.s32 $0x1E9600, s17;
	s3 =	sadd.s32 s22, s5  }
0x15: {  	s22 =	simm.s32 $0x1;
	s11 =	simm.s32 $0x16600;
	s6 =	sshll.u32 s6, $0x4  }
0x16: {  	[dreg:$0xe] =	wrdreg s7;
	s16 =	sshrl.u32 s3, $0x3;
	s0 =	sadd.s32 s6, s0  }
0x17: {  	s17 =	simm.s32 $0x16780;
	[dreg:$0x14] =	wrdreg s16;
	s24 =	sadd.s32 $0x261600, s0  }
0x18: {  	s3 =	simm.s32 $0x1A800;
	s25 =	sadd.s32 $0x211600, s0;
	[dreg:$0x10] =	wrdreg s24  }
0x19: {  	s6 =	ssub.s32 s18, s19;
	s0 =	sadd.s32 $0xAD200, s0;
	[dreg:$0x11] =	wrdreg s25  }
0x1a: {  	s18 =	simm.s32 $0x1C800;
	s26 =	smax.u32 s6, $0x1;
	[dreg:$0x12] =	wrdreg s0  }
0x1b: {  	s19 =	simm.s32 $0x2;
	[dreg:$0x13] =	wrdreg s26;
	s24 =	simm.s32 $0x15400  }
0x1c: {  	s25 =	simm.s32 $0x3;
	s26 =	simm.s32 $0x4;
	s0 =	simm.s32 $0x16700  }
.LBB2_1:
0x1d: {  	[dreg:$0x6] =	wrdreg s15  }
0x1e: {  	s6 =	rddreg [dreg:$0xe]  }
0x1f: {  	s7 =	rddreg [dreg:$0xf]  }
0x20: {  	[spmem:s16], [sflag:s7] =	dma.local [hbm:s6], $0x2800  }
0x21: {  	_ =	swait.ge [sflag:s22], $0x2800  }
0x22: {  	[sflag:s22] =	ssyncset.done $0x0  }
0x23: {  	[sflag:s22] =	ssyncadd.s32 $0xFFFFD800  }
0x24: {  	[bflag:$0x0] =	sbarrier.arrive $0xFFFF  }
0x25: {  	s20 =	simm.s32 $0x0;
	s7 =	rddreg [dreg:$0x7]  }
.LBB2_2:
0x26: {  	s6 =	smul.u32 $0x28, s20;
	_ =	sdelay $0x1  }
0x27: {  	s6 =	sadd.s32 s13, s6  }
0x28: {  	s6 =	sshll.u32 s6, $0x4  }
0x29: {  	s16 =	simm.s32 $0x0;
	s15 =	sadd.s32 s7, s6  }
0x2a: {  	[tilespmem:s23], [sflag:$0x3] =	stream.linear.gather [hbm4b:s15+s16], $0x1400, $0x38;
	[tilespmem:$0x1E800] =	vst v63  }
0x2b: {  	s15 =	rddreg [dreg:$0x8]  }
0x2c: {  	s6 =	sadd.s32 s15, s6  }
0x2d: {  	[tilespmem:s24], [sflag:$0x4] =	stream.linear.gather [hbm4b:s6+s16], $0x1400, $0x38;
	[tilespmem:$0x1E800] =	vst v63  }
0x2e: {  	_ =	swait.ge [sflag:s25], $0x1400  }
0x2f: {  	[sflag:s25] =	ssyncset.done $0x0  }
0x30: {  	[sflag:s25] =	ssyncadd.s32 $0xFFFFEC00  }
0x31: {  	_ =	swait.ge [sflag:s26], $0x1400  }
0x32: {  	[sflag:s26] =	ssyncset.done $0x0  }
0x33: {  	[sflag:s26] =	ssyncadd.s32 $0xFFFFEC00  }
0x34: {  	[tilespmem:s29], [sflag:$0x1] =	stream.indirect.gather [hbm4b:s1+s28], $0x80, s23, s28, $0xb8;
	[tilespmem:$0x1E800] =	vst v63  }
0x35: {  	s16 =	simm.s32 $0x14080  }
0x36: {  	[tilespmem:s31], [sflag:$0x2] =	stream.indirect.gather [hbm4b:s1+s28], $0x80, s16, s28, $0xb8;
	[tilespmem:$0x1E800] =	vst v63  }
0x37: {  	s15 =	simm.s32 $0x14100  }
0x38: {  	[tilespmem:s3], [sflag:$0x3] =	stream.indirect.gather [hbm4b:s1+s28], $0x80, s15, s28, $0xb8;
	[tilespmem:$0x1E800] =	vst v63  }
0x39: {  	_ =	swait.ge [sflag:s22], $0x2000  }
0x3a: {  	[sflag:s22] =	ssyncset.done $0x0  }
0x3b: {  	[sflag:s22] =	ssyncadd.s32 $0xFFFFE000  }
0x3c: {  	[spmem:s5] =	stream.indirect.scatter.add.f32 [tilespmem:s29], [sflag:$0x5], $0x80, s24, s28, $0xb8;
	[tilespmem:$0x1E800] =	vst v63  }
0x3d: {  	s16 =	simm.s32 $0x14180  }
0x3e: {  	[tilespmem:s18], [sflag:$0x4] =	stream.indirect.gather [hbm4b:s1+s28], $0x80, s16, s28, $0xb8;
	[tilespmem:$0x1E800] =	vst v63  }
0x3f: {  	_ =	swait.ge [sflag:s19], $0x2000  }
0x40: {  	[sflag:s19] =	ssyncset.done $0x0  }
0x41: {  	s15 =	simm.s32 $0x15480;
	[sflag:s19] =	ssyncadd.s32 $0xFFFFE000  }
0x42: {  	[spmem:s5] =	stream.indirect.scatter.add.f32 [tilespmem:s31], [sflag:$0x6], $0x80, s15, s28, $0xb8;
	[tilespmem:$0x1E800] =	vst v63  }
0x43: {  	_ =	swait.ge [sflag:s14], $0x2000  }
0x44: {  	[sflag:s14] =	ssyncset.done $0x0  }
0x45: {  	s16 =	simm.s32 $0x14200;
	[sflag:s14] =	ssyncadd.s32 $0xFFFFE000  }
0x46: {  	[tilespmem:s29], [sflag:$0x1] =	stream.indirect.gather [hbm4b:s1+s28], $0x80, s16, s28, $0xb8;
	[tilespmem:$0x1E800] =	vst v63  }
0x47: {  	_ =	swait.ge [sflag:s25], $0x2000  }
0x48: {  	[sflag:s25] =	ssyncset.done $0x0  }
0x49: {  	s15 =	simm.s32 $0x15500;
	[sflag:s25] =	ssyncadd.s32 $0xFFFFE000  }
0x4a: {  	[spmem:s5] =	stream.indirect.scatter.add.f32 [tilespmem:s3], [sflag:$0x7], $0x80, s15, s28, $0xb8;
	[tilespmem:$0x1E800] =	vst v63  }
0x4b: {  	_ =	swait.ge [sflag:s21], $0x2000  }
0x4c: {  	[sflag:s21] =	ssyncset.done $0x0  }
0x4d: {  	s16 =	simm.s32 $0x14280;
	[sflag:s21] =	ssyncadd.s32 $0xFFFFE000  }
0x4e: {  	[tilespmem:s31], [sflag:$0x2] =	stream.indirect.gather [hbm4b:s1+s28], $0x80, s16, s28, $0xb8;
	[tilespmem:$0x1E800] =	vst v63  }
0x4f: {  	_ =	swait.ge [sflag:s26], $0x2000  }
0x50: {  	[sflag:s26] =	ssyncset.done $0x0  }
0x51: {  	s15 =	simm.s32 $0x15580;
	[sflag:s26] =	ssyncadd.s32 $0xFFFFE000  }
0x52: {  	[spmem:s5] =	stream.indirect.scatter.add.f32 [tilespmem:s18], [sflag:$0x8], $0x80, s15, s28, $0xb8;
	[tilespmem:$0x1E800] =	vst v63  }
0x53: {  	_ =	swait.ge [sflag:s8], $0x2000  }
0x54: {  	[sflag:s8] =	ssyncset.done $0x0  }
0x55: {  	s16 =	simm.s32 $0x14300;
	[sflag:s8] =	ssyncadd.s32 $0xFFFFE000  }
0x56: {  	[tilespmem:s3], [sflag:$0x3] =	stream.indirect.gather [hbm4b:s1+s28], $0x80, s16, s28, $0xb8;
	[tilespmem:$0x1E800] =	vst v63  }
0x57: {  	_ =	swait.ge [sflag:s22], $0x2000  }
0x58: {  	[sflag:s22] =	ssyncset.done $0x0  }
0x59: {  	s15 =	simm.s32 $0x15600;
	[sflag:s22] =	ssyncadd.s32 $0xFFFFE000  }
0x5a: {  	[spmem:s5] =	stream.indirect.scatter.add.f32 [tilespmem:s29], [sflag:$0x5], $0x80, s15, s28, $0xb8;
	[tilespmem:$0x1E800] =	vst v63  }
0x5b: {  	_ =	swait.ge [sflag:s9], $0x2000  }
0x5c: {  	[sflag:s9] =	ssyncset.done $0x0  }
0x5d: {  	s16 =	simm.s32 $0x14380;
	[sflag:s9] =	ssyncadd.s32 $0xFFFFE000  }
0x5e: {  	[tilespmem:s18], [sflag:$0x4] =	stream.indirect.gather [hbm4b:s1+s28], $0x80, s16, s28, $0xb8;
	[tilespmem:$0x1E800] =	vst v63  }
0x5f: {  	_ =	swait.ge [sflag:s19], $0x2000  }
0x60: {  	[sflag:s19] =	ssyncset.done $0x0  }
0x61: {  	s15 =	simm.s32 $0x15680;
	[sflag:s19] =	ssyncadd.s32 $0xFFFFE000  }
0x62: {  	[spmem:s5] =	stream.indirect.scatter.add.f32 [tilespmem:s31], [sflag:$0x6], $0x80, s15, s28, $0xb8;
	[tilespmem:$0x1E800] =	vst v63  }
0x63: {  	_ =	swait.ge [sflag:s14], $0x2000  }
0x64: {  	[sflag:s14] =	ssyncset.done $0x0  }
0x65: {  	s16 =	simm.s32 $0x14400;
	[sflag:s14] =	ssyncadd.s32 $0xFFFFE000  }
0x66: {  	[tilespmem:s29], [sflag:$0x1] =	stream.indirect.gather [hbm4b:s1+s28], $0x80, s16, s28, $0xb8;
	[tilespmem:$0x1E800] =	vst v63  }
0x67: {  	_ =	swait.ge [sflag:s25], $0x2000  }
0x68: {  	[sflag:s25] =	ssyncset.done $0x0  }
0x69: {  	s15 =	simm.s32 $0x15700;
	[sflag:s25] =	ssyncadd.s32 $0xFFFFE000  }
0x6a: {  	[spmem:s5] =	stream.indirect.scatter.add.f32 [tilespmem:s3], [sflag:$0x7], $0x80, s15, s28, $0xb8;
	[tilespmem:$0x1E800] =	vst v63  }
0x6b: {  	_ =	swait.ge [sflag:s21], $0x2000  }
0x6c: {  	[sflag:s21] =	ssyncset.done $0x0  }
0x6d: {  	s16 =	simm.s32 $0x14480;
	[sflag:s21] =	ssyncadd.s32 $0xFFFFE000  }
0x6e: {  	[tilespmem:s31], [sflag:$0x2] =	stream.indirect.gather [hbm4b:s1+s28], $0x80, s16, s28, $0xb8;
	[tilespmem:$0x1E800] =	vst v63  }
0x6f: {  	_ =	swait.ge [sflag:s26], $0x2000  }
0x70: {  	[sflag:s26] =	ssyncset.done $0x0  }
0x71: {  	s6 =	simm.s32 $0x15780;
	s15 =	simm.s32 $0x800;
	[sflag:s26] =	ssyncadd.s32 $0xFFFFE000  }
.LBB2_3:
0x72: {  	[spmem:s5] =	stream.indirect.scatter.add.f32 [tilespmem:s18], [sflag:$0x8], $0x80, s6, s28, $0xb8;
	[tilespmem:$0x1E800] =	vst v63  }
0x73: {  	s6 =	smov.u32 s15  }
0x74: {  	p0 =	sne.s32 s15, $0x3800;
	s15 =	sadd.s32 $0x800, s15;
	_ =	swait.ge [sflag:s8], $0x2000  }
0x75: {  	s16 =	sshra.s32 s6, $0x2;
	[sflag:s8] =	ssyncset.done $0x0  }
0x76: {  	s6 =	sadd.s32 $0x14300, s16;
	[sflag:s8] =	ssyncadd.s32 $0xFFFFE000  }
0x77: {  	[tilespmem:s3], [sflag:$0x3] =	stream.indirect.gather [hbm4b:s1+s28], $0x80, s6, s28, $0xb8;
	[tilespmem:$0x1E800] =	vst v63  }
0x78: {  	_ =	swait.ge [sflag:s22], $0x2000  }
0x79: {  	[sflag:s22] =	ssyncset.done $0x0  }
0x7a: {  	s6 =	sadd.s32 $0x15600, s16;
	[sflag:s22] =	ssyncadd.s32 $0xFFFFE000  }
0x7b: {  	[spmem:s5] =	stream.indirect.scatter.add.f32 [tilespmem:s29], [sflag:$0x5], $0x80, s6, s28, $0xb8;
	[tilespmem:$0x1E800] =	vst v63  }
0x7c: {  	_ =	swait.ge [sflag:s9], $0x2000  }
0x7d: {  	[sflag:s9] =	ssyncset.done $0x0  }
0x7e: {  	s6 =	sadd.s32 $0x14380, s16;
	[sflag:s9] =	ssyncadd.s32 $0xFFFFE000  }
0x7f: {  	[tilespmem:s18], [sflag:$0x4] =	stream.indirect.gather [hbm4b:s1+s28], $0x80, s6, s28, $0xb8;
	[tilespmem:$0x1E800] =	vst v63  }
0x80: {  	_ =	swait.ge [sflag:s19], $0x2000  }
0x81: {  	[sflag:s19] =	ssyncset.done $0x0  }
0x82: {  	s6 =	sadd.s32 $0x15680, s16;
	[sflag:s19] =	ssyncadd.s32 $0xFFFFE000  }
0x83: {  	[spmem:s5] =	stream.indirect.scatter.add.f32 [tilespmem:s31], [sflag:$0x6], $0x80, s6, s28, $0xb8;
	[tilespmem:$0x1E800] =	vst v63  }
0x84: {  	_ =	swait.ge [sflag:s14], $0x2000  }
0x85: {  	[sflag:s14] =	ssyncset.done $0x0  }
0x86: {  	s6 =	sadd.s32 $0x14400, s16;
	[sflag:s14] =	ssyncadd.s32 $0xFFFFE000  }
0x87: {  	[tilespmem:s29], [sflag:$0x1] =	stream.indirect.gather [hbm4b:s1+s28], $0x80, s6, s28, $0xb8;
	[tilespmem:$0x1E800] =	vst v63  }
0x88: {  	_ =	swait.ge [sflag:s25], $0x2000  }
0x89: {  	[sflag:s25] =	ssyncset.done $0x0  }
0x8a: {  	s6 =	sadd.s32 $0x15700, s16;
	[sflag:s25] =	ssyncadd.s32 $0xFFFFE000  }
0x8b: {  	[spmem:s5] =	stream.indirect.scatter.add.f32 [tilespmem:s3], [sflag:$0x7], $0x80, s6, s28, $0xb8;
	[tilespmem:$0x1E800] =	vst v63  }
0x8c: {  	_ =	swait.ge [sflag:s21], $0x2000  }
0x8d: {  	[sflag:s21] =	ssyncset.done $0x0  }
.Ltmp0:
0x8e: {  	s6 =	sadd.s32 $0x14480, s16;
	[sflag:s21] =	ssyncadd.s32 $0xFFFFE000;
	(pc) =	sbr.rel @p0 .LBB2_3-.Ltmp0, $4  }
0x8f: {  	[tilespmem:s31], [sflag:$0x2] =	stream.indirect.gather [hbm4b:s1+s28], $0x80, s6, s28, $0xb8;
	[tilespmem:$0x1E800] =	vst v63  }
0x90: {  	_ =	swait.ge [sflag:s26], $0x2000  }
0x91: {  	[sflag:s26] =	ssyncset.done $0x0  }
0x92: {  	s6 =	sadd.s32 $0x15780, s16;
	[sflag:s26] =	ssyncadd.s32 $0xFFFFE000  }
0x93: {  	[spmem:s5] =	stream.indirect.scatter.add.f32 [tilespmem:s18], [sflag:$0x8], $0x80, s6, s28, $0xb8;
	[tilespmem:$0x1E800] =	vst v63  }
0x94: {  	_ =	swait.ge [sflag:s8], $0x2000  }
0x95: {  	[sflag:s8] =	ssyncset.done $0x0  }
0x96: {  	[sflag:s8] =	ssyncadd.s32 $0xFFFFE000  }
0x97: {  	[tilespmem:s3], [sflag:$0x3] =	stream.indirect.gather [hbm4b:s1+s28], $0x80, s10, s28, $0xb8;
	[tilespmem:$0x1E800] =	vst v63  }
0x98: {  	_ =	swait.ge [sflag:s22], $0x2000  }
0x99: {  	[sflag:s22] =	ssyncset.done $0x0  }
0x9a: {  	[sflag:s22] =	ssyncadd.s32 $0xFFFFE000  }
0x9b: {  	[spmem:s5] =	stream.indirect.scatter.add.f32 [tilespmem:s29], [sflag:$0x5], $0x80, s11, s28, $0xb8;
	[tilespmem:$0x1E800] =	vst v63  }
0x9c: {  	_ =	swait.ge [sflag:s9], $0x2000  }
0x9d: {  	[sflag:s9] =	ssyncset.done $0x0  }
0x9e: {  	[sflag:s9] =	ssyncadd.s32 $0xFFFFE000  }
0x9f: {  	[tilespmem:s18], [sflag:$0x4] =	stream.indirect.gather [hbm4b:s1+s28], $0x80, s12, s28, $0xb8;
	[tilespmem:$0x1E800] =	vst v63  }
0xa0: {  	_ =	swait.ge [sflag:s19], $0x2000  }
0xa1: {  	[sflag:s19] =	ssyncset.done $0x0  }
0xa2: {  	[sflag:s19] =	ssyncadd.s32 $0xFFFFE000  }
0xa3: {  	[spmem:s5] =	stream.indirect.scatter.add.f32 [tilespmem:s31], [sflag:$0x6], $0x80, s30, s28, $0xb8;
	[tilespmem:$0x1E800] =	vst v63  }
0xa4: {  	_ =	swait.ge [sflag:s14], $0x2000  }
0xa5: {  	[sflag:s14] =	ssyncset.done $0x0  }
0xa6: {  	[sflag:s14] =	ssyncadd.s32 $0xFFFFE000  }
0xa7: {  	_ =	swait.ge [sflag:s25], $0x2000  }
0xa8: {  	[sflag:s25] =	ssyncset.done $0x0  }
0xa9: {  	[sflag:s25] =	ssyncadd.s32 $0xFFFFE000  }
0xaa: {  	[spmem:s5] =	stream.indirect.scatter.add.f32 [tilespmem:s3], [sflag:$0x7], $0x80, s0, s28, $0xb8;
	[tilespmem:$0x1E800] =	vst v63  }
0xab: {  	_ =	swait.ge [sflag:s21], $0x2000  }
0xac: {  	[sflag:s21] =	ssyncset.done $0x0  }
0xad: {  	[sflag:s21] =	ssyncadd.s32 $0xFFFFE000  }
0xae: {  	_ =	swait.ge [sflag:s26], $0x2000  }
0xaf: {  	[sflag:s26] =	ssyncset.done $0x0  }
0xb0: {  	s20 =	sadd.s32 $0x1, s20;
	[sflag:s26] =	ssyncadd.s32 $0xFFFFE000  }
0xb1: {  	[spmem:s5] =	stream.indirect.scatter.add.f32 [tilespmem:s18], [sflag:$0x8], $0x80, s17, s28, $0xb8;
	[tilespmem:$0x1E800] =	vst v63  }
0xb2: {  	p0 =	sne.s32 s20, $0x4;
	_ =	swait.ge [sflag:s8], $0x2000  }
.Ltmp1:
0xb3: {  	[sflag:s8] =	ssyncset.done $0x0;
	(pc) =	sbr.rel @p0 .LBB2_2-.Ltmp1, $4  }
0xb4: {  	[sflag:s8] =	ssyncadd.s32 $0xFFFFE000  }
0xb5: {  	_ =	swait.ge [sflag:s9], $0x2000  }
0xb6: {  	[sflag:s9] =	ssyncset.done $0x0  }
0xb7: {  	[sflag:s9] =	ssyncadd.s32 $0xFFFFE000  }
0xb8: {  	[bflag:$0x0] =	sbarrier.arrive $0xFFFF  }
0xb9: {  	s6 =	rddreg [dreg:$0xd]  }
0xba: {  	s20 =	rddreg [dreg:$0x10]  }
0xbb: {  	s15 =	rddreg [dreg:$0x14];
	s7 =	sor.u32 $0x1C09, s6  }
0xbc: {  	[dreg:$0x15] =	wrdreg s7  }
0xbd: {  	[hbm:s20], [sflag:s7] =	dma.local [spmem:s15], $0x2800  }
0xbe: {  	s7 =	simm.s32 $0x9  }
0xbf: {  	_ =	swait.ge [sflag:s7], $0x2800  }
0xc0: {  	[sflag:s7] =	ssyncset.done $0x0;
	s16 =	rddreg [dreg:$0xe]  }
0xc1: {  	s20 =	rddreg [dreg:$0xf];
	[sflag:s7] =	ssyncadd.s32 $0xFFFFD800  }
0xc2: {  	[spmem:s15], [sflag:s20] =	dma.local [hbm:s16], $0x2800  }
0xc3: {  	_ =	swait.ge [sflag:s22], $0x2800  }
0xc4: {  	[sflag:s22] =	ssyncset.done $0x0  }
0xc5: {  	[sflag:s22] =	ssyncadd.s32 $0xFFFFD800  }
0xc6: {  	s20 =	simm.s32 $0x0;
	s15 =	simm.s32 $0x0;
	[bflag:$0x0] =	sbarrier.arrive $0xFFFF  }
.LBB2_6:
0xc7: {  	s6 =	smul.u32 $0x28, s15;
	_ =	sdelay $0x1  }
0xc8: {  	s6 =	sadd.s32 s13, s6  }
0xc9: {  	s7 =	rddreg [dreg:$0x9];
	s6 =	sshll.u32 s6, $0x4  }
0xca: {  	s16 =	sadd.s32 s7, s6  }
0xcb: {  	[tilespmem:s23], [sflag:$0x3] =	stream.linear.gather [hbm4b:s16+s20], $0x1400, $0x38;
	[tilespmem:$0x1E800] =	vst v63  }
0xcc: {  	s16 =	rddreg [dreg:$0xa]  }
0xcd: {  	s6 =	sadd.s32 s16, s6  }
0xce: {  	[tilespmem:s24], [sflag:$0x4] =	stream.linear.gather [hbm4b:s6+s20], $0x1400, $0x38;
	[tilespmem:$0x1E800] =	vst v63  }
0xcf: {  	_ =	swait.ge [sflag:s25], $0x1400  }
0xd0: {  	[sflag:s25] =	ssyncset.done $0x0  }
0xd1: {  	[sflag:s25] =	ssyncadd.s32 $0xFFFFEC00  }
0xd2: {  	_ =	swait.ge [sflag:s26], $0x1400  }
0xd3: {  	[sflag:s26] =	ssyncset.done $0x0  }
0xd4: {  	[sflag:s26] =	ssyncadd.s32 $0xFFFFEC00  }
0xd5: {  	[tilespmem:s29], [sflag:$0x1] =	stream.indirect.gather [hbm4b:s2+s28], $0x80, s23, s28, $0xb8;
	[tilespmem:$0x1E800] =	vst v63  }
0xd6: {  	s16 =	simm.s32 $0x14080  }
0xd7: {  	[tilespmem:s31], [sflag:$0x2] =	stream.indirect.gather [hbm4b:s2+s28], $0x80, s16, s28, $0xb8;
	[tilespmem:$0x1E800] =	vst v63  }
0xd8: {  	s7 =	simm.s32 $0x14100  }
0xd9: {  	[tilespmem:s3], [sflag:$0x3] =	stream.indirect.gather [hbm4b:s2+s28], $0x80, s7, s28, $0xb8;
	[tilespmem:$0x1E800] =	vst v63  }
0xda: {  	_ =	swait.ge [sflag:s22], $0x2000  }
0xdb: {  	[sflag:s22] =	ssyncset.done $0x0  }
0xdc: {  	[sflag:s22] =	ssyncadd.s32 $0xFFFFE000  }
0xdd: {  	[spmem:s5] =	stream.indirect.scatter.add.f32 [tilespmem:s29], [sflag:$0x5], $0x80, s24, s28, $0xb8;
	[tilespmem:$0x1E800] =	vst v63  }
0xde: {  	s16 =	simm.s32 $0x14180  }
0xdf: {  	[tilespmem:s18], [sflag:$0x4] =	stream.indirect.gather [hbm4b:s2+s28], $0x80, s16, s28, $0xb8;
	[tilespmem:$0x1E800] =	vst v63  }
0xe0: {  	_ =	swait.ge [sflag:s19], $0x2000  }
0xe1: {  	[sflag:s19] =	ssyncset.done $0x0  }
0xe2: {  	s7 =	simm.s32 $0x15480;
	[sflag:s19] =	ssyncadd.s32 $0xFFFFE000  }
0xe3: {  	[spmem:s5] =	stream.indirect.scatter.add.f32 [tilespmem:s31], [sflag:$0x6], $0x80, s7, s28, $0xb8;
	[tilespmem:$0x1E800] =	vst v63  }
0xe4: {  	_ =	swait.ge [sflag:s14], $0x2000  }
0xe5: {  	[sflag:s14] =	ssyncset.done $0x0  }
0xe6: {  	s16 =	simm.s32 $0x14200;
	[sflag:s14] =	ssyncadd.s32 $0xFFFFE000  }
0xe7: {  	[tilespmem:s29], [sflag:$0x1] =	stream.indirect.gather [hbm4b:s2+s28], $0x80, s16, s28, $0xb8;
	[tilespmem:$0x1E800] =	vst v63  }
0xe8: {  	_ =	swait.ge [sflag:s25], $0x2000  }
0xe9: {  	[sflag:s25] =	ssyncset.done $0x0  }
0xea: {  	s7 =	simm.s32 $0x15500;
	[sflag:s25] =	ssyncadd.s32 $0xFFFFE000  }
0xeb: {  	[spmem:s5] =	stream.indirect.scatter.add.f32 [tilespmem:s3], [sflag:$0x7], $0x80, s7, s28, $0xb8;
	[tilespmem:$0x1E800] =	vst v63  }
0xec: {  	_ =	swait.ge [sflag:s21], $0x2000  }
0xed: {  	[sflag:s21] =	ssyncset.done $0x0  }
0xee: {  	s16 =	simm.s32 $0x14280;
	[sflag:s21] =	ssyncadd.s32 $0xFFFFE000  }
0xef: {  	[tilespmem:s31], [sflag:$0x2] =	stream.indirect.gather [hbm4b:s2+s28], $0x80, s16, s28, $0xb8;
	[tilespmem:$0x1E800] =	vst v63  }
0xf0: {  	_ =	swait.ge [sflag:s26], $0x2000  }
0xf1: {  	[sflag:s26] =	ssyncset.done $0x0  }
0xf2: {  	s7 =	simm.s32 $0x15580;
	[sflag:s26] =	ssyncadd.s32 $0xFFFFE000  }
0xf3: {  	[spmem:s5] =	stream.indirect.scatter.add.f32 [tilespmem:s18], [sflag:$0x8], $0x80, s7, s28, $0xb8;
	[tilespmem:$0x1E800] =	vst v63  }
0xf4: {  	_ =	swait.ge [sflag:s8], $0x2000  }
0xf5: {  	[sflag:s8] =	ssyncset.done $0x0  }
0xf6: {  	s16 =	simm.s32 $0x14300;
	[sflag:s8] =	ssyncadd.s32 $0xFFFFE000  }
0xf7: {  	[tilespmem:s3], [sflag:$0x3] =	stream.indirect.gather [hbm4b:s2+s28], $0x80, s16, s28, $0xb8;
	[tilespmem:$0x1E800] =	vst v63  }
0xf8: {  	_ =	swait.ge [sflag:s22], $0x2000  }
0xf9: {  	[sflag:s22] =	ssyncset.done $0x0  }
0xfa: {  	s7 =	simm.s32 $0x15600;
	[sflag:s22] =	ssyncadd.s32 $0xFFFFE000  }
0xfb: {  	[spmem:s5] =	stream.indirect.scatter.add.f32 [tilespmem:s29], [sflag:$0x5], $0x80, s7, s28, $0xb8;
	[tilespmem:$0x1E800] =	vst v63  }
0xfc: {  	_ =	swait.ge [sflag:s9], $0x2000  }
0xfd: {  	[sflag:s9] =	ssyncset.done $0x0  }
0xfe: {  	s16 =	simm.s32 $0x14380;
	[sflag:s9] =	ssyncadd.s32 $0xFFFFE000  }
0xff: {  	[tilespmem:s18], [sflag:$0x4] =	stream.indirect.gather [hbm4b:s2+s28], $0x80, s16, s28, $0xb8;
	[tilespmem:$0x1E800] =	vst v63  }
0x100: {  	_ =	swait.ge [sflag:s19], $0x2000  }
0x101: {  	[sflag:s19] =	ssyncset.done $0x0  }
0x102: {  	s7 =	simm.s32 $0x15680;
	[sflag:s19] =	ssyncadd.s32 $0xFFFFE000  }
0x103: {  	[spmem:s5] =	stream.indirect.scatter.add.f32 [tilespmem:s31], [sflag:$0x6], $0x80, s7, s28, $0xb8;
	[tilespmem:$0x1E800] =	vst v63  }
0x104: {  	_ =	swait.ge [sflag:s14], $0x2000  }
0x105: {  	[sflag:s14] =	ssyncset.done $0x0  }
0x106: {  	s16 =	simm.s32 $0x14400;
	[sflag:s14] =	ssyncadd.s32 $0xFFFFE000  }
0x107: {  	[tilespmem:s29], [sflag:$0x1] =	stream.indirect.gather [hbm4b:s2+s28], $0x80, s16, s28, $0xb8;
	[tilespmem:$0x1E800] =	vst v63  }
0x108: {  	_ =	swait.ge [sflag:s25], $0x2000  }
0x109: {  	[sflag:s25] =	ssyncset.done $0x0  }
0x10a: {  	s7 =	simm.s32 $0x15700;
	[sflag:s25] =	ssyncadd.s32 $0xFFFFE000  }
0x10b: {  	[spmem:s5] =	stream.indirect.scatter.add.f32 [tilespmem:s3], [sflag:$0x7], $0x80, s7, s28, $0xb8;
	[tilespmem:$0x1E800] =	vst v63  }
0x10c: {  	_ =	swait.ge [sflag:s21], $0x2000  }
0x10d: {  	[sflag:s21] =	ssyncset.done $0x0  }
0x10e: {  	s16 =	simm.s32 $0x14480;
	[sflag:s21] =	ssyncadd.s32 $0xFFFFE000  }
0x10f: {  	[tilespmem:s31], [sflag:$0x2] =	stream.indirect.gather [hbm4b:s2+s28], $0x80, s16, s28, $0xb8;
	[tilespmem:$0x1E800] =	vst v63  }
0x110: {  	_ =	swait.ge [sflag:s26], $0x2000  }
0x111: {  	[sflag:s26] =	ssyncset.done $0x0  }
0x112: {  	s6 =	simm.s32 $0x15780;
	s16 =	simm.s32 $0x800;
	[sflag:s26] =	ssyncadd.s32 $0xFFFFE000  }
.LBB2_7:
0x113: {  	[spmem:s5] =	stream.indirect.scatter.add.f32 [tilespmem:s18], [sflag:$0x8], $0x80, s6, s28, $0xb8;
	[tilespmem:$0x1E800] =	vst v63  }
0x114: {  	s6 =	smov.u32 s16  }
0x115: {  	p0 =	sne.s32 s16, $0x3800;
	s16 =	sadd.s32 $0x800, s16;
	_ =	swait.ge [sflag:s8], $0x2000  }
0x116: {  	s6 =	sshra.s32 s6, $0x2;
	[sflag:s8] =	ssyncset.done $0x0  }
0x117: {  	s7 =	sadd.s32 $0x14300, s6;
	[sflag:s8] =	ssyncadd.s32 $0xFFFFE000  }
0x118: {  	[tilespmem:s3], [sflag:$0x3] =	stream.indirect.gather [hbm4b:s2+s28], $0x80, s7, s28, $0xb8;
	[tilespmem:$0x1E800] =	vst v63  }
0x119: {  	_ =	swait.ge [sflag:s22], $0x2000  }
0x11a: {  	[sflag:s22] =	ssyncset.done $0x0  }
0x11b: {  	s7 =	sadd.s32 $0x15600, s6;
	[sflag:s22] =	ssyncadd.s32 $0xFFFFE000  }
0x11c: {  	[spmem:s5] =	stream.indirect.scatter.add.f32 [tilespmem:s29], [sflag:$0x5], $0x80, s7, s28, $0xb8;
	[tilespmem:$0x1E800] =	vst v63  }
0x11d: {  	_ =	swait.ge [sflag:s9], $0x2000  }
0x11e: {  	[sflag:s9] =	ssyncset.done $0x0  }
0x11f: {  	s7 =	sadd.s32 $0x14380, s6;
	[sflag:s9] =	ssyncadd.s32 $0xFFFFE000  }
0x120: {  	[tilespmem:s18], [sflag:$0x4] =	stream.indirect.gather [hbm4b:s2+s28], $0x80, s7, s28, $0xb8;
	[tilespmem:$0x1E800] =	vst v63  }
0x121: {  	_ =	swait.ge [sflag:s19], $0x2000  }
0x122: {  	[sflag:s19] =	ssyncset.done $0x0  }
0x123: {  	s7 =	sadd.s32 $0x15680, s6;
	[sflag:s19] =	ssyncadd.s32 $0xFFFFE000  }
0x124: {  	[spmem:s5] =	stream.indirect.scatter.add.f32 [tilespmem:s31], [sflag:$0x6], $0x80, s7, s28, $0xb8;
	[tilespmem:$0x1E800] =	vst v63  }
0x125: {  	_ =	swait.ge [sflag:s14], $0x2000  }
0x126: {  	[sflag:s14] =	ssyncset.done $0x0  }
0x127: {  	s7 =	sadd.s32 $0x14400, s6;
	[sflag:s14] =	ssyncadd.s32 $0xFFFFE000  }
0x128: {  	[tilespmem:s29], [sflag:$0x1] =	stream.indirect.gather [hbm4b:s2+s28], $0x80, s7, s28, $0xb8;
	[tilespmem:$0x1E800] =	vst v63  }
0x129: {  	_ =	swait.ge [sflag:s25], $0x2000  }
0x12a: {  	[sflag:s25] =	ssyncset.done $0x0  }
0x12b: {  	s7 =	sadd.s32 $0x15700, s6;
	[sflag:s25] =	ssyncadd.s32 $0xFFFFE000  }
0x12c: {  	[spmem:s5] =	stream.indirect.scatter.add.f32 [tilespmem:s3], [sflag:$0x7], $0x80, s7, s28, $0xb8;
	[tilespmem:$0x1E800] =	vst v63  }
0x12d: {  	_ =	swait.ge [sflag:s21], $0x2000  }
0x12e: {  	[sflag:s21] =	ssyncset.done $0x0  }
.Ltmp2:
0x12f: {  	s7 =	sadd.s32 $0x14480, s6;
	[sflag:s21] =	ssyncadd.s32 $0xFFFFE000;
	(pc) =	sbr.rel @p0 .LBB2_7-.Ltmp2, $4  }
0x130: {  	[tilespmem:s31], [sflag:$0x2] =	stream.indirect.gather [hbm4b:s2+s28], $0x80, s7, s28, $0xb8;
	[tilespmem:$0x1E800] =	vst v63  }
0x131: {  	_ =	swait.ge [sflag:s26], $0x2000  }
0x132: {  	[sflag:s26] =	ssyncset.done $0x0  }
0x133: {  	s6 =	sadd.s32 $0x15780, s6;
	[sflag:s26] =	ssyncadd.s32 $0xFFFFE000  }
0x134: {  	[spmem:s5] =	stream.indirect.scatter.add.f32 [tilespmem:s18], [sflag:$0x8], $0x80, s6, s28, $0xb8;
	[tilespmem:$0x1E800] =	vst v63  }
0x135: {  	_ =	swait.ge [sflag:s8], $0x2000  }
0x136: {  	[sflag:s8] =	ssyncset.done $0x0  }
0x137: {  	[sflag:s8] =	ssyncadd.s32 $0xFFFFE000  }
0x138: {  	[tilespmem:s3], [sflag:$0x3] =	stream.indirect.gather [hbm4b:s2+s28], $0x80, s10, s28, $0xb8;
	[tilespmem:$0x1E800] =	vst v63  }
0x139: {  	_ =	swait.ge [sflag:s22], $0x2000  }
0x13a: {  	[sflag:s22] =	ssyncset.done $0x0  }
0x13b: {  	[sflag:s22] =	ssyncadd.s32 $0xFFFFE000  }
0x13c: {  	[spmem:s5] =	stream.indirect.scatter.add.f32 [tilespmem:s29], [sflag:$0x5], $0x80, s11, s28, $0xb8;
	[tilespmem:$0x1E800] =	vst v63  }
0x13d: {  	_ =	swait.ge [sflag:s9], $0x2000  }
0x13e: {  	[sflag:s9] =	ssyncset.done $0x0  }
0x13f: {  	[sflag:s9] =	ssyncadd.s32 $0xFFFFE000  }
0x140: {  	[tilespmem:s18], [sflag:$0x4] =	stream.indirect.gather [hbm4b:s2+s28], $0x80, s12, s28, $0xb8;
	[tilespmem:$0x1E800] =	vst v63  }
0x141: {  	_ =	swait.ge [sflag:s19], $0x2000  }
0x142: {  	[sflag:s19] =	ssyncset.done $0x0  }
0x143: {  	[sflag:s19] =	ssyncadd.s32 $0xFFFFE000  }
0x144: {  	[spmem:s5] =	stream.indirect.scatter.add.f32 [tilespmem:s31], [sflag:$0x6], $0x80, s30, s28, $0xb8;
	[tilespmem:$0x1E800] =	vst v63  }
0x145: {  	_ =	swait.ge [sflag:s14], $0x2000  }
0x146: {  	[sflag:s14] =	ssyncset.done $0x0  }
0x147: {  	[sflag:s14] =	ssyncadd.s32 $0xFFFFE000  }
0x148: {  	_ =	swait.ge [sflag:s25], $0x2000  }
0x149: {  	[sflag:s25] =	ssyncset.done $0x0  }
0x14a: {  	[sflag:s25] =	ssyncadd.s32 $0xFFFFE000  }
0x14b: {  	[spmem:s5] =	stream.indirect.scatter.add.f32 [tilespmem:s3], [sflag:$0x7], $0x80, s0, s28, $0xb8;
	[tilespmem:$0x1E800] =	vst v63  }
0x14c: {  	_ =	swait.ge [sflag:s21], $0x2000  }
0x14d: {  	[sflag:s21] =	ssyncset.done $0x0  }
0x14e: {  	[sflag:s21] =	ssyncadd.s32 $0xFFFFE000  }
0x14f: {  	_ =	swait.ge [sflag:s26], $0x2000  }
0x150: {  	[sflag:s26] =	ssyncset.done $0x0  }
0x151: {  	s15 =	sadd.s32 $0x1, s15;
	[sflag:s26] =	ssyncadd.s32 $0xFFFFE000  }
0x152: {  	[spmem:s5] =	stream.indirect.scatter.add.f32 [tilespmem:s18], [sflag:$0x8], $0x80, s17, s28, $0xb8;
	[tilespmem:$0x1E800] =	vst v63  }
0x153: {  	p0 =	sne.s32 s15, $0x4;
	_ =	swait.ge [sflag:s8], $0x2000  }
.Ltmp3:
0x154: {  	[sflag:s8] =	ssyncset.done $0x0;
	(pc) =	sbr.rel @p0 .LBB2_6-.Ltmp3, $4  }
0x155: {  	[sflag:s8] =	ssyncadd.s32 $0xFFFFE000  }
0x156: {  	_ =	swait.ge [sflag:s9], $0x2000  }
0x157: {  	[sflag:s9] =	ssyncset.done $0x0  }
0x158: {  	[sflag:s9] =	ssyncadd.s32 $0xFFFFE000  }
0x159: {  	[bflag:$0x0] =	sbarrier.arrive $0xFFFF  }
0x15a: {  	s6 =	rddreg [dreg:$0x11]  }
0x15b: {  	s15 =	rddreg [dreg:$0x14]  }
0x15c: {  	s7 =	rddreg [dreg:$0x15]  }
0x15d: {  	[hbm:s6], [sflag:s7] =	dma.local [spmem:s15], $0x2800  }
0x15e: {  	s7 =	simm.s32 $0x9  }
0x15f: {  	_ =	swait.ge [sflag:s7], $0x2800  }
0x160: {  	[sflag:s7] =	ssyncset.done $0x0;
	s16 =	rddreg [dreg:$0xe]  }
0x161: {  	s20 =	rddreg [dreg:$0xf];
	[sflag:s7] =	ssyncadd.s32 $0xFFFFD800  }
0x162: {  	[spmem:s15], [sflag:s20] =	dma.local [hbm:s16], $0x2800  }
0x163: {  	_ =	swait.ge [sflag:s22], $0x2800  }
0x164: {  	[sflag:s22] =	ssyncset.done $0x0  }
0x165: {  	[sflag:s22] =	ssyncadd.s32 $0xFFFFD800  }
0x166: {  	s20 =	simm.s32 $0x0;
	s15 =	simm.s32 $0x0;
	[bflag:$0x0] =	sbarrier.arrive $0xFFFF  }
.LBB2_10:
0x167: {  	s6 =	smul.u32 $0x28, s15;
	_ =	sdelay $0x1  }
0x168: {  	s6 =	sadd.s32 s13, s6  }
0x169: {  	s7 =	rddreg [dreg:$0xb];
	s6 =	sshll.u32 s6, $0x4  }
0x16a: {  	s16 =	rddreg [dreg:$0xc];
	s7 =	sadd.s32 s7, s6  }
0x16b: {  	[tilespmem:s23], [sflag:$0x3] =	stream.linear.gather [hbm4b:s7+s20], $0x1400, $0x38;
	[tilespmem:$0x1E800] =	vst v63  }
0x16c: {  	s6 =	sadd.s32 s16, s6  }
0x16d: {  	[tilespmem:s24], [sflag:$0x4] =	stream.linear.gather [hbm4b:s6+s20], $0x1400, $0x38;
	[tilespmem:$0x1E800] =	vst v63  }
0x16e: {  	_ =	swait.ge [sflag:s25], $0x1400  }
0x16f: {  	[sflag:s25] =	ssyncset.done $0x0  }
0x170: {  	[sflag:s25] =	ssyncadd.s32 $0xFFFFEC00  }
0x171: {  	_ =	swait.ge [sflag:s26], $0x1400  }
0x172: {  	[sflag:s26] =	ssyncset.done $0x0  }
0x173: {  	[sflag:s26] =	ssyncadd.s32 $0xFFFFEC00  }
0x174: {  	[tilespmem:s29], [sflag:$0x1] =	stream.indirect.gather [hbm4b:s4+s28], $0x80, s23, s28, $0xb8;
	[tilespmem:$0x1E800] =	vst v63  }
0x175: {  	s16 =	simm.s32 $0x14080  }
0x176: {  	[tilespmem:s31], [sflag:$0x2] =	stream.indirect.gather [hbm4b:s4+s28], $0x80, s16, s28, $0xb8;
	[tilespmem:$0x1E800] =	vst v63  }
0x177: {  	s7 =	simm.s32 $0x14100  }
0x178: {  	[tilespmem:s3], [sflag:$0x3] =	stream.indirect.gather [hbm4b:s4+s28], $0x80, s7, s28, $0xb8;
	[tilespmem:$0x1E800] =	vst v63  }
0x179: {  	_ =	swait.ge [sflag:s22], $0x2000  }
0x17a: {  	[sflag:s22] =	ssyncset.done $0x0  }
0x17b: {  	[sflag:s22] =	ssyncadd.s32 $0xFFFFE000  }
0x17c: {  	[spmem:s5] =	stream.indirect.scatter.add.f32 [tilespmem:s29], [sflag:$0x5], $0x80, s24, s28, $0xb8;
	[tilespmem:$0x1E800] =	vst v63  }
0x17d: {  	s16 =	simm.s32 $0x14180  }
0x17e: {  	[tilespmem:s18], [sflag:$0x4] =	stream.indirect.gather [hbm4b:s4+s28], $0x80, s16, s28, $0xb8;
	[tilespmem:$0x1E800] =	vst v63  }
0x17f: {  	_ =	swait.ge [sflag:s19], $0x2000  }
0x180: {  	[sflag:s19] =	ssyncset.done $0x0  }
0x181: {  	s7 =	simm.s32 $0x15480;
	[sflag:s19] =	ssyncadd.s32 $0xFFFFE000  }
0x182: {  	[spmem:s5] =	stream.indirect.scatter.add.f32 [tilespmem:s31], [sflag:$0x6], $0x80, s7, s28, $0xb8;
	[tilespmem:$0x1E800] =	vst v63  }
0x183: {  	_ =	swait.ge [sflag:s14], $0x2000  }
0x184: {  	[sflag:s14] =	ssyncset.done $0x0  }
0x185: {  	s16 =	simm.s32 $0x14200;
	[sflag:s14] =	ssyncadd.s32 $0xFFFFE000  }
0x186: {  	[tilespmem:s29], [sflag:$0x1] =	stream.indirect.gather [hbm4b:s4+s28], $0x80, s16, s28, $0xb8;
	[tilespmem:$0x1E800] =	vst v63  }
0x187: {  	_ =	swait.ge [sflag:s25], $0x2000  }
0x188: {  	[sflag:s25] =	ssyncset.done $0x0  }
0x189: {  	s7 =	simm.s32 $0x15500;
	[sflag:s25] =	ssyncadd.s32 $0xFFFFE000  }
0x18a: {  	[spmem:s5] =	stream.indirect.scatter.add.f32 [tilespmem:s3], [sflag:$0x7], $0x80, s7, s28, $0xb8;
	[tilespmem:$0x1E800] =	vst v63  }
0x18b: {  	_ =	swait.ge [sflag:s21], $0x2000  }
0x18c: {  	[sflag:s21] =	ssyncset.done $0x0  }
0x18d: {  	s16 =	simm.s32 $0x14280;
	[sflag:s21] =	ssyncadd.s32 $0xFFFFE000  }
0x18e: {  	[tilespmem:s31], [sflag:$0x2] =	stream.indirect.gather [hbm4b:s4+s28], $0x80, s16, s28, $0xb8;
	[tilespmem:$0x1E800] =	vst v63  }
0x18f: {  	_ =	swait.ge [sflag:s26], $0x2000  }
0x190: {  	[sflag:s26] =	ssyncset.done $0x0  }
0x191: {  	s7 =	simm.s32 $0x15580;
	[sflag:s26] =	ssyncadd.s32 $0xFFFFE000  }
0x192: {  	[spmem:s5] =	stream.indirect.scatter.add.f32 [tilespmem:s18], [sflag:$0x8], $0x80, s7, s28, $0xb8;
	[tilespmem:$0x1E800] =	vst v63  }
0x193: {  	_ =	swait.ge [sflag:s8], $0x2000  }
0x194: {  	[sflag:s8] =	ssyncset.done $0x0  }
0x195: {  	s16 =	simm.s32 $0x14300;
	[sflag:s8] =	ssyncadd.s32 $0xFFFFE000  }
0x196: {  	[tilespmem:s3], [sflag:$0x3] =	stream.indirect.gather [hbm4b:s4+s28], $0x80, s16, s28, $0xb8;
	[tilespmem:$0x1E800] =	vst v63  }
0x197: {  	_ =	swait.ge [sflag:s22], $0x2000  }
0x198: {  	[sflag:s22] =	ssyncset.done $0x0  }
0x199: {  	s7 =	simm.s32 $0x15600;
	[sflag:s22] =	ssyncadd.s32 $0xFFFFE000  }
0x19a: {  	[spmem:s5] =	stream.indirect.scatter.add.f32 [tilespmem:s29], [sflag:$0x5], $0x80, s7, s28, $0xb8;
	[tilespmem:$0x1E800] =	vst v63  }
0x19b: {  	_ =	swait.ge [sflag:s9], $0x2000  }
0x19c: {  	[sflag:s9] =	ssyncset.done $0x0  }
0x19d: {  	s16 =	simm.s32 $0x14380;
	[sflag:s9] =	ssyncadd.s32 $0xFFFFE000  }
0x19e: {  	[tilespmem:s18], [sflag:$0x4] =	stream.indirect.gather [hbm4b:s4+s28], $0x80, s16, s28, $0xb8;
	[tilespmem:$0x1E800] =	vst v63  }
0x19f: {  	_ =	swait.ge [sflag:s19], $0x2000  }
0x1a0: {  	[sflag:s19] =	ssyncset.done $0x0  }
0x1a1: {  	s7 =	simm.s32 $0x15680;
	[sflag:s19] =	ssyncadd.s32 $0xFFFFE000  }
0x1a2: {  	[spmem:s5] =	stream.indirect.scatter.add.f32 [tilespmem:s31], [sflag:$0x6], $0x80, s7, s28, $0xb8;
	[tilespmem:$0x1E800] =	vst v63  }
0x1a3: {  	_ =	swait.ge [sflag:s14], $0x2000  }
0x1a4: {  	[sflag:s14] =	ssyncset.done $0x0  }
0x1a5: {  	s16 =	simm.s32 $0x14400;
	[sflag:s14] =	ssyncadd.s32 $0xFFFFE000  }
0x1a6: {  	[tilespmem:s29], [sflag:$0x1] =	stream.indirect.gather [hbm4b:s4+s28], $0x80, s16, s28, $0xb8;
	[tilespmem:$0x1E800] =	vst v63  }
0x1a7: {  	_ =	swait.ge [sflag:s25], $0x2000  }
0x1a8: {  	[sflag:s25] =	ssyncset.done $0x0  }
0x1a9: {  	s7 =	simm.s32 $0x15700;
	[sflag:s25] =	ssyncadd.s32 $0xFFFFE000  }
0x1aa: {  	[spmem:s5] =	stream.indirect.scatter.add.f32 [tilespmem:s3], [sflag:$0x7], $0x80, s7, s28, $0xb8;
	[tilespmem:$0x1E800] =	vst v63  }
0x1ab: {  	_ =	swait.ge [sflag:s21], $0x2000  }
0x1ac: {  	[sflag:s21] =	ssyncset.done $0x0  }
0x1ad: {  	s16 =	simm.s32 $0x14480;
	[sflag:s21] =	ssyncadd.s32 $0xFFFFE000  }
0x1ae: {  	[tilespmem:s31], [sflag:$0x2] =	stream.indirect.gather [hbm4b:s4+s28], $0x80, s16, s28, $0xb8;
	[tilespmem:$0x1E800] =	vst v63  }
0x1af: {  	_ =	swait.ge [sflag:s26], $0x2000  }
0x1b0: {  	[sflag:s26] =	ssyncset.done $0x0  }
0x1b1: {  	s6 =	simm.s32 $0x15780;
	s16 =	simm.s32 $0x800;
	[sflag:s26] =	ssyncadd.s32 $0xFFFFE000  }
.LBB2_11:
0x1b2: {  	[spmem:s5] =	stream.indirect.scatter.add.f32 [tilespmem:s18], [sflag:$0x8], $0x80, s6, s28, $0xb8;
	[tilespmem:$0x1E800] =	vst v63  }
0x1b3: {  	s6 =	smov.u32 s16  }
0x1b4: {  	p0 =	sne.s32 s16, $0x3800;
	s16 =	sadd.s32 $0x800, s16;
	_ =	swait.ge [sflag:s8], $0x2000  }
0x1b5: {  	s6 =	sshra.s32 s6, $0x2;
	[sflag:s8] =	ssyncset.done $0x0  }
0x1b6: {  	s7 =	sadd.s32 $0x14300, s6;
	[sflag:s8] =	ssyncadd.s32 $0xFFFFE000  }
0x1b7: {  	[tilespmem:s3], [sflag:$0x3] =	stream.indirect.gather [hbm4b:s4+s28], $0x80, s7, s28, $0xb8;
	[tilespmem:$0x1E800] =	vst v63  }
0x1b8: {  	_ =	swait.ge [sflag:s22], $0x2000  }
0x1b9: {  	[sflag:s22] =	ssyncset.done $0x0  }
0x1ba: {  	s7 =	sadd.s32 $0x15600, s6;
	[sflag:s22] =	ssyncadd.s32 $0xFFFFE000  }
0x1bb: {  	[spmem:s5] =	stream.indirect.scatter.add.f32 [tilespmem:s29], [sflag:$0x5], $0x80, s7, s28, $0xb8;
	[tilespmem:$0x1E800] =	vst v63  }
0x1bc: {  	_ =	swait.ge [sflag:s9], $0x2000  }
0x1bd: {  	[sflag:s9] =	ssyncset.done $0x0  }
0x1be: {  	s7 =	sadd.s32 $0x14380, s6;
	[sflag:s9] =	ssyncadd.s32 $0xFFFFE000  }
0x1bf: {  	[tilespmem:s18], [sflag:$0x4] =	stream.indirect.gather [hbm4b:s4+s28], $0x80, s7, s28, $0xb8;
	[tilespmem:$0x1E800] =	vst v63  }
0x1c0: {  	_ =	swait.ge [sflag:s19], $0x2000  }
0x1c1: {  	[sflag:s19] =	ssyncset.done $0x0  }
0x1c2: {  	s7 =	sadd.s32 $0x15680, s6;
	[sflag:s19] =	ssyncadd.s32 $0xFFFFE000  }
0x1c3: {  	[spmem:s5] =	stream.indirect.scatter.add.f32 [tilespmem:s31], [sflag:$0x6], $0x80, s7, s28, $0xb8;
	[tilespmem:$0x1E800] =	vst v63  }
0x1c4: {  	_ =	swait.ge [sflag:s14], $0x2000  }
0x1c5: {  	[sflag:s14] =	ssyncset.done $0x0  }
0x1c6: {  	s7 =	sadd.s32 $0x14400, s6;
	[sflag:s14] =	ssyncadd.s32 $0xFFFFE000  }
0x1c7: {  	[tilespmem:s29], [sflag:$0x1] =	stream.indirect.gather [hbm4b:s4+s28], $0x80, s7, s28, $0xb8;
	[tilespmem:$0x1E800] =	vst v63  }
0x1c8: {  	_ =	swait.ge [sflag:s25], $0x2000  }
0x1c9: {  	[sflag:s25] =	ssyncset.done $0x0  }
0x1ca: {  	s7 =	sadd.s32 $0x15700, s6;
	[sflag:s25] =	ssyncadd.s32 $0xFFFFE000  }
0x1cb: {  	[spmem:s5] =	stream.indirect.scatter.add.f32 [tilespmem:s3], [sflag:$0x7], $0x80, s7, s28, $0xb8;
	[tilespmem:$0x1E800] =	vst v63  }
0x1cc: {  	_ =	swait.ge [sflag:s21], $0x2000  }
0x1cd: {  	[sflag:s21] =	ssyncset.done $0x0  }
.Ltmp4:
0x1ce: {  	s7 =	sadd.s32 $0x14480, s6;
	[sflag:s21] =	ssyncadd.s32 $0xFFFFE000;
	(pc) =	sbr.rel @p0 .LBB2_11-.Ltmp4, $4  }
0x1cf: {  	[tilespmem:s31], [sflag:$0x2] =	stream.indirect.gather [hbm4b:s4+s28], $0x80, s7, s28, $0xb8;
	[tilespmem:$0x1E800] =	vst v63  }
0x1d0: {  	_ =	swait.ge [sflag:s26], $0x2000  }
0x1d1: {  	[sflag:s26] =	ssyncset.done $0x0  }
0x1d2: {  	s6 =	sadd.s32 $0x15780, s6;
	[sflag:s26] =	ssyncadd.s32 $0xFFFFE000  }
0x1d3: {  	[spmem:s5] =	stream.indirect.scatter.add.f32 [tilespmem:s18], [sflag:$0x8], $0x80, s6, s28, $0xb8;
	[tilespmem:$0x1E800] =	vst v63  }
0x1d4: {  	_ =	swait.ge [sflag:s8], $0x2000  }
0x1d5: {  	[sflag:s8] =	ssyncset.done $0x0  }
0x1d6: {  	[sflag:s8] =	ssyncadd.s32 $0xFFFFE000  }
0x1d7: {  	[tilespmem:s3], [sflag:$0x3] =	stream.indirect.gather [hbm4b:s4+s28], $0x80, s10, s28, $0xb8;
	[tilespmem:$0x1E800] =	vst v63  }
0x1d8: {  	_ =	swait.ge [sflag:s22], $0x2000  }
0x1d9: {  	[sflag:s22] =	ssyncset.done $0x0  }
0x1da: {  	[sflag:s22] =	ssyncadd.s32 $0xFFFFE000  }
0x1db: {  	[spmem:s5] =	stream.indirect.scatter.add.f32 [tilespmem:s29], [sflag:$0x5], $0x80, s11, s28, $0xb8;
	[tilespmem:$0x1E800] =	vst v63  }
0x1dc: {  	_ =	swait.ge [sflag:s9], $0x2000  }
0x1dd: {  	[sflag:s9] =	ssyncset.done $0x0  }
0x1de: {  	[sflag:s9] =	ssyncadd.s32 $0xFFFFE000  }
0x1df: {  	[tilespmem:s18], [sflag:$0x4] =	stream.indirect.gather [hbm4b:s4+s28], $0x80, s12, s28, $0xb8;
	[tilespmem:$0x1E800] =	vst v63  }
0x1e0: {  	_ =	swait.ge [sflag:s19], $0x2000  }
0x1e1: {  	[sflag:s19] =	ssyncset.done $0x0  }
0x1e2: {  	[sflag:s19] =	ssyncadd.s32 $0xFFFFE000  }
0x1e3: {  	[spmem:s5] =	stream.indirect.scatter.add.f32 [tilespmem:s31], [sflag:$0x6], $0x80, s30, s28, $0xb8;
	[tilespmem:$0x1E800] =	vst v63  }
0x1e4: {  	_ =	swait.ge [sflag:s14], $0x2000  }
0x1e5: {  	[sflag:s14] =	ssyncset.done $0x0  }
0x1e6: {  	[sflag:s14] =	ssyncadd.s32 $0xFFFFE000  }
0x1e7: {  	_ =	swait.ge [sflag:s25], $0x2000  }
0x1e8: {  	[sflag:s25] =	ssyncset.done $0x0  }
0x1e9: {  	[sflag:s25] =	ssyncadd.s32 $0xFFFFE000  }
0x1ea: {  	[spmem:s5] =	stream.indirect.scatter.add.f32 [tilespmem:s3], [sflag:$0x7], $0x80, s0, s28, $0xb8;
	[tilespmem:$0x1E800] =	vst v63  }
0x1eb: {  	_ =	swait.ge [sflag:s21], $0x2000  }
0x1ec: {  	[sflag:s21] =	ssyncset.done $0x0  }
0x1ed: {  	[sflag:s21] =	ssyncadd.s32 $0xFFFFE000  }
0x1ee: {  	_ =	swait.ge [sflag:s26], $0x2000  }
0x1ef: {  	[sflag:s26] =	ssyncset.done $0x0  }
0x1f0: {  	s15 =	sadd.s32 $0x1, s15;
	[sflag:s26] =	ssyncadd.s32 $0xFFFFE000  }
0x1f1: {  	[spmem:s5] =	stream.indirect.scatter.add.f32 [tilespmem:s18], [sflag:$0x8], $0x80, s17, s28, $0xb8;
	[tilespmem:$0x1E800] =	vst v63  }
0x1f2: {  	p0 =	sne.s32 s15, $0x4;
	_ =	swait.ge [sflag:s8], $0x2000  }
.Ltmp5:
0x1f3: {  	[sflag:s8] =	ssyncset.done $0x0;
	(pc) =	sbr.rel @p0 .LBB2_10-.Ltmp5, $4  }
0x1f4: {  	[sflag:s8] =	ssyncadd.s32 $0xFFFFE000  }
0x1f5: {  	_ =	swait.ge [sflag:s9], $0x2000  }
0x1f6: {  	[sflag:s9] =	ssyncset.done $0x0  }
0x1f7: {  	[sflag:s9] =	ssyncadd.s32 $0xFFFFE000  }
0x1f8: {  	[bflag:$0x0] =	sbarrier.arrive $0xFFFF  }
0x1f9: {  	s6 =	rddreg [dreg:$0x12]  }
0x1fa: {  	s16 =	rddreg [dreg:$0x14]  }
0x1fb: {  	s7 =	rddreg [dreg:$0x15]  }
0x1fc: {  	[hbm:s6], [sflag:s7] =	dma.local [spmem:s16], $0x2800  }
0x1fd: {  	s7 =	simm.s32 $0x9  }
0x1fe: {  	_ =	swait.ge [sflag:s7], $0x2800  }
0x1ff: {  	s15 =	rddreg [dreg:$0x6]  }
0x200: {  	s20 =	rddreg [dreg:$0x13];
	s15 =	sadd.s32 $0x1, s15  }
0x201: {  	p0 =	sne.s32 s15, s20  }
.Ltmp6:
0x202: {  	_ = 	snop;
	(pc) =	sbr.rel @p0 .LBB2_1-.Ltmp6, $3  }
0x203: {  	_ =	sdelay $0x1  }
0x204: {  	[sflag:s7] =	ssyncset.done $0x0  }
0x205: {  	[sflag:s7] =	ssyncadd.s32 $0xFFFFD800  }
0x206: {  	_ =	sfence.sel $0x180000  }
0x207: {  	[bflag:$0x0] =	sbarrier.arrive $0xFFFF  }
0x208: {  	_ =	strace $0x9000004D  }
0x209: {  	s0 =	stileid.u32;
	[bflag:$0x2] =	sbarrier.arrive $0xFFFF  }
0x20a: {  	p0 =	sne.s32 s0, $0x0;
	s0 =	rddreg [dreg:$0x5]  }
0x20b: {  	s0 =	sadd.s32 @!p0 $0x100000, s0  }
0x20c: {  	[sflag:s0] =	ssyncadd.tile.s32 @!p0 $0x1;
	_ =	shalt  }
.Lfunc_end2:
_tile_overlayer_lowered:
.L_overlay_start_2:
0x20d: {  	(tag) =	ssettag $0x2  }
0x20e: {  	s0 =	rddreg [dreg:$0x0];
	s2 =	stileid.u32  }
0x20f: {  	s1 =	rddreg [dreg:$0x1];
	p0 =	sne.s32 s2, $0x0  }
0x210: {  	s3 =	rddreg [dreg:$0x2];
	[bflag:$0x3] =	sbarrier.arrive $0xFFFF;
	s2 =	simm.s32 @!p0 $0x1C09  }
0x211: {  	[timem:s3], [sflag:s2] =	dma.local @!p0 [hbm:s0], s1  }
0x212: {  	s0 =	simm.s32 @!p0 $0x9  }
0x213: {  	_ =	swait.ge @!p0 [sflag:s0], s1  }
0x214: {  	s1 =	ssub.s32 @!p0 $0x0, s1;
	[sflag:s0] =	ssyncset.done @!p0 $0x0  }
0x215: {  	[sflag:s0] =	ssyncadd.s32 @!p0 s1  }
0x216: {  	[bflag:$0x3] =	sbarrier.arrive $0xFFFF  }
0x217: {  	_ =	shalt  }

</sc_bundles>
